<compile_context>
chip_gen: v7x
topology: tpu7x:2x2x1
jax: 0.10.2.dev20260603
libtpu: 0.0.44.dev20260713+nightly
codegen_flags: <defaults>
</compile_context>

<pallas_src>
import functools
import jax
import jax.numpy as jnp
from jax.experimental import pallas as pl

_N = 10000
_E = 320000
_D_IN = 128
_OUT = 128
_HEADS = 8
_ETYPES = 16

_NP = 10240
_BE = 8192
_EP = 327680
_BM = 1024


def _dense_body(x_ref, w_ref, as_ref, ad_ref, b_ref, h_ref, asrc_ref, adst_ref,
                *, heads, out_c, relu_in):
    x = x_ref[...]
    if relu_in:
        x = jnp.maximum(x + b_ref[...][0][None, :], 0.0)
    h = jnp.dot(x, w_ref[...], preferred_element_type=jnp.float32)
    h_ref[...] = h
    hr = h.reshape(x.shape[0], heads, out_c)
    asrc_ref[...] = (hr * as_ref[...][None]).sum(-1)
    adst_ref[...] = (hr * ad_ref[...][None]).sum(-1)


def _dense(x, w, att_src, att_dst, b, heads, out_c, relu_in, bn=1024):
    n = x.shape[0]
    d = x.shape[1]
    body = functools.partial(_dense_body, heads=heads, out_c=out_c,
                             relu_in=relu_in)
    return pl.pallas_call(
        body,
        grid=(n // bn,),
        in_specs=[
            pl.BlockSpec((bn, d), lambda i: (i, 0)),
            pl.BlockSpec((d, heads * out_c), lambda i: (0, 0)),
            pl.BlockSpec((heads, out_c), lambda i: (0, 0)),
            pl.BlockSpec((heads, out_c), lambda i: (0, 0)),
            pl.BlockSpec((1, d), lambda i: (0, 0)),
        ],
        out_specs=[
            pl.BlockSpec((bn, heads * out_c), lambda i: (i, 0)),
            pl.BlockSpec((bn, heads), lambda i: (i, 0)),
            pl.BlockSpec((bn, heads), lambda i: (i, 0)),
        ],
        out_shape=[
            jax.ShapeDtypeStruct((n, heads * out_c), jnp.float32),
            jax.ShapeDtypeStruct((n, heads), jnp.float32),
            jax.ShapeDtypeStruct((n, heads), jnp.float32),
        ],
    )(x, w, att_src, att_dst, b.reshape(1, d))


def _etab_body(emb_ref, we_ref, ae_ref, out_ref, *, heads, out_c):
    et = jnp.dot(emb_ref[...], we_ref[...], preferred_element_type=jnp.float32)
    etr = et.reshape(_ETYPES, heads, out_c)
    out_ref[...] = (etr * ae_ref[...][None]).sum(-1)


def _etab(emb, we, att_e, heads, out_c):
    body = functools.partial(_etab_body, heads=heads, out_c=out_c)
    return pl.pallas_call(
        body,
        out_shape=jax.ShapeDtypeStruct((_ETYPES, heads), jnp.float32),
    )(emb, we, att_e)


def _alpha_body(a_ref, b_ref, c_ref, o_ref):
    s = a_ref[...] + b_ref[...] + c_ref[...]
    o_ref[...] = jnp.where(s > 0, s, 0.2 * s)


def _ex_body(al_ref, mx_ref, o_ref):
    o_ref[...] = jnp.exp(al_ref[...] - mx_ref[...])


def _edge_ew(body, args, heads):
    return pl.pallas_call(
        body,
        grid=(_EP // _BE,),
        in_specs=[pl.BlockSpec((_BE, heads), lambda i: (i, 0))] * len(args),
        out_specs=pl.BlockSpec((_BE, heads), lambda i: (i, 0)),
        out_shape=jax.ShapeDtypeStruct((_EP, heads), jnp.float32),
    )(*args)


def _att_body(ex_ref, den_ref, o_ref):
    o_ref[...] = ex_ref[...] / (den_ref[...] + 1e-16)


def _gat_layer(h, asrc, adst, ae_tab, src, dst, etype, heads, out_c):
    ae_e = ae_tab[etype]
    asrc_e = asrc[src]
    adst_e = adst[dst]
    alpha = _edge_ew(_alpha_body, (asrc_e, adst_e, ae_e), heads)
    amax = jax.ops.segment_max(alpha, dst, num_segments=_NP,
                               indices_are_sorted=True)
    amax = jnp.where(jnp.isfinite(amax), amax, 0.0)
    ex = _edge_ew(_ex_body, (alpha, amax[dst]), heads)
    den = jax.ops.segment_sum(ex, dst, num_segments=_NP,
                              indices_are_sorted=True)
    att = _edge_ew(_att_body, (ex, den[dst]), heads)
    hr = h.reshape(_NP, heads, out_c)
    out = jax.ops.segment_sum(hr[src] * att[:, :, None], dst,
                              num_segments=_NP, indices_are_sorted=True)
    return out.reshape(_NP, heads * out_c)


def kernel(x, edge_index, edge_attr, emb_table, W1, att_src1, att_dst1, We1,
           att_e1, b1, W2, att_src2, att_dst2, We2, att_e2, b2):
    src = edge_index[0]
    dst = edge_index[1]
    perm = jnp.argsort(dst)
    src = src[perm]
    dst = dst[perm]
    etype = edge_attr[perm]

    src = jnp.concatenate([src, jnp.zeros((_EP - _E,), jnp.int32)])
    dst = jnp.concatenate([dst, jnp.full((_EP - _E,), _NP - 1, jnp.int32)])
    etype = jnp.concatenate([etype, jnp.zeros((_EP - _E,), jnp.int32)])

    xp = jnp.concatenate([x, jnp.zeros((_NP - _N, _D_IN), jnp.float32)])

    h1, asrc1, adst1 = _dense(xp, W1, att_src1, att_dst1,
                              jnp.zeros((_D_IN,), jnp.float32),
                              _HEADS, _OUT, relu_in=False)
    ae_tab1 = _etab(emb_table, We1, att_e1, _HEADS, _OUT)
    out1 = _gat_layer(h1, asrc1, adst1, ae_tab1, src, dst, etype,
                      _HEADS, _OUT)

    h2, asrc2, adst2 = _dense(out1, W2, att_src2, att_dst2, b1,
                              1, _OUT, relu_in=True)
    ae_tab2 = _etab(emb_table, We2, att_e2, 1, _OUT)
    out2 = _gat_layer(h2, asrc2, adst2, ae_tab2, src, dst, etype, 1, _OUT)

    return out2[:_N] + b2

# --- scband reference (transcript-rebuilt; emitter-appended) ---
"""Pipeline reference for scband-gatmodel-833223655894 (READ-ONLY COPY).

The authoritative reference and input builder live on the scoring server;
editing this copy changes nothing except your own understanding.
"""

import jax, jax.numpy as jnp
import numpy as np

N = 10000
E = 320000
D_IN = 128
OUT = 128
HEADS = 8
ETYPES = 16


def gat_conv(x, src, dst, e_feat, W, att_src, att_dst, We, att_e, bias, heads, out_c, concat):
    n = x.shape[0]
    h = (x @ W).reshape(n, heads, out_c)
    e = (e_feat @ We).reshape(-1, heads, out_c)
    a_src = (h * att_src).sum(-1)
    a_dst = (h * att_dst).sum(-1)
    a_e = (e * att_e).sum(-1)
    alpha = jax.nn.leaky_relu(a_src[src] + a_dst[dst] + a_e, negative_slope=0.2)
    amax = jax.lax.stop_gradient(jax.ops.segment_max(alpha, dst, num_segments=n, indices_are_sorted=True))
    amax = jnp.where(jnp.isfinite(amax), amax, 0.0)
    ex = jnp.exp(alpha - amax[dst])
    denom = jax.ops.segment_sum(ex, dst, num_segments=n, indices_are_sorted=True)
    att = ex / (denom[dst] + 1e-16)
    msg = h[src] * att[:, :, None]
    out = jax.ops.segment_sum(msg, dst, num_segments=n, indices_are_sorted=True)
    if concat:
        out = out.reshape(n, heads * out_c)
    else:
        out = out.mean(axis=1)
    return out + bias


def setup_inputs(seed: int = 0):
    key = jax.random.key(seed)
    ks = jax.random.split(key, 20)
    sc = 0.1
    inp = {}
    inp["x"] = jax.random.normal(ks[0], (N, D_IN), dtype=jnp.float32)
    inp["edge_index"] = jax.random.randint(ks[1], (2, E), 0, N, dtype=jnp.int32)
    inp["edge_attr"] = jax.random.randint(ks[2], (E,), 0, ETYPES, dtype=jnp.int32)
    inp["emb_table"] = jax.random.normal(ks[3], (ETYPES, OUT), dtype=jnp.float32) * sc
    inp["W1"] = jax.random.normal(ks[4], (D_IN, HEADS * OUT), dtype=jnp.float32) * (1.0 / np.sqrt(D_IN))
    inp["att_src1"] = jax.random.normal(ks[5], (HEADS, OUT), dtype=jnp.float32) * sc
    inp["att_dst1"] = jax.random.normal(ks[6], (HEADS, OUT), dtype=jnp.float32) * sc
    inp["We1"] = jax.random.normal(ks[7], (OUT, HEADS * OUT), dtype=jnp.float32) * (1.0 / np.sqrt(OUT))
    inp["att_e1"] = jax.random.normal(ks[8], (HEADS, OUT), dtype=jnp.float32) * sc
    inp["b1"] = jnp.zeros((HEADS * OUT,), dtype=jnp.float32)
    inp["W2"] = jax.random.normal(ks[9], (HEADS * OUT, OUT), dtype=jnp.float32) * (1.0 / np.sqrt(HEADS * OUT))
    inp["att_src2"] = jax.random.normal(ks[10], (1, OUT), dtype=jnp.float32) * sc
    inp["att_dst2"] = jax.random.normal(ks[11], (1, OUT), dtype=jnp.float32) * sc
    inp["We2"] = jax.random.normal(ks[12], (OUT, OUT), dtype=jnp.float32) * (1.0 / np.sqrt(OUT))
    inp["att_e2"] = jax.random.normal(ks[13], (1, OUT), dtype=jnp.float32) * sc
    inp["b2"] = jnp.zeros((OUT,), dtype=jnp.float32)
    return inp


def reference(x, edge_index, edge_attr, emb_table, W1, att_src1, att_dst1, We1, att_e1, b1, W2, att_src2, att_dst2, We2, att_e2, b2):
    src = edge_index[0]
    dst = edge_index[1]
    e = emb_table[edge_attr]
    perm = jnp.argsort(dst)
    src = src[perm]
    dst = dst[perm]
    e = e[perm]
    h = gat_conv(x, src, dst, e, W1, att_src1, att_dst1, We1, att_e1, b1, HEADS, OUT, True)
    h = jax.nn.relu(h)
    out = gat_conv(h, src, dst, e, W2, att_src2, att_dst2, We2, att_e2, b2, 1, OUT, False)
    return out

if __name__ == "__main__":
    import jax
    _d = setup_inputs()
    print(jax.jit(kernel)(*tuple(_d.values())))

</pallas_src>

<mosaic_0001>
module attributes {stable_mosaic.version = 14 : i64} {
  func.func @_dense_body(%arg0: i32, %arg1: memref<1024x128xf32, #tpu.memory_space<vmem>>, %arg2: memref<128x1024xf32, #tpu.memory_space<vmem>>, %arg3: memref<8x128xf32, #tpu.memory_space<vmem>>, %arg4: memref<8x128xf32, #tpu.memory_space<vmem>>, %arg5: memref<1x128xf32, #tpu.memory_space<vmem>>, %arg6: memref<1024x1024xf32, #tpu.memory_space<vmem>>, %arg7: memref<1024x8xf32, #tpu.memory_space<vmem>>, %arg8: memref<1024x8xf32, #tpu.memory_space<vmem>>) attributes {dimension_semantics = [#tpu.dimension_semantics<arbitrary>], iteration_bounds = array<i64: 10>, scalar_prefetch = 0 : i64, scratch_operands = 0 : i64, tpu.core_type = #tpu.core_type<tc>, window_params = [{transform_indices = @transform_0, window_bounds = array<i64: 1024, 128>}, {pipeline_mode = #tpu.pipeline_mode<synchronous>, transform_indices = @transform_1, window_bounds = array<i64: 128, 1024>}, {pipeline_mode = #tpu.pipeline_mode<synchronous>, transform_indices = @transform_2, window_bounds = array<i64: 8, 128>}, {pipeline_mode = #tpu.pipeline_mode<synchronous>, transform_indices = @transform_3, window_bounds = array<i64: 8, 128>}, {pipeline_mode = #tpu.pipeline_mode<synchronous>, transform_indices = @transform_4, window_bounds = array<i64: 1, 128>}, {transform_indices = @transform_5, window_bounds = array<i64: 1024, 1024>}, {transform_indices = @transform_6, window_bounds = array<i64: 1024, 8>}, {transform_indices = @transform_7, window_bounds = array<i64: 1024, 8>}]} {
    %get3A = arith.constant 0 : index
    %get3A_0 = arith.constant 0 : index
    %get3A_1 = vector.load %arg1[%get3A, %get3A_0] : memref<1024x128xf32, #tpu.memory_space<vmem>>, vector<1024x128xf32>
    %get3A_2 = arith.constant 0 : index
    %get3A_3 = arith.constant 0 : index
    %get3A_4 = vector.load %arg2[%get3A_2, %get3A_3] : memref<128x1024xf32, #tpu.memory_space<vmem>>, vector<128x1024xf32>
    %dot_general3A = arith.constant dense<0.000000e+00> : vector<1024x1024xf32>
    %dot_general3A_5 = tpu.matmul %get3A_1, %get3A_4, %dot_general3A {dimension_numbers = #tpu.dot_dimension_numbers<[1], [0], [0], [1], [0, 0, 1, 1], [], []>, transpose_lhs_hint = false} : vector<1024x128xf32>, vector<128x1024xf32>, vector<1024x1024xf32> -> vector<1024x1024xf32>
    %swap3A = arith.constant 0 : index
    %swap3A_6 = arith.constant 0 : index
    %swap3A_7 = vector.load %arg6[%swap3A, %swap3A_6] : memref<1024x1024xf32, #tpu.memory_space<vmem>>, vector<1024x1024xf32>
    tpu.vector_store %arg6[%swap3A, %swap3A_6], %dot_general3A_5 {strides = array<i32>} : memref<1024x1024xf32, #tpu.memory_space<vmem>>, vector<1024x1024xf32>,
    %reshape3A = vector.shape_cast %dot_general3A_5 : vector<1024x1024xf32> to vector<1024x8x128xf32>
    %get3A_8 = arith.constant 0 : index
    %get3A_9 = arith.constant 0 : index
    %get3A_10 = vector.load %arg3[%get3A_8, %get3A_9] : memref<8x128xf32, #tpu.memory_space<vmem>>, vector<8x128xf32>
    %broadcast_in_dim3A = vector.shape_cast %get3A_10 : vector<8x128xf32> to vector<1x8x128xf32>
    %mul3A = vector.broadcast %broadcast_in_dim3A : vector<1x8x128xf32> to vector<1024x8x128xf32>
    %mul3A_11 = arith.mulf %reshape3A, %mul3A : vector<1024x8x128xf32>
    %reduce_sum3A = arith.constant dense<0.000000e+00> : vector<1024x8xf32>
    %reduce_sum3A_12 = vector.multi_reduction <add>, %mul3A_11, %reduce_sum3A [2] : vector<1024x8x128xf32> to vector<1024x8xf32>
    %swap3A_13 = arith.constant 0 : index
    %swap3A_14 = arith.constant 0 : index
    %swap3A_15 = vector.load %arg7[%swap3A_13, %swap3A_14] : memref<1024x8xf32, #tpu.memory_space<vmem>>, vector<1024x8xf32>
    tpu.vector_store %arg7[%swap3A_13, %swap3A_14], %reduce_sum3A_12 {strides = array<i32>} : memref<1024x8xf32, #tpu.memory_space<vmem>>, vector<1024x8xf32>,
    %get3A_16 = arith.constant 0 : index
    %get3A_17 = arith.constant 0 : index
    %get3A_18 = vector.load %arg4[%get3A_16, %get3A_17] : memref<8x128xf32, #tpu.memory_space<vmem>>, vector<8x128xf32>
    %broadcast_in_dim3A_19 = vector.shape_cast %get3A_18 : vector<8x128xf32> to vector<1x8x128xf32>
    %mul3A_20 = vector.broadcast %broadcast_in_dim3A_19 : vector<1x8x128xf32> to vector<1024x8x128xf32>
    %mul3A_21 = arith.mulf %reshape3A, %mul3A_20 : vector<1024x8x128xf32>
    %reduce_sum3A_22 = arith.constant dense<0.000000e+00> : vector<1024x8xf32>
    %reduce_sum3A_23 = vector.multi_reduction <add>, %mul3A_21, %reduce_sum3A_22 [2] : vector<1024x8x128xf32> to vector<1024x8xf32>
    %swap3A_24 = arith.constant 0 : index
    %swap3A_25 = arith.constant 0 : index
    %swap3A_26 = vector.load %arg8[%swap3A_24, %swap3A_25] : memref<1024x8xf32, #tpu.memory_space<vmem>>, vector<1024x8xf32>
    tpu.vector_store %arg8[%swap3A_24, %swap3A_25], %reduce_sum3A_23 {strides = array<i32>} : memref<1024x8xf32, #tpu.memory_space<vmem>>, vector<1024x8xf32>,
    return
  }
  func.func @transform_0(%arg0: i32) -> (i32, i32) {
    %c0_i32 = arith.constant 0 : i32
    %c0_i32_0 = arith.constant 0 : i32
    return %arg0, %c0_i32 : i32, i32
  }
  func.func @transform_1(%arg0: i32) -> (i32, i32) {
    %c0_i32 = arith.constant 0 : i32
    %c0_i32_0 = arith.constant 0 : i32
    %c0_i32_1 = arith.constant 0 : i32
    return %c0_i32, %c0_i32_0 : i32, i32
  }
  func.func @transform_2(%arg0: i32) -> (i32, i32) {
    %c0_i32 = arith.constant 0 : i32
    %c0_i32_0 = arith.constant 0 : i32
    %c0_i32_1 = arith.constant 0 : i32
    return %c0_i32, %c0_i32_0 : i32, i32
  }
  func.func @transform_3(%arg0: i32) -> (i32, i32) {
    %c0_i32 = arith.constant 0 : i32
    %c0_i32_0 = arith.constant 0 : i32
    %c0_i32_1 = arith.constant 0 : i32
    return %c0_i32, %c0_i32_0 : i32, i32
  }
  func.func @transform_4(%arg0: i32) -> (i32, i32) {
    %c0_i32 = arith.constant 0 : i32
    %c0_i32_0 = arith.constant 0 : i32
    %c0_i32_1 = arith.constant 0 : i32
    return %c0_i32, %c0_i32_0 : i32, i32
  }
  func.func @transform_5(%arg0: i32) -> (i32, i32) {
    %c0_i32 = arith.constant 0 : i32
    %c0_i32_0 = arith.constant 0 : i32
    return %arg0, %c0_i32 : i32, i32
  }
  func.func @transform_6(%arg0: i32) -> (i32, i32) {
    %c0_i32 = arith.constant 0 : i32
    %c0_i32_0 = arith.constant 0 : i32
    return %arg0, %c0_i32 : i32, i32
  }
  func.func @transform_7(%arg0: i32) -> (i32, i32) {
    %c0_i32 = arith.constant 0 : i32
    %c0_i32_0 = arith.constant 0 : i32
    return %arg0, %c0_i32 : i32, i32
  }
}

module attributes {stable_mosaic.version = 14 : i64} {
  func.func @_etab_body(%arg0: memref<16x128xf32, #tpu.memory_space<vmem>>, %arg1: memref<128x1024xf32, #tpu.memory_space<vmem>>, %arg2: memref<8x128xf32, #tpu.memory_space<vmem>>, %arg3: memref<16x8xf32, #tpu.memory_space<vmem>>) attributes {dimension_semantics = [], scalar_prefetch = 0 : i64, scratch_operands = 0 : i64, tpu.core_type = #tpu.core_type<tc>} {
    %get3A = arith.constant 0 : index
    %get3A_0 = arith.constant 0 : index
    %get3A_1 = vector.load %arg0[%get3A, %get3A_0] : memref<16x128xf32, #tpu.memory_space<vmem>>, vector<16x128xf32>
    %get3A_2 = arith.constant 0 : index
    %get3A_3 = arith.constant 0 : index
    %get3A_4 = vector.load %arg1[%get3A_2, %get3A_3] : memref<128x1024xf32, #tpu.memory_space<vmem>>, vector<128x1024xf32>
    %dot_general3A = arith.constant dense<0.000000e+00> : vector<16x1024xf32>
    %dot_general3A_5 = tpu.matmul %get3A_1, %get3A_4, %dot_general3A {dimension_numbers = #tpu.dot_dimension_numbers<[1], [0], [0], [1], [0, 0, 1, 1], [], []>, transpose_lhs_hint = false} : vector<16x128xf32>, vector<128x1024xf32>, vector<16x1024xf32> -> vector<16x1024xf32>
    %reshape3A = vector.shape_cast %dot_general3A_5 : vector<16x1024xf32> to vector<16x8x128xf32>
    %get3A_6 = arith.constant 0 : index
    %get3A_7 = arith.constant 0 : index
    %get3A_8 = vector.load %arg2[%get3A_6, %get3A_7] : memref<8x128xf32, #tpu.memory_space<vmem>>, vector<8x128xf32>
    %broadcast_in_dim3A = vector.shape_cast %get3A_8 : vector<8x128xf32> to vector<1x8x128xf32>
    %mul3A = vector.broadcast %broadcast_in_dim3A : vector<1x8x128xf32> to vector<16x8x128xf32>
    %mul3A_9 = arith.mulf %reshape3A, %mul3A : vector<16x8x128xf32>
    %reduce_sum3A = arith.constant dense<0.000000e+00> : vector<16x8xf32>
    %reduce_sum3A_10 = vector.multi_reduction <add>, %mul3A_9, %reduce_sum3A [2] : vector<16x8x128xf32> to vector<16x8xf32>
    %swap3A = arith.constant 0 : index
    %swap3A_11 = arith.constant 0 : index
    %swap3A_12 = vector.load %arg3[%swap3A, %swap3A_11] : memref<16x8xf32, #tpu.memory_space<vmem>>, vector<16x8xf32>
    tpu.vector_store %arg3[%swap3A, %swap3A_11], %reduce_sum3A_10 {strides = array<i32>} : memref<16x8xf32, #tpu.memory_space<vmem>>, vector<16x8xf32>,
    return
  }
}

module attributes {stable_mosaic.version = 14 : i64} {
  func.func @_alpha_body(%arg0: i32, %arg1: memref<8192x8xf32, #tpu.memory_space<vmem>>, %arg2: memref<8192x8xf32, #tpu.memory_space<vmem>>, %arg3: memref<8192x8xf32, #tpu.memory_space<vmem>>, %arg4: memref<8192x8xf32, #tpu.memory_space<vmem>>) attributes {dimension_semantics = [#tpu.dimension_semantics<arbitrary>], iteration_bounds = array<i64: 40>, scalar_prefetch = 0 : i64, scratch_operands = 0 : i64, tpu.core_type = #tpu.core_type<tc>, window_params = [{transform_indices = @transform_0, window_bounds = array<i64: 8192, 8>}, {transform_indices = @transform_1, window_bounds = array<i64: 8192, 8>}, {transform_indices = @transform_2, window_bounds = array<i64: 8192, 8>}, {transform_indices = @transform_3, window_bounds = array<i64: 8192, 8>}]} {
    %get3A = arith.constant 0 : index
    %get3A_0 = arith.constant 0 : index
    %get3A_1 = vector.load %arg1[%get3A, %get3A_0] : memref<8192x8xf32, #tpu.memory_space<vmem>>, vector<8192x8xf32>
    %get3A_2 = arith.constant 0 : index
    %get3A_3 = arith.constant 0 : index
    %get3A_4 = vector.load %arg2[%get3A_2, %get3A_3] : memref<8192x8xf32, #tpu.memory_space<vmem>>, vector<8192x8xf32>
    %add3A = arith.addf %get3A_1, %get3A_4 : vector<8192x8xf32>
    %get3A_5 = arith.constant 0 : index
    %get3A_6 = arith.constant 0 : index
    %get3A_7 = vector.load %arg3[%get3A_5, %get3A_6] : memref<8192x8xf32, #tpu.memory_space<vmem>>, vector<8192x8xf32>
    %add3A_8 = arith.addf %add3A, %get3A_7 : vector<8192x8xf32>
    %gt3A = arith.constant 0.000000e+00 : f32
    %gt3A_9 = vector.broadcast %gt3A : f32 to vector<8192x8xf32>
    %gt3A_10 = arith.cmpf ogt, %add3A_8, %gt3A_9 : vector<8192x8xf32>
    %mul3A = arith.constant 2.000000e-01 : f32
    %mul3A_11 = vector.broadcast %mul3A : f32 to vector<8192x8xf32>
    %mul3A_12 = arith.mulf %mul3A_11, %add3A_8 : vector<8192x8xf32>
    %select_n3A = arith.select %gt3A_10, %add3A_8, %mul3A_12 : vector<8192x8xi1>, vector<8192x8xf32>
    %swap3A = arith.constant 0 : index
    %swap3A_13 = arith.constant 0 : index
    %swap3A_14 = vector.load %arg4[%swap3A, %swap3A_13] : memref<8192x8xf32, #tpu.memory_space<vmem>>, vector<8192x8xf32>
    tpu.vector_store %arg4[%swap3A, %swap3A_13], %select_n3A {strides = array<i32>} : memref<8192x8xf32, #tpu.memory_space<vmem>>, vector<8192x8xf32>,
    return
  }
  func.func @transform_0(%arg0: i32) -> (i32, i32) {
    %c0_i32 = arith.constant 0 : i32
    %c0_i32_0 = arith.constant 0 : i32
    return %arg0, %c0_i32 : i32, i32
  }
  func.func @transform_1(%arg0: i32) -> (i32, i32) {
    %c0_i32 = arith.constant 0 : i32
    %c0_i32_0 = arith.constant 0 : i32
    return %arg0, %c0_i32 : i32, i32
  }
  func.func @transform_2(%arg0: i32) -> (i32, i32) {
    %c0_i32 = arith.constant 0 : i32
    %c0_i32_0 = arith.constant 0 : i32
    return %arg0, %c0_i32 : i32, i32
  }
  func.func @transform_3(%arg0: i32) -> (i32, i32) {
    %c0_i32 = arith.constant 0 : i32
    %c0_i32_0 = arith.constant 0 : i32
    return %arg0, %c0_i32 : i32, i32
  }
}

module attributes {stable_mosaic.version = 14 : i64} {
  func.func @_ex_body(%arg0: i32, %arg1: memref<8192x8xf32, #tpu.memory_space<vmem>>, %arg2: memref<8192x8xf32, #tpu.memory_space<vmem>>, %arg3: memref<8192x8xf32, #tpu.memory_space<vmem>>) attributes {dimension_semantics = [#tpu.dimension_semantics<arbitrary>], iteration_bounds = array<i64: 40>, scalar_prefetch = 0 : i64, scratch_operands = 0 : i64, tpu.core_type = #tpu.core_type<tc>, window_params = [{transform_indices = @transform_0, window_bounds = array<i64: 8192, 8>}, {transform_indices = @transform_1, window_bounds = array<i64: 8192, 8>}, {transform_indices = @transform_2, window_bounds = array<i64: 8192, 8>}]} {
    %get3A = arith.constant 0 : index
    %get3A_0 = arith.constant 0 : index
    %get3A_1 = vector.load %arg1[%get3A, %get3A_0] : memref<8192x8xf32, #tpu.memory_space<vmem>>, vector<8192x8xf32>
    %get3A_2 = arith.constant 0 : index
    %get3A_3 = arith.constant 0 : index
    %get3A_4 = vector.load %arg2[%get3A_2, %get3A_3] : memref<8192x8xf32, #tpu.memory_space<vmem>>, vector<8192x8xf32>
    %sub3A = arith.subf %get3A_1, %get3A_4 : vector<8192x8xf32>
    %exp3A = math.exp %sub3A : vector<8192x8xf32>
    %swap3A = arith.constant 0 : index
    %swap3A_5 = arith.constant 0 : index
    %swap3A_6 = vector.load %arg3[%swap3A, %swap3A_5] : memref<8192x8xf32, #tpu.memory_space<vmem>>, vector<8192x8xf32>
    tpu.vector_store %arg3[%swap3A, %swap3A_5], %exp3A {strides = array<i32>} : memref<8192x8xf32, #tpu.memory_space<vmem>>, vector<8192x8xf32>,
    return
  }
  func.func @transform_0(%arg0: i32) -> (i32, i32) {
    %c0_i32 = arith.constant 0 : i32
    %c0_i32_0 = arith.constant 0 : i32
    return %arg0, %c0_i32 : i32, i32
  }
  func.func @transform_1(%arg0: i32) -> (i32, i32) {
    %c0_i32 = arith.constant 0 : i32
    %c0_i32_0 = arith.constant 0 : i32
    return %arg0, %c0_i32 : i32, i32
  }
  func.func @transform_2(%arg0: i32) -> (i32, i32) {
    %c0_i32 = arith.constant 0 : i32
    %c0_i32_0 = arith.constant 0 : i32
    return %arg0, %c0_i32 : i32, i32
  }
}

module attributes {stable_mosaic.version = 14 : i64} {
  func.func @_etab_body(%arg0: memref<16x128xf32, #tpu.memory_space<vmem>>, %arg1: memref<128x128xf32, #tpu.memory_space<vmem>>, %arg2: memref<1x128xf32, #tpu.memory_space<vmem>>, %arg3: memref<16x1xf32, #tpu.memory_space<vmem>>) attributes {dimension_semantics = [], scalar_prefetch = 0 : i64, scratch_operands = 0 : i64, tpu.core_type = #tpu.core_type<tc>} {
    %get3A = arith.constant 0 : index
    %get3A_0 = arith.constant 0 : index
    %get3A_1 = vector.load %arg0[%get3A, %get3A_0] : memref<16x128xf32, #tpu.memory_space<vmem>>, vector<16x128xf32>
    %get3A_2 = arith.constant 0 : index
    %get3A_3 = arith.constant 0 : index
    %get3A_4 = vector.load %arg1[%get3A_2, %get3A_3] : memref<128x128xf32, #tpu.memory_space<vmem>>, vector<128x128xf32>
    %dot_general3A = arith.constant dense<0.000000e+00> : vector<16x128xf32>
    %dot_general3A_5 = tpu.matmul %get3A_1, %get3A_4, %dot_general3A {dimension_numbers = #tpu.dot_dimension_numbers<[1], [0], [0], [1], [0, 0, 1, 1], [], []>, transpose_lhs_hint = false} : vector<16x128xf32>, vector<128x128xf32>, vector<16x128xf32> -> vector<16x128xf32>
    %reshape3A = vector.shape_cast %dot_general3A_5 : vector<16x128xf32> to vector<16x1x128xf32>
    %get3A_6 = arith.constant 0 : index
    %get3A_7 = arith.constant 0 : index
    %get3A_8 = vector.load %arg2[%get3A_6, %get3A_7] : memref<1x128xf32, #tpu.memory_space<vmem>>, vector<1x128xf32>
    %broadcast_in_dim3A = vector.shape_cast %get3A_8 : vector<1x128xf32> to vector<1x1x128xf32>
    %mul3A = vector.broadcast %broadcast_in_dim3A : vector<1x1x128xf32> to vector<16x1x128xf32>
    %mul3A_9 = arith.mulf %reshape3A, %mul3A : vector<16x1x128xf32>
    %reduce_sum3A = arith.constant dense<0.000000e+00> : vector<16x1xf32>
    %reduce_sum3A_10 = vector.multi_reduction <add>, %mul3A_9, %reduce_sum3A [2] : vector<16x1x128xf32> to vector<16x1xf32>
    %swap3A = arith.constant 0 : index
    %swap3A_11 = arith.constant 0 : index
    %swap3A_12 = vector.load %arg3[%swap3A, %swap3A_11] : memref<16x1xf32, #tpu.memory_space<vmem>>, vector<16x1xf32>
    tpu.vector_store %arg3[%swap3A, %swap3A_11], %reduce_sum3A_10 {strides = array<i32>} : memref<16x1xf32, #tpu.memory_space<vmem>>, vector<16x1xf32>,
    return
  }
}

module attributes {stable_mosaic.version = 14 : i64} {
  func.func @_att_body(%arg0: i32, %arg1: memref<8192x8xf32, #tpu.memory_space<vmem>>, %arg2: memref<8192x8xf32, #tpu.memory_space<vmem>>, %arg3: memref<8192x8xf32, #tpu.memory_space<vmem>>) attributes {dimension_semantics = [#tpu.dimension_semantics<arbitrary>], iteration_bounds = array<i64: 40>, scalar_prefetch = 0 : i64, scratch_operands = 0 : i64, tpu.core_type = #tpu.core_type<tc>, window_params = [{transform_indices = @transform_0, window_bounds = array<i64: 8192, 8>}, {transform_indices = @transform_1, window_bounds = array<i64: 8192, 8>}, {transform_indices = @transform_2, window_bounds = array<i64: 8192, 8>}]} {
    %get3A = arith.constant 0 : index
    %get3A_0 = arith.constant 0 : index
    %get3A_1 = vector.load %arg1[%get3A, %get3A_0] : memref<8192x8xf32, #tpu.memory_space<vmem>>, vector<8192x8xf32>
    %get3A_2 = arith.constant 0 : index
    %get3A_3 = arith.constant 0 : index
    %get3A_4 = vector.load %arg2[%get3A_2, %get3A_3] : memref<8192x8xf32, #tpu.memory_space<vmem>>, vector<8192x8xf32>
    %add3A = arith.constant 1.000000e-16 : f32
    %add3A_5 = vector.broadcast %add3A : f32 to vector<8192x8xf32>
    %add3A_6 = arith.addf %get3A_4, %add3A_5 : vector<8192x8xf32>
    %div3A = arith.divf %get3A_1, %add3A_6 : vector<8192x8xf32>
    %swap3A = arith.constant 0 : index
    %swap3A_7 = arith.constant 0 : index
    %swap3A_8 = vector.load %arg3[%swap3A, %swap3A_7] : memref<8192x8xf32, #tpu.memory_space<vmem>>, vector<8192x8xf32>
    tpu.vector_store %arg3[%swap3A, %swap3A_7], %div3A {strides = array<i32>} : memref<8192x8xf32, #tpu.memory_space<vmem>>, vector<8192x8xf32>,
    return
  }
  func.func @transform_0(%arg0: i32) -> (i32, i32) {
    %c0_i32 = arith.constant 0 : i32
    %c0_i32_0 = arith.constant 0 : i32
    return %arg0, %c0_i32 : i32, i32
  }
  func.func @transform_1(%arg0: i32) -> (i32, i32) {
    %c0_i32 = arith.constant 0 : i32
    %c0_i32_0 = arith.constant 0 : i32
    return %arg0, %c0_i32 : i32, i32
  }
  func.func @transform_2(%arg0: i32) -> (i32, i32) {
    %c0_i32 = arith.constant 0 : i32
    %c0_i32_0 = arith.constant 0 : i32
    return %arg0, %c0_i32 : i32, i32
  }
}

module attributes {stable_mosaic.version = 14 : i64} {
  func.func @_dense_body(%arg0: i32, %arg1: memref<1024x1024xf32, #tpu.memory_space<vmem>>, %arg2: memref<1024x128xf32, #tpu.memory_space<vmem>>, %arg3: memref<1x128xf32, #tpu.memory_space<vmem>>, %arg4: memref<1x128xf32, #tpu.memory_space<vmem>>, %arg5: memref<1x1024xf32, #tpu.memory_space<vmem>>, %arg6: memref<1024x128xf32, #tpu.memory_space<vmem>>, %arg7: memref<1024x1xf32, #tpu.memory_space<vmem>>, %arg8: memref<1024x1xf32, #tpu.memory_space<vmem>>) attributes {dimension_semantics = [#tpu.dimension_semantics<arbitrary>], iteration_bounds = array<i64: 10>, scalar_prefetch = 0 : i64, scratch_operands = 0 : i64, tpu.core_type = #tpu.core_type<tc>, window_params = [{transform_indices = @transform_0, window_bounds = array<i64: 1024, 1024>}, {pipeline_mode = #tpu.pipeline_mode<synchronous>, transform_indices = @transform_1, window_bounds = array<i64: 1024, 128>}, {pipeline_mode = #tpu.pipeline_mode<synchronous>, transform_indices = @transform_2, window_bounds = array<i64: 1, 128>}, {pipeline_mode = #tpu.pipeline_mode<synchronous>, transform_indices = @transform_3, window_bounds = array<i64: 1, 128>}, {pipeline_mode = #tpu.pipeline_mode<synchronous>, transform_indices = @transform_4, window_bounds = array<i64: 1, 1024>}, {transform_indices = @transform_5, window_bounds = array<i64: 1024, 128>}, {transform_indices = @transform_6, window_bounds = array<i64: 1024, 1>}, {transform_indices = @transform_7, window_bounds = array<i64: 1024, 1>}]} {
    %get3A = arith.constant 0 : index
    %get3A_0 = arith.constant 0 : index
    %get3A_1 = vector.load %arg1[%get3A, %get3A_0] : memref<1024x1024xf32, #tpu.memory_space<vmem>>, vector<1024x1024xf32>
    %get3A_2 = arith.constant 0 : index
    %get3A_3 = arith.constant 0 : index
    %get3A_4 = vector.load %arg5[%get3A_2, %get3A_3] : memref<1x1024xf32, #tpu.memory_space<vmem>>, vector<1x1024xf32>
    %squeeze3A = vector.shape_cast %get3A_4 : vector<1x1024xf32> to vector<1024xf32>
    %broadcast_in_dim3A = vector.shape_cast %squeeze3A : vector<1024xf32> to vector<1x1024xf32>
    %add3A = vector.broadcast %broadcast_in_dim3A : vector<1x1024xf32> to vector<1024x1024xf32>
    %add3A_5 = arith.addf %get3A_1, %add3A : vector<1024x1024xf32>
    %max3A = arith.constant 0.000000e+00 : f32
    %max3A_6 = vector.broadcast %max3A : f32 to vector<1024x1024xf32>
    %max3A_7 = arith.maximumf %add3A_5, %max3A_6 : vector<1024x1024xf32>
    %get3A_8 = arith.constant 0 : index
    %get3A_9 = arith.constant 0 : index
    %get3A_10 = vector.load %arg2[%get3A_8, %get3A_9] : memref<1024x128xf32, #tpu.memory_space<vmem>>, vector<1024x128xf32>
    %dot_general3A = arith.constant dense<0.000000e+00> : vector<1024x128xf32>
    %dot_general3A_11 = tpu.matmul %max3A_7, %get3A_10, %dot_general3A {dimension_numbers = #tpu.dot_dimension_numbers<[1], [0], [0], [1], [0, 0, 1, 1], [], []>, transpose_lhs_hint = false} : vector<1024x1024xf32>, vector<1024x128xf32>, vector<1024x128xf32> -> vector<1024x128xf32>
    %swap3A = arith.constant 0 : index
    %swap3A_12 = arith.constant 0 : index
    %swap3A_13 = vector.load %arg6[%swap3A, %swap3A_12] : memref<1024x128xf32, #tpu.memory_space<vmem>>, vector<1024x128xf32>
    tpu.vector_store %arg6[%swap3A, %swap3A_12], %dot_general3A_11 {strides = array<i32>} : memref<1024x128xf32, #tpu.memory_space<vmem>>, vector<1024x128xf32>,
    %reshape3A = vector.shape_cast %dot_general3A_11 : vector<1024x128xf32> to vector<1024x1x128xf32>
    %get3A_14 = arith.constant 0 : index
    %get3A_15 = arith.constant 0 : index
    %get3A_16 = vector.load %arg3[%get3A_14, %get3A_15] : memref<1x128xf32, #tpu.memory_space<vmem>>, vector<1x128xf32>
    %broadcast_in_dim3A_17 = vector.shape_cast %get3A_16 : vector<1x128xf32> to vector<1x1x128xf32>
    %mul3A = vector.broadcast %broadcast_in_dim3A_17 : vector<1x1x128xf32> to vector<1024x1x128xf32>
    %mul3A_18 = arith.mulf %reshape3A, %mul3A : vector<1024x1x128xf32>
    %reduce_sum3A = arith.constant dense<0.000000e+00> : vector<1024x1xf32>
    %reduce_sum3A_19 = vector.multi_reduction <add>, %mul3A_18, %reduce_sum3A [2] : vector<1024x1x128xf32> to vector<1024x1xf32>
    %swap3A_20 = arith.constant 0 : index
    %swap3A_21 = arith.constant 0 : index
    %swap3A_22 = vector.load %arg7[%swap3A_20, %swap3A_21] : memref<1024x1xf32, #tpu.memory_space<vmem>>, vector<1024x1xf32>
    tpu.vector_store %arg7[%swap3A_20, %swap3A_21], %reduce_sum3A_19 {strides = array<i32>} : memref<1024x1xf32, #tpu.memory_space<vmem>>, vector<1024x1xf32>,
    %get3A_23 = arith.constant 0 : index
    %get3A_24 = arith.constant 0 : index
    %get3A_25 = vector.load %arg4[%get3A_23, %get3A_24] : memref<1x128xf32, #tpu.memory_space<vmem>>, vector<1x128xf32>
    %broadcast_in_dim3A_26 = vector.shape_cast %get3A_25 : vector<1x128xf32> to vector<1x1x128xf32>
    %mul3A_27 = vector.broadcast %broadcast_in_dim3A_26 : vector<1x1x128xf32> to vector<1024x1x128xf32>
    %mul3A_28 = arith.mulf %reshape3A, %mul3A_27 : vector<1024x1x128xf32>
    %reduce_sum3A_29 = arith.constant dense<0.000000e+00> : vector<1024x1xf32>
    %reduce_sum3A_30 = vector.multi_reduction <add>, %mul3A_28, %reduce_sum3A_29 [2] : vector<1024x1x128xf32> to vector<1024x1xf32>
    %swap3A_31 = arith.constant 0 : index
    %swap3A_32 = arith.constant 0 : index
    %swap3A_33 = vector.load %arg8[%swap3A_31, %swap3A_32] : memref<1024x1xf32, #tpu.memory_space<vmem>>, vector<1024x1xf32>
    tpu.vector_store %arg8[%swap3A_31, %swap3A_32], %reduce_sum3A_30 {strides = array<i32>} : memref<1024x1xf32, #tpu.memory_space<vmem>>, vector<1024x1xf32>,
    return
  }
  func.func @transform_0(%arg0: i32) -> (i32, i32) {
    %c0_i32 = arith.constant 0 : i32
    %c0_i32_0 = arith.constant 0 : i32
    return %arg0, %c0_i32 : i32, i32
  }
  func.func @transform_1(%arg0: i32) -> (i32, i32) {
    %c0_i32 = arith.constant 0 : i32
    %c0_i32_0 = arith.constant 0 : i32
    %c0_i32_1 = arith.constant 0 : i32
    return %c0_i32, %c0_i32_0 : i32, i32
  }
  func.func @transform_2(%arg0: i32) -> (i32, i32) {
    %c0_i32 = arith.constant 0 : i32
    %c0_i32_0 = arith.constant 0 : i32
    %c0_i32_1 = arith.constant 0 : i32
    return %c0_i32, %c0_i32_0 : i32, i32
  }
  func.func @transform_3(%arg0: i32) -> (i32, i32) {
    %c0_i32 = arith.constant 0 : i32
    %c0_i32_0 = arith.constant 0 : i32
    %c0_i32_1 = arith.constant 0 : i32
    return %c0_i32, %c0_i32_0 : i32, i32
  }
  func.func @transform_4(%arg0: i32) -> (i32, i32) {
    %c0_i32 = arith.constant 0 : i32
    %c0_i32_0 = arith.constant 0 : i32
    %c0_i32_1 = arith.constant 0 : i32
    return %c0_i32, %c0_i32_0 : i32, i32
  }
  func.func @transform_5(%arg0: i32) -> (i32, i32) {
    %c0_i32 = arith.constant 0 : i32
    %c0_i32_0 = arith.constant 0 : i32
    return %arg0, %c0_i32 : i32, i32
  }
  func.func @transform_6(%arg0: i32) -> (i32, i32) {
    %c0_i32 = arith.constant 0 : i32
    %c0_i32_0 = arith.constant 0 : i32
    return %arg0, %c0_i32 : i32, i32
  }
  func.func @transform_7(%arg0: i32) -> (i32, i32) {
    %c0_i32 = arith.constant 0 : i32
    %c0_i32_0 = arith.constant 0 : i32
    return %arg0, %c0_i32 : i32, i32
  }
}

module attributes {stable_mosaic.version = 14 : i64} {
  func.func @_alpha_body(%arg0: i32, %arg1: memref<8192x1xf32, #tpu.memory_space<vmem>>, %arg2: memref<8192x1xf32, #tpu.memory_space<vmem>>, %arg3: memref<8192x1xf32, #tpu.memory_space<vmem>>, %arg4: memref<8192x1xf32, #tpu.memory_space<vmem>>) attributes {dimension_semantics = [#tpu.dimension_semantics<arbitrary>], iteration_bounds = array<i64: 40>, scalar_prefetch = 0 : i64, scratch_operands = 0 : i64, tpu.core_type = #tpu.core_type<tc>, window_params = [{transform_indices = @transform_0, window_bounds = array<i64: 8192, 1>}, {transform_indices = @transform_1, window_bounds = array<i64: 8192, 1>}, {transform_indices = @transform_2, window_bounds = array<i64: 8192, 1>}, {transform_indices = @transform_3, window_bounds = array<i64: 8192, 1>}]} {
    %get3A = arith.constant 0 : index
    %get3A_0 = arith.constant 0 : index
    %get3A_1 = vector.load %arg1[%get3A, %get3A_0] : memref<8192x1xf32, #tpu.memory_space<vmem>>, vector<8192x1xf32>
    %get3A_2 = arith.constant 0 : index
    %get3A_3 = arith.constant 0 : index
    %get3A_4 = vector.load %arg2[%get3A_2, %get3A_3] : memref<8192x1xf32, #tpu.memory_space<vmem>>, vector<8192x1xf32>
    %add3A = arith.addf %get3A_1, %get3A_4 : vector<8192x1xf32>
    %get3A_5 = arith.constant 0 : index
    %get3A_6 = arith.constant 0 : index
    %get3A_7 = vector.load %arg3[%get3A_5, %get3A_6] : memref<8192x1xf32, #tpu.memory_space<vmem>>, vector<8192x1xf32>
    %add3A_8 = arith.addf %add3A, %get3A_7 : vector<8192x1xf32>
    %gt3A = arith.constant 0.000000e+00 : f32
    %gt3A_9 = vector.broadcast %gt3A : f32 to vector<8192x1xf32>
    %gt3A_10 = arith.cmpf ogt, %add3A_8, %gt3A_9 : vector<8192x1xf32>
    %mul3A = arith.constant 2.000000e-01 : f32
    %mul3A_11 = vector.broadcast %mul3A : f32 to vector<8192x1xf32>
    %mul3A_12 = arith.mulf %mul3A_11, %add3A_8 : vector<8192x1xf32>
    %select_n3A = arith.select %gt3A_10, %add3A_8, %mul3A_12 : vector<8192x1xi1>, vector<8192x1xf32>
    %swap3A = arith.constant 0 : index
    %swap3A_13 = arith.constant 0 : index
    %swap3A_14 = vector.load %arg4[%swap3A, %swap3A_13] : memref<8192x1xf32, #tpu.memory_space<vmem>>, vector<8192x1xf32>
    tpu.vector_store %arg4[%swap3A, %swap3A_13], %select_n3A {strides = array<i32>} : memref<8192x1xf32, #tpu.memory_space<vmem>>, vector<8192x1xf32>,
    return
  }
  func.func @transform_0(%arg0: i32) -> (i32, i32) {
    %c0_i32 = arith.constant 0 : i32
    %c0_i32_0 = arith.constant 0 : i32
    return %arg0, %c0_i32 : i32, i32
  }
  func.func @transform_1(%arg0: i32) -> (i32, i32) {
    %c0_i32 = arith.constant 0 : i32
    %c0_i32_0 = arith.constant 0 : i32
    return %arg0, %c0_i32 : i32, i32
  }
  func.func @transform_2(%arg0: i32) -> (i32, i32) {
    %c0_i32 = arith.constant 0 : i32
    %c0_i32_0 = arith.constant 0 : i32
    return %arg0, %c0_i32 : i32, i32
  }
  func.func @transform_3(%arg0: i32) -> (i32, i32) {
    %c0_i32 = arith.constant 0 : i32
    %c0_i32_0 = arith.constant 0 : i32
    return %arg0, %c0_i32 : i32, i32
  }
}

module attributes {stable_mosaic.version = 14 : i64} {
  func.func @_ex_body(%arg0: i32, %arg1: memref<8192x1xf32, #tpu.memory_space<vmem>>, %arg2: memref<8192x1xf32, #tpu.memory_space<vmem>>, %arg3: memref<8192x1xf32, #tpu.memory_space<vmem>>) attributes {dimension_semantics = [#tpu.dimension_semantics<arbitrary>], iteration_bounds = array<i64: 40>, scalar_prefetch = 0 : i64, scratch_operands = 0 : i64, tpu.core_type = #tpu.core_type<tc>, window_params = [{transform_indices = @transform_0, window_bounds = array<i64: 8192, 1>}, {transform_indices = @transform_1, window_bounds = array<i64: 8192, 1>}, {transform_indices = @transform_2, window_bounds = array<i64: 8192, 1>}]} {
    %get3A = arith.constant 0 : index
    %get3A_0 = arith.constant 0 : index
    %get3A_1 = vector.load %arg1[%get3A, %get3A_0] : memref<8192x1xf32, #tpu.memory_space<vmem>>, vector<8192x1xf32>
    %get3A_2 = arith.constant 0 : index
    %get3A_3 = arith.constant 0 : index
    %get3A_4 = vector.load %arg2[%get3A_2, %get3A_3] : memref<8192x1xf32, #tpu.memory_space<vmem>>, vector<8192x1xf32>
    %sub3A = arith.subf %get3A_1, %get3A_4 : vector<8192x1xf32>
    %exp3A = math.exp %sub3A : vector<8192x1xf32>
    %swap3A = arith.constant 0 : index
    %swap3A_5 = arith.constant 0 : index
    %swap3A_6 = vector.load %arg3[%swap3A, %swap3A_5] : memref<8192x1xf32, #tpu.memory_space<vmem>>, vector<8192x1xf32>
    tpu.vector_store %arg3[%swap3A, %swap3A_5], %exp3A {strides = array<i32>} : memref<8192x1xf32, #tpu.memory_space<vmem>>, vector<8192x1xf32>,
    return
  }
  func.func @transform_0(%arg0: i32) -> (i32, i32) {
    %c0_i32 = arith.constant 0 : i32
    %c0_i32_0 = arith.constant 0 : i32
    return %arg0, %c0_i32 : i32, i32
  }
  func.func @transform_1(%arg0: i32) -> (i32, i32) {
    %c0_i32 = arith.constant 0 : i32
    %c0_i32_0 = arith.constant 0 : i32
    return %arg0, %c0_i32 : i32, i32
  }
  func.func @transform_2(%arg0: i32) -> (i32, i32) {
    %c0_i32 = arith.constant 0 : i32
    %c0_i32_0 = arith.constant 0 : i32
    return %arg0, %c0_i32 : i32, i32
  }
}

module attributes {stable_mosaic.version = 14 : i64} {
  func.func @_att_body(%arg0: i32, %arg1: memref<8192x1xf32, #tpu.memory_space<vmem>>, %arg2: memref<8192x1xf32, #tpu.memory_space<vmem>>, %arg3: memref<8192x1xf32, #tpu.memory_space<vmem>>) attributes {dimension_semantics = [#tpu.dimension_semantics<arbitrary>], iteration_bounds = array<i64: 40>, scalar_prefetch = 0 : i64, scratch_operands = 0 : i64, tpu.core_type = #tpu.core_type<tc>, window_params = [{transform_indices = @transform_0, window_bounds = array<i64: 8192, 1>}, {transform_indices = @transform_1, window_bounds = array<i64: 8192, 1>}, {transform_indices = @transform_2, window_bounds = array<i64: 8192, 1>}]} {
    %get3A = arith.constant 0 : index
    %get3A_0 = arith.constant 0 : index
    %get3A_1 = vector.load %arg1[%get3A, %get3A_0] : memref<8192x1xf32, #tpu.memory_space<vmem>>, vector<8192x1xf32>
    %get3A_2 = arith.constant 0 : index
    %get3A_3 = arith.constant 0 : index
    %get3A_4 = vector.load %arg2[%get3A_2, %get3A_3] : memref<8192x1xf32, #tpu.memory_space<vmem>>, vector<8192x1xf32>
    %add3A = arith.constant 1.000000e-16 : f32
    %add3A_5 = vector.broadcast %add3A : f32 to vector<8192x1xf32>
    %add3A_6 = arith.addf %get3A_4, %add3A_5 : vector<8192x1xf32>
    %div3A = arith.divf %get3A_1, %add3A_6 : vector<8192x1xf32>
    %swap3A = arith.constant 0 : index
    %swap3A_7 = arith.constant 0 : index
    %swap3A_8 = vector.load %arg3[%swap3A, %swap3A_7] : memref<8192x1xf32, #tpu.memory_space<vmem>>, vector<8192x1xf32>
    tpu.vector_store %arg3[%swap3A, %swap3A_7], %div3A {strides = array<i32>} : memref<8192x1xf32, #tpu.memory_space<vmem>>, vector<8192x1xf32>,
    return
  }
  func.func @transform_0(%arg0: i32) -> (i32, i32) {
    %c0_i32 = arith.constant 0 : i32
    %c0_i32_0 = arith.constant 0 : i32
    return %arg0, %c0_i32 : i32, i32
  }
  func.func @transform_1(%arg0: i32) -> (i32, i32) {
    %c0_i32 = arith.constant 0 : i32
    %c0_i32_0 = arith.constant 0 : i32
    return %arg0, %c0_i32 : i32, i32
  }
  func.func @transform_2(%arg0: i32) -> (i32, i32) {
    %c0_i32 = arith.constant 0 : i32
    %c0_i32_0 = arith.constant 0 : i32
    return %arg0, %c0_i32 : i32, i32
  }
}

</mosaic_0001>

<sc_bundles>
// kernel: gather_offload_async_start.1
scs
__scs_entry_jumppad:
0x0: {  	(pc) =	sbr.rel $0x88, $3  }
0x1: {  	(tag) =	ssettag $0x0;
	lr =	simm.s32 $0x1  }
0x2: {  	[smem:$0x3F91] =	sst lr;
	_ =	strace $0xD0000000  }
0x3: {  	_ = 	snop  }
0x4: {  	_ = 	snop  }
0x5: {  	_ = 	snop  }
0x6: {  	_ = 	snop  }
0x7: {  	_ = 	snop  }
__scs_overlays_trampoline_lowered:
0x8: {  	[smem:$0x3FA0] =	sst s0  }
0x9: {  	[smem:$0x3FA1] =	sst s1  }
0xa: {  	[smem:$0x3FA2] =	sst s2  }
0xb: {  	[smem:$0x3FA3] =	sst s3  }
0xc: {  	[smem:$0x3FA4] =	sst s4  }
0xd: {  	[smem:$0x3FA5] =	sst s5  }
0xe: {  	[smem:$0x3FA6] =	sst s6  }
0xf: {  	[smem:$0x3FA7] =	sst s7  }
0x10: {  	[smem:$0x3FA8] =	sst s8  }
0x11: {  	[smem:$0x3FA9] =	sst s9;
	s0 =	simm.s32 @!p0 $0x0  }
0x12: {  	s1 =	sld [smem:$0x3F8F];
	s0 =	simm.s32 @p0 $0x1  }
0x13: {  	[smem:$0x3FAA] =	sst s0;
	s0 =	simm.s32 @!p1 $0x0  }
0x14: {  	s2 =	sld [smem:$0x3F8E];
	s0 =	simm.s32 @p1 $0x1  }
0x15: {  	[smem:$0x3FAB] =	sst s0;
	s0 =	simm.s32 @!p2 $0x0  }
0x16: {  	s3 =	sld [smem:$0x3FDB];
	s0 =	simm.s32 @p2 $0x1  }
0x17: {  	s4 =	simm.s32 $0x1BF5;
	[smem:$0x3FAD] =	sst s0  }
0x18: {  	s0 =	sld [smem:$0x3F90];
	_ =	swait.ge [sflag:s4], $0x0  }
0x19: {  	s7 =	sld [smem:$0x3F91]  }
0x1a: {  	s8 =	sadd.s32 $0xFFFFE003, lr  }
0x1b: {  	s9 =	sadd.s32 $0xFFFFFEF7, lr;
	s5 =	simm.s32 $0xFFFFFFFF;
	p2 =	slt.u32 s8, $0xFFFFF086  }
0x1c: {  	p1 =	slt.u32 s9, $0xF7A;
	s5 =	simm.s32 @!p2 $0x0  }
0x1d: {  	s5 =	simm.s32 @p1 $0x1;
	p0 =	seq.s32 s7, s2  }
0x1e: {  	s7 =	smul.u32 @!p0 $0xF7A, s2;
	p2 =	seq.s32 @!p0 s5, $0x0  }
0x1f: {  	s9 =	smul.u32 $0xF7A, s1;
	s8 =	simm.s32 @!p0 $0x1BF5;
	p2 =	por !p2, p0  }
0x20: {  	[sflag:s8] =	ssyncset.s32 @!p0 $0xFFFFF086;
	s6 =	sadd.s32 @!p0 s3, s7;
	s7 =	simm.s32 @!p0 $0x108  }
0x21: {  	s3 =	sadd.s32 s3, s9;
	s6 =	sadd.s32 @!p0 $0x88, s6;
	s7 =	simm.s32 @p2 $0x1082  }
0x22: {  	[simem:s7], [sflag:s8] =	dma.local @!p0 [hbm:s6], $0xF7A  }
0x23: {  	s9 =	sor.u32 $0xD0000000, s2;
	s6 =	simm.s32 $0x108;
	_ =	swait.ge @!p0 [sflag:s8], $0x0  }
0x24: {  	s3 =	sadd.s32 $0x88, s3;
	s6 =	simm.s32 @!p1 $0x1082;
	[sflag:s4] =	ssyncset.s32 $0xFFFFF086  }
0x25: {  	[simem:s6], [sflag:s4] =	dma.local [hbm:s3], $0xF7A  }
0x26: {  	[smem:$0x3F91] =	sst s1;
	(tag) =	ssettag s2;
	_ =	strace s9  }
0x27: {  	s1 =	sld [smem:$0x3FA1]  }
0x28: {  	s2 =	sld [smem:$0x3FA2]  }
0x29: {  	s4 =	sld [smem:$0x3FA4]  }
0x2a: {  	p0 =	seq.s32 s5, $0x0;
	s5 =	sld [smem:$0x3FA5]  }
0x2b: {  	s6 =	sld [smem:$0x3FA6]  }
0x2c: {  	s7 =	sld [smem:$0x3FA7]  }
0x2d: {  	s3 =	simm.s32 $0x108;
	s8 =	sld [smem:$0x3FA8]  }
0x2e: {  	s3 =	simm.s32 @!p0 $0x1082;
	s9 =	sld [smem:$0x3FA9]  }
0x2f: {  	lr =	sadd.s32 s0, s3;
	s0 =	sld [smem:$0x3FA0]  }
0x30: {  	s3 =	sld [smem:$0x3FA3]  }
0x31: {  	[smem:$0x3FAC] =	sst s10  }
0x32: {  	s10 =	sld [smem:$0x3FAA];
	_ =	sdelay $0x3  }
0x33: {  	p0 =	seq.s32 s10, $0x1;
	s10 =	sld [smem:$0x3FAC];
	_ =	sdelay $0x3  }
0x34: {  	[smem:$0x3FAC] =	sst s10  }
0x35: {  	s10 =	sld [smem:$0x3FAB];
	_ =	sdelay $0x3  }
0x36: {  	p1 =	seq.s32 s10, $0x1;
	s10 =	sld [smem:$0x3FAC];
	_ =	sdelay $0x3  }
0x37: {  	[smem:$0x3FAC] =	sst s10  }
0x38: {  	s10 =	sld [smem:$0x3FAD]  }
0x39: {  	_ = 	snop;
	(pc) =	sbr.ind lr, $3  }
0x3a: {  	_ = 	snop  }
0x3b: {  	_ = 	snop  }
0x3c: {  	p2 =	seq.s32 s10, $0x1;
	s10 =	sld [smem:$0x3FAC]  }
0x3d: {  	_ =	shalt  }
0x3e: {  	_ =	shalt  }
0x3f: {  	_ =	shalt  }
0x40: {  	_ =	shalt  }
0x41: {  	_ =	shalt  }
0x42: {  	_ =	shalt  }
0x43: {  	_ =	shalt  }
0x44: {  	_ =	shalt  }
0x45: {  	_ =	shalt  }
0x46: {  	_ =	shalt  }
0x47: {  	_ =	shalt  }
0x48: {  	_ =	shalt  }
0x49: {  	_ =	shalt  }
0x4a: {  	_ =	shalt  }
0x4b: {  	_ =	shalt  }
0x4c: {  	_ =	shalt  }
0x4d: {  	_ =	shalt  }
0x4e: {  	_ =	shalt  }
0x4f: {  	_ =	shalt  }
0x50: {  	_ =	shalt  }
0x51: {  	_ =	shalt  }
0x52: {  	_ =	shalt  }
0x53: {  	_ =	shalt  }
0x54: {  	_ =	shalt  }
0x55: {  	_ =	shalt  }
0x56: {  	_ =	shalt  }
0x57: {  	_ =	shalt  }
0x58: {  	_ =	shalt  }
0x59: {  	_ =	shalt  }
0x5a: {  	_ =	shalt  }
0x5b: {  	_ =	shalt  }
0x5c: {  	_ =	shalt  }
0x5d: {  	_ =	shalt  }
0x5e: {  	_ =	shalt  }
0x5f: {  	_ =	shalt  }
0x60: {  	_ =	shalt  }
0x61: {  	_ =	shalt  }
0x62: {  	_ =	shalt  }
0x63: {  	_ =	shalt  }
0x64: {  	_ =	shalt  }
0x65: {  	_ =	shalt  }
0x66: {  	_ =	shalt  }
0x67: {  	_ =	shalt  }
0x68: {  	_ =	shalt  }
0x69: {  	_ =	shalt  }
0x6a: {  	_ =	shalt  }
0x6b: {  	_ =	shalt  }
0x6c: {  	_ =	shalt  }
0x6d: {  	_ =	shalt  }
0x6e: {  	_ =	shalt  }
0x6f: {  	_ =	shalt  }
0x70: {  	_ =	shalt  }
0x71: {  	_ =	shalt  }
0x72: {  	_ =	shalt  }
0x73: {  	_ =	shalt  }
0x74: {  	_ =	shalt  }
0x75: {  	_ =	shalt  }
0x76: {  	_ =	shalt  }
0x77: {  	_ =	shalt  }
0x78: {  	_ =	shalt  }
0x79: {  	_ =	shalt  }
0x7a: {  	_ =	shalt  }
0x7b: {  	_ =	shalt  }
0x7c: {  	_ =	shalt  }
0x7d: {  	_ =	shalt  }
0x7e: {  	_ =	shalt  }
0x7f: {  	_ =	shalt  }
0x80: {  	_ =	shalt  }
0x81: {  	_ =	shalt  }
0x82: {  	_ =	shalt  }
0x83: {  	_ =	shalt  }
0x84: {  	_ =	shalt  }
0x85: {  	_ =	shalt  }
0x86: {  	_ =	shalt  }
0x87: {  	_ =	shalt  }
.Lfunc_end0:
.L_simem_size_0:
called_computation.8_lowered:
.L_overlay_start_0:
0x88: {  	s2 =	sld [smem:$0x3FD9]  }
0x89: {  	s3 =	sld [smem:$0x3FFE];
	_ =	sdelay $0x1  }
0x8a: {  	s1 =	srdreg.scid  }
0x8b: {  	s0 =	sand.u32 $0x1, s1  }
0x8c: {  	s17 =	sshll.u32 s0, $0xA;
	s2 =	sadd.s32 s3, s2  }
0x8d: {  	s2 =	sadd.s32 s2, s17  }
0x8e: {  	[smem:$0x3FB8] =	sst s2  }
0x8f: {  	_ = 	snop  }
0x90: {  	s2 =	sld [smem:$0x3FD0];
	(tm) =	ssettm $0x1  }
0x91: {  	s18 =	sld [smem:$0x3FFB];
	_ =	sdelay $0x3  }
0x92: {  	_ =	strace s18  }
0x93: {  	s3 =	sld [smem:$0x3FFC];
	_ =	sdelay $0x3  }
0x94: {  	_ =	strace s3  }
0x95: {  	s3 =	sld [smem:$0x3FFD];
	_ =	sdelay $0x3  }
0x96: {  	_ =	strace s3  }
0x97: {  	_ =	strace $0x8FFFFFFF  }
0x98: {  	s19 =	sld [smem:$0x3FDB];
	_ =	sdelay $0x1  }
0x99: {  	s4 =	simm.s32 $_scs_section_size  }
0x9a: {  	s5 =	simm.s32 $_size__tile_overlayer_lowered;
	s6 =	simm.s32 $_tile_overlayer_lowered  }
0x9b: {  	s22 =	simm.s32 $0x1BFF;
	s21 =	sshll.u32 s6, $0x1;
	s3 =	sadd.s32 s4, s19  }
0x9c: {  	s7 =	simm.s32 $0x0;
	s20 =	sshll.u32 s5, $0x1;
	s5 =	sadd.s32 s21, s3  }
0x9d: {  	[timem:s7], [sflag:s22] =	dma.local [hbm:s5], s20  }
0x9e: {  	_ =	swait.ge [sflag:s22], s20  }
0x9f: {  	s4 =	ssub.s32 $0x0, s20;
	[sflag:s22] =	ssyncset.done $0x0  }
0xa0: {  	[sflag:s22] =	ssyncadd.s32 s4;
	_ =	sdelay $0x1  }
0xa1: {  	s23 =	simm.s32 $0x1B8B  }
0xa2: {  	_ =	swait.ge [sflag:s23], $0x1  }
0xa3: {  	[sflag:s23] =	ssyncset.done $0x0  }
0xa4: {  	s25 =	simm.s32 $0x1B8E;
	s24 =	sld [smem:$0x3FFE];
	[sflag:s23] =	ssyncadd.s32 $0xFFFFFFFF  }
0xa5: {  	s26 =	simm.s32 $execute0_lowered;
	[smem:$0x3FD2] =	sst s25  }
0xa6: {  	s5 =	sshll.u32 s26, $0x1;
	_ =	strace $0x80000046;
	[dreg:$0x1] =	wrdreg $0xFFFFFFFF  }
0xa7: {  	s28 =	simm.s32 $_size_execute0_lowered;
	s3 =	sadd.s32 s3, s5;
	[dreg:$0x0] =	wrdreg $0x0  }
0xa8: {  	s5 =	sshll.u32 s28, $0x1;
	[dreg:$0x2] =	wrdreg s3  }
0xa9: {  	[dreg:$0x3] =	wrdreg s5  }
0xaa: {  	[dreg:$0x4] =	wrdreg $0xC0  }
0xab: {  	_ =	task [dreg:s7], $0x5FFFF  }
0xac: {  	[dreg:$0x1] =	wrdreg $0xFFFFFFFF  }
0xad: {  	[dreg:$0x0] =	wrdreg $0x60  }
0xae: {  	[dreg:$0x2] =	wrdreg s2  }
0xaf: {  	[dreg:$0x3] =	wrdreg s24  }
0xb0: {  	[dreg:$0x4] =	wrdreg $0x9  }
0xb1: {  	_ =	task.clear_ibuf [dreg:s7], $0x5FFFF;
	_ =	strace $0x90000046  }
0xb2: {  	s29 =	simm.s32 $0x9;
	_ =	strace $0x80000048  }
0xb3: {  	_ =	swait.ge [sflag:s29], $0x1  }
0xb4: {  	[sflag:s29] =	ssyncadd.s32 $0xFFFFFFFF  }
0xb5: {  	_ =	strace $0x90000048  }
0xb6: {  	_ =	sfence  }
0xb7: {  	s30 =	sld [smem:$0x0];
	_ =	sdelay $0x2  }
0xb8: {  	s31 =	sshll.u32 s1, $0xD;
	s1 =	sshrl.u32 s1, $0x2  }
0xb9: {  	s3 =	sand.u32 $0x4000, s31;
	s1 =	sadd.s32 s1, s30  }
0xba: {  	s0 =	sor.u32 s3, s0;
	s1 =	sshll.u32 s1, $0x11  }
0xbb: {  	s0 =	sor.u32 s1, s0  }
0xbc: {  	s0 =	sadd.s32 $0x8F2B, s0  }
0xbd: {  	[sflag:s0] =	ssyncadd.remote.s32 $0x1  }
0xbe: {  	_ =	sfence.sel $0xFFFF  }
0xbf: {  	[dreg:$0x0] =	wrdreg $0xFFFFFFFF;
	(pc) =	sbr.abs _section_cstart, $3  }
0xc0: {  	[dreg:$0x1] =	wrdreg $0xFFFFFFFF  }
0xc1: {  	_ =	task.clear_ibuf [dreg:s7], $0x2FFFF;
	_ =	strace $0x9FFFFFFF  }
0xc2: {  	(tm) =	ssettm $0x7FFFFFFF  }
0xc3: {  	_ =	shalt  }
tec
execute0_lowered:
.L_overlay_start_1:
0x0: {  	(tag) =	ssettag $0x1  }
0x1: {  	s2 =	rddreg [dreg:$0x0]  }
0x2: {  	s8 =	rddreg [dreg:$0x1]  }
0x3: {  	s0 =	rddreg [dreg:$0x2];
	s1 =	stileid.u32  }
0x4: {  	s3 =	srdreg.scid;
	_ =	strace $0x80000047;
	s4 =	simm.s32 $0x1  }
0x5: {  	s7 =	simm.s32 $0x1;
	s9 =	simm.s32 $0x1;
	s10 =	simm.s32 $0x3  }
0x6: {  	s13 =	simm.s32 $0x0;
	s5 =	sand.u32 $0x1, s3;
	s6 =	sshll.u32 s1, $0x1  }
0x7: {  	s12 =	simm.s32 $0x0;
	s3 =	sadd.s32 $0xC000, s8;
	s5 =	sor.u32 s6, s5  }
.Ltmp0:
0x8: {  	[sflag:s4] =	ssyncpa.u1 $0x0;
	p0 =	slt.u32 s5, $0x9;
	(pc) =	sbr.rel .LBB2_1-.Ltmp0, $4  }
0x9: {  	s6 =	simm.s32 $0x2;
	s7 =	simm.s32 @!p0 $0x0;
	p0 =	sne.s32 s5, $0x8  }
0xa: {  	[sflag:s6] =	ssyncpa.u1 $0x0;
	s5 =	smul.u32 $0x1F40, s5;
	s9 =	simm.s32 @!p0 $0x0  }
0xb: {  	s8 =	sadd.s32 $0x3E000, s8;
	[sflag:s10] =	ssyncpa.u1 $0x0;
	s7 =	sadd.s32 s9, s7  }
0xc: {  	vm0 =	vmmov $0xffff;
	s10 =	simm.s32 $0x0;
	s11 =	smov.u32 s5;
	s9 =	sadd.s32 $0x1, s7  }
.LBB2_4:
0xd: {  	v2 =	vnsel vm1, $0x0, v2  }
0xe: {  	vm1 =	vgt.s32 v0, $0x0;
	v2 =	vmin.u32 v2, $0x4E1FF  }
0xf: {  	v0 =	vnsel vm1, $0x0, v0  }
0x10: {  	v0 =	vmin.u32 v0, $0x4E1FF  }
0x11: {  	[tilespmem:s18], [sflag:$0x1] =	stream.indirect_vreg.gather [hbm4b:s2+s10], $0x1, v1, vm0, $0x4038;
	[tilespmem:$0x7D00] =	vst v63  }
0x12: {  	(ifvalue) =	ssetifvalue $0x7FFFFFFF  }
0x13: {  	[tilespmem:s15], [sflag:$0x1] =	stream.indirect_vreg.gather [hbm4b:s2+s10], $0x1, v2, vm0, $0x4038;
	[tilespmem:$0x7D00] =	vst v63  }
0x14: {  	s29 =	sadd.s32 $0x10, s15;
	(ifvalue) =	ssetifvalue $0x7FFFFFFF  }
0x15: {  	[tilespmem:s29], [sflag:$0x1] =	stream.indirect_vreg.gather [hbm4b:s2+s10], $0x1, v0, vm0, $0x4038;
	[tilespmem:$0x7D00] =	vst v63  }
0x16: {  	_ =	swait.ge [sflag:s4], $0x1F40  }
0x17: {  	s30 =	sshrl.u32 s13, $0x3;
	[sflag:s4] =	ssyncset.done $0x0  }
0x18: {  	s31 =	sand.u32 $0x7, s13;
	s15 =	sadd.s32 s8, s30;
	[sflag:s4] =	ssyncadd.s32 $0xFFFFE0C0  }
0x19: {  	[hbm4b:s15+s31] =	stream.linear.scatter [tilespmem:s14], [sflag:$0x3], $0x1F40, $0x38;
	[tilespmem:$0x7D00] =	vst v63  }
.LBB2_5:
0x1a: {  	s15 =	sadd.s32 $0x3E800, s11  }
0x1b: {  	p1 =	sgt.s32 s15, $0x4E1FF  }
0x1c: {  	s15 =	smov.u32 @p1 s5;
	p1 =	sne.s32 s12, s9  }
.Ltmp1:
0x1d: {  	p0 =	slt.u32 s12, $0x2;
	(pc) =	sbr.rel @!p1 .LBB2_6-.Ltmp1, $4  }
0x1e: {  	s14 =	simm.s32 @!p0 $0x3  }
0x1f: {  	_ =	swait.ge @!p0 [sflag:s14], $0x1F40  }
0x20: {  	s16 =	sadd.s32 $0x1, s12;
	s13 =	smov.u32 s11;
	[sflag:s14] =	ssyncset.done @!p0 $0x0  }
0x21: {  	s12 =	smov.u32 s16;
	s11 =	smov.u32 s15;
	[sflag:s14] =	ssyncadd.s32 @!p0 $0xFFFFE0C0  }
.LBB2_1:
0x22: {  	p0 =	sge.u32 s12, s7  }
0x23: {  	s14 =	sxor.u32 @!p0 $0x1, s12  }
0x24: {  	s14 =	smul.u32 @!p0 $0x7D00, s14  }
0x25: {  	s31 =	sadd.s32 $0xFFFFFFFF, s12;
	s15 =	sshrl.u32 @!p0 s11, $0x3  }
0x26: {  	s16 =	sand.u32 @!p0 $0x7, s11;
	s15 =	sadd.s32 @!p0 s3, s15;
	s14 =	sshra.s32 @!p0 s14, $0x2  }
0x27: {  	[tilespmem:s14], [sflag:$0x2] =	stream.linear.gather @!p0 [hbm4b:s15+s16], $0x1F40, $0x38;
	[tilespmem:$0x7D00] =	vst v63  }
0x28: {  	p0 =	sge.u32 s31, s7  }
.Ltmp2:
0x29: {  	_ = 	snop;
	(pc) =	sbr.rel @p0 .LBB2_5-.Ltmp2, $1  }
0x2a: {  	_ =	sdelay $0x3  }
0x2b: {  	s14 =	sand.u32 $0x1, s12  }
0x2c: {  	_ =	swait.ge [sflag:s6], $0x1F40;
	p0 =	seq.s32 s14, $0x1;
	s14 =	simm.s32 $0x1F40  }
0x2d: {  	[sflag:s6] =	ssyncset.done $0x0;
	s14 =	simm.s32 @!p0 $0x0  }
0x2e: {  	[sflag:s6] =	ssyncadd.s32 $0xFFFFE0C0;
	(ifvalue) =	ssetifvalue $0x7FFFFFFF;
	v0 =	vld.msk [tilespmem:s14+$0x0 ss:$0x1], $0xffff;
	_ =	sdelay $0x4  }
0x2f: {  	s15 =	sadd.s32 $0x10, s14;
	vm1 =	vgt.s32 v0, $0x0  }
0x30: {  	v2 =	vld.msk [tilespmem:s15+$0x0 ss:$0x1], $0xffff;
	v1 =	vnsel vm1, $0x0, v0  }
0x31: {  	v1 =	vmin.u32 v1, $0x4E1FF;
	_ =	sdelay $0x2  }
0x32: {  	s17 =	simm.s32 $0x20;
	s14 =	sadd.s32 $0x3E80, s14;
	s16 =	sadd.s32 $0x10, s15  }
0x33: {  	s15 =	sadd.s32 $0x10, s14;
	s18 =	smov.u32 s14;
	v0 =	vld.msk [tilespmem:s16+$0x0 ss:$0x1], $0xffff;
	vm1 =	vgt.s32 v2, $0x0;
	(ifvalue) =	ssetifvalue $0x7FFFFFFF  }
.LBB2_3:
0x34: {  	[tilespmem:s18], [sflag:$0x1] =	stream.indirect_vreg.gather [hbm4b:s2+s10], $0x1, v1, vm0, $0x4038;
	[tilespmem:$0x7D00] =	vst v63  }
0x35: {  	s17 =	sadd.s32 $0x10, s17  }
0x36: {  	v2 =	vnsel vm1, $0x0, v2;
	p0 =	slt.u32 s17, $0x1F30  }
.Ltmp3:
0x37: {  	s18 =	smov.u32 s15;
	v1 =	vmin.u32 v2, $0x4E1FF;
	(pc) =	sbr.rel @p0 .LBB2_3-.Ltmp3, $3  }
0x38: {  	_ =	sdelay $0x1  }
0x39: {  	s16 =	sadd.s32 $0x10, s16  }
0x3a: {  	vm1 =	vgt.s32 v0, $0x0;
	s15 =	sadd.s32 $0x10, s15;
	v2 =	vmov v0;
	(ifvalue) =	ssetifvalue $0x7FFFFFFF;
	v0 =	vld.msk [tilespmem:s16+$0x0 ss:$0x1], $0xffff  }
.Ltmp4:
0x3b: {  	_ = 	snop;
	(pc) =	sbr.rel .LBB2_4-.Ltmp4, $1  }
0x3c: {  	_ =	sdelay $0x3  }
.LBB2_6:
0x3d: {  	_ =	sfence.sel $0x180000  }
0x3e: {  	s2 =	simm.s32 $0x2;
	[bflag:$0x0] =	sbarrier.arrive $0xFFFF  }
0x3f: {  	s30 =	simm.s32 $0x3;
	[sflag:s2] =	ssyncpa.u1 $0x1  }
0x40: {  	s31 =	simm.s32 $0x1;
	[sflag:s30] =	ssyncpa.u1 $0x1  }
0x41: {  	[sflag:s31] =	ssyncpa.u1 $0x1  }
0x42: {  	p0 =	sne.s32 s1, $0x0;
	_ =	strace $0x90000047  }
0x43: {  	s0 =	sadd.s32 @!p0 $0x100000, s0;
	[bflag:$0x2] =	sbarrier.arrive $0xFFFF  }
0x44: {  	[sflag:s0] =	ssyncadd.tile.s32 @!p0 $0x1;
	_ =	shalt  }
.Lfunc_end2:
_tile_overlayer_lowered:
.L_overlay_start_2:
0x45: {  	(tag) =	ssettag $0x2  }
0x46: {  	s0 =	rddreg [dreg:$0x0];
	s2 =	stileid.u32  }
0x47: {  	s1 =	rddreg [dreg:$0x1];
	p0 =	sne.s32 s2, $0x0  }
0x48: {  	s3 =	rddreg [dreg:$0x2];
	[bflag:$0x3] =	sbarrier.arrive $0xFFFF;
	s2 =	simm.s32 @!p0 $0x1C01  }
0x49: {  	[timem:s3], [sflag:s2] =	dma.local @!p0 [hbm:s0], s1  }
0x4a: {  	s0 =	simm.s32 @!p0 $0x1  }
0x4b: {  	_ =	swait.ge @!p0 [sflag:s0], s1  }
0x4c: {  	s1 =	ssub.s32 @!p0 $0x0, s1;
	[sflag:s0] =	ssyncset.done @!p0 $0x0  }
0x4d: {  	[sflag:s0] =	ssyncadd.s32 @!p0 s1  }
0x4e: {  	[bflag:$0x3] =	sbarrier.arrive $0xFFFF  }
0x4f: {  	_ =	shalt  }

// kernel: gather_offload_async_start.2
scs
__scs_entry_jumppad:
0x0: {  	(pc) =	sbr.rel $0x88, $3  }
0x1: {  	(tag) =	ssettag $0x0;
	lr =	simm.s32 $0x1  }
0x2: {  	[smem:$0x3F91] =	sst lr;
	_ =	strace $0xD0000000  }
0x3: {  	_ = 	snop  }
0x4: {  	_ = 	snop  }
0x5: {  	_ = 	snop  }
0x6: {  	_ = 	snop  }
0x7: {  	_ = 	snop  }
__scs_overlays_trampoline_lowered:
0x8: {  	[smem:$0x3FA0] =	sst s0  }
0x9: {  	[smem:$0x3FA1] =	sst s1  }
0xa: {  	[smem:$0x3FA2] =	sst s2  }
0xb: {  	[smem:$0x3FA3] =	sst s3  }
0xc: {  	[smem:$0x3FA4] =	sst s4  }
0xd: {  	[smem:$0x3FA5] =	sst s5  }
0xe: {  	[smem:$0x3FA6] =	sst s6  }
0xf: {  	[smem:$0x3FA7] =	sst s7  }
0x10: {  	[smem:$0x3FA8] =	sst s8  }
0x11: {  	[smem:$0x3FA9] =	sst s9;
	s0 =	simm.s32 @!p0 $0x0  }
0x12: {  	s1 =	sld [smem:$0x3F8F];
	s0 =	simm.s32 @p0 $0x1  }
0x13: {  	[smem:$0x3FAA] =	sst s0;
	s0 =	simm.s32 @!p1 $0x0  }
0x14: {  	s2 =	sld [smem:$0x3F8E];
	s0 =	simm.s32 @p1 $0x1  }
0x15: {  	[smem:$0x3FAB] =	sst s0;
	s0 =	simm.s32 @!p2 $0x0  }
0x16: {  	s3 =	sld [smem:$0x3FDB];
	s0 =	simm.s32 @p2 $0x1  }
0x17: {  	s4 =	simm.s32 $0x1BF5;
	[smem:$0x3FAD] =	sst s0  }
0x18: {  	s0 =	sld [smem:$0x3F90];
	_ =	swait.ge [sflag:s4], $0x0  }
0x19: {  	s7 =	sld [smem:$0x3F91]  }
0x1a: {  	s8 =	sadd.s32 $0xFFFFE003, lr  }
0x1b: {  	s9 =	sadd.s32 $0xFFFFFEF7, lr;
	s5 =	simm.s32 $0xFFFFFFFF;
	p2 =	slt.u32 s8, $0xFFFFF086  }
0x1c: {  	p1 =	slt.u32 s9, $0xF7A;
	s5 =	simm.s32 @!p2 $0x0  }
0x1d: {  	s5 =	simm.s32 @p1 $0x1;
	p0 =	seq.s32 s7, s2  }
0x1e: {  	s7 =	smul.u32 @!p0 $0xF7A, s2;
	p2 =	seq.s32 @!p0 s5, $0x0  }
0x1f: {  	s9 =	smul.u32 $0xF7A, s1;
	s8 =	simm.s32 @!p0 $0x1BF5;
	p2 =	por !p2, p0  }
0x20: {  	[sflag:s8] =	ssyncset.s32 @!p0 $0xFFFFF086;
	s6 =	sadd.s32 @!p0 s3, s7;
	s7 =	simm.s32 @!p0 $0x108  }
0x21: {  	s3 =	sadd.s32 s3, s9;
	s6 =	sadd.s32 @!p0 $0x88, s6;
	s7 =	simm.s32 @p2 $0x1082  }
0x22: {  	[simem:s7], [sflag:s8] =	dma.local @!p0 [hbm:s6], $0xF7A  }
0x23: {  	s9 =	sor.u32 $0xD0000000, s2;
	s6 =	simm.s32 $0x108;
	_ =	swait.ge @!p0 [sflag:s8], $0x0  }
0x24: {  	s3 =	sadd.s32 $0x88, s3;
	s6 =	simm.s32 @!p1 $0x1082;
	[sflag:s4] =	ssyncset.s32 $0xFFFFF086  }
0x25: {  	[simem:s6], [sflag:s4] =	dma.local [hbm:s3], $0xF7A  }
0x26: {  	[smem:$0x3F91] =	sst s1;
	(tag) =	ssettag s2;
	_ =	strace s9  }
0x27: {  	s1 =	sld [smem:$0x3FA1]  }
0x28: {  	s2 =	sld [smem:$0x3FA2]  }
0x29: {  	s4 =	sld [smem:$0x3FA4]  }
0x2a: {  	p0 =	seq.s32 s5, $0x0;
	s5 =	sld [smem:$0x3FA5]  }
0x2b: {  	s6 =	sld [smem:$0x3FA6]  }
0x2c: {  	s7 =	sld [smem:$0x3FA7]  }
0x2d: {  	s3 =	simm.s32 $0x108;
	s8 =	sld [smem:$0x3FA8]  }
0x2e: {  	s3 =	simm.s32 @!p0 $0x1082;
	s9 =	sld [smem:$0x3FA9]  }
0x2f: {  	lr =	sadd.s32 s0, s3;
	s0 =	sld [smem:$0x3FA0]  }
0x30: {  	s3 =	sld [smem:$0x3FA3]  }
0x31: {  	[smem:$0x3FAC] =	sst s10  }
0x32: {  	s10 =	sld [smem:$0x3FAA];
	_ =	sdelay $0x3  }
0x33: {  	p0 =	seq.s32 s10, $0x1;
	s10 =	sld [smem:$0x3FAC];
	_ =	sdelay $0x3  }
0x34: {  	[smem:$0x3FAC] =	sst s10  }
0x35: {  	s10 =	sld [smem:$0x3FAB];
	_ =	sdelay $0x3  }
0x36: {  	p1 =	seq.s32 s10, $0x1;
	s10 =	sld [smem:$0x3FAC];
	_ =	sdelay $0x3  }
0x37: {  	[smem:$0x3FAC] =	sst s10  }
0x38: {  	s10 =	sld [smem:$0x3FAD]  }
0x39: {  	_ = 	snop;
	(pc) =	sbr.ind lr, $3  }
0x3a: {  	_ = 	snop  }
0x3b: {  	_ = 	snop  }
0x3c: {  	p2 =	seq.s32 s10, $0x1;
	s10 =	sld [smem:$0x3FAC]  }
0x3d: {  	_ =	shalt  }
0x3e: {  	_ =	shalt  }
0x3f: {  	_ =	shalt  }
0x40: {  	_ =	shalt  }
0x41: {  	_ =	shalt  }
0x42: {  	_ =	shalt  }
0x43: {  	_ =	shalt  }
0x44: {  	_ =	shalt  }
0x45: {  	_ =	shalt  }
0x46: {  	_ =	shalt  }
0x47: {  	_ =	shalt  }
0x48: {  	_ =	shalt  }
0x49: {  	_ =	shalt  }
0x4a: {  	_ =	shalt  }
0x4b: {  	_ =	shalt  }
0x4c: {  	_ =	shalt  }
0x4d: {  	_ =	shalt  }
0x4e: {  	_ =	shalt  }
0x4f: {  	_ =	shalt  }
0x50: {  	_ =	shalt  }
0x51: {  	_ =	shalt  }
0x52: {  	_ =	shalt  }
0x53: {  	_ =	shalt  }
0x54: {  	_ =	shalt  }
0x55: {  	_ =	shalt  }
0x56: {  	_ =	shalt  }
0x57: {  	_ =	shalt  }
0x58: {  	_ =	shalt  }
0x59: {  	_ =	shalt  }
0x5a: {  	_ =	shalt  }
0x5b: {  	_ =	shalt  }
0x5c: {  	_ =	shalt  }
0x5d: {  	_ =	shalt  }
0x5e: {  	_ =	shalt  }
0x5f: {  	_ =	shalt  }
0x60: {  	_ =	shalt  }
0x61: {  	_ =	shalt  }
0x62: {  	_ =	shalt  }
0x63: {  	_ =	shalt  }
0x64: {  	_ =	shalt  }
0x65: {  	_ =	shalt  }
0x66: {  	_ =	shalt  }
0x67: {  	_ =	shalt  }
0x68: {  	_ =	shalt  }
0x69: {  	_ =	shalt  }
0x6a: {  	_ =	shalt  }
0x6b: {  	_ =	shalt  }
0x6c: {  	_ =	shalt  }
0x6d: {  	_ =	shalt  }
0x6e: {  	_ =	shalt  }
0x6f: {  	_ =	shalt  }
0x70: {  	_ =	shalt  }
0x71: {  	_ =	shalt  }
0x72: {  	_ =	shalt  }
0x73: {  	_ =	shalt  }
0x74: {  	_ =	shalt  }
0x75: {  	_ =	shalt  }
0x76: {  	_ =	shalt  }
0x77: {  	_ =	shalt  }
0x78: {  	_ =	shalt  }
0x79: {  	_ =	shalt  }
0x7a: {  	_ =	shalt  }
0x7b: {  	_ =	shalt  }
0x7c: {  	_ =	shalt  }
0x7d: {  	_ =	shalt  }
0x7e: {  	_ =	shalt  }
0x7f: {  	_ =	shalt  }
0x80: {  	_ =	shalt  }
0x81: {  	_ =	shalt  }
0x82: {  	_ =	shalt  }
0x83: {  	_ =	shalt  }
0x84: {  	_ =	shalt  }
0x85: {  	_ =	shalt  }
0x86: {  	_ =	shalt  }
0x87: {  	_ =	shalt  }
.Lfunc_end0:
.L_simem_size_0:
called_computation.9_lowered:
.L_overlay_start_0:
0x88: {  	s2 =	sld [smem:$0x3FD9]  }
0x89: {  	s3 =	sld [smem:$0x3FFE];
	_ =	sdelay $0x1  }
0x8a: {  	s1 =	srdreg.scid  }
0x8b: {  	s0 =	sand.u32 $0x1, s1  }
0x8c: {  	s17 =	sshll.u32 s0, $0xA;
	s2 =	sadd.s32 s3, s2  }
0x8d: {  	s2 =	sadd.s32 s2, s17  }
0x8e: {  	[smem:$0x3FB8] =	sst s2  }
0x8f: {  	_ = 	snop  }
0x90: {  	s2 =	sld [smem:$0x3FC7];
	(tm) =	ssettm $0x1  }
0x91: {  	s18 =	sld [smem:$0x3FFB];
	_ =	sdelay $0x3  }
0x92: {  	_ =	strace s18  }
0x93: {  	s3 =	sld [smem:$0x3FFC];
	_ =	sdelay $0x3  }
0x94: {  	_ =	strace s3  }
0x95: {  	s3 =	sld [smem:$0x3FFD];
	_ =	sdelay $0x3  }
0x96: {  	_ =	strace s3  }
0x97: {  	_ =	strace $0x8FFFFFFF  }
0x98: {  	s19 =	sld [smem:$0x3FDB];
	_ =	sdelay $0x1  }
0x99: {  	s4 =	simm.s32 $_scs_section_size  }
0x9a: {  	s5 =	simm.s32 $_size__tile_overlayer_lowered;
	s6 =	simm.s32 $_tile_overlayer_lowered  }
0x9b: {  	s22 =	simm.s32 $0x1BFF;
	s21 =	sshll.u32 s6, $0x1;
	s3 =	sadd.s32 s4, s19  }
0x9c: {  	s7 =	simm.s32 $0x0;
	s20 =	sshll.u32 s5, $0x1;
	s5 =	sadd.s32 s21, s3  }
0x9d: {  	[timem:s7], [sflag:s22] =	dma.local [hbm:s5], s20  }
0x9e: {  	_ =	swait.ge [sflag:s22], s20  }
0x9f: {  	s4 =	ssub.s32 $0x0, s20;
	[sflag:s22] =	ssyncset.done $0x0  }
0xa0: {  	[sflag:s22] =	ssyncadd.s32 s4;
	_ =	sdelay $0x1  }
0xa1: {  	s23 =	simm.s32 $0x1B8B  }
0xa2: {  	_ =	swait.ge [sflag:s23], $0x1  }
0xa3: {  	[sflag:s23] =	ssyncset.done $0x0  }
0xa4: {  	s25 =	simm.s32 $0x1B8E;
	s24 =	sld [smem:$0x3FFE];
	[sflag:s23] =	ssyncadd.s32 $0xFFFFFFFF  }
0xa5: {  	s26 =	simm.s32 $execute0_lowered;
	[smem:$0x3FD2] =	sst s25  }
0xa6: {  	s5 =	sshll.u32 s26, $0x1;
	_ =	strace $0x8000004C;
	[dreg:$0x1] =	wrdreg $0xFFFFFFFF  }
0xa7: {  	s28 =	simm.s32 $_size_execute0_lowered;
	s3 =	sadd.s32 s3, s5;
	[dreg:$0x0] =	wrdreg $0x0  }
0xa8: {  	s5 =	sshll.u32 s28, $0x1;
	[dreg:$0x2] =	wrdreg s3  }
0xa9: {  	[dreg:$0x3] =	wrdreg s5  }
0xaa: {  	[dreg:$0x4] =	wrdreg $0xC0  }
0xab: {  	_ =	task [dreg:s7], $0x5FFFF  }
0xac: {  	[dreg:$0x1] =	wrdreg $0xFFFFFFFF  }
0xad: {  	[dreg:$0x0] =	wrdreg $0x60  }
0xae: {  	[dreg:$0x2] =	wrdreg s2  }
0xaf: {  	[dreg:$0x3] =	wrdreg s24  }
0xb0: {  	[dreg:$0x4] =	wrdreg $0x9  }
0xb1: {  	_ =	task.clear_ibuf [dreg:s7], $0x5FFFF;
	_ =	strace $0x9000004C  }
0xb2: {  	s29 =	simm.s32 $0x9;
	_ =	strace $0x8000004E  }
0xb3: {  	_ =	swait.ge [sflag:s29], $0x1  }
0xb4: {  	[sflag:s29] =	ssyncadd.s32 $0xFFFFFFFF  }
0xb5: {  	_ =	strace $0x9000004E  }
0xb6: {  	_ =	sfence  }
0xb7: {  	s30 =	sld [smem:$0x0];
	_ =	sdelay $0x2  }
0xb8: {  	s31 =	sshll.u32 s1, $0xD;
	s1 =	sshrl.u32 s1, $0x2  }
0xb9: {  	s3 =	sand.u32 $0x4000, s31;
	s1 =	sadd.s32 s1, s30  }
0xba: {  	s0 =	sor.u32 s3, s0;
	s1 =	sshll.u32 s1, $0x11  }
0xbb: {  	s0 =	sor.u32 s1, s0  }
0xbc: {  	s0 =	sadd.s32 $0x8F2B, s0  }
0xbd: {  	[sflag:s0] =	ssyncadd.remote.s32 $0x1  }
0xbe: {  	_ =	sfence.sel $0xFFFF  }
0xbf: {  	[dreg:$0x0] =	wrdreg $0xFFFFFFFF;
	(pc) =	sbr.abs _section_cstart, $3  }
0xc0: {  	[dreg:$0x1] =	wrdreg $0xFFFFFFFF  }
0xc1: {  	_ =	task.clear_ibuf [dreg:s7], $0x2FFFF;
	_ =	strace $0x9FFFFFFF  }
0xc2: {  	(tm) =	ssettm $0x7FFFFFFF  }
0xc3: {  	_ =	shalt  }
tec
execute0_lowered:
.L_overlay_start_1:
0x0: {  	(tag) =	ssettag $0x1  }
0x1: {  	s2 =	rddreg [dreg:$0x0]  }
0x2: {  	s8 =	rddreg [dreg:$0x1]  }
0x3: {  	s0 =	rddreg [dreg:$0x2];
	s1 =	stileid.u32  }
0x4: {  	s3 =	srdreg.scid;
	_ =	strace $0x8000004D;
	s4 =	simm.s32 $0x1  }
0x5: {  	s7 =	simm.s32 $0x1;
	s9 =	simm.s32 $0x1;
	s10 =	simm.s32 $0x3  }
0x6: {  	s13 =	simm.s32 $0x0;
	s5 =	sand.u32 $0x1, s3;
	s6 =	sshll.u32 s1, $0x1  }
0x7: {  	s12 =	simm.s32 $0x0;
	s3 =	sadd.s32 $0xC000, s8;
	s5 =	sor.u32 s6, s5  }
.Ltmp0:
0x8: {  	[sflag:s4] =	ssyncpa.u1 $0x0;
	p0 =	slt.u32 s5, $0x9;
	(pc) =	sbr.rel .LBB2_1-.Ltmp0, $4  }
0x9: {  	s6 =	simm.s32 $0x2;
	s7 =	simm.s32 @!p0 $0x0;
	p0 =	sne.s32 s5, $0x8  }
0xa: {  	[sflag:s6] =	ssyncpa.u1 $0x0;
	s5 =	smul.u32 $0x1F40, s5;
	s9 =	simm.s32 @!p0 $0x0  }
0xb: {  	s8 =	sadd.s32 $0x2200, s8;
	[sflag:s10] =	ssyncpa.u1 $0x0;
	s7 =	sadd.s32 s9, s7  }
0xc: {  	vm0 =	vmmov $0xffff;
	s10 =	simm.s32 $0x0;
	s11 =	smov.u32 s5;
	s9 =	sadd.s32 $0x1, s7  }
.LBB2_4:
0xd: {  	v2 =	vnsel vm1, $0x0, v2  }
0xe: {  	vm1 =	vgt.s32 v0, $0x0;
	v2 =	vmin.u32 v2, $0x4E1FF  }
0xf: {  	v0 =	vnsel vm1, $0x0, v0  }
0x10: {  	v0 =	vmin.u32 v0, $0x4E1FF  }
0x11: {  	[tilespmem:s18], [sflag:$0x1] =	stream.indirect_vreg.gather [hbm4b:s2+s10], $0x1, v1, vm0, $0x4038;
	[tilespmem:$0x7D00] =	vst v63  }
0x12: {  	(ifvalue) =	ssetifvalue $0x7FFFFFFF  }
0x13: {  	[tilespmem:s15], [sflag:$0x1] =	stream.indirect_vreg.gather [hbm4b:s2+s10], $0x1, v2, vm0, $0x4038;
	[tilespmem:$0x7D00] =	vst v63  }
0x14: {  	s29 =	sadd.s32 $0x10, s15;
	(ifvalue) =	ssetifvalue $0x7FFFFFFF  }
0x15: {  	[tilespmem:s29], [sflag:$0x1] =	stream.indirect_vreg.gather [hbm4b:s2+s10], $0x1, v0, vm0, $0x4038;
	[tilespmem:$0x7D00] =	vst v63  }
0x16: {  	_ =	swait.ge [sflag:s4], $0x1F40  }
0x17: {  	s30 =	sshrl.u32 s13, $0x3;
	[sflag:s4] =	ssyncset.done $0x0  }
0x18: {  	s31 =	sand.u32 $0x7, s13;
	s15 =	sadd.s32 s8, s30;
	[sflag:s4] =	ssyncadd.s32 $0xFFFFE0C0  }
0x19: {  	[hbm4b:s15+s31] =	stream.linear.scatter [tilespmem:s14], [sflag:$0x3], $0x1F40, $0x38;
	[tilespmem:$0x7D00] =	vst v63  }
.LBB2_5:
0x1a: {  	s15 =	sadd.s32 $0x3E800, s11  }
0x1b: {  	p1 =	sgt.s32 s15, $0x4E1FF  }
0x1c: {  	s15 =	smov.u32 @p1 s5;
	p1 =	sne.s32 s12, s9  }
.Ltmp1:
0x1d: {  	p0 =	slt.u32 s12, $0x2;
	(pc) =	sbr.rel @!p1 .LBB2_6-.Ltmp1, $4  }
0x1e: {  	s14 =	simm.s32 @!p0 $0x3  }
0x1f: {  	_ =	swait.ge @!p0 [sflag:s14], $0x1F40  }
0x20: {  	s16 =	sadd.s32 $0x1, s12;
	s13 =	smov.u32 s11;
	[sflag:s14] =	ssyncset.done @!p0 $0x0  }
0x21: {  	s12 =	smov.u32 s16;
	s11 =	smov.u32 s15;
	[sflag:s14] =	ssyncadd.s32 @!p0 $0xFFFFE0C0  }
.LBB2_1:
0x22: {  	p0 =	sge.u32 s12, s7  }
0x23: {  	s14 =	sxor.u32 @!p0 $0x1, s12  }
0x24: {  	s14 =	smul.u32 @!p0 $0x7D00, s14  }
0x25: {  	s31 =	sadd.s32 $0xFFFFFFFF, s12;
	s15 =	sshrl.u32 @!p0 s11, $0x3  }
0x26: {  	s16 =	sand.u32 @!p0 $0x7, s11;
	s15 =	sadd.s32 @!p0 s3, s15;
	s14 =	sshra.s32 @!p0 s14, $0x2  }
0x27: {  	[tilespmem:s14], [sflag:$0x2] =	stream.linear.gather @!p0 [hbm4b:s15+s16], $0x1F40, $0x38;
	[tilespmem:$0x7D00] =	vst v63  }
0x28: {  	p0 =	sge.u32 s31, s7  }
.Ltmp2:
0x29: {  	_ = 	snop;
	(pc) =	sbr.rel @p0 .LBB2_5-.Ltmp2, $1  }
0x2a: {  	_ =	sdelay $0x3  }
0x2b: {  	s14 =	sand.u32 $0x1, s12  }
0x2c: {  	_ =	swait.ge [sflag:s6], $0x1F40;
	p0 =	seq.s32 s14, $0x1;
	s14 =	simm.s32 $0x1F40  }
0x2d: {  	[sflag:s6] =	ssyncset.done $0x0;
	s14 =	simm.s32 @!p0 $0x0  }
0x2e: {  	[sflag:s6] =	ssyncadd.s32 $0xFFFFE0C0;
	(ifvalue) =	ssetifvalue $0x7FFFFFFF;
	v0 =	vld.msk [tilespmem:s14+$0x0 ss:$0x1], $0xffff;
	_ =	sdelay $0x4  }
0x2f: {  	s15 =	sadd.s32 $0x10, s14;
	vm1 =	vgt.s32 v0, $0x0  }
0x30: {  	v2 =	vld.msk [tilespmem:s15+$0x0 ss:$0x1], $0xffff;
	v1 =	vnsel vm1, $0x0, v0  }
0x31: {  	v1 =	vmin.u32 v1, $0x4E1FF;
	_ =	sdelay $0x2  }
0x32: {  	s17 =	simm.s32 $0x20;
	s14 =	sadd.s32 $0x3E80, s14;
	s16 =	sadd.s32 $0x10, s15  }
0x33: {  	s15 =	sadd.s32 $0x10, s14;
	s18 =	smov.u32 s14;
	v0 =	vld.msk [tilespmem:s16+$0x0 ss:$0x1], $0xffff;
	vm1 =	vgt.s32 v2, $0x0;
	(ifvalue) =	ssetifvalue $0x7FFFFFFF  }
.LBB2_3:
0x34: {  	[tilespmem:s18], [sflag:$0x1] =	stream.indirect_vreg.gather [hbm4b:s2+s10], $0x1, v1, vm0, $0x4038;
	[tilespmem:$0x7D00] =	vst v63  }
0x35: {  	s17 =	sadd.s32 $0x10, s17  }
0x36: {  	v2 =	vnsel vm1, $0x0, v2;
	p0 =	slt.u32 s17, $0x1F30  }
.Ltmp3:
0x37: {  	s18 =	smov.u32 s15;
	v1 =	vmin.u32 v2, $0x4E1FF;
	(pc) =	sbr.rel @p0 .LBB2_3-.Ltmp3, $3  }
0x38: {  	_ =	sdelay $0x1  }
0x39: {  	s16 =	sadd.s32 $0x10, s16  }
0x3a: {  	vm1 =	vgt.s32 v0, $0x0;
	s15 =	sadd.s32 $0x10, s15;
	v2 =	vmov v0;
	(ifvalue) =	ssetifvalue $0x7FFFFFFF;
	v0 =	vld.msk [tilespmem:s16+$0x0 ss:$0x1], $0xffff  }
.Ltmp4:
0x3b: {  	_ = 	snop;
	(pc) =	sbr.rel .LBB2_4-.Ltmp4, $1  }
0x3c: {  	_ =	sdelay $0x3  }
.LBB2_6:
0x3d: {  	_ =	sfence.sel $0x180000  }
0x3e: {  	s2 =	simm.s32 $0x2;
	[bflag:$0x0] =	sbarrier.arrive $0xFFFF  }
0x3f: {  	s30 =	simm.s32 $0x3;
	[sflag:s2] =	ssyncpa.u1 $0x1  }
0x40: {  	s31 =	simm.s32 $0x1;
	[sflag:s30] =	ssyncpa.u1 $0x1  }
0x41: {  	[sflag:s31] =	ssyncpa.u1 $0x1  }
0x42: {  	p0 =	sne.s32 s1, $0x0;
	_ =	strace $0x9000004D  }
0x43: {  	s0 =	sadd.s32 @!p0 $0x100000, s0;
	[bflag:$0x2] =	sbarrier.arrive $0xFFFF  }
0x44: {  	[sflag:s0] =	ssyncadd.tile.s32 @!p0 $0x1;
	_ =	shalt  }
.Lfunc_end2:
_tile_overlayer_lowered:
.L_overlay_start_2:
0x45: {  	(tag) =	ssettag $0x2  }
0x46: {  	s0 =	rddreg [dreg:$0x0];
	s2 =	stileid.u32  }
0x47: {  	s1 =	rddreg [dreg:$0x1];
	p0 =	sne.s32 s2, $0x0  }
0x48: {  	s3 =	rddreg [dreg:$0x2];
	[bflag:$0x3] =	sbarrier.arrive $0xFFFF;
	s2 =	simm.s32 @!p0 $0x1C01  }
0x49: {  	[timem:s3], [sflag:s2] =	dma.local @!p0 [hbm:s0], s1  }
0x4a: {  	s0 =	simm.s32 @!p0 $0x1  }
0x4b: {  	_ =	swait.ge @!p0 [sflag:s0], s1  }
0x4c: {  	s1 =	ssub.s32 @!p0 $0x0, s1;
	[sflag:s0] =	ssyncset.done @!p0 $0x0  }
0x4d: {  	[sflag:s0] =	ssyncadd.s32 @!p0 s1  }
0x4e: {  	[bflag:$0x3] =	sbarrier.arrive $0xFFFF  }
0x4f: {  	_ =	shalt  }

// kernel: gather_offload_async_start.3
scs
__scs_entry_jumppad:
0x0: {  	(pc) =	sbr.rel $0x88, $3  }
0x1: {  	(tag) =	ssettag $0x0;
	lr =	simm.s32 $0x1  }
0x2: {  	[smem:$0x3F91] =	sst lr;
	_ =	strace $0xD0000000  }
0x3: {  	_ = 	snop  }
0x4: {  	_ = 	snop  }
0x5: {  	_ = 	snop  }
0x6: {  	_ = 	snop  }
0x7: {  	_ = 	snop  }
__scs_overlays_trampoline_lowered:
0x8: {  	[smem:$0x3FA0] =	sst s0  }
0x9: {  	[smem:$0x3FA1] =	sst s1  }
0xa: {  	[smem:$0x3FA2] =	sst s2  }
0xb: {  	[smem:$0x3FA3] =	sst s3  }
0xc: {  	[smem:$0x3FA4] =	sst s4  }
0xd: {  	[smem:$0x3FA5] =	sst s5  }
0xe: {  	[smem:$0x3FA6] =	sst s6  }
0xf: {  	[smem:$0x3FA7] =	sst s7  }
0x10: {  	[smem:$0x3FA8] =	sst s8  }
0x11: {  	[smem:$0x3FA9] =	sst s9;
	s0 =	simm.s32 @!p0 $0x0  }
0x12: {  	s1 =	sld [smem:$0x3F8F];
	s0 =	simm.s32 @p0 $0x1  }
0x13: {  	[smem:$0x3FAA] =	sst s0;
	s0 =	simm.s32 @!p1 $0x0  }
0x14: {  	s2 =	sld [smem:$0x3F8E];
	s0 =	simm.s32 @p1 $0x1  }
0x15: {  	[smem:$0x3FAB] =	sst s0;
	s0 =	simm.s32 @!p2 $0x0  }
0x16: {  	s3 =	sld [smem:$0x3FDB];
	s0 =	simm.s32 @p2 $0x1  }
0x17: {  	s4 =	simm.s32 $0x1BF5;
	[smem:$0x3FAD] =	sst s0  }
0x18: {  	s0 =	sld [smem:$0x3F90];
	_ =	swait.ge [sflag:s4], $0x0  }
0x19: {  	s7 =	sld [smem:$0x3F91]  }
0x1a: {  	s8 =	sadd.s32 $0xFFFFE003, lr  }
0x1b: {  	s9 =	sadd.s32 $0xFFFFFEF7, lr;
	s5 =	simm.s32 $0xFFFFFFFF;
	p2 =	slt.u32 s8, $0xFFFFF086  }
0x1c: {  	p1 =	slt.u32 s9, $0xF7A;
	s5 =	simm.s32 @!p2 $0x0  }
0x1d: {  	s5 =	simm.s32 @p1 $0x1;
	p0 =	seq.s32 s7, s2  }
0x1e: {  	s7 =	smul.u32 @!p0 $0xF7A, s2;
	p2 =	seq.s32 @!p0 s5, $0x0  }
0x1f: {  	s9 =	smul.u32 $0xF7A, s1;
	s8 =	simm.s32 @!p0 $0x1BF5;
	p2 =	por !p2, p0  }
0x20: {  	[sflag:s8] =	ssyncset.s32 @!p0 $0xFFFFF086;
	s6 =	sadd.s32 @!p0 s3, s7;
	s7 =	simm.s32 @!p0 $0x108  }
0x21: {  	s3 =	sadd.s32 s3, s9;
	s6 =	sadd.s32 @!p0 $0x88, s6;
	s7 =	simm.s32 @p2 $0x1082  }
0x22: {  	[simem:s7], [sflag:s8] =	dma.local @!p0 [hbm:s6], $0xF7A  }
0x23: {  	s9 =	sor.u32 $0xD0000000, s2;
	s6 =	simm.s32 $0x108;
	_ =	swait.ge @!p0 [sflag:s8], $0x0  }
0x24: {  	s3 =	sadd.s32 $0x88, s3;
	s6 =	simm.s32 @!p1 $0x1082;
	[sflag:s4] =	ssyncset.s32 $0xFFFFF086  }
0x25: {  	[simem:s6], [sflag:s4] =	dma.local [hbm:s3], $0xF7A  }
0x26: {  	[smem:$0x3F91] =	sst s1;
	(tag) =	ssettag s2;
	_ =	strace s9  }
0x27: {  	s1 =	sld [smem:$0x3FA1]  }
0x28: {  	s2 =	sld [smem:$0x3FA2]  }
0x29: {  	s4 =	sld [smem:$0x3FA4]  }
0x2a: {  	p0 =	seq.s32 s5, $0x0;
	s5 =	sld [smem:$0x3FA5]  }
0x2b: {  	s6 =	sld [smem:$0x3FA6]  }
0x2c: {  	s7 =	sld [smem:$0x3FA7]  }
0x2d: {  	s3 =	simm.s32 $0x108;
	s8 =	sld [smem:$0x3FA8]  }
0x2e: {  	s3 =	simm.s32 @!p0 $0x1082;
	s9 =	sld [smem:$0x3FA9]  }
0x2f: {  	lr =	sadd.s32 s0, s3;
	s0 =	sld [smem:$0x3FA0]  }
0x30: {  	s3 =	sld [smem:$0x3FA3]  }
0x31: {  	[smem:$0x3FAC] =	sst s10  }
0x32: {  	s10 =	sld [smem:$0x3FAA];
	_ =	sdelay $0x3  }
0x33: {  	p0 =	seq.s32 s10, $0x1;
	s10 =	sld [smem:$0x3FAC];
	_ =	sdelay $0x3  }
0x34: {  	[smem:$0x3FAC] =	sst s10  }
0x35: {  	s10 =	sld [smem:$0x3FAB];
	_ =	sdelay $0x3  }
0x36: {  	p1 =	seq.s32 s10, $0x1;
	s10 =	sld [smem:$0x3FAC];
	_ =	sdelay $0x3  }
0x37: {  	[smem:$0x3FAC] =	sst s10  }
0x38: {  	s10 =	sld [smem:$0x3FAD]  }
0x39: {  	_ = 	snop;
	(pc) =	sbr.ind lr, $3  }
0x3a: {  	_ = 	snop  }
0x3b: {  	_ = 	snop  }
0x3c: {  	p2 =	seq.s32 s10, $0x1;
	s10 =	sld [smem:$0x3FAC]  }
0x3d: {  	_ =	shalt  }
0x3e: {  	_ =	shalt  }
0x3f: {  	_ =	shalt  }
0x40: {  	_ =	shalt  }
0x41: {  	_ =	shalt  }
0x42: {  	_ =	shalt  }
0x43: {  	_ =	shalt  }
0x44: {  	_ =	shalt  }
0x45: {  	_ =	shalt  }
0x46: {  	_ =	shalt  }
0x47: {  	_ =	shalt  }
0x48: {  	_ =	shalt  }
0x49: {  	_ =	shalt  }
0x4a: {  	_ =	shalt  }
0x4b: {  	_ =	shalt  }
0x4c: {  	_ =	shalt  }
0x4d: {  	_ =	shalt  }
0x4e: {  	_ =	shalt  }
0x4f: {  	_ =	shalt  }
0x50: {  	_ =	shalt  }
0x51: {  	_ =	shalt  }
0x52: {  	_ =	shalt  }
0x53: {  	_ =	shalt  }
0x54: {  	_ =	shalt  }
0x55: {  	_ =	shalt  }
0x56: {  	_ =	shalt  }
0x57: {  	_ =	shalt  }
0x58: {  	_ =	shalt  }
0x59: {  	_ =	shalt  }
0x5a: {  	_ =	shalt  }
0x5b: {  	_ =	shalt  }
0x5c: {  	_ =	shalt  }
0x5d: {  	_ =	shalt  }
0x5e: {  	_ =	shalt  }
0x5f: {  	_ =	shalt  }
0x60: {  	_ =	shalt  }
0x61: {  	_ =	shalt  }
0x62: {  	_ =	shalt  }
0x63: {  	_ =	shalt  }
0x64: {  	_ =	shalt  }
0x65: {  	_ =	shalt  }
0x66: {  	_ =	shalt  }
0x67: {  	_ =	shalt  }
0x68: {  	_ =	shalt  }
0x69: {  	_ =	shalt  }
0x6a: {  	_ =	shalt  }
0x6b: {  	_ =	shalt  }
0x6c: {  	_ =	shalt  }
0x6d: {  	_ =	shalt  }
0x6e: {  	_ =	shalt  }
0x6f: {  	_ =	shalt  }
0x70: {  	_ =	shalt  }
0x71: {  	_ =	shalt  }
0x72: {  	_ =	shalt  }
0x73: {  	_ =	shalt  }
0x74: {  	_ =	shalt  }
0x75: {  	_ =	shalt  }
0x76: {  	_ =	shalt  }
0x77: {  	_ =	shalt  }
0x78: {  	_ =	shalt  }
0x79: {  	_ =	shalt  }
0x7a: {  	_ =	shalt  }
0x7b: {  	_ =	shalt  }
0x7c: {  	_ =	shalt  }
0x7d: {  	_ =	shalt  }
0x7e: {  	_ =	shalt  }
0x7f: {  	_ =	shalt  }
0x80: {  	_ =	shalt  }
0x81: {  	_ =	shalt  }
0x82: {  	_ =	shalt  }
0x83: {  	_ =	shalt  }
0x84: {  	_ =	shalt  }
0x85: {  	_ =	shalt  }
0x86: {  	_ =	shalt  }
0x87: {  	_ =	shalt  }
.Lfunc_end0:
.L_simem_size_0:
called_computation.10_lowered:
.L_overlay_start_0:
0x88: {  	s2 =	sld [smem:$0x3FD9]  }
0x89: {  	s3 =	sld [smem:$0x3FFE];
	_ =	sdelay $0x1  }
0x8a: {  	s1 =	srdreg.scid  }
0x8b: {  	s0 =	sand.u32 $0x1, s1  }
0x8c: {  	s16 =	sshll.u32 s0, $0xA;
	s2 =	sadd.s32 s3, s2  }
0x8d: {  	s2 =	sadd.s32 s2, s16  }
0x8e: {  	[smem:$0x3FB8] =	sst s2  }
0x8f: {  	_ = 	snop  }
0x90: {  	(tm) =	ssettm $0x1  }
0x91: {  	s17 =	sld [smem:$0x3FFB];
	_ =	sdelay $0x3  }
0x92: {  	_ =	strace s17  }
0x93: {  	s2 =	sld [smem:$0x3FFC];
	_ =	sdelay $0x3  }
0x94: {  	_ =	strace s2  }
0x95: {  	s2 =	sld [smem:$0x3FFD];
	_ =	sdelay $0x3  }
0x96: {  	_ =	strace s2  }
0x97: {  	_ =	strace $0x8FFFFFFF  }
0x98: {  	s18 =	sld [smem:$0x3FDB];
	_ =	sdelay $0x1  }
0x99: {  	s19 =	simm.s32 $_scs_section_size  }
0x9a: {  	s4 =	simm.s32 $_size__tile_overlayer_lowered;
	s5 =	simm.s32 $_tile_overlayer_lowered  }
0x9b: {  	s22 =	simm.s32 $0x1BFF;
	s21 =	sshll.u32 s5, $0x1;
	s2 =	sadd.s32 s19, s18  }
0x9c: {  	s6 =	simm.s32 $0x0;
	s20 =	sshll.u32 s4, $0x1;
	s4 =	sadd.s32 s21, s2  }
0x9d: {  	[timem:s6], [sflag:s22] =	dma.local [hbm:s4], s20  }
0x9e: {  	_ =	swait.ge [sflag:s22], s20  }
0x9f: {  	s3 =	ssub.s32 $0x0, s20;
	[sflag:s22] =	ssyncset.done $0x0  }
0xa0: {  	[sflag:s22] =	ssyncadd.s32 s3;
	_ =	sdelay $0x1  }
0xa1: {  	s23 =	simm.s32 $0x1B8B  }
0xa2: {  	_ =	swait.ge [sflag:s23], $0x1  }
0xa3: {  	[sflag:s23] =	ssyncset.done $0x0  }
0xa4: {  	s25 =	simm.s32 $0x1B8E;
	s24 =	sld [smem:$0x3FFE];
	[sflag:s23] =	ssyncadd.s32 $0xFFFFFFFF  }
0xa5: {  	s26 =	simm.s32 $execute0_lowered;
	[smem:$0x3FD2] =	sst s25  }
0xa6: {  	s4 =	sshll.u32 s26, $0x1;
	_ =	strace $0x80000058;
	[dreg:$0x1] =	wrdreg $0xFFFFFFFF  }
0xa7: {  	s28 =	simm.s32 $_size_execute0_lowered;
	s2 =	sadd.s32 s2, s4;
	[dreg:$0x0] =	wrdreg $0x0  }
0xa8: {  	s4 =	sshll.u32 s28, $0x1;
	[dreg:$0x2] =	wrdreg s2  }
0xa9: {  	[dreg:$0x3] =	wrdreg s4  }
0xaa: {  	[dreg:$0x4] =	wrdreg $0xC0  }
0xab: {  	_ =	task [dreg:s6], $0x5FFFF  }
0xac: {  	[dreg:$0x1] =	wrdreg $0xFFFFFFFF  }
0xad: {  	[dreg:$0x0] =	wrdreg $0x60  }
0xae: {  	[dreg:$0x2] =	wrdreg s24  }
0xaf: {  	[dreg:$0x3] =	wrdreg $0x9  }
0xb0: {  	_ =	task.clear_ibuf [dreg:s6], $0x4FFFF;
	_ =	strace $0x90000058  }
0xb1: {  	s29 =	simm.s32 $0x9;
	_ =	strace $0x8000005A  }
0xb2: {  	_ =	swait.ge [sflag:s29], $0x1  }
0xb3: {  	[sflag:s29] =	ssyncadd.s32 $0xFFFFFFFF  }
0xb4: {  	_ =	strace $0x9000005A  }
0xb5: {  	_ =	sfence  }
0xb6: {  	s30 =	sld [smem:$0x0];
	_ =	sdelay $0x2  }
0xb7: {  	s31 =	sshll.u32 s1, $0xD;
	s1 =	sshrl.u32 s1, $0x2  }
0xb8: {  	s3 =	sand.u32 $0x4000, s31;
	s1 =	sadd.s32 s1, s30  }
0xb9: {  	s0 =	sor.u32 s3, s0;
	s1 =	sshll.u32 s1, $0x11  }
0xba: {  	s0 =	sor.u32 s1, s0  }
0xbb: {  	s0 =	sadd.s32 $0x8F2B, s0  }
0xbc: {  	[sflag:s0] =	ssyncadd.remote.s32 $0x1  }
0xbd: {  	_ =	sfence.sel $0xFFFF  }
0xbe: {  	[dreg:$0x0] =	wrdreg $0xFFFFFFFF;
	(pc) =	sbr.abs _section_cstart, $3  }
0xbf: {  	[dreg:$0x1] =	wrdreg $0xFFFFFFFF  }
0xc0: {  	_ =	task.clear_ibuf [dreg:s6], $0x2FFFF;
	_ =	strace $0x9FFFFFFF  }
0xc1: {  	(tm) =	ssettm $0x7FFFFFFF  }
tec
execute0_lowered:
.L_overlay_start_1:
0x0: {  	(tag) =	ssettag $0x1  }
0x1: {  	s7 =	rddreg [dreg:$0x0]  }
0x2: {  	s1 =	srdreg.scid;
	s0 =	rddreg [dreg:$0x1]  }
0x3: {  	_ =	strace $0x80000059;
	s3 =	simm.s32 $0x1;
	s5 =	simm.s32 $0x2  }
0x4: {  	s9 =	simm.s32 $0x3;
	s11 =	simm.s32 $0x0;
	s2 =	sshll.u32 s1, $0x4  }
.Ltmp0:
0x5: {  	s1 =	stileid.u32;
	s4 =	sand.u32 $0x10, s2;
	(pc) =	sbr.rel .LBB2_1-.Ltmp0, $4  }
0x6: {  	p0 =	por $0x0, $0x0;
	[sflag:s3] =	ssyncpa.u1 $0x0;
	s4 =	sor.u32 s1, s4  }
0x7: {  	s6 =	sadd.s32 $0x187E00, s7;
	[sflag:s5] =	ssyncpa.u1 $0x0;
	s4 =	smul.u32 $0x2800, s4  }
0x8: {  	s2 =	sadd.s32 $0x1B9E00, s7;
	s7 =	sadd.s32 $0x10B9E00, s7;
	[sflag:s9] =	ssyncpa.u1 $0x0  }
0x9: {  	vm0 =	vmmov $0xffff;
	s9 =	simm.s32 $0x0;
	s8 =	sadd.s32 $0x2800, s4;
	s10 =	smov.u32 s4  }
.LBB2_4:
0xa: {  	[hbm:s15] =	stream.linear.scatter [tilespmem:s11], [sflag:$0x3], $0x400, $0x38;
	[tilespmem:$0x10040] =	vst v63  }
.LBB2_5:
0xb: {  	p1 =	slt.u32 s9, $0x2;
	s11 =	sadd.s32 $0x20, s10  }
0xc: {  	s13 =	smov.u32 s4;
	s9 =	sadd.s32 $0x1, s9;
	p2 =	slt.s32 s11, s8  }
0xd: {  	s13 =	smov.u32 @p2 s11;
	p2 =	sne.s32 s9, $0x142  }
.Ltmp1:
0xe: {  	_ = 	snop;
	(pc) =	sbr.rel @!p2 .LBB2_6-.Ltmp1, $4  }
0xf: {  	s12 =	simm.s32 @!p1 $0x3  }
0x10: {  	_ =	swait.ge @!p1 [sflag:s12], $0x8000  }
0x11: {  	p0 =	por !p0, !p0;
	[sflag:s12] =	ssyncset.done @!p1 $0x0  }
0x12: {  	s11 =	smov.u32 s10;
	s10 =	smov.u32 s13;
	[sflag:s12] =	ssyncadd.s32 @!p1 $0xFFFF8000  }
.LBB2_1:
0x13: {  	p1 =	sgt.u32 s9, $0x13F  }
0x14: {  	s12 =	sxor.u32 @!p1 $0xFFFFFFFF, s9  }
0x15: {  	s31 =	sadd.s32 $0xFFFFFFFF, s9;
	s13 =	sshrl.u32 @!p1 s10, $0x3;
	s12 =	sshll.u32 @!p1 s12, $0x5  }
0x16: {  	s14 =	sand.u32 @!p1 $0x7, s10;
	s13 =	sadd.s32 @!p1 s6, s13;
	s12 =	sand.u32 @!p1 $0x20, s12  }
0x17: {  	[tilespmem:s12], [sflag:$0x2] =	stream.linear.gather @!p1 [hbm4b:s13+s14], $0x20, $0x38;
	[tilespmem:$0x10040] =	vst v63  }
0x18: {  	p1 =	sgt.u32 s31, $0x13F  }
.Ltmp2:
0x19: {  	_ = 	snop;
	(pc) =	sbr.rel @p1 .LBB2_5-.Ltmp2, $1  }
0x1a: {  	_ =	sdelay $0x3  }
0x1b: {  	_ =	swait.ge [sflag:s5], $0x20  }
0x1c: {  	s12 =	sand.u32 $0x1, s9;
	[sflag:s5] =	ssyncset.done $0x0  }
0x1d: {  	s13 =	sshll.u32 s12, $0x5;
	[sflag:s5] =	ssyncadd.s32 $0xFFFFFFE0  }
0x1e: {  	v0 =	vld.msk [tilespmem:s13+$0x0 ss:$0x1], $0xffff;
	_ =	sdelay $0x4  }
0x1f: {  	vm1 =	vgt.s32 v0, $0x0  }
0x20: {  	v0 =	vnsel vm1, $0x0, v0  }
0x21: {  	v0 =	vmin.u32 v0, $0x27FF  }
0x22: {  	v0 =	vshll.u32 v0, $0x7;
	_ =	sdelay $0x2  }
0x23: {  	s12 =	sshll.u32 s12, $0xF  }
0x24: {  	s14 =	sor.u32 $0x40, s12;
	s13 =	sor.u32 $0x10, s13  }
0x25: {  	[tilespmem:s14], [sflag:$0x1] =	stream.indirect_vreg.gather [hbm:s2], $0x400, v0, vm0, $0x38;
	[tilespmem:$0x10040] =	vst v63  }
0x26: {  	v0 =	vld.msk [tilespmem:s13+$0x0 ss:$0x1], $0xffff;
	_ =	sdelay $0x4  }
0x27: {  	vm1 =	vgt.s32 v0, $0x0  }
0x28: {  	v0 =	vnsel vm1, $0x0, v0  }
0x29: {  	v0 =	vmin.u32 v0, $0x27FF  }
0x2a: {  	v0 =	vshll.u32 v0, $0x7;
	_ =	sdelay $0x2  }
0x2b: {  	s13 =	simm.s32 $0x1  }
0x2c: {  	s31 =	sshll.u32 s11, $0x7;
	s12 =	sor.u32 $0x4040, s12;
	s13 =	simm.s32 @!p0 $0x0  }
0x2d: {  	[tilespmem:s12], [sflag:$0x1] =	stream.indirect_vreg.gather [hbm:s2], $0x400, v0, vm0, $0x38;
	[tilespmem:$0x10040] =	vst v63  }
0x2e: {  	s30 =	sshll.u32 s13, $0xF;
	s13 =	simm.s32 $0x80;
	_ =	swait.ge [sflag:s3], $0x8000  }
0x2f: {  	s11 =	sor.u32 $0x40, s30;
	s12 =	sadd.s32 s31, s7;
	[sflag:s3] =	ssyncset.done $0x0  }
0x30: {  	s14 =	sadd.s32 $0x400, s11;
	s15 =	sadd.s32 $0x0, s12;
	[sflag:s3] =	ssyncadd.s32 $0xFFFF8000  }
.LBB2_3:
0x31: {  	[hbm:s15] =	stream.linear.scatter [tilespmem:s11], [sflag:$0x3], $0x400, $0x38;
	[tilespmem:$0x10040] =	vst v63  }
0x32: {  	s15 =	smov.u32 s13;
	s11 =	smov.u32 s14;
	p1 =	sne.s32 s13, $0xF80  }
.Ltmp3:
0x33: {  	s13 =	sadd.s32 $0x80, s13;
	(pc) =	sbr.rel @p1 .LBB2_3-.Ltmp3, $2  }
0x34: {  	_ =	sdelay $0x2  }
0x35: {  	s14 =	sadd.s32 $0x400, s14;
	s15 =	sadd.s32 s15, s12  }
.Ltmp4:
0x36: {  	_ = 	snop;
	(pc) =	sbr.rel .LBB2_4-.Ltmp4, $1  }
0x37: {  	_ =	sdelay $0x3  }
.LBB2_6:
0x38: {  	_ =	sfence.sel $0x180000  }
0x39: {  	s2 =	simm.s32 $0x2;
	[bflag:$0x0] =	sbarrier.arrive $0xFFFF  }
0x3a: {  	s30 =	simm.s32 $0x3;
	[sflag:s2] =	ssyncpa.u1 $0x1  }
0x3b: {  	s31 =	simm.s32 $0x1;
	[sflag:s30] =	ssyncpa.u1 $0x1  }
0x3c: {  	[sflag:s31] =	ssyncpa.u1 $0x1  }
0x3d: {  	p0 =	sne.s32 s1, $0x0;
	_ =	strace $0x90000059  }
0x3e: {  	s0 =	sadd.s32 @!p0 $0x100000, s0;
	[bflag:$0x2] =	sbarrier.arrive $0xFFFF  }
0x3f: {  	[sflag:s0] =	ssyncadd.tile.s32 @!p0 $0x1;
	_ =	shalt  }
.Lfunc_end2:
_tile_overlayer_lowered:
.L_overlay_start_2:
0x40: {  	(tag) =	ssettag $0x2  }
0x41: {  	s0 =	rddreg [dreg:$0x0];
	s2 =	stileid.u32  }
0x42: {  	s1 =	rddreg [dreg:$0x1];
	p0 =	sne.s32 s2, $0x0  }
0x43: {  	s3 =	rddreg [dreg:$0x2];
	[bflag:$0x3] =	sbarrier.arrive $0xFFFF;
	s2 =	simm.s32 @!p0 $0x1C01  }
0x44: {  	[timem:s3], [sflag:s2] =	dma.local @!p0 [hbm:s0], s1  }
0x45: {  	s0 =	simm.s32 @!p0 $0x1  }
0x46: {  	_ =	swait.ge @!p0 [sflag:s0], s1  }
0x47: {  	s1 =	ssub.s32 @!p0 $0x0, s1;
	[sflag:s0] =	ssyncset.done @!p0 $0x0  }
0x48: {  	[sflag:s0] =	ssyncadd.s32 @!p0 s1  }
0x49: {  	[bflag:$0x3] =	sbarrier.arrive $0xFFFF  }
0x4a: {  	_ =	shalt  }

// kernel: gather_offload_async_start
scs
__scs_entry_jumppad:
0x0: {  	(pc) =	sbr.rel $0x88, $3  }
0x1: {  	(tag) =	ssettag $0x0;
	lr =	simm.s32 $0x1  }
0x2: {  	[smem:$0x3F91] =	sst lr;
	_ =	strace $0xD0000000  }
0x3: {  	_ = 	snop  }
0x4: {  	_ = 	snop  }
0x5: {  	_ = 	snop  }
0x6: {  	_ = 	snop  }
0x7: {  	_ = 	snop  }
__scs_overlays_trampoline_lowered:
0x8: {  	[smem:$0x3FA0] =	sst s0  }
0x9: {  	[smem:$0x3FA1] =	sst s1  }
0xa: {  	[smem:$0x3FA2] =	sst s2  }
0xb: {  	[smem:$0x3FA3] =	sst s3  }
0xc: {  	[smem:$0x3FA4] =	sst s4  }
0xd: {  	[smem:$0x3FA5] =	sst s5  }
0xe: {  	[smem:$0x3FA6] =	sst s6  }
0xf: {  	[smem:$0x3FA7] =	sst s7  }
0x10: {  	[smem:$0x3FA8] =	sst s8  }
0x11: {  	[smem:$0x3FA9] =	sst s9;
	s0 =	simm.s32 @!p0 $0x0  }
0x12: {  	s1 =	sld [smem:$0x3F8F];
	s0 =	simm.s32 @p0 $0x1  }
0x13: {  	[smem:$0x3FAA] =	sst s0;
	s0 =	simm.s32 @!p1 $0x0  }
0x14: {  	s2 =	sld [smem:$0x3F8E];
	s0 =	simm.s32 @p1 $0x1  }
0x15: {  	[smem:$0x3FAB] =	sst s0;
	s0 =	simm.s32 @!p2 $0x0  }
0x16: {  	s3 =	sld [smem:$0x3FDB];
	s0 =	simm.s32 @p2 $0x1  }
0x17: {  	s4 =	simm.s32 $0x1BF5;
	[smem:$0x3FAD] =	sst s0  }
0x18: {  	s0 =	sld [smem:$0x3F90];
	_ =	swait.ge [sflag:s4], $0x0  }
0x19: {  	s7 =	sld [smem:$0x3F91]  }
0x1a: {  	s8 =	sadd.s32 $0xFFFFE003, lr  }
0x1b: {  	s9 =	sadd.s32 $0xFFFFFEF7, lr;
	s5 =	simm.s32 $0xFFFFFFFF;
	p2 =	slt.u32 s8, $0xFFFFF086  }
0x1c: {  	p1 =	slt.u32 s9, $0xF7A;
	s5 =	simm.s32 @!p2 $0x0  }
0x1d: {  	s5 =	simm.s32 @p1 $0x1;
	p0 =	seq.s32 s7, s2  }
0x1e: {  	s7 =	smul.u32 @!p0 $0xF7A, s2;
	p2 =	seq.s32 @!p0 s5, $0x0  }
0x1f: {  	s9 =	smul.u32 $0xF7A, s1;
	s8 =	simm.s32 @!p0 $0x1BF5;
	p2 =	por !p2, p0  }
0x20: {  	[sflag:s8] =	ssyncset.s32 @!p0 $0xFFFFF086;
	s6 =	sadd.s32 @!p0 s3, s7;
	s7 =	simm.s32 @!p0 $0x108  }
0x21: {  	s3 =	sadd.s32 s3, s9;
	s6 =	sadd.s32 @!p0 $0x88, s6;
	s7 =	simm.s32 @p2 $0x1082  }
0x22: {  	[simem:s7], [sflag:s8] =	dma.local @!p0 [hbm:s6], $0xF7A  }
0x23: {  	s9 =	sor.u32 $0xD0000000, s2;
	s6 =	simm.s32 $0x108;
	_ =	swait.ge @!p0 [sflag:s8], $0x0  }
0x24: {  	s3 =	sadd.s32 $0x88, s3;
	s6 =	simm.s32 @!p1 $0x1082;
	[sflag:s4] =	ssyncset.s32 $0xFFFFF086  }
0x25: {  	[simem:s6], [sflag:s4] =	dma.local [hbm:s3], $0xF7A  }
0x26: {  	[smem:$0x3F91] =	sst s1;
	(tag) =	ssettag s2;
	_ =	strace s9  }
0x27: {  	s1 =	sld [smem:$0x3FA1]  }
0x28: {  	s2 =	sld [smem:$0x3FA2]  }
0x29: {  	s4 =	sld [smem:$0x3FA4]  }
0x2a: {  	p0 =	seq.s32 s5, $0x0;
	s5 =	sld [smem:$0x3FA5]  }
0x2b: {  	s6 =	sld [smem:$0x3FA6]  }
0x2c: {  	s7 =	sld [smem:$0x3FA7]  }
0x2d: {  	s3 =	simm.s32 $0x108;
	s8 =	sld [smem:$0x3FA8]  }
0x2e: {  	s3 =	simm.s32 @!p0 $0x1082;
	s9 =	sld [smem:$0x3FA9]  }
0x2f: {  	lr =	sadd.s32 s0, s3;
	s0 =	sld [smem:$0x3FA0]  }
0x30: {  	s3 =	sld [smem:$0x3FA3]  }
0x31: {  	[smem:$0x3FAC] =	sst s10  }
0x32: {  	s10 =	sld [smem:$0x3FAA];
	_ =	sdelay $0x3  }
0x33: {  	p0 =	seq.s32 s10, $0x1;
	s10 =	sld [smem:$0x3FAC];
	_ =	sdelay $0x3  }
0x34: {  	[smem:$0x3FAC] =	sst s10  }
0x35: {  	s10 =	sld [smem:$0x3FAB];
	_ =	sdelay $0x3  }
0x36: {  	p1 =	seq.s32 s10, $0x1;
	s10 =	sld [smem:$0x3FAC];
	_ =	sdelay $0x3  }
0x37: {  	[smem:$0x3FAC] =	sst s10  }
0x38: {  	s10 =	sld [smem:$0x3FAD]  }
0x39: {  	_ = 	snop;
	(pc) =	sbr.ind lr, $3  }
0x3a: {  	_ = 	snop  }
0x3b: {  	_ = 	snop  }
0x3c: {  	p2 =	seq.s32 s10, $0x1;
	s10 =	sld [smem:$0x3FAC]  }
0x3d: {  	_ =	shalt  }
0x3e: {  	_ =	shalt  }
0x3f: {  	_ =	shalt  }
0x40: {  	_ =	shalt  }
0x41: {  	_ =	shalt  }
0x42: {  	_ =	shalt  }
0x43: {  	_ =	shalt  }
0x44: {  	_ =	shalt  }
0x45: {  	_ =	shalt  }
0x46: {  	_ =	shalt  }
0x47: {  	_ =	shalt  }
0x48: {  	_ =	shalt  }
0x49: {  	_ =	shalt  }
0x4a: {  	_ =	shalt  }
0x4b: {  	_ =	shalt  }
0x4c: {  	_ =	shalt  }
0x4d: {  	_ =	shalt  }
0x4e: {  	_ =	shalt  }
0x4f: {  	_ =	shalt  }
0x50: {  	_ =	shalt  }
0x51: {  	_ =	shalt  }
0x52: {  	_ =	shalt  }
0x53: {  	_ =	shalt  }
0x54: {  	_ =	shalt  }
0x55: {  	_ =	shalt  }
0x56: {  	_ =	shalt  }
0x57: {  	_ =	shalt  }
0x58: {  	_ =	shalt  }
0x59: {  	_ =	shalt  }
0x5a: {  	_ =	shalt  }
0x5b: {  	_ =	shalt  }
0x5c: {  	_ =	shalt  }
0x5d: {  	_ =	shalt  }
0x5e: {  	_ =	shalt  }
0x5f: {  	_ =	shalt  }
0x60: {  	_ =	shalt  }
0x61: {  	_ =	shalt  }
0x62: {  	_ =	shalt  }
0x63: {  	_ =	shalt  }
0x64: {  	_ =	shalt  }
0x65: {  	_ =	shalt  }
0x66: {  	_ =	shalt  }
0x67: {  	_ =	shalt  }
0x68: {  	_ =	shalt  }
0x69: {  	_ =	shalt  }
0x6a: {  	_ =	shalt  }
0x6b: {  	_ =	shalt  }
0x6c: {  	_ =	shalt  }
0x6d: {  	_ =	shalt  }
0x6e: {  	_ =	shalt  }
0x6f: {  	_ =	shalt  }
0x70: {  	_ =	shalt  }
0x71: {  	_ =	shalt  }
0x72: {  	_ =	shalt  }
0x73: {  	_ =	shalt  }
0x74: {  	_ =	shalt  }
0x75: {  	_ =	shalt  }
0x76: {  	_ =	shalt  }
0x77: {  	_ =	shalt  }
0x78: {  	_ =	shalt  }
0x79: {  	_ =	shalt  }
0x7a: {  	_ =	shalt  }
0x7b: {  	_ =	shalt  }
0x7c: {  	_ =	shalt  }
0x7d: {  	_ =	shalt  }
0x7e: {  	_ =	shalt  }
0x7f: {  	_ =	shalt  }
0x80: {  	_ =	shalt  }
0x81: {  	_ =	shalt  }
0x82: {  	_ =	shalt  }
0x83: {  	_ =	shalt  }
0x84: {  	_ =	shalt  }
0x85: {  	_ =	shalt  }
0x86: {  	_ =	shalt  }
0x87: {  	_ =	shalt  }
.Lfunc_end0:
.L_simem_size_0:
called_computation.7_lowered:
.L_overlay_start_0:
0x88: {  	s2 =	sld [smem:$0x3FD9]  }
0x89: {  	s3 =	sld [smem:$0x3FFE];
	_ =	sdelay $0x1  }
0x8a: {  	s1 =	srdreg.scid  }
0x8b: {  	s0 =	sand.u32 $0x1, s1  }
0x8c: {  	s16 =	sshll.u32 s0, $0xA;
	s2 =	sadd.s32 s3, s2  }
0x8d: {  	s2 =	sadd.s32 s2, s16  }
0x8e: {  	[smem:$0x3FB8] =	sst s2  }
0x8f: {  	_ = 	snop  }
0x90: {  	(tm) =	ssettm $0x1  }
0x91: {  	s17 =	sld [smem:$0x3FFB];
	_ =	sdelay $0x3  }
0x92: {  	_ =	strace s17  }
0x93: {  	s2 =	sld [smem:$0x3FFC];
	_ =	sdelay $0x3  }
0x94: {  	_ =	strace s2  }
0x95: {  	s2 =	sld [smem:$0x3FFD];
	_ =	sdelay $0x3  }
0x96: {  	_ =	strace s2  }
0x97: {  	_ =	strace $0x8FFFFFFF  }
0x98: {  	s18 =	sld [smem:$0x3FDB];
	_ =	sdelay $0x1  }
0x99: {  	s19 =	simm.s32 $_scs_section_size  }
0x9a: {  	s4 =	simm.s32 $_size__tile_overlayer_lowered;
	s5 =	simm.s32 $_tile_overlayer_lowered  }
0x9b: {  	s22 =	simm.s32 $0x1BFF;
	s21 =	sshll.u32 s5, $0x1;
	s2 =	sadd.s32 s19, s18  }
0x9c: {  	s6 =	simm.s32 $0x0;
	s20 =	sshll.u32 s4, $0x1;
	s4 =	sadd.s32 s21, s2  }
0x9d: {  	[timem:s6], [sflag:s22] =	dma.local [hbm:s4], s20  }
0x9e: {  	_ =	swait.ge [sflag:s22], s20  }
0x9f: {  	s3 =	ssub.s32 $0x0, s20;
	[sflag:s22] =	ssyncset.done $0x0  }
0xa0: {  	[sflag:s22] =	ssyncadd.s32 s3;
	_ =	sdelay $0x1  }
0xa1: {  	s23 =	simm.s32 $0x1B8B  }
0xa2: {  	_ =	swait.ge [sflag:s23], $0x1  }
0xa3: {  	[sflag:s23] =	ssyncset.done $0x0  }
0xa4: {  	s25 =	simm.s32 $0x1B8E;
	s24 =	sld [smem:$0x3FFE];
	[sflag:s23] =	ssyncadd.s32 $0xFFFFFFFF  }
0xa5: {  	s26 =	simm.s32 $execute0_lowered;
	[smem:$0x3FD2] =	sst s25  }
0xa6: {  	s4 =	sshll.u32 s26, $0x1;
	_ =	strace $0x80000049;
	[dreg:$0x1] =	wrdreg $0xFFFFFFFF  }
0xa7: {  	s28 =	simm.s32 $_size_execute0_lowered;
	s2 =	sadd.s32 s2, s4;
	[dreg:$0x0] =	wrdreg $0x0  }
0xa8: {  	s4 =	sshll.u32 s28, $0x1;
	[dreg:$0x2] =	wrdreg s2  }
0xa9: {  	[dreg:$0x3] =	wrdreg s4  }
0xaa: {  	[dreg:$0x4] =	wrdreg $0xC0  }
0xab: {  	_ =	task [dreg:s6], $0x5FFFF  }
0xac: {  	[dreg:$0x1] =	wrdreg $0xFFFFFFFF  }
0xad: {  	[dreg:$0x0] =	wrdreg $0x60  }
0xae: {  	[dreg:$0x2] =	wrdreg s24  }
0xaf: {  	[dreg:$0x3] =	wrdreg $0x9  }
0xb0: {  	_ =	task.clear_ibuf [dreg:s6], $0x4FFFF;
	_ =	strace $0x90000049  }
0xb1: {  	s29 =	simm.s32 $0x9;
	_ =	strace $0x8000004B  }
0xb2: {  	_ =	swait.ge [sflag:s29], $0x1  }
0xb3: {  	[sflag:s29] =	ssyncadd.s32 $0xFFFFFFFF  }
0xb4: {  	_ =	strace $0x9000004B  }
0xb5: {  	_ =	sfence  }
0xb6: {  	s30 =	sld [smem:$0x0];
	_ =	sdelay $0x2  }
0xb7: {  	s31 =	sshll.u32 s1, $0xD;
	s1 =	sshrl.u32 s1, $0x2  }
0xb8: {  	s3 =	sand.u32 $0x4000, s31;
	s1 =	sadd.s32 s1, s30  }
0xb9: {  	s0 =	sor.u32 s3, s0;
	s1 =	sshll.u32 s1, $0x11  }
0xba: {  	s0 =	sor.u32 s1, s0  }
0xbb: {  	s0 =	sadd.s32 $0x8F2B, s0  }
0xbc: {  	[sflag:s0] =	ssyncadd.remote.s32 $0x1  }
0xbd: {  	_ =	sfence.sel $0xFFFF  }
0xbe: {  	[dreg:$0x0] =	wrdreg $0xFFFFFFFF;
	(pc) =	sbr.abs _section_cstart, $3  }
0xbf: {  	[dreg:$0x1] =	wrdreg $0xFFFFFFFF  }
0xc0: {  	_ =	task.clear_ibuf [dreg:s6], $0x2FFFF;
	_ =	strace $0x9FFFFFFF  }
0xc1: {  	(tm) =	ssettm $0x7FFFFFFF  }
tec
execute0_lowered:
.L_overlay_start_1:
0x0: {  	(tag) =	ssettag $0x1  }
0x1: {  	s8 =	rddreg [dreg:$0x0]  }
0x2: {  	s0 =	rddreg [dreg:$0x1];
	_ =	strace $0x8000004A;
	s1 =	stileid.u32  }
0x3: {  	s3 =	srdreg.scid;
	s4 =	simm.s32 $0x1;
	s7 =	simm.s32 $0x1  }
0x4: {  	s9 =	simm.s32 $0x1;
	s10 =	simm.s32 $0x3;
	s13 =	simm.s32 $0x0  }
0x5: {  	s12 =	simm.s32 $0x0;
	s5 =	sand.u32 $0x1, s3;
	s6 =	sshll.u32 s1, $0x1  }
0x6: {  	s2 =	sadd.s32 $0x2200, s8;
	s3 =	sadd.s32 $0xC000, s8;
	s5 =	sor.u32 s6, s5  }
.Ltmp0:
0x7: {  	[sflag:s4] =	ssyncpa.u1 $0x0;
	p0 =	slt.u32 s5, $0x9;
	(pc) =	sbr.rel .LBB2_1-.Ltmp0, $4  }
0x8: {  	s6 =	simm.s32 $0x2;
	s7 =	simm.s32 @!p0 $0x0;
	p0 =	sne.s32 s5, $0x8  }
0x9: {  	[sflag:s6] =	ssyncpa.u1 $0x0;
	s5 =	smul.u32 $0x1F40, s5;
	s9 =	simm.s32 @!p0 $0x0  }
0xa: {  	s8 =	sadd.s32 $0x3E000, s8;
	[sflag:s10] =	ssyncpa.u1 $0x0;
	s7 =	sadd.s32 s9, s7  }
0xb: {  	vm0 =	vmmov $0xffff;
	s10 =	simm.s32 $0x0;
	s11 =	smov.u32 s5;
	s9 =	sadd.s32 $0x1, s7  }
.LBB2_4:
0xc: {  	v2 =	vnsel vm1, $0x0, v2  }
0xd: {  	vm1 =	vgt.s32 v0, $0x0;
	v2 =	vmin.u32 v2, $0x4E1FF  }
0xe: {  	v0 =	vnsel vm1, $0x0, v0  }
0xf: {  	v0 =	vmin.u32 v0, $0x4E1FF  }
0x10: {  	[tilespmem:s18], [sflag:$0x1] =	stream.indirect_vreg.gather [hbm4b:s2+s10], $0x1, v1, vm0, $0x4038;
	[tilespmem:$0x7D00] =	vst v63  }
0x11: {  	(ifvalue) =	ssetifvalue $0x7FFFFFFF  }
0x12: {  	[tilespmem:s15], [sflag:$0x1] =	stream.indirect_vreg.gather [hbm4b:s2+s10], $0x1, v2, vm0, $0x4038;
	[tilespmem:$0x7D00] =	vst v63  }
0x13: {  	s29 =	sadd.s32 $0x10, s15;
	(ifvalue) =	ssetifvalue $0x7FFFFFFF  }
0x14: {  	[tilespmem:s29], [sflag:$0x1] =	stream.indirect_vreg.gather [hbm4b:s2+s10], $0x1, v0, vm0, $0x4038;
	[tilespmem:$0x7D00] =	vst v63  }
0x15: {  	_ =	swait.ge [sflag:s4], $0x1F40  }
0x16: {  	s30 =	sshrl.u32 s13, $0x3;
	[sflag:s4] =	ssyncset.done $0x0  }
0x17: {  	s31 =	sand.u32 $0x7, s13;
	s15 =	sadd.s32 s8, s30;
	[sflag:s4] =	ssyncadd.s32 $0xFFFFE0C0  }
0x18: {  	[hbm4b:s15+s31] =	stream.linear.scatter [tilespmem:s14], [sflag:$0x3], $0x1F40, $0x38;
	[tilespmem:$0x7D00] =	vst v63  }
.LBB2_5:
0x19: {  	s15 =	sadd.s32 $0x3E800, s11  }
0x1a: {  	p1 =	sgt.s32 s15, $0x4E1FF  }
0x1b: {  	s15 =	smov.u32 @p1 s5;
	p1 =	sne.s32 s12, s9  }
.Ltmp1:
0x1c: {  	p0 =	slt.u32 s12, $0x2;
	(pc) =	sbr.rel @!p1 .LBB2_6-.Ltmp1, $4  }
0x1d: {  	s14 =	simm.s32 @!p0 $0x3  }
0x1e: {  	_ =	swait.ge @!p0 [sflag:s14], $0x1F40  }
0x1f: {  	s16 =	sadd.s32 $0x1, s12;
	s13 =	smov.u32 s11;
	[sflag:s14] =	ssyncset.done @!p0 $0x0  }
0x20: {  	s12 =	smov.u32 s16;
	s11 =	smov.u32 s15;
	[sflag:s14] =	ssyncadd.s32 @!p0 $0xFFFFE0C0  }
.LBB2_1:
0x21: {  	p0 =	sge.u32 s12, s7  }
0x22: {  	s14 =	sxor.u32 @!p0 $0x1, s12  }
0x23: {  	s14 =	smul.u32 @!p0 $0x7D00, s14  }
0x24: {  	s31 =	sadd.s32 $0xFFFFFFFF, s12;
	s15 =	sshrl.u32 @!p0 s11, $0x3  }
0x25: {  	s16 =	sand.u32 @!p0 $0x7, s11;
	s15 =	sadd.s32 @!p0 s3, s15;
	s14 =	sshra.s32 @!p0 s14, $0x2  }
0x26: {  	[tilespmem:s14], [sflag:$0x2] =	stream.linear.gather @!p0 [hbm4b:s15+s16], $0x1F40, $0x38;
	[tilespmem:$0x7D00] =	vst v63  }
0x27: {  	p0 =	sge.u32 s31, s7  }
.Ltmp2:
0x28: {  	_ = 	snop;
	(pc) =	sbr.rel @p0 .LBB2_5-.Ltmp2, $1  }
0x29: {  	_ =	sdelay $0x3  }
0x2a: {  	s14 =	sand.u32 $0x1, s12  }
0x2b: {  	_ =	swait.ge [sflag:s6], $0x1F40;
	p0 =	seq.s32 s14, $0x1;
	s14 =	simm.s32 $0x1F40  }
0x2c: {  	[sflag:s6] =	ssyncset.done $0x0;
	s14 =	simm.s32 @!p0 $0x0  }
0x2d: {  	[sflag:s6] =	ssyncadd.s32 $0xFFFFE0C0;
	(ifvalue) =	ssetifvalue $0x7FFFFFFF;
	v0 =	vld.msk [tilespmem:s14+$0x0 ss:$0x1], $0xffff;
	_ =	sdelay $0x4  }
0x2e: {  	s15 =	sadd.s32 $0x10, s14;
	vm1 =	vgt.s32 v0, $0x0  }
0x2f: {  	v2 =	vld.msk [tilespmem:s15+$0x0 ss:$0x1], $0xffff;
	v1 =	vnsel vm1, $0x0, v0  }
0x30: {  	v1 =	vmin.u32 v1, $0x4E1FF;
	_ =	sdelay $0x2  }
0x31: {  	s17 =	simm.s32 $0x20;
	s14 =	sadd.s32 $0x3E80, s14;
	s16 =	sadd.s32 $0x10, s15  }
0x32: {  	s15 =	sadd.s32 $0x10, s14;
	s18 =	smov.u32 s14;
	v0 =	vld.msk [tilespmem:s16+$0x0 ss:$0x1], $0xffff;
	vm1 =	vgt.s32 v2, $0x0;
	(ifvalue) =	ssetifvalue $0x7FFFFFFF  }
.LBB2_3:
0x33: {  	[tilespmem:s18], [sflag:$0x1] =	stream.indirect_vreg.gather [hbm4b:s2+s10], $0x1, v1, vm0, $0x4038;
	[tilespmem:$0x7D00] =	vst v63  }
0x34: {  	s17 =	sadd.s32 $0x10, s17  }
0x35: {  	v2 =	vnsel vm1, $0x0, v2;
	p0 =	slt.u32 s17, $0x1F30  }
.Ltmp3:
0x36: {  	s18 =	smov.u32 s15;
	v1 =	vmin.u32 v2, $0x4E1FF;
	(pc) =	sbr.rel @p0 .LBB2_3-.Ltmp3, $3  }
0x37: {  	_ =	sdelay $0x1  }
0x38: {  	s16 =	sadd.s32 $0x10, s16  }
0x39: {  	vm1 =	vgt.s32 v0, $0x0;
	s15 =	sadd.s32 $0x10, s15;
	v2 =	vmov v0;
	(ifvalue) =	ssetifvalue $0x7FFFFFFF;
	v0 =	vld.msk [tilespmem:s16+$0x0 ss:$0x1], $0xffff  }
.Ltmp4:
0x3a: {  	_ = 	snop;
	(pc) =	sbr.rel .LBB2_4-.Ltmp4, $1  }
0x3b: {  	_ =	sdelay $0x3  }
.LBB2_6:
0x3c: {  	_ =	sfence.sel $0x180000  }
0x3d: {  	s2 =	simm.s32 $0x2;
	[bflag:$0x0] =	sbarrier.arrive $0xFFFF  }
0x3e: {  	s30 =	simm.s32 $0x3;
	[sflag:s2] =	ssyncpa.u1 $0x1  }
0x3f: {  	s31 =	simm.s32 $0x1;
	[sflag:s30] =	ssyncpa.u1 $0x1  }
0x40: {  	[sflag:s31] =	ssyncpa.u1 $0x1  }
0x41: {  	p0 =	sne.s32 s1, $0x0;
	_ =	strace $0x9000004A  }
0x42: {  	s0 =	sadd.s32 @!p0 $0x100000, s0;
	[bflag:$0x2] =	sbarrier.arrive $0xFFFF  }
0x43: {  	[sflag:s0] =	ssyncadd.tile.s32 @!p0 $0x1;
	_ =	shalt  }
.Lfunc_end2:
_tile_overlayer_lowered:
.L_overlay_start_2:
0x44: {  	(tag) =	ssettag $0x2  }
0x45: {  	s0 =	rddreg [dreg:$0x0];
	s2 =	stileid.u32  }
0x46: {  	s1 =	rddreg [dreg:$0x1];
	p0 =	sne.s32 s2, $0x0  }
0x47: {  	s3 =	rddreg [dreg:$0x2];
	[bflag:$0x3] =	sbarrier.arrive $0xFFFF;
	s2 =	simm.s32 @!p0 $0x1C01  }
0x48: {  	[timem:s3], [sflag:s2] =	dma.local @!p0 [hbm:s0], s1  }
0x49: {  	s0 =	simm.s32 @!p0 $0x1  }
0x4a: {  	_ =	swait.ge @!p0 [sflag:s0], s1  }
0x4b: {  	s1 =	ssub.s32 @!p0 $0x0, s1;
	[sflag:s0] =	ssyncset.done @!p0 $0x0  }
0x4c: {  	[sflag:s0] =	ssyncadd.s32 @!p0 s1  }
0x4d: {  	[bflag:$0x3] =	sbarrier.arrive $0xFFFF  }
0x4e: {  	_ =	shalt  }

// kernel: scatter_offload_async_start.1
scs
__scs_entry_jumppad:
0x0: {  	(pc) =	sbr.rel $0x88, $3  }
0x1: {  	(tag) =	ssettag $0x0;
	lr =	simm.s32 $0x1  }
0x2: {  	[smem:$0x3F91] =	sst lr;
	_ =	strace $0xD0000000  }
0x3: {  	_ = 	snop  }
0x4: {  	_ = 	snop  }
0x5: {  	_ = 	snop  }
0x6: {  	_ = 	snop  }
0x7: {  	_ = 	snop  }
__scs_overlays_trampoline_lowered:
0x8: {  	[smem:$0x3FA0] =	sst s0  }
0x9: {  	[smem:$0x3FA1] =	sst s1  }
0xa: {  	[smem:$0x3FA2] =	sst s2  }
0xb: {  	[smem:$0x3FA3] =	sst s3  }
0xc: {  	[smem:$0x3FA4] =	sst s4  }
0xd: {  	[smem:$0x3FA5] =	sst s5  }
0xe: {  	[smem:$0x3FA6] =	sst s6  }
0xf: {  	[smem:$0x3FA7] =	sst s7  }
0x10: {  	[smem:$0x3FA8] =	sst s8  }
0x11: {  	[smem:$0x3FA9] =	sst s9;
	s0 =	simm.s32 @!p0 $0x0  }
0x12: {  	s1 =	sld [smem:$0x3F8F];
	s0 =	simm.s32 @p0 $0x1  }
0x13: {  	[smem:$0x3FAA] =	sst s0;
	s0 =	simm.s32 @!p1 $0x0  }
0x14: {  	s2 =	sld [smem:$0x3F8E];
	s0 =	simm.s32 @p1 $0x1  }
0x15: {  	[smem:$0x3FAB] =	sst s0;
	s0 =	simm.s32 @!p2 $0x0  }
0x16: {  	s3 =	sld [smem:$0x3FDB];
	s0 =	simm.s32 @p2 $0x1  }
0x17: {  	s4 =	simm.s32 $0x1BF5;
	[smem:$0x3FAD] =	sst s0  }
0x18: {  	s0 =	sld [smem:$0x3F90];
	_ =	swait.ge [sflag:s4], $0x0  }
0x19: {  	s7 =	sld [smem:$0x3F91]  }
0x1a: {  	s8 =	sadd.s32 $0xFFFFE003, lr  }
0x1b: {  	s9 =	sadd.s32 $0xFFFFFEF7, lr;
	s5 =	simm.s32 $0xFFFFFFFF;
	p2 =	slt.u32 s8, $0xFFFFF086  }
0x1c: {  	p1 =	slt.u32 s9, $0xF7A;
	s5 =	simm.s32 @!p2 $0x0  }
0x1d: {  	s5 =	simm.s32 @p1 $0x1;
	p0 =	seq.s32 s7, s2  }
0x1e: {  	s7 =	smul.u32 @!p0 $0xF7A, s2;
	p2 =	seq.s32 @!p0 s5, $0x0  }
0x1f: {  	s9 =	smul.u32 $0xF7A, s1;
	s8 =	simm.s32 @!p0 $0x1BF5;
	p2 =	por !p2, p0  }
0x20: {  	[sflag:s8] =	ssyncset.s32 @!p0 $0xFFFFF086;
	s6 =	sadd.s32 @!p0 s3, s7;
	s7 =	simm.s32 @!p0 $0x108  }
0x21: {  	s3 =	sadd.s32 s3, s9;
	s6 =	sadd.s32 @!p0 $0x88, s6;
	s7 =	simm.s32 @p2 $0x1082  }
0x22: {  	[simem:s7], [sflag:s8] =	dma.local @!p0 [hbm:s6], $0xF7A  }
0x23: {  	s9 =	sor.u32 $0xD0000000, s2;
	s6 =	simm.s32 $0x108;
	_ =	swait.ge @!p0 [sflag:s8], $0x0  }
0x24: {  	s3 =	sadd.s32 $0x88, s3;
	s6 =	simm.s32 @!p1 $0x1082;
	[sflag:s4] =	ssyncset.s32 $0xFFFFF086  }
0x25: {  	[simem:s6], [sflag:s4] =	dma.local [hbm:s3], $0xF7A  }
0x26: {  	[smem:$0x3F91] =	sst s1;
	(tag) =	ssettag s2;
	_ =	strace s9  }
0x27: {  	s1 =	sld [smem:$0x3FA1]  }
0x28: {  	s2 =	sld [smem:$0x3FA2]  }
0x29: {  	s4 =	sld [smem:$0x3FA4]  }
0x2a: {  	p0 =	seq.s32 s5, $0x0;
	s5 =	sld [smem:$0x3FA5]  }
0x2b: {  	s6 =	sld [smem:$0x3FA6]  }
0x2c: {  	s7 =	sld [smem:$0x3FA7]  }
0x2d: {  	s3 =	simm.s32 $0x108;
	s8 =	sld [smem:$0x3FA8]  }
0x2e: {  	s3 =	simm.s32 @!p0 $0x1082;
	s9 =	sld [smem:$0x3FA9]  }
0x2f: {  	lr =	sadd.s32 s0, s3;
	s0 =	sld [smem:$0x3FA0]  }
0x30: {  	s3 =	sld [smem:$0x3FA3]  }
0x31: {  	[smem:$0x3FAC] =	sst s10  }
0x32: {  	s10 =	sld [smem:$0x3FAA];
	_ =	sdelay $0x3  }
0x33: {  	p0 =	seq.s32 s10, $0x1;
	s10 =	sld [smem:$0x3FAC];
	_ =	sdelay $0x3  }
0x34: {  	[smem:$0x3FAC] =	sst s10  }
0x35: {  	s10 =	sld [smem:$0x3FAB];
	_ =	sdelay $0x3  }
0x36: {  	p1 =	seq.s32 s10, $0x1;
	s10 =	sld [smem:$0x3FAC];
	_ =	sdelay $0x3  }
0x37: {  	[smem:$0x3FAC] =	sst s10  }
0x38: {  	s10 =	sld [smem:$0x3FAD]  }
0x39: {  	_ = 	snop;
	(pc) =	sbr.ind lr, $3  }
0x3a: {  	_ = 	snop  }
0x3b: {  	_ = 	snop  }
0x3c: {  	p2 =	seq.s32 s10, $0x1;
	s10 =	sld [smem:$0x3FAC]  }
0x3d: {  	_ =	shalt  }
0x3e: {  	_ =	shalt  }
0x3f: {  	_ =	shalt  }
0x40: {  	_ =	shalt  }
0x41: {  	_ =	shalt  }
0x42: {  	_ =	shalt  }
0x43: {  	_ =	shalt  }
0x44: {  	_ =	shalt  }
0x45: {  	_ =	shalt  }
0x46: {  	_ =	shalt  }
0x47: {  	_ =	shalt  }
0x48: {  	_ =	shalt  }
0x49: {  	_ =	shalt  }
0x4a: {  	_ =	shalt  }
0x4b: {  	_ =	shalt  }
0x4c: {  	_ =	shalt  }
0x4d: {  	_ =	shalt  }
0x4e: {  	_ =	shalt  }
0x4f: {  	_ =	shalt  }
0x50: {  	_ =	shalt  }
0x51: {  	_ =	shalt  }
0x52: {  	_ =	shalt  }
0x53: {  	_ =	shalt  }
0x54: {  	_ =	shalt  }
0x55: {  	_ =	shalt  }
0x56: {  	_ =	shalt  }
0x57: {  	_ =	shalt  }
0x58: {  	_ =	shalt  }
0x59: {  	_ =	shalt  }
0x5a: {  	_ =	shalt  }
0x5b: {  	_ =	shalt  }
0x5c: {  	_ =	shalt  }
0x5d: {  	_ =	shalt  }
0x5e: {  	_ =	shalt  }
0x5f: {  	_ =	shalt  }
0x60: {  	_ =	shalt  }
0x61: {  	_ =	shalt  }
0x62: {  	_ =	shalt  }
0x63: {  	_ =	shalt  }
0x64: {  	_ =	shalt  }
0x65: {  	_ =	shalt  }
0x66: {  	_ =	shalt  }
0x67: {  	_ =	shalt  }
0x68: {  	_ =	shalt  }
0x69: {  	_ =	shalt  }
0x6a: {  	_ =	shalt  }
0x6b: {  	_ =	shalt  }
0x6c: {  	_ =	shalt  }
0x6d: {  	_ =	shalt  }
0x6e: {  	_ =	shalt  }
0x6f: {  	_ =	shalt  }
0x70: {  	_ =	shalt  }
0x71: {  	_ =	shalt  }
0x72: {  	_ =	shalt  }
0x73: {  	_ =	shalt  }
0x74: {  	_ =	shalt  }
0x75: {  	_ =	shalt  }
0x76: {  	_ =	shalt  }
0x77: {  	_ =	shalt  }
0x78: {  	_ =	shalt  }
0x79: {  	_ =	shalt  }
0x7a: {  	_ =	shalt  }
0x7b: {  	_ =	shalt  }
0x7c: {  	_ =	shalt  }
0x7d: {  	_ =	shalt  }
0x7e: {  	_ =	shalt  }
0x7f: {  	_ =	shalt  }
0x80: {  	_ =	shalt  }
0x81: {  	_ =	shalt  }
0x82: {  	_ =	shalt  }
0x83: {  	_ =	shalt  }
0x84: {  	_ =	shalt  }
0x85: {  	_ =	shalt  }
0x86: {  	_ =	shalt  }
0x87: {  	_ =	shalt  }
.Lfunc_end0:
.L_simem_size_0:
called_computation.1_lowered:
.L_overlay_start_0:
0x88: {  	s2 =	sld [smem:$0x3FD9]  }
0x89: {  	s3 =	sld [smem:$0x3FFE];
	_ =	sdelay $0x1  }
0x8a: {  	s1 =	srdreg.scid  }
0x8b: {  	s0 =	sand.u32 $0x1, s1  }
0x8c: {  	s15 =	sshll.u32 s0, $0xA;
	s2 =	sadd.s32 s3, s2  }
0x8d: {  	s2 =	sadd.s32 s2, s15  }
0x8e: {  	[smem:$0x3FB8] =	sst s2  }
0x8f: {  	_ = 	snop  }
0x90: {  	(tm) =	ssettm $0x1  }
0x91: {  	s16 =	sld [smem:$0x3FFB];
	_ =	sdelay $0x3  }
0x92: {  	_ =	strace s16  }
0x93: {  	s2 =	sld [smem:$0x3FFC];
	_ =	sdelay $0x3  }
0x94: {  	_ =	strace s2  }
0x95: {  	s2 =	sld [smem:$0x3FFD];
	_ =	sdelay $0x3  }
0x96: {  	_ =	strace s2  }
0x97: {  	_ =	strace $0x8FFFFFFF  }
0x98: {  	s17 =	sld [smem:$0x3FDB];
	_ =	sdelay $0x1  }
0x99: {  	s18 =	simm.s32 $_scs_section_size  }
0x9a: {  	s4 =	simm.s32 $_size__tile_overlayer_lowered;
	s5 =	simm.s32 $_tile_overlayer_lowered  }
0x9b: {  	s21 =	simm.s32 $0x1BFF;
	s20 =	sshll.u32 s5, $0x1;
	s2 =	sadd.s32 s18, s17  }
0x9c: {  	s6 =	simm.s32 $0x0;
	s19 =	sshll.u32 s4, $0x1;
	s4 =	sadd.s32 s20, s2  }
0x9d: {  	[timem:s6], [sflag:s21] =	dma.local [hbm:s4], s19  }
0x9e: {  	_ =	swait.ge [sflag:s21], s19  }
0x9f: {  	s3 =	ssub.s32 $0x0, s19;
	[sflag:s21] =	ssyncset.done $0x0  }
0xa0: {  	[sflag:s21] =	ssyncadd.s32 s3;
	_ =	sdelay $0x1  }
0xa1: {  	s22 =	simm.s32 $0x1B8B  }
0xa2: {  	_ =	swait.ge [sflag:s22], $0x1  }
0xa3: {  	[sflag:s22] =	ssyncset.done $0x0  }
0xa4: {  	s23 =	sld [smem:$0x3FFE];
	[sflag:s22] =	ssyncadd.s32 $0xFFFFFFFF  }
0xa5: {  	s25 =	simm.s32 $0x1B8E;
	s24 =	sld [smem:$0x0]  }
0xa6: {  	s26 =	simm.s32 $execute0_lowered;
	[smem:$0x3FD2] =	sst s25  }
0xa7: {  	s5 =	sshll.u32 s26, $0x1;
	_ =	strace $0x80000052;
	[dreg:$0x1] =	wrdreg $0xFFFFFFFF  }
0xa8: {  	s28 =	simm.s32 $_size_execute0_lowered;
	s2 =	sadd.s32 s2, s5;
	[dreg:$0x0] =	wrdreg $0x0  }
0xa9: {  	s5 =	sshll.u32 s28, $0x1;
	[dreg:$0x2] =	wrdreg s2  }
0xaa: {  	[dreg:$0x3] =	wrdreg s5  }
0xab: {  	[dreg:$0x4] =	wrdreg $0xC0  }
0xac: {  	_ =	task [dreg:s6], $0x5FFFF  }
0xad: {  	[dreg:$0x1] =	wrdreg $0xFFFFFFFF  }
0xae: {  	[dreg:$0x0] =	wrdreg $0x60  }
0xaf: {  	[dreg:$0x2] =	wrdreg s23  }
0xb0: {  	[dreg:$0x3] =	wrdreg s1  }
0xb1: {  	[dreg:$0x4] =	wrdreg s24  }
0xb2: {  	[dreg:$0x5] =	wrdreg $0x9  }
0xb3: {  	_ =	task.clear_ibuf [dreg:s6], $0x6FFFF;
	_ =	strace $0x90000052  }
0xb4: {  	s29 =	simm.s32 $0x9;
	_ =	strace $0x80000054  }
0xb5: {  	_ =	swait.ge [sflag:s29], $0x1  }
0xb6: {  	[sflag:s29] =	ssyncadd.s32 $0xFFFFFFFF  }
0xb7: {  	_ =	strace $0x90000054  }
0xb8: {  	_ =	sfence  }
0xb9: {  	s30 =	sld [smem:$0x0];
	_ =	sdelay $0x2  }
0xba: {  	s31 =	sshll.u32 s1, $0xD;
	s1 =	sshrl.u32 s1, $0x2  }
0xbb: {  	s3 =	sand.u32 $0x4000, s31;
	s1 =	sadd.s32 s1, s30  }
0xbc: {  	s0 =	sor.u32 s3, s0;
	s1 =	sshll.u32 s1, $0x11  }
0xbd: {  	s0 =	sor.u32 s1, s0  }
0xbe: {  	s0 =	sadd.s32 $0x8F2B, s0  }
0xbf: {  	[sflag:s0] =	ssyncadd.remote.s32 $0x1  }
0xc0: {  	_ =	sfence.sel $0xFFFF  }
0xc1: {  	[dreg:$0x0] =	wrdreg $0xFFFFFFFF;
	(pc) =	sbr.abs _section_cstart, $3  }
0xc2: {  	[dreg:$0x1] =	wrdreg $0xFFFFFFFF  }
0xc3: {  	_ =	task.clear_ibuf [dreg:s6], $0x2FFFF;
	_ =	strace $0x9FFFFFFF  }
0xc4: {  	(tm) =	ssettm $0x7FFFFFFF  }
0xc5: {  	_ =	shalt  }
tec
execute0_lowered:
.L_overlay_start_1:
0x0: {  	(tag) =	ssettag $0x1  }
0x1: {  	s6 =	rddreg [dreg:$0x0];
	_ =	strace $0x80000053;
	s5 =	simm.s32 $0x1  }
0x2: {  	v0 =	vimm.s32 $0x0;
	[sflag:s5] =	ssyncpa.u1 $0x0  }
0x3: {  	[tilespmem:$0x28] =	vst v0  }
0x4: {  	[tilespmem:$0x38] =	vst v0  }
0x5: {  	[tilespmem:$0x48] =	vst v0  }
0x6: {  	[tilespmem:$0x58] =	vst v0  }
0x7: {  	[tilespmem:$0x68] =	vst v0  }
0x8: {  	[tilespmem:$0x78] =	vst v0  }
0x9: {  	[tilespmem:$0x88] =	vst v0  }
0xa: {  	[tilespmem:$0x98] =	vst v0  }
0xb: {  	[tilespmem:$0xA8] =	vst v0  }
0xc: {  	[tilespmem:$0xB8] =	vst v0  }
0xd: {  	[tilespmem:$0xC8] =	vst v0  }
0xe: {  	[tilespmem:$0xD8] =	vst v0  }
0xf: {  	[tilespmem:$0xE8] =	vst v0  }
0x10: {  	[tilespmem:$0xF8] =	vst v0  }
0x11: {  	[tilespmem:$0x108] =	vst v0  }
0x12: {  	[tilespmem:$0x118] =	vst v0  }
0x13: {  	[tilespmem:$0x128] =	vst v0  }
0x14: {  	[tilespmem:$0x138] =	vst v0  }
0x15: {  	[tilespmem:$0x148] =	vst v0  }
0x16: {  	[tilespmem:$0x158] =	vst v0  }
0x17: {  	[tilespmem:$0x168] =	vst v0  }
0x18: {  	[tilespmem:$0x178] =	vst v0  }
0x19: {  	[tilespmem:$0x188] =	vst v0  }
0x1a: {  	[tilespmem:$0x198] =	vst v0  }
0x1b: {  	[tilespmem:$0x1A8] =	vst v0  }
0x1c: {  	[tilespmem:$0x1B8] =	vst v0  }
0x1d: {  	[tilespmem:$0x1C8] =	vst v0  }
0x1e: {  	[tilespmem:$0x1D8] =	vst v0  }
0x1f: {  	[tilespmem:$0x1E8] =	vst v0  }
0x20: {  	[tilespmem:$0x1F8] =	vst v0  }
0x21: {  	[tilespmem:$0x208] =	vst v0  }
0x22: {  	[tilespmem:$0x218] =	vst v0  }
0x23: {  	[tilespmem:$0x228] =	vst v0  }
0x24: {  	[tilespmem:$0x238] =	vst v0  }
0x25: {  	[tilespmem:$0x248] =	vst v0  }
0x26: {  	[tilespmem:$0x258] =	vst v0  }
0x27: {  	[tilespmem:$0x268] =	vst v0  }
0x28: {  	[tilespmem:$0x278] =	vst v0  }
0x29: {  	[tilespmem:$0x288] =	vst v0  }
0x2a: {  	[tilespmem:$0x298] =	vst v0  }
0x2b: {  	[tilespmem:$0x2A8] =	vst v0  }
0x2c: {  	[tilespmem:$0x2B8] =	vst v0  }
0x2d: {  	[tilespmem:$0x2C8] =	vst v0  }
0x2e: {  	[tilespmem:$0x2D8] =	vst v0  }
0x2f: {  	[tilespmem:$0x2E8] =	vst v0  }
0x30: {  	[tilespmem:$0x2F8] =	vst v0  }
0x31: {  	[tilespmem:$0x308] =	vst v0  }
0x32: {  	[tilespmem:$0x318] =	vst v0  }
0x33: {  	[tilespmem:$0x328] =	vst v0  }
0x34: {  	[tilespmem:$0x338] =	vst v0  }
0x35: {  	[tilespmem:$0x348] =	vst v0  }
0x36: {  	[tilespmem:$0x358] =	vst v0  }
0x37: {  	[tilespmem:$0x368] =	vst v0  }
0x38: {  	[tilespmem:$0x378] =	vst v0  }
0x39: {  	[tilespmem:$0x388] =	vst v0  }
0x3a: {  	[tilespmem:$0x398] =	vst v0  }
0x3b: {  	[tilespmem:$0x3A8] =	vst v0  }
0x3c: {  	[tilespmem:$0x3B8] =	vst v0  }
0x3d: {  	[tilespmem:$0x3C8] =	vst v0  }
0x3e: {  	[tilespmem:$0x3D8] =	vst v0  }
0x3f: {  	[tilespmem:$0x3E8] =	vst v0  }
0x40: {  	[tilespmem:$0x3F8] =	vst v0  }
0x41: {  	[tilespmem:$0x408] =	vst v0  }
0x42: {  	[tilespmem:$0x418] =	vst v0  }
0x43: {  	[tilespmem:$0x428] =	vst v0  }
0x44: {  	[tilespmem:$0x438] =	vst v0  }
0x45: {  	[tilespmem:$0x448] =	vst v0  }
0x46: {  	[tilespmem:$0x458] =	vst v0  }
0x47: {  	[tilespmem:$0x468] =	vst v0  }
0x48: {  	[tilespmem:$0x478] =	vst v0  }
0x49: {  	[tilespmem:$0x488] =	vst v0  }
0x4a: {  	[tilespmem:$0x498] =	vst v0  }
0x4b: {  	[tilespmem:$0x4A8] =	vst v0  }
0x4c: {  	[tilespmem:$0x4B8] =	vst v0  }
0x4d: {  	[tilespmem:$0x4C8] =	vst v0  }
0x4e: {  	[tilespmem:$0x4D8] =	vst v0  }
0x4f: {  	[tilespmem:$0x4E8] =	vst v0  }
0x50: {  	[tilespmem:$0x4F8] =	vst v0  }
0x51: {  	[tilespmem:$0x508] =	vst v0  }
0x52: {  	[tilespmem:$0x518] =	vst v0  }
0x53: {  	[tilespmem:$0x528] =	vst v0  }
0x54: {  	[tilespmem:$0x538] =	vst v0  }
0x55: {  	[tilespmem:$0x548] =	vst v0  }
0x56: {  	[tilespmem:$0x558] =	vst v0  }
0x57: {  	[tilespmem:$0x568] =	vst v0  }
0x58: {  	[tilespmem:$0x578] =	vst v0  }
0x59: {  	[tilespmem:$0x588] =	vst v0  }
0x5a: {  	[tilespmem:$0x598] =	vst v0  }
0x5b: {  	[tilespmem:$0x5A8] =	vst v0  }
0x5c: {  	[tilespmem:$0x5B8] =	vst v0  }
0x5d: {  	[tilespmem:$0x5C8] =	vst v0  }
0x5e: {  	[tilespmem:$0x5D8] =	vst v0  }
0x5f: {  	[tilespmem:$0x5E8] =	vst v0  }
0x60: {  	[tilespmem:$0x5F8] =	vst v0  }
0x61: {  	[tilespmem:$0x608] =	vst v0  }
0x62: {  	[tilespmem:$0x618] =	vst v0  }
0x63: {  	[tilespmem:$0x628] =	vst v0  }
0x64: {  	[tilespmem:$0x638] =	vst v0  }
0x65: {  	[tilespmem:$0x648] =	vst v0  }
0x66: {  	[tilespmem:$0x658] =	vst v0  }
0x67: {  	[tilespmem:$0x668] =	vst v0  }
0x68: {  	[tilespmem:$0x678] =	vst v0  }
0x69: {  	[tilespmem:$0x688] =	vst v0  }
0x6a: {  	[tilespmem:$0x698] =	vst v0  }
0x6b: {  	[tilespmem:$0x6A8] =	vst v0  }
0x6c: {  	[tilespmem:$0x6B8] =	vst v0  }
0x6d: {  	[tilespmem:$0x6C8] =	vst v0  }
0x6e: {  	[tilespmem:$0x6D8] =	vst v0  }
0x6f: {  	[tilespmem:$0x6E8] =	vst v0  }
0x70: {  	[tilespmem:$0x6F8] =	vst v0  }
0x71: {  	[tilespmem:$0x708] =	vst v0  }
0x72: {  	[tilespmem:$0x718] =	vst v0  }
0x73: {  	[tilespmem:$0x728] =	vst v0  }
0x74: {  	[tilespmem:$0x738] =	vst v0  }
0x75: {  	[tilespmem:$0x748] =	vst v0  }
0x76: {  	[tilespmem:$0x758] =	vst v0  }
0x77: {  	[tilespmem:$0x768] =	vst v0  }
0x78: {  	[tilespmem:$0x778] =	vst v0  }
0x79: {  	[tilespmem:$0x788] =	vst v0  }
0x7a: {  	[tilespmem:$0x798] =	vst v0  }
0x7b: {  	[tilespmem:$0x7A8] =	vst v0  }
0x7c: {  	[tilespmem:$0x7B8] =	vst v0  }
0x7d: {  	[tilespmem:$0x7C8] =	vst v0  }
0x7e: {  	[tilespmem:$0x7D8] =	vst v0  }
0x7f: {  	[tilespmem:$0x7E8] =	vst v0  }
0x80: {  	[tilespmem:$0x7F8] =	vst v0  }
0x81: {  	[tilespmem:$0x808] =	vst v0  }
0x82: {  	[tilespmem:$0x818] =	vst v0  }
0x83: {  	[tilespmem:$0x828] =	vst v0  }
0x84: {  	[tilespmem:$0x838] =	vst v0  }
0x85: {  	[tilespmem:$0x848] =	vst v0  }
0x86: {  	[tilespmem:$0x858] =	vst v0  }
0x87: {  	[tilespmem:$0x868] =	vst v0  }
0x88: {  	[tilespmem:$0x878] =	vst v0  }
0x89: {  	[tilespmem:$0x888] =	vst v0  }
0x8a: {  	[tilespmem:$0x898] =	vst v0  }
0x8b: {  	[tilespmem:$0x8A8] =	vst v0  }
0x8c: {  	[tilespmem:$0x8B8] =	vst v0  }
0x8d: {  	[tilespmem:$0x8C8] =	vst v0  }
0x8e: {  	[tilespmem:$0x8D8] =	vst v0  }
0x8f: {  	[tilespmem:$0x8E8] =	vst v0  }
0x90: {  	[tilespmem:$0x8F8] =	vst v0  }
0x91: {  	[tilespmem:$0x908] =	vst v0  }
0x92: {  	[tilespmem:$0x918] =	vst v0  }
0x93: {  	[tilespmem:$0x928] =	vst v0  }
0x94: {  	[tilespmem:$0x938] =	vst v0  }
0x95: {  	[tilespmem:$0x948] =	vst v0  }
0x96: {  	[tilespmem:$0x958] =	vst v0  }
0x97: {  	[tilespmem:$0x968] =	vst v0  }
0x98: {  	[tilespmem:$0x978] =	vst v0  }
0x99: {  	[tilespmem:$0x988] =	vst v0  }
0x9a: {  	[tilespmem:$0x998] =	vst v0  }
0x9b: {  	[tilespmem:$0x9A8] =	vst v0  }
0x9c: {  	[tilespmem:$0x9B8] =	vst v0  }
0x9d: {  	[tilespmem:$0x9C8] =	vst v0  }
0x9e: {  	[tilespmem:$0x9D8] =	vst v0  }
0x9f: {  	[tilespmem:$0x9E8] =	vst v0  }
0xa0: {  	[tilespmem:$0x9F8] =	vst v0  }
0xa1: {  	[tilespmem:$0xA08] =	vst v0  }
0xa2: {  	[tilespmem:$0xA18] =	vst v0  }
0xa3: {  	[tilespmem:$0xA28] =	vst v0  }
0xa4: {  	[tilespmem:$0xA38] =	vst v0  }
0xa5: {  	[tilespmem:$0xA48] =	vst v0  }
0xa6: {  	[tilespmem:$0xA58] =	vst v0  }
0xa7: {  	[tilespmem:$0xA68] =	vst v0  }
0xa8: {  	[tilespmem:$0xA78] =	vst v0  }
0xa9: {  	[tilespmem:$0xA88] =	vst v0  }
0xaa: {  	[tilespmem:$0xA98] =	vst v0  }
0xab: {  	[tilespmem:$0xAA8] =	vst v0  }
0xac: {  	[tilespmem:$0xAB8] =	vst v0  }
0xad: {  	[tilespmem:$0xAC8] =	vst v0  }
0xae: {  	[tilespmem:$0xAD8] =	vst v0  }
0xaf: {  	[tilespmem:$0xAE8] =	vst v0  }
0xb0: {  	[tilespmem:$0xAF8] =	vst v0  }
0xb1: {  	[tilespmem:$0xB08] =	vst v0  }
0xb2: {  	[tilespmem:$0xB18] =	vst v0  }
0xb3: {  	[tilespmem:$0xB28] =	vst v0  }
0xb4: {  	[tilespmem:$0xB38] =	vst v0  }
0xb5: {  	[tilespmem:$0xB48] =	vst v0  }
0xb6: {  	[tilespmem:$0xB58] =	vst v0  }
0xb7: {  	[tilespmem:$0xB68] =	vst v0  }
0xb8: {  	[tilespmem:$0xB78] =	vst v0  }
0xb9: {  	[tilespmem:$0xB88] =	vst v0  }
0xba: {  	[tilespmem:$0xB98] =	vst v0  }
0xbb: {  	[tilespmem:$0xBA8] =	vst v0  }
0xbc: {  	[tilespmem:$0xBB8] =	vst v0  }
0xbd: {  	[tilespmem:$0xBC8] =	vst v0  }
0xbe: {  	[tilespmem:$0xBD8] =	vst v0  }
0xbf: {  	[tilespmem:$0xBE8] =	vst v0  }
0xc0: {  	[tilespmem:$0xBF8] =	vst v0  }
0xc1: {  	[tilespmem:$0xC08] =	vst v0  }
0xc2: {  	[tilespmem:$0xC18] =	vst v0  }
0xc3: {  	[tilespmem:$0xC28] =	vst v0  }
0xc4: {  	[tilespmem:$0xC38] =	vst v0  }
0xc5: {  	[tilespmem:$0xC48] =	vst v0  }
0xc6: {  	[tilespmem:$0xC58] =	vst v0  }
0xc7: {  	[tilespmem:$0xC68] =	vst v0  }
0xc8: {  	[tilespmem:$0xC78] =	vst v0  }
0xc9: {  	[tilespmem:$0xC88] =	vst v0  }
0xca: {  	[tilespmem:$0xC98] =	vst v0  }
0xcb: {  	[tilespmem:$0xCA8] =	vst v0  }
0xcc: {  	[tilespmem:$0xCB8] =	vst v0  }
0xcd: {  	[tilespmem:$0xCC8] =	vst v0  }
0xce: {  	[tilespmem:$0xCD8] =	vst v0  }
0xcf: {  	[tilespmem:$0xCE8] =	vst v0  }
0xd0: {  	[tilespmem:$0xCF8] =	vst v0  }
0xd1: {  	[tilespmem:$0xD08] =	vst v0  }
0xd2: {  	[tilespmem:$0xD18] =	vst v0  }
0xd3: {  	[tilespmem:$0xD28] =	vst v0  }
0xd4: {  	[tilespmem:$0xD38] =	vst v0  }
0xd5: {  	[tilespmem:$0xD48] =	vst v0  }
0xd6: {  	[tilespmem:$0xD58] =	vst v0  }
0xd7: {  	[tilespmem:$0xD68] =	vst v0  }
0xd8: {  	[tilespmem:$0xD78] =	vst v0  }
0xd9: {  	[tilespmem:$0xD88] =	vst v0  }
0xda: {  	[tilespmem:$0xD98] =	vst v0  }
0xdb: {  	[tilespmem:$0xDA8] =	vst v0  }
0xdc: {  	[tilespmem:$0xDB8] =	vst v0  }
0xdd: {  	[tilespmem:$0xDC8] =	vst v0  }
0xde: {  	[tilespmem:$0xDD8] =	vst v0  }
0xdf: {  	[tilespmem:$0xDE8] =	vst v0  }
0xe0: {  	[tilespmem:$0xDF8] =	vst v0  }
0xe1: {  	[tilespmem:$0xE08] =	vst v0  }
0xe2: {  	[tilespmem:$0xE18] =	vst v0  }
0xe3: {  	[tilespmem:$0xE28] =	vst v0  }
0xe4: {  	[tilespmem:$0xE38] =	vst v0  }
0xe5: {  	[tilespmem:$0xE48] =	vst v0  }
0xe6: {  	[tilespmem:$0xE58] =	vst v0  }
0xe7: {  	[tilespmem:$0xE68] =	vst v0  }
0xe8: {  	[tilespmem:$0xE78] =	vst v0  }
0xe9: {  	[tilespmem:$0xE88] =	vst v0  }
0xea: {  	[tilespmem:$0xE98] =	vst v0  }
0xeb: {  	[tilespmem:$0xEA8] =	vst v0  }
0xec: {  	[tilespmem:$0xEB8] =	vst v0  }
0xed: {  	[tilespmem:$0xEC8] =	vst v0  }
0xee: {  	[tilespmem:$0xED8] =	vst v0  }
0xef: {  	[tilespmem:$0xEE8] =	vst v0  }
0xf0: {  	[tilespmem:$0xEF8] =	vst v0  }
0xf1: {  	[tilespmem:$0xF08] =	vst v0  }
0xf2: {  	[tilespmem:$0xF18] =	vst v0  }
0xf3: {  	[tilespmem:$0xF28] =	vst v0  }
0xf4: {  	[tilespmem:$0xF38] =	vst v0  }
0xf5: {  	[tilespmem:$0xF48] =	vst v0  }
0xf6: {  	[tilespmem:$0xF58] =	vst v0  }
0xf7: {  	[tilespmem:$0xF68] =	vst v0  }
0xf8: {  	[tilespmem:$0xF78] =	vst v0  }
0xf9: {  	[tilespmem:$0xF88] =	vst v0  }
0xfa: {  	[tilespmem:$0xF98] =	vst v0  }
0xfb: {  	[tilespmem:$0xFA8] =	vst v0  }
0xfc: {  	[tilespmem:$0xFB8] =	vst v0  }
0xfd: {  	[tilespmem:$0xFC8] =	vst v0  }
0xfe: {  	[tilespmem:$0xFD8] =	vst v0  }
0xff: {  	[tilespmem:$0xFE8] =	vst v0  }
0x100: {  	[tilespmem:$0xFF8] =	vst v0  }
0x101: {  	[tilespmem:$0x1008] =	vst v0  }
0x102: {  	[tilespmem:$0x10E8] =	vst v0  }
0x103: {  	[tilespmem:$0x1C28] =	vst v0  }
0x104: {  	[tilespmem:$0x1C18] =	vst v0  }
0x105: {  	[tilespmem:$0x1C08] =	vst v0  }
0x106: {  	[tilespmem:$0x1BF8] =	vst v0  }
0x107: {  	[tilespmem:$0x1BE8] =	vst v0  }
0x108: {  	[tilespmem:$0x1BD8] =	vst v0  }
0x109: {  	[tilespmem:$0x1BC8] =	vst v0  }
0x10a: {  	[tilespmem:$0x1BB8] =	vst v0  }
0x10b: {  	[tilespmem:$0x1BA8] =	vst v0  }
0x10c: {  	[tilespmem:$0x1B98] =	vst v0  }
0x10d: {  	[tilespmem:$0x1B88] =	vst v0  }
0x10e: {  	[tilespmem:$0x1B78] =	vst v0  }
0x10f: {  	[tilespmem:$0x1B68] =	vst v0  }
0x110: {  	[tilespmem:$0x1B58] =	vst v0  }
0x111: {  	[tilespmem:$0x1B48] =	vst v0  }
0x112: {  	[tilespmem:$0x1B38] =	vst v0  }
0x113: {  	[tilespmem:$0x1B28] =	vst v0  }
0x114: {  	[tilespmem:$0x1B18] =	vst v0  }
0x115: {  	[tilespmem:$0x1B08] =	vst v0  }
0x116: {  	[tilespmem:$0x1AF8] =	vst v0  }
0x117: {  	[tilespmem:$0x1AE8] =	vst v0  }
0x118: {  	[tilespmem:$0x1AD8] =	vst v0  }
0x119: {  	[tilespmem:$0x1AC8] =	vst v0  }
0x11a: {  	[tilespmem:$0x1AB8] =	vst v0  }
0x11b: {  	[tilespmem:$0x1AA8] =	vst v0  }
0x11c: {  	[tilespmem:$0x1A98] =	vst v0  }
0x11d: {  	[tilespmem:$0x1A88] =	vst v0  }
0x11e: {  	[tilespmem:$0x1A78] =	vst v0  }
0x11f: {  	[tilespmem:$0x1A68] =	vst v0  }
0x120: {  	[tilespmem:$0x1A58] =	vst v0  }
0x121: {  	[tilespmem:$0x1A48] =	vst v0  }
0x122: {  	[tilespmem:$0x1A38] =	vst v0  }
0x123: {  	[tilespmem:$0x1A28] =	vst v0  }
0x124: {  	[tilespmem:$0x1A18] =	vst v0  }
0x125: {  	[tilespmem:$0x1A08] =	vst v0  }
0x126: {  	[tilespmem:$0x19F8] =	vst v0  }
0x127: {  	[tilespmem:$0x19E8] =	vst v0  }
0x128: {  	[tilespmem:$0x19D8] =	vst v0  }
0x129: {  	[tilespmem:$0x19C8] =	vst v0  }
0x12a: {  	[tilespmem:$0x19B8] =	vst v0  }
0x12b: {  	[tilespmem:$0x19A8] =	vst v0  }
0x12c: {  	[tilespmem:$0x1998] =	vst v0  }
0x12d: {  	[tilespmem:$0x1988] =	vst v0  }
0x12e: {  	[tilespmem:$0x1978] =	vst v0  }
0x12f: {  	[tilespmem:$0x1968] =	vst v0  }
0x130: {  	[tilespmem:$0x1958] =	vst v0  }
0x131: {  	[tilespmem:$0x1948] =	vst v0  }
0x132: {  	[tilespmem:$0x1938] =	vst v0  }
0x133: {  	[tilespmem:$0x1928] =	vst v0  }
0x134: {  	[tilespmem:$0x1918] =	vst v0  }
0x135: {  	[tilespmem:$0x1908] =	vst v0  }
0x136: {  	[tilespmem:$0x18F8] =	vst v0  }
0x137: {  	[tilespmem:$0x18E8] =	vst v0  }
0x138: {  	[tilespmem:$0x18D8] =	vst v0  }
0x139: {  	[tilespmem:$0x18C8] =	vst v0  }
0x13a: {  	[tilespmem:$0x18B8] =	vst v0  }
0x13b: {  	[tilespmem:$0x18A8] =	vst v0  }
0x13c: {  	[tilespmem:$0x1898] =	vst v0  }
0x13d: {  	[tilespmem:$0x1888] =	vst v0  }
0x13e: {  	[tilespmem:$0x1878] =	vst v0  }
0x13f: {  	[tilespmem:$0x1868] =	vst v0  }
0x140: {  	[tilespmem:$0x1858] =	vst v0  }
0x141: {  	[tilespmem:$0x1848] =	vst v0  }
0x142: {  	[tilespmem:$0x1838] =	vst v0  }
0x143: {  	[tilespmem:$0x1828] =	vst v0  }
0x144: {  	[tilespmem:$0x1818] =	vst v0  }
0x145: {  	[tilespmem:$0x1808] =	vst v0  }
0x146: {  	[tilespmem:$0x17F8] =	vst v0  }
0x147: {  	[tilespmem:$0x17E8] =	vst v0  }
0x148: {  	[tilespmem:$0x17D8] =	vst v0  }
0x149: {  	[tilespmem:$0x17C8] =	vst v0  }
0x14a: {  	[tilespmem:$0x17B8] =	vst v0  }
0x14b: {  	[tilespmem:$0x17A8] =	vst v0  }
0x14c: {  	[tilespmem:$0x1798] =	vst v0  }
0x14d: {  	[tilespmem:$0x1788] =	vst v0  }
0x14e: {  	[tilespmem:$0x1778] =	vst v0  }
0x14f: {  	[tilespmem:$0x1768] =	vst v0  }
0x150: {  	[tilespmem:$0x1758] =	vst v0  }
0x151: {  	[tilespmem:$0x1748] =	vst v0  }
0x152: {  	[tilespmem:$0x1738] =	vst v0  }
0x153: {  	[tilespmem:$0x1728] =	vst v0  }
0x154: {  	[tilespmem:$0x1718] =	vst v0  }
0x155: {  	[tilespmem:$0x1708] =	vst v0  }
0x156: {  	[tilespmem:$0x16F8] =	vst v0  }
0x157: {  	[tilespmem:$0x16E8] =	vst v0  }
0x158: {  	[tilespmem:$0x16D8] =	vst v0  }
0x159: {  	[tilespmem:$0x16C8] =	vst v0  }
0x15a: {  	[tilespmem:$0x16B8] =	vst v0  }
0x15b: {  	[tilespmem:$0x16A8] =	vst v0  }
0x15c: {  	[tilespmem:$0x1698] =	vst v0  }
0x15d: {  	[tilespmem:$0x1688] =	vst v0  }
0x15e: {  	[tilespmem:$0x1678] =	vst v0  }
0x15f: {  	[tilespmem:$0x1668] =	vst v0  }
0x160: {  	[tilespmem:$0x1658] =	vst v0  }
0x161: {  	[tilespmem:$0x1648] =	vst v0  }
0x162: {  	[tilespmem:$0x1638] =	vst v0  }
0x163: {  	[tilespmem:$0x1628] =	vst v0  }
0x164: {  	[tilespmem:$0x1618] =	vst v0  }
0x165: {  	[tilespmem:$0x1608] =	vst v0  }
0x166: {  	[tilespmem:$0x15F8] =	vst v0  }
0x167: {  	[tilespmem:$0x15E8] =	vst v0  }
0x168: {  	[tilespmem:$0x15D8] =	vst v0  }
0x169: {  	[tilespmem:$0x15C8] =	vst v0  }
0x16a: {  	[tilespmem:$0x15B8] =	vst v0  }
0x16b: {  	[tilespmem:$0x15A8] =	vst v0  }
0x16c: {  	[tilespmem:$0x1598] =	vst v0  }
0x16d: {  	[tilespmem:$0x1588] =	vst v0  }
0x16e: {  	[tilespmem:$0x1578] =	vst v0  }
0x16f: {  	[tilespmem:$0x1568] =	vst v0  }
0x170: {  	[tilespmem:$0x1558] =	vst v0  }
0x171: {  	[tilespmem:$0x1548] =	vst v0  }
0x172: {  	[tilespmem:$0x1538] =	vst v0  }
0x173: {  	[tilespmem:$0x1528] =	vst v0  }
0x174: {  	[tilespmem:$0x1518] =	vst v0  }
0x175: {  	[tilespmem:$0x1508] =	vst v0  }
0x176: {  	[tilespmem:$0x14F8] =	vst v0  }
0x177: {  	[tilespmem:$0x14E8] =	vst v0  }
0x178: {  	[tilespmem:$0x14D8] =	vst v0  }
0x179: {  	[tilespmem:$0x14C8] =	vst v0  }
0x17a: {  	[tilespmem:$0x14B8] =	vst v0  }
0x17b: {  	[tilespmem:$0x14A8] =	vst v0  }
0x17c: {  	[tilespmem:$0x1498] =	vst v0  }
0x17d: {  	[tilespmem:$0x1488] =	vst v0  }
0x17e: {  	[tilespmem:$0x1478] =	vst v0  }
0x17f: {  	[tilespmem:$0x1468] =	vst v0  }
0x180: {  	[tilespmem:$0x1458] =	vst v0  }
0x181: {  	[tilespmem:$0x1448] =	vst v0  }
0x182: {  	[tilespmem:$0x1438] =	vst v0  }
0x183: {  	[tilespmem:$0x1428] =	vst v0  }
0x184: {  	[tilespmem:$0x1418] =	vst v0  }
0x185: {  	[tilespmem:$0x1408] =	vst v0  }
0x186: {  	[tilespmem:$0x13F8] =	vst v0  }
0x187: {  	[tilespmem:$0x13E8] =	vst v0  }
0x188: {  	[tilespmem:$0x13D8] =	vst v0  }
0x189: {  	[tilespmem:$0x13C8] =	vst v0  }
0x18a: {  	[tilespmem:$0x13B8] =	vst v0  }
0x18b: {  	[tilespmem:$0x13A8] =	vst v0  }
0x18c: {  	[tilespmem:$0x1398] =	vst v0  }
0x18d: {  	[tilespmem:$0x1388] =	vst v0  }
0x18e: {  	[tilespmem:$0x1378] =	vst v0  }
0x18f: {  	[tilespmem:$0x1368] =	vst v0  }
0x190: {  	[tilespmem:$0x1358] =	vst v0  }
0x191: {  	[tilespmem:$0x1348] =	vst v0  }
0x192: {  	[tilespmem:$0x1338] =	vst v0  }
0x193: {  	[tilespmem:$0x1328] =	vst v0  }
0x194: {  	[tilespmem:$0x1318] =	vst v0  }
0x195: {  	[tilespmem:$0x1308] =	vst v0  }
0x196: {  	[tilespmem:$0x12F8] =	vst v0  }
0x197: {  	[tilespmem:$0x12E8] =	vst v0  }
0x198: {  	[tilespmem:$0x12D8] =	vst v0  }
0x199: {  	[tilespmem:$0x12C8] =	vst v0  }
0x19a: {  	[tilespmem:$0x12B8] =	vst v0  }
0x19b: {  	[tilespmem:$0x12A8] =	vst v0  }
0x19c: {  	[tilespmem:$0x1298] =	vst v0  }
0x19d: {  	[tilespmem:$0x1288] =	vst v0  }
0x19e: {  	[tilespmem:$0x1278] =	vst v0  }
0x19f: {  	[tilespmem:$0x1268] =	vst v0  }
0x1a0: {  	[tilespmem:$0x1258] =	vst v0  }
0x1a1: {  	[tilespmem:$0x1248] =	vst v0  }
0x1a2: {  	[tilespmem:$0x1238] =	vst v0  }
0x1a3: {  	[tilespmem:$0x1228] =	vst v0  }
0x1a4: {  	[tilespmem:$0x1218] =	vst v0  }
0x1a5: {  	[tilespmem:$0x1208] =	vst v0  }
0x1a6: {  	[tilespmem:$0x11F8] =	vst v0  }
0x1a7: {  	[tilespmem:$0x11E8] =	vst v0  }
0x1a8: {  	[tilespmem:$0x11D8] =	vst v0  }
0x1a9: {  	[tilespmem:$0x11C8] =	vst v0  }
0x1aa: {  	[tilespmem:$0x11B8] =	vst v0  }
0x1ab: {  	[tilespmem:$0x11A8] =	vst v0  }
0x1ac: {  	[tilespmem:$0x1198] =	vst v0  }
0x1ad: {  	[tilespmem:$0x1188] =	vst v0  }
0x1ae: {  	[tilespmem:$0x1178] =	vst v0  }
0x1af: {  	[tilespmem:$0x1168] =	vst v0  }
0x1b0: {  	[tilespmem:$0x1158] =	vst v0  }
0x1b1: {  	s3 =	srdreg.scid;
	[tilespmem:$0x1148] =	vst v0  }
0x1b2: {  	s3 =	sshll.u32 s3, $0x4;
	[tilespmem:$0x1138] =	vst v0  }
0x1b3: {  	s4 =	stileid.u32;
	s3 =	sand.u32 $0x10, s3;
	[tilespmem:$0x1128] =	vst v0  }
0x1b4: {  	[tilespmem:$0x1118] =	vst v0;
	s3 =	sor.u32 s4, s3  }
0x1b5: {  	[tilespmem:$0x1108] =	vst v0;
	s7 =	smul.u32 $0x16, s3  }
0x1b6: {  	s8 =	smin.u32 s3, $0x1C;
	[tilespmem:$0x10F8] =	vst v0  }
0x1b7: {  	[tilespmem:$0x10C8] =	vst v0;
	s7 =	sadd.s32 s8, s7  }
0x1b8: {  	[tilespmem:$0x10D8] =	vst v0;
	p0 =	slt.u32 s3, $0x1C;
	s8 =	simm.s32 $0x2840;
	s7 =	smul.u32 $0x1C0, s7  }
0x1b9: {  	s8 =	simm.s32 @!p0 $0x2680;
	[tilespmem:$0x10B8] =	vst v0  }
0x1ba: {  	[tilespmem:$0x1048] =	vst v0;
	s29 =	sadd.s32 s8, s7  }
0x1bb: {  	[tilespmem:$0x10A8] =	vst v0;
	s8 =	smin.u32 s29, $0x50100  }
0x1bc: {  	[tilespmem:$0x1098] =	vst v0;
	s12 =	ssub.s32 s8, s7  }
0x1bd: {  	[tilespmem:$0x1088] =	vst v0;
	p0 =	sgt.s32 s12, $0x0  }
0x1be: {  	[tilespmem:$0x1078] =	vst v0;
	s12 =	simm.s32 @!p0 $0x0  }
0x1bf: {  	[tilespmem:$0x1068] =	vst v0;
	s30 =	smulhi.u32 $0x92492493, s12  }
0x1c0: {  	[tilespmem:$0x1058] =	vst v0  }
0x1c1: {  	s9 =	simm.s32 $0x2;
	[tilespmem:$0x1028] =	vst v0;
	s13 =	sshrl.u32 s30, $0x8  }
0x1c2: {  	s11 =	simm.s32 $0x9;
	s15 =	simm.s32 $0x0;
	[tilespmem:$0x1038] =	vst v0;
	s14 =	smul.u32 $0x1C0, s13  }
.Ltmp0:
0x1c3: {  	s31 =	sshll.u32 s4, $0x5;
	[tilespmem:$0x1018] =	vst v0;
	[sflag:s9] =	ssyncpa.u1 $0x0;
	v0 =	vimm.s32 $0xFFFFFFFF;
	(pc) =	sbr.rel .LBB2_1-.Ltmp0, $4  }
0x1c4: {  	s10 =	sadd.s32 $0x1AFE00, s6;
	[dreg:$0x4] =	wrdreg s31;
	[tilespmem:$0x3848] =	vst v0;
	[sflag:s11] =	ssyncpa.u1 $0x0  }
0x1c5: {  	s3 =	sadd.s32 $0xC000, s6;
	s6 =	sadd.s32 $0x6B9E00, s6;
	p0 =	sne.s32 s12, s14  }
0x1c6: {  	s12 =	simm.s32 $0xA;
	s14 =	simm.s32 $0x0;
	s5 =	simm.s32 @!p0 $0x0  }
0x1c7: {  	v0 =	vlaneseq.u32;
	p0 =	por $0x0, $0x0;
	s5 =	sadd.s32 s5, s13;
	s13 =	smov.u32 s7  }
.LBB2_12:
0x1c8: {  	_ =	swait.ge [sflag:s9], $0x0  }
0x1c9: {  	s16 =	simm.s32 $0x0;
	[sflag:s9] =	ssyncset.done $0x0  }
.LBB2_13:
0x1ca: {  	_ =	swait.ge [sflag:s12], s16  }
0x1cb: {  	s0 =	ssub.s32 $0x0, s16;
	v1 =	vmov s17;
	vm0 =	veq.s32 v0, $0x0;
	[sflag:s12] =	ssyncset.done $0x0  }
0x1cc: {  	vm15 =	veq.s32 v0, $0x2;
	v1 =	vsel vm0, s22, v1;
	[sflag:s12] =	ssyncadd.s32 s0  }
0x1cd: {  	v1 =	vsel vm15, s15, v1;
	[sflag:s12] =	ssyncpa.u1 $0x1  }
0x1ce: {  	[tilespmem:$0x3848] =	vst v1  }
.LBB2_14:
0x1cf: {  	s0 =	sadd.s32 $0x1C0, s13  }
0x1d0: {  	s1 =	smov.u32 s7;
	p1 =	slt.s32 s0, s8  }
0x1d1: {  	s1 =	smov.u32 @p1 s0;
	p1 =	sne.s32 s14, s5  }
.Ltmp1:
0x1d2: {  	_ = 	snop;
	(pc) =	sbr.rel @!p1 .LBB2_15-.Ltmp1, $3  }
0x1d3: {  	_ =	sdelay $0x1  }
0x1d4: {  	s31 =	sadd.s32 $0x1, s14;
	s15 =	smov.u32 s13  }
0x1d5: {  	p0 =	por !p0, !p0;
	s14 =	smov.u32 s31;
	s13 =	smov.u32 s1  }
.LBB2_1:
0x1d6: {  	p1 =	sge.u32 s14, s5  }
0x1d7: {  	p2 =	sgt.s32 @!p1 s13, $0x4FF40  }
0x1d8: {  	s16 =	smov.u32 s13;
	s17 =	sshra.s32 @!p1 s13, $0x1F;
	p2 =	por !p2, p1  }
0x1d9: {  	s17 =	sand.u32 @!p1 s17, s13;
	s16 =	simm.s32 @p2 $0x4FF40  }
0x1da: {  	s16 =	ssub.s32 @!p1 s16, s17  }
0x1db: {  	s17 =	sxor.u32 @!p1 $0xFFFFFFFF, s14;
	s16 =	sadd.s32 @!p1 $0xFFFB00C0, s16  }
0x1dc: {  	s17 =	sand.u32 @!p1 $0x1, s17;
	s18 =	sshll.u32 @!p1 s16, $0x2  }
0x1dd: {  	p2 =	sgt.s32 @!p1 s16, $0x1BF;
	s16 =	ssub.s32 @!p1 $0x700, s18;
	s18 =	smul.u32 @!p1 $0x700, s17  }
0x1de: {  	s19 =	sshrl.u32 @!p1 s13, $0x3;
	s20 =	sand.u32 @!p1 $0x7, s13  }
0x1df: {  	p2 =	por !p2, p1;
	s16 =	sshrl.u32 @!p1 s16, $0x2;
	s18 =	sshrl.u32 @!p1 s18, $0x2  }
0x1e0: {  	s19 =	sadd.s32 @!p1 s10, s19;
	s16 =	simm.s32 @!p2 $0x0;
	s18 =	sadd.s32 @!p1 $0x3A88, s18  }
0x1e1: {  	[tilespmem:s18], [sflag:$0x9] =	stream.linear.gather @!p1 [hbm4b:s19+s20], s16, $0x38;
	[tilespmem:$0x1FE08] =	vst v63  }
0x1e2: {  	s16 =	ssub.s32 @!p1 $0x50000, s13  }
0x1e3: {  	p2 =	sgt.s32 @!p1 s16, $0x0  }
0x1e4: {  	s17 =	smul.u32 @!p1 $0x38000, s17;
	p2 =	por !p2, p1  }
0x1e5: {  	s16 =	simm.s32 @p2 $0x0  }
0x1e6: {  	s17 =	sshrl.u32 @!p1 s17, $0x2;
	s18 =	sshll.u32 @!p1 s13, $0x4;
	s16 =	smin.u32 @!p1 s16, $0x1C0  }
0x1e7: {  	s17 =	sadd.s32 @!p1 $0x3E08, s17;
	s18 =	sadd.s32 @!p1 s6, s18;
	s16 =	sshll.u32 @!p1 s16, $0x7  }
0x1e8: {  	[tilespmem:s17], [sflag:$0x9] =	stream.linear.gather @!p1 [hbm:s18], s16, $0x38;
	[tilespmem:$0x1FE08] =	vst v63  }
0x1e9: {  	p1 =	seq.s32 s14, $0x0  }
.Ltmp2:
0x1ea: {  	_ = 	snop;
	(pc) =	sbr.rel @p1 .LBB2_14-.Ltmp2, $1  }
0x1eb: {  	_ =	sdelay $0x3  }
0x1ec: {  	p1 =	sgt.s32 s15, $0x4FF40  }
0x1ed: {  	s16 =	smov.u32 s15;
	s17 =	sshra.s32 s15, $0x1F;
	s21 =	ssub.s32 $0x50000, s15  }
0x1ee: {  	s16 =	simm.s32 @!p1 $0x4FF40;
	s17 =	sand.u32 s17, s15;
	p1 =	sgt.s32 s21, $0x0  }
0x1ef: {  	s16 =	ssub.s32 s16, s17;
	s21 =	simm.s32 @!p1 $0x0  }
0x1f0: {  	s16 =	sadd.s32 $0xFFFB00C0, s16;
	s29 =	smin.u32 s21, $0x1C0  }
0x1f1: {  	s18 =	sshll.u32 s16, $0x2;
	s17 =	sshll.u32 s29, $0x7  }
0x1f2: {  	p1 =	sgt.s32 s16, $0x1BF;
	s30 =	ssub.s32 $0x700, s18;
	_ =	swait.ge [sflag:s11], s17  }
0x1f3: {  	s17 =	ssub.s32 $0x0, s17;
	[sflag:s11] =	ssyncset.done $0x0;
	s16 =	sshrl.u32 s30, $0x2  }
0x1f4: {  	[sflag:s11] =	ssyncadd.s32 s17;
	s16 =	simm.s32 @p1 $0x0  }
0x1f5: {  	_ =	swait.ge [sflag:s11], s16  }
0x1f6: {  	s16 =	ssub.s32 $0x0, s16;
	[sflag:s11] =	ssyncset.done $0x0  }
0x1f7: {  	[sflag:s11] =	ssyncadd.s32 s16  }
0x1f8: {  	v1 =	vld [tilespmem:$0x3848];
	_ =	sdelay $0x4  }
0x1f9: {  	(v2sf) =	vpush v1, $0x0  }
0x1fa: {  	(v2sf) =	vpush v1, $0x1  }
0x1fb: {  	(v2sf) =	vpush v1, $0x2;
	_ =	sdelay $0x3  }
0x1fc: {  	s16 =	sadd.s32 $0x1C0, s15  }
0x1fd: {  	p1 =	slt.s32 s8, s16  }
0x1fe: {  	s16 =	smov.u32 @p1 s8  }
0x1ff: {  	s20 =	ssub.s32 s16, s15  }
0x200: {  	p1 =	slt.s32 s21, s20  }
0x201: {  	s20 =	smov.u32 @p1 s21  }
0x202: {  	s18 =	simm.s32 $0x1;
	p1 =	slt.s32 s20, $0x1  }
.Ltmp3:
0x203: {  	s18 =	simm.s32 @!p0 $0x0;
	(pc) =	sbr.rel @p1 .LBB2_6-.Ltmp3, $4  }
0x204: {  	s31 =	smul.u32 $0x700, s18  }
0x205: {  	s19 =	spop (v2sf)  }
0x206: {  	s15 =	sshrl.u32 s31, $0x2;
	s21 =	spop (v2sf)  }
0x207: {  	s16 =	sadd.s32 $0x3A88, s15;
	s15 =	spop (v2sf)  }
0x208: {  	s17 =	smin.u32 s20, $0x10  }
0x209: {  	v1 =	vmov s17  }
0x20a: {  	p2 =	sgt.s32 s20, $0x10;
	vm1 =	vgt.u32 v1, v0  }
.Ltmp4:
0x20b: {  	_ = 	snop;
	(pc) =	sbr.rel @!p2 .LBB2_5-.Ltmp4, $2  }
0x20c: {  	_ =	sdelay $0x2  }
0x20d: {  	s22 =	simm.s32 $0x10;
	s23 =	sadd.s32 $0xFFFFFFF0, s20;
	s17 =	smov.u32 s16;
	vm0 =	vmmov vm1  }
.LBB2_4:
0x20e: {  	s24 =	smin.u32 s23, $0x10;
	s22 =	sadd.s32 $0x10, s22;
	v1 =	vld.msk [tilespmem:s17+$0x0 ss:$0x1], vm1  }
0x20f: {  	v2 =	vmov s24;
	p2 =	slt.s32 s22, s20  }
0x210: {  	vm1 =	vgt.u32 v2, v0  }
.Ltmp5:
0x211: {  	(pc) =	sbr.rel @p2 .LBB2_4-.Ltmp5, $3  }
0x212: {  	_ =	sdelay $0x1  }
0x213: {  	v1 =	vshll.u32 v1, $0x4  }
0x214: {  	s23 =	sadd.s32 $0xFFFFFFF0, s23;
	[tilespmem:s17+$0x0] =	vst.msk vm0, v1;
	s17 =	sadd.s32 $0x10, s17;
	vm0 =	vmmov vm1  }
.LBB2_5:
0x215: {  	_ =	sdelay $0x4  }
0x216: {  	v1 =	vld.msk [tilespmem:s17+$0x0 ss:$0x1], vm1;
	_ =	sdelay $0x4  }
0x217: {  	v1 =	vshll.u32 v1, $0x4  }
0x218: {  	[tilespmem:s17+$0x0] =	vst.msk vm0, v1  }
.LBB2_6:
0x219: {  	s17 =	sand.u32 $0x1, s14  }
0x21a: {  	s17 =	smul.u32 $0x1C0, s17  }
0x21b: {  	p2 =	sne.s32 s21, $0xFFFFFFFF  }
0x21c: {  	v1 =	vld.msk @!p2 [tilespmem:s17+$0x3A88], $0x1;
	_ =	sdelay $0x4  }
0x21d: {  	(v2sf) =	vpush @!p2 v1, $0x0;
	_ =	sdelay $0xc  }
.Ltmp6:
0x21e: {  	_ = 	snop;
	(pc) =	sbr.rel @p1 .LBB2_12-.Ltmp6, $4  }
0x21f: {  	_ = 	snop  }
0x220: {  	s22 =	spop @!p2 (v2sf)  }
0x221: {  	s15 =	simm.s32 @!p2 $0x0;
	s17 =	smov.u32 s22  }
0x222: {  	[sflag:s12] =	ssyncpa.u1 $0x0;
	s22 =	smov.u32 @p2 s19;
	s17 =	smov.u32 @p2 s21  }
0x223: {  	v1 =	vld.msk [tilespmem:s16+$0x0], $0x1;
	_ =	sdelay $0x4  }
0x224: {  	(v2sf) =	vpush v1, $0x0;
	_ =	sdelay $0xe  }
0x225: {  	s24 =	spop (v2sf)  }
0x226: {  	p1 =	seq.s32 s22, s24  }
0x227: {  	p2 =	sgt.s32 @!p1 s22, $0x0  }
0x228: {  	s23 =	smov.u32 s22;
	s21 =	sadd.s32 $0xFFFFFFFF, s20;
	p2 =	por !p2, p1  }
0x229: {  	s18 =	smul.u32 $0x38000, s18;
	s23 =	simm.s32 @p2 $0x0;
	p2 =	sne.s32 s21, $0x0  }
.Ltmp7:
0x22a: {  	_ = 	snop;
	(pc) =	sbr.rel @!p2 .LBB2_9-.Ltmp7, $4  }
0x22b: {  	s19 =	simm.s32 $0x0;
	s18 =	sshrl.u32 s18, $0x2  }
0x22c: {  	s18 =	sadd.s32 $0x3E08, s18;
	s25 =	simm.s32 @!p1 $0x1;
	s23 =	smin.u32 @!p1 s23, $0x27FFF  }
0x22d: {  	s26 =	simm.s32 @!p1 $0x1C38;
	s25 =	smov.u32 @p1 s19;
	s29 =	sand.u32 @!p1 $0x3FFF8, s23  }
0x22e: {  	s28 =	sand.u32 @!p1 $0x7, s23;
	s23 =	sadd.s32 $0x1, s16;
	s29 =	sadd.s32 @!p1 s3, s29  }
.LBB2_8:
0x22f: {  	s30 =	smov.u32 s25  }
0x230: {  	[tilespmem:s26], [sflag:$0x2] =	stream.linear.gather @!p1 [hbm4b:s29+s28], $0x8, $0x38;
	[tilespmem:$0x1FE08] =	vst v63  }
0x231: {  	s21 =	sadd.s32 $0xFFFFFFFF, s21;
	s28 =	smov.u32 s24;
	v1 =	vld.msk [tilespmem:s23+$0x0], $0x1  }
0x232: {  	p2 =	sne.s32 s21, $0x0;
	_ =	sdelay $0x3  }
0x233: {  	(v2sf) =	vpush v1, $0x0;
	_ =	sdelay $0xe  }
0x234: {  	s24 =	spop (v2sf)  }
0x235: {  	p1 =	seq.s32 s28, s24  }
0x236: {  	p3 =	sgt.s32 @!p1 s28, $0x0;
	s26 =	sshll.u32 @!p1 s25, $0x6;
	s25 =	sadd.s32 @!p1 $0x1, s25  }
.Ltmp8:
0x237: {  	p3 =	por !p3, p1;
	s26 =	sshra.s32 @!p1 s26, $0x2;
	(pc) =	sbr.rel @p2 .LBB2_8-.Ltmp8, $4  }
0x238: {  	s25 =	smov.u32 @p1 s30;
	s28 =	simm.s32 @p3 $0x0;
	s26 =	sadd.s32 @!p1 $0x1C38, s26  }
0x239: {  	s28 =	smin.u32 @!p1 s28, $0x27FFF  }
0x23a: {  	s29 =	sand.u32 @!p1 $0x3FFF8, s28;
	s28 =	sand.u32 @!p1 $0x7, s28  }
0x23b: {  	s23 =	sadd.s32 $0x1, s23;
	s29 =	sadd.s32 @!p1 s3, s29  }
.LBB2_9:
0x23c: {  	[tilespmem:s26], [sflag:$0x2] =	stream.linear.gather @!p1 [hbm4b:s29+s28], $0x8, $0x38;
	[tilespmem:$0x1FE08] =	vst v63  }
0x23d: {  	s21 =	sshll.u32 s25, $0x3  }
0x23e: {  	s21 =	sand.u32 $0x3FFFFFF8, s21  }
0x23f: {  	_ =	swait.ge [sflag:s9], s21  }
0x240: {  	s21 =	ssub.s32 $0x0, s21;
	[sflag:s9] =	ssyncset.done $0x0  }
0x241: {  	[sflag:s9] =	ssyncadd.s32 s21  }
0x242: {  	v1 =	vld.msk [tilespmem:s16+$0x0], $0x1;
	_ =	sdelay $0x4  }
0x243: {  	(v2sf) =	vpush v1, $0x0;
	_ =	sdelay $0xe  }
0x244: {  	s21 =	spop (v2sf)  }
0x245: {  	p1 =	sne.s32 s22, s21  }
0x246: {  	p3 =	sne.s32 @p1 s22, s17  }
0x247: {  	p2 =	por !p3, !p1  }
0x248: {  	s23 =	simm.s32 @!p2 $0x0  }
0x249: {  	v1 =	vld.msk @!p2 [tilespmem:s23+$0x1C38], $0xff  }
0x24a: {  	p4 =	sgt.u32 @!p2 s22, $0x27FFF  }
0x24b: {  	s24 =	sshll.u32 @!p2 s15, $0x6;
	p5 =	por @p1 p4, !p3  }
0x24c: {  	s24 =	sshra.s32 @!p2 s24, $0x2;
	p6 =	por p5, !p1;
	p5 =	por p3, !p1  }
0x24d: {  	s25 =	sadd.s32 @!p2 $0x28, s24;
	s26 =	sand.u32 @!p6 $0x3FFF8, s22;
	s28 =	sshll.u32 @!p5 s15, $0x6  }
0x24e: {  	s22 =	sand.u32 @!p6 $0x7, s22;
	[tilespmem:s24+$0x28] =	vst.add.f32.msk @!p2 $0xff, v1;
	s24 =	sadd.s32 @!p6 s3, s26;
	s26 =	sshra.s32 @!p5 s28, $0x2  }
0x24f: {  	[hbm4b:s24+s22] =	stream.linear.scatter @!p6 [tilespmem:s25], [sflag:$0xA], $0x8, $0x38;
	[tilespmem:$0x1FE08] =	vst v63  }
0x250: {  	s23 =	rddreg [dreg:$0x4];
	s22 =	sadd.s32 @!p5 $0x28, s26;
	s24 =	simm.s32 @!p5 $0x1  }
0x251: {  	[spmem:s23] =	stream.linear.scatter @!p5 [tilespmem:s22], [sflag:$0x1], $0x8, $0x38;
	[tilespmem:$0x1FE08] =	vst v63  }
0x252: {  	s22 =	sadd.s32 @p1 $0x1, s15;
	_ =	swait.ge @!p5 [sflag:s24], $0x8  }
0x253: {  	s23 =	sshrl.u32 @p1 s22, $0x6;
	[sflag:s24] =	ssyncset.done @!p5 $0x0  }
0x254: {  	s23 =	smulhi.u32 @p1 $0x24924925, s23;
	[sflag:s24] =	ssyncadd.s32 @!p5 $0xFFFFFFF8  }
0x255: {  	s20 =	sadd.s32 $0xFFFFFFFF, s20;
	v1 =	vld.msk @p1 [tilespmem:s18+$0x0], $0xff  }
0x256: {  	p4 =	por @p1 !p4, !p3;
	p3 =	sne.s32 s20, $0x0;
	s23 =	smul.u32 @p1 $0x1C0, s23  }
.Ltmp9:
0x257: {  	p4 =	por !p4, !p1;
	s24 =	simm.s32 @!p2 $0x0;
	(pc) =	sbr.rel @!p3 .LBB2_11-.Ltmp9, $4  }
0x258: {  	s25 =	sshll.u32 @!p1 s15, $0x6;
	s24 =	simm.s32 @!p4 $0x20;
	s22 =	ssub.s32 @p1 s22, s23  }
0x259: {  	s26 =	simm.s32 @p1 $0x1;
	s24 =	sadd.s32 @!p2 $0x0, s24;
	s23 =	sshll.u32 @p1 s22, $0x4  }
0x25a: {  	s24 =	smov.u32 @p2 s19;
	s15 =	smov.u32 @p1 s22;
	s22 =	simm.s32 $0x0;
	[tilespmem:s23+$0x28] =	vst.msk @p1 $0xff, v1  }
0x25b: {  	s19 =	smov.u32 @p1 s26;
	s22 =	smov.u32 @p1 s24;
	s23 =	sshra.s32 @!p1 s25, $0x2;
	v1 =	vld.msk @!p1 [tilespmem:s18+$0x0], $0xff  }
.LBB2_10:
0x25c: {  	_ =	sdelay $0x3  }
0x25d: {  	s16 =	sadd.s32 $0x1, s16;
	[tilespmem:s23+$0x28] =	vst.add.f32.msk @!p1 $0xff, v1  }
0x25e: {  	v1 =	vld.msk [tilespmem:s16+$0x0], $0x1;
	_ =	sdelay $0x4  }
0x25f: {  	(v2sf) =	vpush v1, $0x0;
	_ =	sdelay $0xe  }
0x260: {  	s24 =	smov.u32 s21;
	s21 =	spop (v2sf)  }
0x261: {  	p1 =	sne.s32 s24, s21  }
0x262: {  	p4 =	sne.s32 @p1 s24, s17  }
0x263: {  	p3 =	por !p4, !p1  }
0x264: {  	s29 =	sshll.u32 @!p3 s19, $0x6  }
0x265: {  	s29 =	sshra.s32 @!p3 s29, $0x2  }
0x266: {  	p5 =	sgt.u32 @!p3 s24, $0x27FFF;
	v1 =	vld.msk @!p3 [tilespmem:s29+$0x1C38], $0xff  }
0x267: {  	s30 =	sshll.u32 @!p3 s15, $0x6;
	p6 =	por @p1 p5, !p4;
	p5 =	por @p1 !p5, !p4  }
0x268: {  	s31 =	simm.s32 @!p3 $0x0;
	s30 =	sshra.s32 @!p3 s30, $0x2;
	p5 =	por !p5, !p1  }
0x269: {  	p4 =	por p4, !p1;
	s31 =	simm.s32 @!p5 $0x20;
	p5 =	por p6, !p1  }
0x26a: {  	s29 =	sadd.s32 @!p3 $0x28, s30;
	s2 =	sshll.u32 @!p4 s15, $0x6;
	s1 =	sand.u32 @!p5 $0x3FFF8, s24  }
0x26b: {  	s2 =	sshra.s32 @!p4 s2, $0x2;
	s24 =	sand.u32 @!p5 $0x7, s24;
	s1 =	sadd.s32 @!p5 s3, s1;
	[tilespmem:s30+$0x28] =	vst.add.f32.msk @!p3 $0xff, v1  }
0x26c: {  	[hbm4b:s1+s24] =	stream.linear.scatter @!p5 [tilespmem:s29], [sflag:$0xA], $0x8, $0x38;
	[tilespmem:$0x1FE08] =	vst v63  }
0x26d: {  	s25 =	rddreg [dreg:$0x4];
	s1 =	sadd.s32 @!p4 $0x28, s2;
	s2 =	simm.s32 @!p4 $0x1  }
0x26e: {  	[spmem:s25] =	stream.linear.scatter @!p4 [tilespmem:s1], [sflag:$0x1], $0x8, $0x38;
	[tilespmem:$0x1FE08] =	vst v63  }
0x26f: {  	s26 =	sadd.s32 @p1 $0x1, s15;
	_ =	swait.ge @!p4 [sflag:s2], $0x8  }
0x270: {  	s28 =	sshrl.u32 @p1 s26, $0x6;
	[sflag:s2] =	ssyncset.done @!p4 $0x0  }
0x271: {  	s18 =	sadd.s32 $0x80, s18;
	s28 =	smulhi.u32 @p1 $0x24924925, s28;
	[sflag:s2] =	ssyncadd.s32 @!p4 $0xFFFFFFF8  }
0x272: {  	s20 =	sadd.s32 $0xFFFFFFFF, s20;
	v1 =	vld.msk @p1 [tilespmem:s18+$0x0], $0xff  }
0x273: {  	p2 =	sne.s32 s20, $0x0;
	s28 =	smul.u32 @p1 $0x1C0, s28  }
.Ltmp10:
0x274: {  	_ = 	snop;
	(pc) =	sbr.rel @p2 .LBB2_10-.Ltmp10, $4  }
0x275: {  	s26 =	ssub.s32 @p1 s26, s28  }
0x276: {  	s23 =	sshll.u32 @!p1 s15, $0x6;
	s31 =	sadd.s32 @!p3 s31, s22;
	s24 =	sshll.u32 @p1 s26, $0x4  }
0x277: {  	s0 =	sadd.s32 @p1 $0x1, s19;
	s23 =	sshra.s32 @!p1 s23, $0x2;
	s31 =	smov.u32 @p3 s22;
	[tilespmem:s24+$0x28] =	vst.msk @p1 $0xff, v1  }
0x278: {  	s19 =	smov.u32 @p1 s0;
	s15 =	smov.u32 @p1 s26;
	s22 =	smov.u32 @p1 s31;
	v1 =	vld.msk @!p1 [tilespmem:s18+$0x0], $0xff  }
.LBB2_11:
.Ltmp11:
0x279: {  	_ = 	snop;
	(pc) =	sbr.rel .LBB2_13-.Ltmp11, $2  }
0x27a: {  	_ =	sdelay $0x2  }
0x27b: {  	s16 =	sshrl.u32 s22, $0x2;
	s22 =	smov.u32 s21;
	[tilespmem:s23+$0x28] =	vst.add.f32.msk @!p1 $0xff, v1  }
.LBB2_15:
0x27c: {  	_ =	sfence.sel $0x180000  }
0x27d: {  	s0 =	simm.s32 $0x9;
	[bflag:$0x0] =	sbarrier.arrive $0xFFFF  }
0x27e: {  	s26 =	simm.s32 $0x2;
	[sflag:s0] =	ssyncpa.u1 $0x1  }
0x27f: {  	[sflag:s26] =	ssyncpa.u1 $0x1  }
0x280: {  	v0 =	vld [tilespmem:$0x3848];
	_ =	sdelay $0x4  }
0x281: {  	(v2sf) =	vpush v0, $0x0  }
0x282: {  	(v2sf) =	vpush v0, $0x1;
	_ =	sdelay $0x1  }
0x283: {  	(v2sf) =	vpush v0, $0x2;
	_ =	sdelay $0xb  }
0x284: {  	s0 =	spop (v2sf)  }
0x285: {  	s1 =	spop (v2sf)  }
0x286: {  	s2 =	smov.u32 s0;
	p0 =	sne.s32 s0, s1  }
0x287: {  	s5 =	spop (v2sf);
	s2 =	simm.s32 @!p0 $0xFFFFFFFF  }
0x288: {  	v2 =	vimm.s32 $0x1;
	v3 =	vlaneseq.u32;
	p0 =	seq.s32 s5, $0xFFFFFFFF;
	v1 =	vmov s2  }
0x289: {  	v0 =	vperm.xlane v0, v2;
	p1 =	sne.s32 @!p0 s0, s1;
	v1 =	vperm.xlane v1, v3  }
0x28a: {  	vm0 =	vcmask $0x3F04;
	s7 =	simm.s32 $0x3848;
	s0 =	simm.s32 @!p0 $0x1;
	p1 =	por !p1, p0  }
0x28b: {  	s2 =	sshll.u32 s4, $0x1;
	s1 =	sshll.u32 @!p0 s5, $0x6;
	s0 =	simm.s32 @p1 $0x0;
	v0 =	vsel vm0, v1, v0  }
0x28c: {  	s6 =	sor.u32 $0x200, s2;
	s1 =	sshra.s32 @!p0 s1, $0x2;
	s0 =	sor.u32 @!p0 s0, s2;
	[tilespmem:$0x3848] =	vst v0  }
0x28d: {  	[spmem:s6] =	stream.linear.scatter [tilespmem:s7], [sflag:$0x1], $0x2, $0x38;
	[tilespmem:$0x1FE08] =	vst v63  }
0x28e: {  	s1 =	sadd.s32 @!p0 $0x28, s1;
	s0 =	sshll.u32 @!p0 s0, $0x4  }
0x28f: {  	[spmem:s0] =	stream.linear.scatter @!p0 [tilespmem:s1], [sflag:$0x1], $0x10, $0x38;
	[tilespmem:$0x1FE08] =	vst v63  }
0x290: {  	s0 =	simm.s32 @!p0 $0x12  }
0x291: {  	s28 =	simm.s32 $0x1;
	s0 =	simm.s32 @p0 $0x2  }
0x292: {  	_ =	swait.ge [sflag:s28], s0  }
0x293: {  	s0 =	ssub.s32 $0x0, s0;
	[sflag:s28] =	ssyncset.done $0x0  }
0x294: {  	[sflag:s28] =	ssyncadd.s32 s0  }
0x295: {  	p0 =	sne.s32 s4, $0x0;
	_ =	sfence.stream.spmem  }
.Ltmp12:
0x296: {  	s29 =	simm.s32 $0x3;
	[bflag:$0x0] =	sbarrier.arrive $0xFFFF;
	(pc) =	sbr.rel @p0 .LBB2_32-.Ltmp12, $4  }
0x297: {  	s30 =	simm.s32 $0x4;
	[sflag:s29] =	ssyncpa.u1 $0x1  }
0x298: {  	[sflag:s30] =	ssyncpa.u1 $0x1  }
0x299: {  	s31 =	simm.s32 $0x3C;
	s16 =	rddreg [dreg:$0x1]  }
0x29a: {  	[sflag:s31] =	ssyncpa.u1 $0x1;
	s5 =	sand.u32 $0x1, s16  }
0x29b: {  	_ =	sfence.stream.spmem;
	s0 =	simm.s32 $0x5  }
0x29c: {  	s1 =	simm.s32 $0x200;
	s2 =	simm.s32 $0x3858;
	[sflag:s0] =	ssyncpa.u1 $0x0  }
0x29d: {  	[tilespmem:s2], [sflag:$0x5] =	stream.linear.gather [spmem:s1], $0x20, $0x38;
	[tilespmem:$0x1FE08] =	vst v63  }
0x29e: {  	s26 =	simm.s32 $0x0;
	s28 =	simm.s32 $0x3878  }
0x29f: {  	[tilespmem:s28], [sflag:$0x5] =	stream.linear.gather [spmem:s26], $0x200, $0x38;
	[tilespmem:$0x1FE08] =	vst v63  }
0x2a0: {  	_ =	swait.ge [sflag:s0], $0x220  }
0x2a1: {  	[sflag:s0] =	ssyncset.done $0x0  }
0x2a2: {  	s29 =	simm.s32 $0x0;
	[sflag:s0] =	ssyncadd.s32 $0xFFFFFDE0  }
0x2a3: {  	v0 =	vld.msk [tilespmem:s29+$0x3858], $0x1;
	_ =	sdelay $0x1  }
0x2a4: {  	s30 =	simm.s32 $0x1  }
0x2a5: {  	v1 =	vld.msk [tilespmem:s30+$0x3858], $0x1;
	_ =	sdelay $0x1  }
0x2a6: {  	(v2sf) =	vpush v0, $0x0;
	_ =	sdelay $0x2  }
0x2a7: {  	(v2sf) =	vpush v1, $0x0;
	_ =	sdelay $0x2  }
0x2a8: {  	s31 =	simm.s32 $0x2  }
0x2a9: {  	v0 =	vld.msk [tilespmem:s31+$0x3858], $0x1;
	_ =	sdelay $0x2  }
0x2aa: {  	s7 =	simm.s32 $0xFFFFFFFF;
	s6 =	simm.s32 $0xC;
	s8 =	simm.s32 $0xFFFFFFFF  }
.LBB2_17:
0x2ab: {  	s0 =	smov.u32 s8;
	s1 =	smov.u32 s7  }
0x2ac: {  	s2 =	sshra.s32 s6, $0x2;
	p1 =	sne.s32 s6, $0x7C;
	s6 =	sadd.s32 $0x4, s6;
	(v2sf) =	vpush v0, $0x0  }
0x2ad: {  	v0 =	vld.msk [tilespmem:s2+$0x3858], $0x1  }
.Ltmp13:
0x2ae: {  	(pc) =	sbr.rel @p1 .LBB2_17-.Ltmp13, $4  }
0x2af: {  	s8 =	spop (v2sf)  }
0x2b0: {  	p2 =	sne.s32 s7, $0xFFFFFFFF;
	s7 =	smov.u32 s8  }
0x2b1: {  	p3 =	seq.s32 s8, $0xFFFFFFFF;
	s7 =	smov.u32 @p2 s1  }
0x2b2: {  	s8 =	smov.u32 @p3 s0;
	s7 =	smov.u32 @p3 s1  }
0x2b3: {  	(v2sf) =	vpush v0, $0x0;
	_ =	sdelay $0x8  }
0x2b4: {  	s0 =	spop (v2sf)  }
0x2b5: {  	p1 =	sne.s32 s7, $0xFFFFFFFF;
	s1 =	smov.u32 s0  }
0x2b6: {  	s9 =	simm.s32 $0x6;
	p2 =	seq.s32 s0, $0xFFFFFFFF;
	s1 =	smov.u32 @p1 s7  }
0x2b7: {  	s10 =	simm.s32 $0x3838;
	s1 =	smov.u32 @p2 s7;
	s2 =	spop (v2sf)  }
0x2b8: {  	s0 =	smov.u32 @p2 s8;
	p1 =	sne.s32 s1, $0xFFFFFFFF;
	s6 =	smov.u32 s2  }
.Ltmp14:
0x2b9: {  	p2 =	seq.s32 s2, $0xFFFFFFFF;
	s6 =	smov.u32 @p1 s1;
	(pc) =	sbr.rel .LBB2_19-.Ltmp14, $4  }
0x2ba: {  	s11 =	simm.s32 $0x0;
	s6 =	smov.u32 @p2 s1;
	s7 =	spop (v2sf)  }
0x2bb: {  	[sflag:s9] =	ssyncpa.u1 $0x0;
	p1 =	sne.s32 s6, $0xFFFFFFFF;
	s8 =	smov.u32 s7  }
0x2bc: {  	s2 =	smov.u32 @p2 s0;
	p2 =	seq.s32 s7, $0xFFFFFFFF;
	s8 =	smov.u32 @p1 s6  }
0x2bd: {  	s7 =	smov.u32 @p2 s2;
	s8 =	smov.u32 @p2 s6;
	s6 =	simm.s32 $0x0  }
.LBB2_24:
0x2be: {  	p1 =	sgt.u32 s12, $0x27FFF  }
0x2bf: {  	p2 =	seq.s32 @!p1 s12, s8  }
0x2c0: {  	p1 =	por p1, p2  }
0x2c1: {  	p2 =	sne.s32 @!p1 s12, s7  }
0x2c2: {  	p1 =	por p1, !p2  }
0x2c3: {  	s12 =	sshll.u32 @p1 s11, $0x6  }
0x2c4: {  	s0 =	sand.u32 @!p1 $0x3FFF8, s12  }
0x2c5: {  	s1 =	sand.u32 @!p1 $0x7, s12;
	s0 =	sadd.s32 @!p1 s3, s0  }
0x2c6: {  	[tilespmem:s10], [sflag:$0x6] =	stream.linear.gather @!p1 [hbm4b:s0+s1], $0x8, $0x38;
	[tilespmem:$0x1FE08] =	vst v63  }
0x2c7: {  	_ =	swait.ge @!p1 [sflag:s9], $0x8  }
0x2c8: {  	[sflag:s9] =	ssyncset.done @!p1 $0x0  }
0x2c9: {  	[sflag:s9] =	ssyncadd.s32 @!p1 $0xFFFFFFF8  }
0x2ca: {  	v1 =	vld @!p1 [tilespmem:$0x3838];
	_ =	sdelay $0x2  }
0x2cb: {  	s12 =	sshll.u32 @!p1 s11, $0x6  }
0x2cc: {  	s0 =	sshrl.u32 @!p1 s12, $0x2  }
0x2cd: {  	[tilespmem:s0+$0x3878] =	vst.add.f32.msk @!p1 $0xffff, v1  }
0x2ce: {  	s30 =	sshrl.u32 s12, $0x2;
	[tilespmem:s6+$0x3858] =	vst.msk $0x1, v0  }
0x2cf: {  	v0 =	vld [tilespmem:s30+$0x3878];
	_ =	sdelay $0x2  }
0x2d0: {  	s31 =	sshll.u32 s6, $0x6  }
0x2d1: {  	s0 =	sshra.s32 s31, $0x2  }
0x2d2: {  	s6 =	sadd.s32 $0x1, s6;
	[tilespmem:s0+$0x3878] =	vst v0  }
.LBB2_26:
0x2d3: {  	s11 =	sadd.s32 $0x1, s11  }
0x2d4: {  	p1 =	sne.s32 s11, $0x20  }
.Ltmp15:
0x2d5: {  	_ = 	snop;
	(pc) =	sbr.rel @!p1 .LBB2_27-.Ltmp15, $1  }
0x2d6: {  	_ =	sdelay $0x3  }
.LBB2_19:
0x2d7: {  	v0 =	vld.msk [tilespmem:s11+$0x3858], $0x1;
	_ =	sdelay $0x4  }
0x2d8: {  	(v2sf) =	vpush v0, $0x0;
	_ =	sdelay $0xe  }
0x2d9: {  	s12 =	spop (v2sf)  }
0x2da: {  	p1 =	seq.s32 s12, $0xFFFFFFFF  }
.Ltmp16:
0x2db: {  	_ = 	snop;
	(pc) =	sbr.rel @p1 .LBB2_26-.Ltmp16, $1  }
0x2dc: {  	_ =	sdelay $0x3  }
0x2dd: {  	p1 =	slt.s32 s6, $0x1  }
.Ltmp17:
0x2de: {  	_ = 	snop;
	(pc) =	sbr.rel @p1 .LBB2_24-.Ltmp17, $1  }
0x2df: {  	_ =	sdelay $0x3  }
0x2e0: {  	s13 =	simm.s32 $0x3858;
	p1 =	por $0x0, $0x0  }
0x2e1: {  	v1 =	vld.msk @!p1 [tilespmem:s13+$0x0], $0x1;
	_ =	sdelay $0x4  }
0x2e2: {  	(v2sf) =	vpush @!p1 v1, $0x0;
	_ =	sdelay $0xd  }
0x2e3: {  	p3 =	sne.s32 s6, $0x1  }
.Ltmp18:
0x2e4: {  	s0 =	spop @!p1 (v2sf);
	(pc) =	sbr.rel @!p3 .LBB2_23-.Ltmp18, $4  }
0x2e5: {  	p2 =	seq.s32 @!p1 s12, s0  }
0x2e6: {  	s14 =	simm.s32 $0x0;
	p2 =	por !p2, p1  }
0x2e7: {  	s0 =	simm.s32 $0xFFFFFFFF;
	s14 =	simm.s32 @p2 $0xFFFFFFFF  }
0x2e8: {  	s15 =	simm.s32 $0x1;
	s14 =	smov.u32 @p1 s0  }
.LBB2_22:
0x2e9: {  	s0 =	smov.u32 s14;
	p1 =	sne.s32 s14, $0xFFFFFFFF  }
0x2ea: {  	s13 =	sadd.s32 $0x1, s13;
	s14 =	smov.u32 s15;
	s15 =	sadd.s32 $0x1, s15  }
0x2eb: {  	p2 =	sne.s32 s6, s15;
	v1 =	vld.msk @!p1 [tilespmem:s13+$0x0], $0x1;
	_ =	sdelay $0x4  }
0x2ec: {  	(v2sf) =	vpush @!p1 v1, $0x0;
	_ =	sdelay $0xe  }
.Ltmp19:
0x2ed: {  	s1 =	spop @!p1 (v2sf);
	(pc) =	sbr.rel @p2 .LBB2_22-.Ltmp19, $4  }
0x2ee: {  	p3 =	seq.s32 @!p1 s12, s1  }
0x2ef: {  	p3 =	por !p3, p1  }
0x2f0: {  	s14 =	simm.s32 @p3 $0xFFFFFFFF  }
0x2f1: {  	s14 =	smov.u32 @p1 s0  }
.LBB2_23:
0x2f2: {  	p1 =	sne.s32 s14, $0xFFFFFFFF  }
.Ltmp20:
0x2f3: {  	_ = 	snop;
	(pc) =	sbr.rel @!p1 .LBB2_24-.Ltmp20, $1  }
0x2f4: {  	_ =	sdelay $0x3  }
0x2f5: {  	s0 =	sshll.u32 s11, $0x4  }
0x2f6: {  	s0 =	sand.u32 $0x3FFFFFF0, s0  }
0x2f7: {  	v0 =	vld [tilespmem:s0+$0x3878]  }
.Ltmp21:
0x2f8: {  	_ = 	snop;
	(pc) =	sbr.rel .LBB2_26-.Ltmp21, $4  }
0x2f9: {  	_ = 	snop  }
0x2fa: {  	s31 =	sshll.u32 s14, $0x6  }
0x2fb: {  	s0 =	sshra.s32 s31, $0x2  }
0x2fc: {  	[tilespmem:s0+$0x3878] =	vst.add.f32.msk $0xffff, v0  }
.LBB2_27:
0x2fd: {  	s0 =	simm.s32 $0x6;
	p1 =	seq.s32 s6, $0x0  }
0x2fe: {  	[sflag:s0] =	ssyncpa.u1 $0x1;
	v0 =	vimm.s32 @p1 $0xFFFFFFFF  }
0x2ff: {  	s9 =	sadd.s32 $0xFFFFFFFF, s6;
	[tilespmem:$0x3A78] =	vst @p1 v0  }
0x300: {  	v0 =	vld.msk @!p1 [tilespmem:s9+$0x3858], $0x1;
	_ =	sdelay $0x1  }
0x301: {  	v1 =	vld.msk @!p1 [tilespmem:$0x3858], $0x1;
	_ =	sdelay $0x2  }
0x302: {  	p2 =	seq.s32 @!p1 s9, $0x0;
	v0 =	vbroadcast @!p1 v0, $0x0  }
0x303: {  	vm0 =	vmmov @!p1 $0x1;
	p2 =	por !p2, p1  }
0x304: {  	v1 =	vnsel @!p1 vm0, $0xFFFFFFFF, v1;
	vm0 =	vcmask @!p1 $0x308;
	v0 =	vpsel !p2, $0xFFFFFFFF, v0  }
0x305: {  	p2 =	sne.s32 @!p1 s8, s7;
	v0 =	vsel @!p1 vm0, v1, v0  }
0x306: {  	s0 =	simm.s32 @!p1 $0x3878;
	s1 =	simm.s32 @!p1 $0x0;
	p3 =	por !p2, p1;
	[tilespmem:$0x3A78] =	vst @!p1 v0  }
0x307: {  	[spmem:s1] =	stream.linear.scatter @!p1 [tilespmem:s0], [sflag:$0x1], $0x10, $0x38;
	[tilespmem:$0x1FE08] =	vst v63  }
0x308: {  	s0 =	sshll.u32 @!p3 s9, $0x6  }
0x309: {  	s0 =	sshra.s32 @!p3 s0, $0x2  }
0x30a: {  	s1 =	simm.s32 @!p3 $0x10;
	s0 =	sadd.s32 @!p3 $0x3878, s0  }
0x30b: {  	[spmem:s1] =	stream.linear.scatter @!p3 [tilespmem:s0], [sflag:$0x1], $0x10, $0x38;
	[tilespmem:$0x1FE08] =	vst v63  }
0x30c: {  	s0 =	simm.s32 @!p3 $0x1  }
0x30d: {  	_ =	swait.ge @!p3 [sflag:s0], $0x20  }
0x30e: {  	p1 =	por p2, p1;
	[sflag:s0] =	ssyncset.done @!p3 $0x0  }
0x30f: {  	[sflag:s0] =	ssyncadd.s32 @!p3 $0xFFFFFFE0;
	s0 =	simm.s32 @!p1 $0x1  }
0x310: {  	_ =	swait.ge @!p1 [sflag:s0], $0x10  }
0x311: {  	s29 =	simm.s32 $0x3A78;
	[sflag:s0] =	ssyncset.done @!p1 $0x0  }
0x312: {  	s30 =	simm.s32 $0x200;
	s31 =	simm.s32 $0x1;
	[sflag:s0] =	ssyncadd.s32 @!p1 $0xFFFFFFF0  }
0x313: {  	[spmem:s30] =	stream.linear.scatter [tilespmem:s29], [sflag:$0x1], $0x10, $0x38;
	[tilespmem:$0x1FE08] =	vst v63  }
0x314: {  	_ =	swait.ge [sflag:s31], $0x10  }
0x315: {  	[sflag:s31] =	ssyncset.done $0x0  }
0x316: {  	p1 =	seq.s32 s5, $0x0;
	[sflag:s31] =	ssyncadd.s32 $0xFFFFFFF0  }
0x317: {  	s1 =	sshll.u32 @p1 s16, $0xE;
	s10 =	rddreg [dreg:$0x2]  }
0x318: {  	s0 =	sadd.s32 @p1 $0x15C3C, s1;
	s1 =	sshll.u32 @p1 s10, $0x11  }
0x319: {  	_ =	sfence.stream.spmem;
	s0 =	sor.u32 @p1 s1, s0  }
0x31a: {  	[sflag:s0] =	ssyncadd.remote.s32 @p1 $0x1;
	s0 =	simm.s32 @p1 $0x4  }
0x31b: {  	s2 =	simm.s32 @!p1 $0x3C;
	s1 =	sand.u32 $0xFFFFFFFE, s16;
	_ =	swait.ge @p1 [sflag:s0], $0x6  }
0x31c: {  	s7 =	simm.s32 @!p1 $0x0;
	s1 =	sadd.s32 @!p1 $0x4, s1;
	[sflag:s0] =	ssyncset.done @p1 $0x0  }
0x31d: {  	s8 =	simm.s32 @!p1 $0x20;
	[sflag:s0] =	ssyncadd.s32 @p1 $0xFFFFFFFA;
	s0 =	sshll.u32 @!p1 s1, $0x1A  }
0x31e: {  	s1 =	sshll.u32 @!p1 s1, $0xD;
	s0 =	sor.u32 @!p1 s0, s10;
	_ =	swait.eq @!p1 [sflag:s2], $0x1  }
0x31f: {  	s1 =	sor.u32 @!p1 $0x1C04, s1;
	s2 =	simm.s32 @!p1 $0x1C03;
	s0 =	sor.u32 @!p1 $0x80004000, s0  }
0x320: {  	[spmem:s8], [sflag:s1] =	dma.general @!p1 [spmem:s7], [sflag:s2], length:$0x4, [dreg:$0x0], stride_count:$0x0, ici_dest:s0, dma_misc:DstOpCode:WRITE  }
0x321: {  	p2 =	slt.s32 s9, $0x2;
	s7 =	simm.s32 @!p1 $0x40;
	s8 =	simm.s32 @!p1 $0x42  }
0x322: {  	[spmem:s8], [sflag:s1] =	dma.general @!p1 [spmem:s7], [sflag:s2], length:$0x2, [dreg:$0x0], stride_count:$0x0, ici_dest:s0, dma_misc:DstOpCode:WRITE  }
.Ltmp22:
0x323: {  	s0 =	simm.s32 @!p1 $0x3;
	(pc) =	sbr.rel @p2 .LBB2_31-.Ltmp22, $4  }
0x324: {  	s1 =	sshll.u32 @!p1 s16, $0xE;
	_ =	swait.ge @!p1 [sflag:s0], $0x6  }
0x325: {  	s2 =	sshll.u32 @!p1 s10, $0x11;
	s1 =	sadd.s32 @!p1 $0x11C3C, s1;
	[sflag:s0] =	ssyncset.done @!p1 $0x0  }
0x326: {  	[sflag:s0] =	ssyncadd.s32 @!p1 $0xFFFFFFFA;
	s0 =	sor.u32 @!p1 s2, s1  }
0x327: {  	s1 =	simm.s32 $0x0;
	[sflag:s0] =	ssyncadd.remote.s32 @!p1 $0xFFFFFFFF  }
0x328: {  	s0 =	simm.s32 $0x3859  }
0x329: {  	v0 =	vld.msk [tilespmem:s0+$0x0], $0x1;
	_ =	sdelay $0x4  }
0x32a: {  	(v2sf) =	vpush v0, $0x0;
	_ =	sdelay $0xc  }
0x32b: {  	s2 =	sadd.s32 $0xFFFFFFFE, s6  }
0x32c: {  	s2 =	sadd.s32 $0xFFFFFFFF, s2  }
0x32d: {  	p2 =	sne.s32 s2, $0x0;
	s0 =	spop (v2sf)  }
.Ltmp23:
0x32e: {  	p1 =	sgt.u32 s0, $0x27FFF;
	(pc) =	sbr.rel @!p2 .LBB2_30-.Ltmp23, $4  }
0x32f: {  	s1 =	simm.s32 $0x3888;
	s6 =	sand.u32 @!p1 $0x3FFF8, s0  }
0x330: {  	s8 =	simm.s32 $0x0;
	s0 =	sand.u32 @!p1 $0x7, s0;
	s6 =	sadd.s32 @!p1 s3, s6  }
0x331: {  	[hbm4b:s6+s0] =	stream.linear.scatter @!p1 [tilespmem:s1], [sflag:$0x5], $0x8, $0x38;
	[tilespmem:$0x1FE08] =	vst v63  }
0x332: {  	s7 =	simm.s32 $0x385A;
	s8 =	simm.s32 @!p1 $0x20;
	s6 =	simm.s32 $0x0  }
.LBB2_29:
0x333: {  	v0 =	vld.msk [tilespmem:s7+$0x0], $0x1;
	s2 =	sadd.s32 $0xFFFFFFFF, s2;
	s6 =	sadd.s32 s6, s8  }
0x334: {  	p1 =	sne.s32 s2, $0x0;
	_ =	sdelay $0x3  }
0x335: {  	(v2sf) =	vpush v0, $0x0;
	_ =	sdelay $0xe  }
.Ltmp24:
0x336: {  	s0 =	spop (v2sf);
	(pc) =	sbr.rel @p1 .LBB2_29-.Ltmp24, $4  }
0x337: {  	s8 =	simm.s32 $0x0;
	p2 =	sgt.u32 s0, $0x27FFF  }
0x338: {  	s1 =	sadd.s32 $0x10, s1;
	s8 =	simm.s32 @!p2 $0x20;
	s9 =	sand.u32 @!p2 $0x3FFF8, s0  }
0x339: {  	s7 =	sadd.s32 $0x1, s7;
	s0 =	sand.u32 @!p2 $0x7, s0;
	s9 =	sadd.s32 @!p2 s3, s9  }
0x33a: {  	[hbm4b:s9+s0] =	stream.linear.scatter @!p2 [tilespmem:s1], [sflag:$0x5], $0x8, $0x38;
	[tilespmem:$0x1FE08] =	vst v63  }
.LBB2_30:
0x33b: {  	s0 =	sadd.s32 s6, s8  }
0x33c: {  	s1 =	sshrl.u32 s0, $0x2  }
.LBB2_31:
0x33d: {  	s0 =	simm.s32 $0x5  }
0x33e: {  	_ =	swait.ge [sflag:s0], s1  }
0x33f: {  	s31 =	ssub.s32 $0x0, s1;
	[sflag:s0] =	ssyncset.done $0x0  }
0x340: {  	[sflag:s0] =	ssyncadd.s32 s31  }
0x341: {  	[sflag:s0] =	ssyncpa.u1 $0x1  }
.LBB2_32:
0x342: {  	s0 =	sor.u32 s5, s4  }
0x343: {  	p1 =	sne.s32 s0, $0x0  }
.Ltmp25:
0x344: {  	_ = 	snop;
	(pc) =	sbr.rel @p1 .LBB2_47-.Ltmp25, $3  }
0x345: {  	_ =	sdelay $0x1  }
0x346: {  	[bflag:$0x0] =	sbarrier.arrive $0xFFFF  }
0x347: {  	_ =	sfence  }
0x348: {  	s0 =	simm.s32 $0x7  }
0x349: {  	s1 =	simm.s32 $0x200;
	s2 =	simm.s32 $0x3858;
	[sflag:s0] =	ssyncpa.u1 $0x0  }
0x34a: {  	[tilespmem:s2], [sflag:$0x7] =	stream.linear.gather [spmem:s1], $0x20, $0x38;
	[tilespmem:$0x1FE08] =	vst v63  }
0x34b: {  	s30 =	simm.s32 $0x3878;
	s1 =	simm.s32 $0x0  }
0x34c: {  	[tilespmem:s30], [sflag:$0x7] =	stream.linear.gather [spmem:s1], $0x200, $0x38;
	[tilespmem:$0x1FE08] =	vst v63  }
.Ltmp26:
0x34d: {  	_ = 	snop;
	(pc) =	sbr.rel .LBB2_34-.Ltmp26, $4  }
0x34e: {  	_ =	swait.ge [sflag:s0], $0x220  }
0x34f: {  	[sflag:s0] =	ssyncset.done $0x0  }
0x350: {  	s31 =	simm.s32 $0x8;
	[sflag:s0] =	ssyncadd.s32 $0xFFFFFDE0  }
0x351: {  	s2 =	simm.s32 $0x0;
	[sflag:s31] =	ssyncpa.u1 $0x0  }
.LBB2_39:
0x352: {  	p1 =	slt.u32 s4, $0x28000  }
0x353: {  	s0 =	sand.u32 @p1 $0x3FFF8, s4  }
0x354: {  	s4 =	sand.u32 @p1 $0x7, s4;
	s5 =	simm.s32 @p1 $0x3838;
	s0 =	sadd.s32 @p1 s3, s0  }
0x355: {  	[tilespmem:s5], [sflag:$0x8] =	stream.linear.gather @p1 [hbm4b:s0+s4], $0x8, $0x38;
	[tilespmem:$0x1FE08] =	vst v63  }
0x356: {  	s0 =	simm.s32 @p1 $0x8  }
0x357: {  	_ =	swait.ge @p1 [sflag:s0], $0x8  }
0x358: {  	[sflag:s0] =	ssyncset.done @p1 $0x0  }
0x359: {  	[sflag:s0] =	ssyncadd.s32 @p1 $0xFFFFFFF8  }
0x35a: {  	v1 =	vld @p1 [tilespmem:$0x3838];
	_ =	sdelay $0x2  }
0x35b: {  	s0 =	sshll.u32 @p1 s2, $0x6  }
0x35c: {  	s5 =	sshll.u32 @!p1 s2, $0x6;
	s4 =	sshrl.u32 @p1 s0, $0x2  }
0x35d: {  	s5 =	smov.u32 @p1 s0;
	[tilespmem:s4+$0x3878] =	vst.add.f32.msk @p1 $0xffff, v1  }
0x35e: {  	s0 =	sshrl.u32 s5, $0x2;
	[tilespmem:s1+$0x3858] =	vst.msk $0x1, v0  }
0x35f: {  	v0 =	vld [tilespmem:s0+$0x3878];
	_ =	sdelay $0x2  }
0x360: {  	s31 =	sshll.u32 s1, $0x6  }
0x361: {  	s0 =	sshra.s32 s31, $0x2  }
0x362: {  	s1 =	sadd.s32 $0x1, s1;
	[tilespmem:s0+$0x3878] =	vst v0  }
.LBB2_41:
0x363: {  	s2 =	sadd.s32 $0x1, s2  }
0x364: {  	p1 =	sne.s32 s2, $0x20  }
.Ltmp27:
0x365: {  	_ = 	snop;
	(pc) =	sbr.rel @!p1 .LBB2_42-.Ltmp27, $1  }
0x366: {  	_ =	sdelay $0x3  }
.LBB2_34:
0x367: {  	v0 =	vld.msk [tilespmem:s2+$0x3858], $0x1;
	_ =	sdelay $0x4  }
0x368: {  	(v2sf) =	vpush v0, $0x0;
	_ =	sdelay $0xe  }
0x369: {  	s4 =	spop (v2sf)  }
0x36a: {  	p1 =	seq.s32 s4, $0xFFFFFFFF  }
.Ltmp28:
0x36b: {  	_ = 	snop;
	(pc) =	sbr.rel @p1 .LBB2_41-.Ltmp28, $1  }
0x36c: {  	_ =	sdelay $0x3  }
0x36d: {  	p1 =	slt.s32 s1, $0x1  }
.Ltmp29:
0x36e: {  	_ = 	snop;
	(pc) =	sbr.rel @p1 .LBB2_39-.Ltmp29, $1  }
0x36f: {  	_ =	sdelay $0x3  }
0x370: {  	s5 =	simm.s32 $0x3858;
	p1 =	por $0x0, $0x0  }
0x371: {  	v1 =	vld.msk @!p1 [tilespmem:s5+$0x0], $0x1;
	_ =	sdelay $0x4  }
0x372: {  	(v2sf) =	vpush @!p1 v1, $0x0;
	_ =	sdelay $0xd  }
0x373: {  	p3 =	sne.s32 s1, $0x1  }
.Ltmp30:
0x374: {  	s0 =	spop @!p1 (v2sf);
	(pc) =	sbr.rel @!p3 .LBB2_38-.Ltmp30, $4  }
0x375: {  	p2 =	seq.s32 @!p1 s4, s0  }
0x376: {  	s6 =	simm.s32 $0x0;
	p2 =	por !p2, p1  }
0x377: {  	s0 =	simm.s32 $0xFFFFFFFF;
	s6 =	simm.s32 @p2 $0xFFFFFFFF  }
0x378: {  	s7 =	simm.s32 $0x1;
	s6 =	smov.u32 @p1 s0  }
.LBB2_37:
0x379: {  	s0 =	smov.u32 s6;
	p1 =	sne.s32 s6, $0xFFFFFFFF  }
0x37a: {  	s5 =	sadd.s32 $0x1, s5;
	s6 =	smov.u32 s7;
	s7 =	sadd.s32 $0x1, s7  }
0x37b: {  	p2 =	sne.s32 s1, s7;
	v1 =	vld.msk @!p1 [tilespmem:s5+$0x0], $0x1;
	_ =	sdelay $0x4  }
0x37c: {  	(v2sf) =	vpush @!p1 v1, $0x0;
	_ =	sdelay $0xe  }
.Ltmp31:
0x37d: {  	s8 =	spop @!p1 (v2sf);
	(pc) =	sbr.rel @p2 .LBB2_37-.Ltmp31, $4  }
0x37e: {  	p3 =	seq.s32 @!p1 s4, s8  }
0x37f: {  	p3 =	por !p3, p1  }
0x380: {  	s6 =	simm.s32 @p3 $0xFFFFFFFF  }
0x381: {  	s6 =	smov.u32 @p1 s0  }
.LBB2_38:
0x382: {  	p1 =	sne.s32 s6, $0xFFFFFFFF  }
.Ltmp32:
0x383: {  	_ = 	snop;
	(pc) =	sbr.rel @!p1 .LBB2_39-.Ltmp32, $1  }
0x384: {  	_ =	sdelay $0x3  }
0x385: {  	s0 =	sshll.u32 s2, $0x4  }
0x386: {  	s0 =	sand.u32 $0x3FFFFFF0, s0  }
0x387: {  	v0 =	vld [tilespmem:s0+$0x3878]  }
.Ltmp33:
0x388: {  	_ = 	snop;
	(pc) =	sbr.rel .LBB2_41-.Ltmp33, $4  }
0x389: {  	_ = 	snop  }
0x38a: {  	s31 =	sshll.u32 s6, $0x6  }
0x38b: {  	s0 =	sshra.s32 s31, $0x2  }
0x38c: {  	[tilespmem:s0+$0x3878] =	vst.add.f32.msk $0xffff, v0  }
.LBB2_42:
0x38d: {  	p1 =	slt.s32 s1, $0x1  }
.Ltmp34:
0x38e: {  	_ = 	snop;
	(pc) =	sbr.rel @p1 .LBB2_46-.Ltmp34, $3  }
0x38f: {  	_ =	sdelay $0x1  }
0x390: {  	s0 =	simm.s32 $0x8  }
0x391: {  	s2 =	simm.s32 $0x0;
	[sflag:s0] =	ssyncpa.u1 $0x1  }
0x392: {  	s0 =	simm.s32 $0x3858  }
0x393: {  	v0 =	vld.msk [tilespmem:s0+$0x0], $0x1;
	_ =	sdelay $0x4  }
0x394: {  	(v2sf) =	vpush v0, $0x0;
	_ =	sdelay $0xd  }
0x395: {  	s1 =	sadd.s32 $0xFFFFFFFF, s1  }
0x396: {  	p2 =	sne.s32 s1, $0x0;
	s0 =	spop (v2sf)  }
.Ltmp35:
0x397: {  	p1 =	sgt.u32 s0, $0x27FFF;
	(pc) =	sbr.rel @!p2 .LBB2_45-.Ltmp35, $4  }
0x398: {  	s4 =	simm.s32 $0x3878;
	s5 =	sand.u32 @!p1 $0x3FFF8, s0  }
0x399: {  	s6 =	simm.s32 $0x0;
	s0 =	sand.u32 @!p1 $0x7, s0;
	s5 =	sadd.s32 @!p1 s3, s5  }
0x39a: {  	[hbm4b:s5+s0] =	stream.linear.scatter @!p1 [tilespmem:s4], [sflag:$0x7], $0x8, $0x38;
	[tilespmem:$0x1FE08] =	vst v63  }
0x39b: {  	s6 =	simm.s32 @!p1 $0x20;
	s5 =	simm.s32 $0x3859  }
.LBB2_44:
0x39c: {  	v0 =	vld.msk [tilespmem:s5+$0x0], $0x1;
	s1 =	sadd.s32 $0xFFFFFFFF, s1;
	s2 =	sadd.s32 s2, s6  }
0x39d: {  	p1 =	sne.s32 s1, $0x0;
	_ =	sdelay $0x3  }
0x39e: {  	(v2sf) =	vpush v0, $0x0;
	_ =	sdelay $0xe  }
.Ltmp36:
0x39f: {  	s0 =	spop (v2sf);
	(pc) =	sbr.rel @p1 .LBB2_44-.Ltmp36, $4  }
0x3a0: {  	s6 =	simm.s32 $0x0;
	p2 =	sgt.u32 s0, $0x27FFF  }
0x3a1: {  	s4 =	sadd.s32 $0x10, s4;
	s6 =	simm.s32 @!p2 $0x20;
	s7 =	sand.u32 @!p2 $0x3FFF8, s0  }
0x3a2: {  	s5 =	sadd.s32 $0x1, s5;
	s0 =	sand.u32 @!p2 $0x7, s0;
	s7 =	sadd.s32 @!p2 s3, s7  }
0x3a3: {  	[hbm4b:s7+s0] =	stream.linear.scatter @!p2 [tilespmem:s4], [sflag:$0x7], $0x8, $0x38;
	[tilespmem:$0x1FE08] =	vst v63  }
.LBB2_45:
0x3a4: {  	s0 =	sadd.s32 s2, s6  }
0x3a5: {  	s2 =	sshrl.u32 s0, $0x2  }
.LBB2_46:
0x3a6: {  	s0 =	simm.s32 $0x7  }
0x3a7: {  	_ =	swait.ge [sflag:s0], s2  }
0x3a8: {  	s1 =	ssub.s32 $0x0, s2;
	[sflag:s0] =	ssyncset.done $0x0  }
0x3a9: {  	[sflag:s0] =	ssyncadd.s32 s1  }
0x3aa: {  	[sflag:s0] =	ssyncpa.u1 $0x1  }
.LBB2_47:
0x3ab: {  	_ =	sfence;
	s0 =	simm.s32 $0x1  }
0x3ac: {  	[sflag:s0] =	ssyncpa.u1 $0x1  }
0x3ad: {  	_ =	strace $0x90000053  }
0x3ae: {  	[bflag:$0x2] =	sbarrier.arrive $0xFFFF  }
0x3af: {  	s0 =	rddreg [dreg:$0x3]  }
0x3b0: {  	s0 =	sadd.s32 @!p0 $0x100000, s0  }
0x3b1: {  	[sflag:s0] =	ssyncadd.tile.s32 @!p0 $0x1;
	_ =	shalt  }
.Lfunc_end2:
_tile_overlayer_lowered:
.L_overlay_start_2:
0x3b2: {  	(tag) =	ssettag $0x2  }
0x3b3: {  	s0 =	rddreg [dreg:$0x0];
	s2 =	stileid.u32  }
0x3b4: {  	s1 =	rddreg [dreg:$0x1];
	p0 =	sne.s32 s2, $0x0  }
0x3b5: {  	s3 =	rddreg [dreg:$0x2];
	[bflag:$0x3] =	sbarrier.arrive $0xFFFF;
	s2 =	simm.s32 @!p0 $0x1C01  }
0x3b6: {  	[timem:s3], [sflag:s2] =	dma.local @!p0 [hbm:s0], s1  }
0x3b7: {  	s0 =	simm.s32 @!p0 $0x1  }
0x3b8: {  	_ =	swait.ge @!p0 [sflag:s0], s1  }
0x3b9: {  	s1 =	ssub.s32 @!p0 $0x0, s1;
	[sflag:s0] =	ssyncset.done @!p0 $0x0  }
0x3ba: {  	[sflag:s0] =	ssyncadd.s32 @!p0 s1  }
0x3bb: {  	[bflag:$0x3] =	sbarrier.arrive $0xFFFF  }
0x3bc: {  	_ =	shalt  }

// kernel: scatter_offload_async_start.2
scs
__scs_entry_jumppad:
0x0: {  	(pc) =	sbr.rel $0x88, $3  }
0x1: {  	(tag) =	ssettag $0x0;
	lr =	simm.s32 $0x1  }
0x2: {  	[smem:$0x3F91] =	sst lr;
	_ =	strace $0xD0000000  }
0x3: {  	_ = 	snop  }
0x4: {  	_ = 	snop  }
0x5: {  	_ = 	snop  }
0x6: {  	_ = 	snop  }
0x7: {  	_ = 	snop  }
__scs_overlays_trampoline_lowered:
0x8: {  	[smem:$0x3FA0] =	sst s0  }
0x9: {  	[smem:$0x3FA1] =	sst s1  }
0xa: {  	[smem:$0x3FA2] =	sst s2  }
0xb: {  	[smem:$0x3FA3] =	sst s3  }
0xc: {  	[smem:$0x3FA4] =	sst s4  }
0xd: {  	[smem:$0x3FA5] =	sst s5  }
0xe: {  	[smem:$0x3FA6] =	sst s6  }
0xf: {  	[smem:$0x3FA7] =	sst s7  }
0x10: {  	[smem:$0x3FA8] =	sst s8  }
0x11: {  	[smem:$0x3FA9] =	sst s9;
	s0 =	simm.s32 @!p0 $0x0  }
0x12: {  	s1 =	sld [smem:$0x3F8F];
	s0 =	simm.s32 @p0 $0x1  }
0x13: {  	[smem:$0x3FAA] =	sst s0;
	s0 =	simm.s32 @!p1 $0x0  }
0x14: {  	s2 =	sld [smem:$0x3F8E];
	s0 =	simm.s32 @p1 $0x1  }
0x15: {  	[smem:$0x3FAB] =	sst s0;
	s0 =	simm.s32 @!p2 $0x0  }
0x16: {  	s3 =	sld [smem:$0x3FDB];
	s0 =	simm.s32 @p2 $0x1  }
0x17: {  	s4 =	simm.s32 $0x1BF5;
	[smem:$0x3FAD] =	sst s0  }
0x18: {  	s0 =	sld [smem:$0x3F90];
	_ =	swait.ge [sflag:s4], $0x0  }
0x19: {  	s7 =	sld [smem:$0x3F91]  }
0x1a: {  	s8 =	sadd.s32 $0xFFFFE003, lr  }
0x1b: {  	s9 =	sadd.s32 $0xFFFFFEF7, lr;
	s5 =	simm.s32 $0xFFFFFFFF;
	p2 =	slt.u32 s8, $0xFFFFF086  }
0x1c: {  	p1 =	slt.u32 s9, $0xF7A;
	s5 =	simm.s32 @!p2 $0x0  }
0x1d: {  	s5 =	simm.s32 @p1 $0x1;
	p0 =	seq.s32 s7, s2  }
0x1e: {  	s7 =	smul.u32 @!p0 $0xF7A, s2;
	p2 =	seq.s32 @!p0 s5, $0x0  }
0x1f: {  	s9 =	smul.u32 $0xF7A, s1;
	s8 =	simm.s32 @!p0 $0x1BF5;
	p2 =	por !p2, p0  }
0x20: {  	[sflag:s8] =	ssyncset.s32 @!p0 $0xFFFFF086;
	s6 =	sadd.s32 @!p0 s3, s7;
	s7 =	simm.s32 @!p0 $0x108  }
0x21: {  	s3 =	sadd.s32 s3, s9;
	s6 =	sadd.s32 @!p0 $0x88, s6;
	s7 =	simm.s32 @p2 $0x1082  }
0x22: {  	[simem:s7], [sflag:s8] =	dma.local @!p0 [hbm:s6], $0xF7A  }
0x23: {  	s9 =	sor.u32 $0xD0000000, s2;
	s6 =	simm.s32 $0x108;
	_ =	swait.ge @!p0 [sflag:s8], $0x0  }
0x24: {  	s3 =	sadd.s32 $0x88, s3;
	s6 =	simm.s32 @!p1 $0x1082;
	[sflag:s4] =	ssyncset.s32 $0xFFFFF086  }
0x25: {  	[simem:s6], [sflag:s4] =	dma.local [hbm:s3], $0xF7A  }
0x26: {  	[smem:$0x3F91] =	sst s1;
	(tag) =	ssettag s2;
	_ =	strace s9  }
0x27: {  	s1 =	sld [smem:$0x3FA1]  }
0x28: {  	s2 =	sld [smem:$0x3FA2]  }
0x29: {  	s4 =	sld [smem:$0x3FA4]  }
0x2a: {  	p0 =	seq.s32 s5, $0x0;
	s5 =	sld [smem:$0x3FA5]  }
0x2b: {  	s6 =	sld [smem:$0x3FA6]  }
0x2c: {  	s7 =	sld [smem:$0x3FA7]  }
0x2d: {  	s3 =	simm.s32 $0x108;
	s8 =	sld [smem:$0x3FA8]  }
0x2e: {  	s3 =	simm.s32 @!p0 $0x1082;
	s9 =	sld [smem:$0x3FA9]  }
0x2f: {  	lr =	sadd.s32 s0, s3;
	s0 =	sld [smem:$0x3FA0]  }
0x30: {  	s3 =	sld [smem:$0x3FA3]  }
0x31: {  	[smem:$0x3FAC] =	sst s10  }
0x32: {  	s10 =	sld [smem:$0x3FAA];
	_ =	sdelay $0x3  }
0x33: {  	p0 =	seq.s32 s10, $0x1;
	s10 =	sld [smem:$0x3FAC];
	_ =	sdelay $0x3  }
0x34: {  	[smem:$0x3FAC] =	sst s10  }
0x35: {  	s10 =	sld [smem:$0x3FAB];
	_ =	sdelay $0x3  }
0x36: {  	p1 =	seq.s32 s10, $0x1;
	s10 =	sld [smem:$0x3FAC];
	_ =	sdelay $0x3  }
0x37: {  	[smem:$0x3FAC] =	sst s10  }
0x38: {  	s10 =	sld [smem:$0x3FAD]  }
0x39: {  	_ = 	snop;
	(pc) =	sbr.ind lr, $3  }
0x3a: {  	_ = 	snop  }
0x3b: {  	_ = 	snop  }
0x3c: {  	p2 =	seq.s32 s10, $0x1;
	s10 =	sld [smem:$0x3FAC]  }
0x3d: {  	_ =	shalt  }
0x3e: {  	_ =	shalt  }
0x3f: {  	_ =	shalt  }
0x40: {  	_ =	shalt  }
0x41: {  	_ =	shalt  }
0x42: {  	_ =	shalt  }
0x43: {  	_ =	shalt  }
0x44: {  	_ =	shalt  }
0x45: {  	_ =	shalt  }
0x46: {  	_ =	shalt  }
0x47: {  	_ =	shalt  }
0x48: {  	_ =	shalt  }
0x49: {  	_ =	shalt  }
0x4a: {  	_ =	shalt  }
0x4b: {  	_ =	shalt  }
0x4c: {  	_ =	shalt  }
0x4d: {  	_ =	shalt  }
0x4e: {  	_ =	shalt  }
0x4f: {  	_ =	shalt  }
0x50: {  	_ =	shalt  }
0x51: {  	_ =	shalt  }
0x52: {  	_ =	shalt  }
0x53: {  	_ =	shalt  }
0x54: {  	_ =	shalt  }
0x55: {  	_ =	shalt  }
0x56: {  	_ =	shalt  }
0x57: {  	_ =	shalt  }
0x58: {  	_ =	shalt  }
0x59: {  	_ =	shalt  }
0x5a: {  	_ =	shalt  }
0x5b: {  	_ =	shalt  }
0x5c: {  	_ =	shalt  }
0x5d: {  	_ =	shalt  }
0x5e: {  	_ =	shalt  }
0x5f: {  	_ =	shalt  }
0x60: {  	_ =	shalt  }
0x61: {  	_ =	shalt  }
0x62: {  	_ =	shalt  }
0x63: {  	_ =	shalt  }
0x64: {  	_ =	shalt  }
0x65: {  	_ =	shalt  }
0x66: {  	_ =	shalt  }
0x67: {  	_ =	shalt  }
0x68: {  	_ =	shalt  }
0x69: {  	_ =	shalt  }
0x6a: {  	_ =	shalt  }
0x6b: {  	_ =	shalt  }
0x6c: {  	_ =	shalt  }
0x6d: {  	_ =	shalt  }
0x6e: {  	_ =	shalt  }
0x6f: {  	_ =	shalt  }
0x70: {  	_ =	shalt  }
0x71: {  	_ =	shalt  }
0x72: {  	_ =	shalt  }
0x73: {  	_ =	shalt  }
0x74: {  	_ =	shalt  }
0x75: {  	_ =	shalt  }
0x76: {  	_ =	shalt  }
0x77: {  	_ =	shalt  }
0x78: {  	_ =	shalt  }
0x79: {  	_ =	shalt  }
0x7a: {  	_ =	shalt  }
0x7b: {  	_ =	shalt  }
0x7c: {  	_ =	shalt  }
0x7d: {  	_ =	shalt  }
0x7e: {  	_ =	shalt  }
0x7f: {  	_ =	shalt  }
0x80: {  	_ =	shalt  }
0x81: {  	_ =	shalt  }
0x82: {  	_ =	shalt  }
0x83: {  	_ =	shalt  }
0x84: {  	_ =	shalt  }
0x85: {  	_ =	shalt  }
0x86: {  	_ =	shalt  }
0x87: {  	_ =	shalt  }
.Lfunc_end0:
.L_simem_size_0:
called_computation.2_lowered:
.L_overlay_start_0:
0x88: {  	s0 =	sld [smem:$0x3FD9]  }
0x89: {  	s1 =	sld [smem:$0x3FFE];
	_ =	sdelay $0x3  }
0x8a: {  	s0 =	sadd.s32 s1, s0  }
0x8b: {  	[smem:$0x3FB8] =	sst s0  }
0x8c: {  	_ = 	snop  }
0x8d: {  	(tm) =	ssettm $0x1  }
0x8e: {  	s15 =	sld [smem:$0x3FFB];
	_ =	sdelay $0x3  }
0x8f: {  	_ =	strace s15  }
0x90: {  	s0 =	sld [smem:$0x3FFC];
	_ =	sdelay $0x3  }
0x91: {  	_ =	strace s0  }
0x92: {  	s0 =	sld [smem:$0x3FFD];
	_ =	sdelay $0x3  }
0x93: {  	_ =	strace s0  }
0x94: {  	_ =	strace $0x8FFFFFFF  }
0x95: {  	s16 =	sld [smem:$0x3FDB];
	_ =	sdelay $0x1  }
0x96: {  	s17 =	simm.s32 $_scs_section_size  }
0x97: {  	s2 =	simm.s32 $_size__tile_overlayer_lowered;
	s3 =	simm.s32 $_tile_overlayer_lowered  }
0x98: {  	s20 =	simm.s32 $0x1BFF;
	s19 =	sshll.u32 s3, $0x1;
	s0 =	sadd.s32 s17, s16  }
0x99: {  	s4 =	simm.s32 $0x0;
	s18 =	sshll.u32 s2, $0x1;
	s2 =	sadd.s32 s19, s0  }
0x9a: {  	[timem:s4], [sflag:s20] =	dma.local [hbm:s2], s18  }
0x9b: {  	_ =	swait.ge [sflag:s20], s18  }
0x9c: {  	s1 =	ssub.s32 $0x0, s18;
	[sflag:s20] =	ssyncset.done $0x0  }
0x9d: {  	[sflag:s20] =	ssyncadd.s32 s1;
	_ =	sdelay $0x1  }
0x9e: {  	s21 =	simm.s32 $0x1B8B  }
0x9f: {  	_ =	swait.ge [sflag:s21], $0x1  }
0xa0: {  	[sflag:s21] =	ssyncset.done $0x0  }
0xa1: {  	s23 =	simm.s32 $0x1B8E;
	s22 =	sld [smem:$0x3FFE];
	[sflag:s21] =	ssyncadd.s32 $0xFFFFFFFF  }
0xa2: {  	s24 =	simm.s32 $execute0_lowered;
	[smem:$0x3FD2] =	sst s23  }
0xa3: {  	s2 =	sshll.u32 s24, $0x1;
	_ =	strace $0x8000005E;
	[dreg:$0x1] =	wrdreg $0xFFFFFFFF  }
0xa4: {  	s25 =	simm.s32 $_size_execute0_lowered;
	s0 =	sadd.s32 s0, s2;
	[dreg:$0x0] =	wrdreg $0x0  }
0xa5: {  	s2 =	sshll.u32 s25, $0x1;
	[dreg:$0x2] =	wrdreg s0  }
0xa6: {  	[dreg:$0x3] =	wrdreg s2  }
0xa7: {  	[dreg:$0x4] =	wrdreg $0xC0  }
0xa8: {  	_ =	task [dreg:s4], $0x5FFFF  }
0xa9: {  	[dreg:$0x1] =	wrdreg $0xFFFFFFFF  }
0xaa: {  	[dreg:$0x0] =	wrdreg $0x60  }
0xab: {  	[dreg:$0x2] =	wrdreg s22  }
0xac: {  	[dreg:$0x3] =	wrdreg $0x9  }
0xad: {  	_ =	task.clear_ibuf [dreg:s4], $0x4FFFF;
	_ =	strace $0x9000005E  }
0xae: {  	s26 =	simm.s32 $0x9;
	_ =	strace $0x80000060  }
0xaf: {  	_ =	swait.ge [sflag:s26], $0x1  }
0xb0: {  	[sflag:s26] =	ssyncadd.s32 $0xFFFFFFFF  }
0xb1: {  	_ =	strace $0x90000060  }
0xb2: {  	_ =	sfence  }
0xb3: {  	s28 =	sld [smem:$0x0];
	_ =	sdelay $0x1  }
0xb4: {  	s29 =	srdreg.scid  }
0xb5: {  	s30 =	sshll.u32 s29, $0xD;
	s31 =	sshrl.u32 s29, $0x2  }
0xb6: {  	s1 =	sand.u32 $0x1, s29;
	s2 =	sand.u32 $0x4000, s30;
	s0 =	sadd.s32 s31, s28  }
0xb7: {  	s1 =	sor.u32 s2, s1;
	s0 =	sshll.u32 s0, $0x11  }
0xb8: {  	s0 =	sor.u32 s0, s1  }
0xb9: {  	s0 =	sadd.s32 $0x8F2B, s0  }
0xba: {  	[sflag:s0] =	ssyncadd.remote.s32 $0x1  }
0xbb: {  	_ =	sfence.sel $0xFFFF  }
0xbc: {  	[dreg:$0x0] =	wrdreg $0xFFFFFFFF;
	(pc) =	sbr.abs _section_cstart, $3  }
0xbd: {  	[dreg:$0x1] =	wrdreg $0xFFFFFFFF  }
0xbe: {  	_ =	task.clear_ibuf [dreg:s4], $0x2FFFF;
	_ =	strace $0x9FFFFFFF  }
0xbf: {  	(tm) =	ssettm $0x7FFFFFFF  }
tec
execute0_lowered:
.L_overlay_start_1:
0x0: {  	(tag) =	ssettag $0x1  }
0x1: {  	s0 =	rddreg [dreg:$0x0];
	_ =	strace $0x8000005F;
	s1 =	simm.s32 $0x1  }
0x2: {  	v1 =	vimm.s32 $0xFFFFFFFF;
	[sflag:s1] =	ssyncpa.u1 $0x0  }
0x3: {  	[tilespmem:$0x10] =	vst v1  }
0x4: {  	v0 =	vimm.f32 $-Inf;
	s10 =	stileid.u32;
	s2 =	simm.s32 $0x6000;
	s28 =	simm.s32 $0x2;
	[tilespmem:$0x20] =	vst v1  }
0x5: {  	s7 =	simm.s32 $0x7;
	s8 =	simm.s32 $0x8;
	s29 =	simm.s32 $0x9;
	[tilespmem:$0x30] =	vst v0  }
0x6: {  	s16 =	simm.s32 $0x0;
	s17 =	simm.s32 $0xFFFFE000;
	s18 =	simm.s32 $0xF0;
	[tilespmem:$0x40] =	vst v0  }
0x7: {  	s19 =	simm.s32 $0xFFFFFFFF;
	s20 =	simm.s32 $0xFFFFC100;
	s21 =	simm.s32 $0xFFFFFFFE;
	[tilespmem:$0x50] =	vst v0  }
0x8: {  	s22 =	simm.s32 $0xF;
	s26 =	smin.u32 s10, $0x8;
	s3 =	sshll.u32 s10, $0x1;
	[tilespmem:$0x60] =	vst v1  }
0x9: {  	s25 =	simm.s32 $0x0;
	p0 =	slt.u32 s10, $0x8;
	[tilespmem:$0x70] =	vst v1;
	s1 =	sadd.s32 s26, s3  }
0xa: {  	s6 =	sadd.s32 $0x1AFE00, s0;
	[tilespmem:$0x80] =	vst v1;
	s2 =	simm.s32 @!p0 $0x4000;
	s4 =	sshll.u32 s1, $0xD  }
0xb: {  	s15 =	sshllo.u32 s10, $0x1;
	v1 =	vimm.s32 $0x0;
	[tilespmem:$0xB0] =	vst v0;
	s31 =	sor.u32 $0x80, s3;
	s2 =	sadd.s32 s2, s4  }
0xc: {  	s14 =	sor.u32 $0x81, s3;
	s26 =	simm.s32 $0x0;
	[tilespmem:$0x90] =	vst v1;
	s5 =	smin.u32 s2, $0x50000  }
0xd: {  	s1 =	sadd.s32 $0x19BE00, s0;
	[tilespmem:$0xA0] =	vst v1;
	[sflag:s28] =	ssyncpa.u1 $0x0;
	s9 =	ssub.s32 s5, s4  }
.Ltmp0:
0xe: {  	s0 =	sadd.s32 $0x191E00, s0;
	p0 =	sgt.s32 s9, $0x0;
	(pc) =	sbr.rel .LBB2_1-.Ltmp0, $4  }
0xf: {  	[dreg:$0x4] =	wrdreg s31;
	[sflag:s7] =	ssyncpa.u1 $0x0;
	s9 =	simm.s32 @!p0 $0x0  }
0x10: {  	[dreg:$0x2] =	wrdreg s0;
	[sflag:s8] =	ssyncpa.u1 $0x0;
	s9 =	sshrl.u32 s9, $0xD  }
0x11: {  	vm0 =	vmmov $0xffff;
	v2 =	vlaneseq.u32;
	vm1 =	vmxor vm1, vm1;
	s24 =	smov.u32 s4;
	[sflag:s29] =	ssyncpa.u1 $0x0;
	s30 =	sadd.s32 $0x1, s9  }
0x12: {  	vm2 =	vmmov $0x1;
	v3 =	vimm.f32 $0.0e+00;
	vm3 =	vcmask $0x3F3C;
	p0 =	por $0x0, $0x0;
	s12 =	sadd.s32 $0x2, s9;
	[dreg:$0x3] =	wrdreg s30  }
.LBB2_9:
0x13: {  	p1 =	slt.u32 s25, $0x3  }
0x14: {  	s0 =	simm.s32 @!p1 $0x2  }
0x15: {  	_ =	swait.ge @!p1 [sflag:s0], $0x2000  }
0x16: {  	[sflag:s0] =	ssyncset.done @!p1 $0x0  }
0x17: {  	[sflag:s0] =	ssyncadd.s32 @!p1 $0xFFFFE000;
	s0 =	simm.s32 @!p1 $0x9  }
0x18: {  	_ =	swait.ge @!p1 [sflag:s0], $0x10  }
0x19: {  	s2 =	sadd.s32 $0x2000, s24;
	[sflag:s0] =	ssyncset.done @!p1 $0x0  }
0x1a: {  	[sflag:s0] =	ssyncadd.s32 @!p1 $0xFFFFFFF0;
	p1 =	slt.s32 s2, s5;
	s0 =	smov.u32 s4  }
0x1b: {  	s0 =	smov.u32 @p1 s2;
	p1 =	sne.s32 s25, s12  }
.Ltmp1:
0x1c: {  	_ = 	snop;
	(pc) =	sbr.rel @!p1 .LBB2_10-.Ltmp1, $4  }
0x1d: {  	s31 =	sadd.s32 $0x1, s25  }
0x1e: {  	s17 =	sadd.s32 $0x2000, s17;
	s18 =	sadd.s32 $0x2000, s18;
	s19 =	sadd.s32 $0x1, s19  }
0x1f: {  	s26 =	smov.u32 s24;
	p0 =	por !p0, !p0;
	s20 =	sadd.s32 $0x2000, s20  }
0x20: {  	s21 =	sadd.s32 $0x1, s21;
	s25 =	smov.u32 s31;
	s24 =	smov.u32 s0  }
.LBB2_1:
0x21: {  	p1 =	sge.u32 s25, s9  }
0x22: {  	s0 =	smulhi.u32 @!p1 $0xAAAAAAAB, s25;
	_ =	sdelay $0x1  }
0x23: {  	s0 =	sshrl.u32 @!p1 s0, $0x1  }
0x24: {  	s0 =	smul.u32 @!p1 $0x3, s0;
	_ =	sdelay $0x1  }
0x25: {  	s0 =	ssub.s32 @!p1 s25, s0  }
0x26: {  	s2 =	sshrl.u32 @!p1 s24, $0x3;
	s0 =	sshll.u32 @!p1 s0, $0xD  }
0x27: {  	s10 =	sand.u32 @!p1 $0x7, s24;
	s2 =	sadd.s32 @!p1 s6, s2;
	s0 =	sor.u32 @!p1 $0x100, s0  }
0x28: {  	[tilespmem:s0], [sflag:$0x7] =	stream.linear.gather @!p1 [hbm4b:s2+s10], $0x2000, $0x38;
	[tilespmem:$0x12120] =	vst v63  }
0x29: {  	s2 =	sadd.s32 $0xFFFFFFFF, s25  }
0x2a: {  	p1 =	sge.u32 s2, s9  }
.Ltmp2:
0x2b: {  	_ = 	snop;
	(pc) =	sbr.rel @p1 .LBB2_5-.Ltmp2, $1  }
0x2c: {  	_ =	sdelay $0x3  }
0x2d: {  	s0 =	smulhi.u32 $0xAAAAAAAB, s2;
	_ =	sdelay $0x1  }
0x2e: {  	s0 =	sshrl.u32 s0, $0x1  }
0x2f: {  	s0 =	smul.u32 $0x3, s0;
	_ =	sdelay $0x1  }
0x30: {  	s0 =	ssub.s32 s2, s0  }
0x31: {  	_ =	swait.ge [sflag:s7], $0x2000;
	s0 =	sshll.u32 s0, $0xD  }
0x32: {  	[sflag:s7] =	ssyncset.done $0x0;
	s0 =	sor.u32 $0x100, s0  }
0x33: {  	[sflag:s7] =	ssyncadd.s32 $0xFFFFE000;
	(ifvalue) =	ssetifvalue $0xFFFFFFFF;
	v4 =	vld.msk [tilespmem:s0+$0x0 ss:$0x1], $0xffff;
	_ =	sdelay $0x2  }
0x34: {  	s23 =	smulhi.u32 $0xAAAAAAAB, s19;
	p1 =	sne.s32 s25, $0x1  }
0x35: {  	v5 =	vimm.s32 @!p1 $0x0  }
0x36: {  	s0 =	sshrl.u32 s23, $0x1;
	v5 =	vperm.xlane @!p1 v4, v5  }
0x37: {  	s10 =	sshll.u32 s25, $0x4;
	s0 =	smul.u32 $0xFFFE8000, s0;
	vm4 =	vlt.u32 v4, $0x2800  }
0x38: {  	s10 =	sand.u32 $0x10, s10;
	v4 =	vnsel vm4, $0xFFFFFFFE, v4;
	vm4 =	vlt.u32 @!p1 v5, $0x2800  }
0x39: {  	s0 =	sshra.s32 s0, $0x2;
	[tilespmem:s10+$0x60] =	vst v4;
	v4 =	vnsel @!p1 vm4, $0xFFFFFFFE, v5  }
0x3a: {  	s29 =	sadd.s32 s0, s18;
	[tilespmem:$0x80] =	vst @!p1 v4  }
0x3b: {  	v4 =	vld.msk [tilespmem:s29+$0x0 ss:$0x1], $0xffff;
	_ =	sdelay $0x4  }
0x3c: {  	(xrf1) =	vunique.msk.u32 $0xffff, v4;
	_ =	sdelay $0xd  }
0x3d: {  	v5 =	vimm.s32 $0xFFFFFFFF;
	v6, _, _ =	vpop (xrf1)  }
0x3e: {  	vm5 =	vne.s32 v4, v5;
	vm4 =	veq.s32 v6, v2  }
0x3f: {  	vm6 =	vlt.u32 v4, $0x2800;
	vm4 =	vmand vm5, vm4  }
0x40: {  	vm4 =	vmand vm6, vm4  }
0x41: {  	v5 =	vnsel vm4, $0xFFFFFFFF, v4;
	_ =	sdelay $0x2  }
0x42: {  	s30 =	sand.u32 $0x2000, s17  }
0x43: {  	s31 =	sshll.u32 s2, $0xD;
	s0 =	sor.u32 $0x80F0, s30;
	(ifvalue) =	ssetifvalue $0xFFFFFFFF  }
0x44: {  	v4 =	vperm.xlane v4, v1;
	[tilespmem:s0], [sflag:$0x8] =	stream.indirect_vreg.gather [hbm4b:s1+s16], $0x1, v5, vm0, $0x4038;
	v5 =	vnsel vm6, $0xFFFFFFFE, v5;
	[tilespmem:$0x12120] =	vst v63  }
0x45: {  	s28 =	sand.u32 $0x2000, s31;
	s2 =	simm.s32 $0x0;
	s23 =	sadd.s32 $0xFFFFFFF0, s29;
	[tilespmem:s29+$0x0] =	vst v5  }
.LBB2_3:
0x46: {  	v5 =	vld.msk [tilespmem:s23+$0x0 ss:$0x1], $0xffff;
	s2 =	sadd.s32 $0x10, s2;
	v6 =	vmov v4;
	s10 =	smov.u32 s23  }
0x47: {  	p1 =	slt.u32 s2, $0x1FF0;
	_ =	sdelay $0x4  }
0x48: {  	v4 =	vperm.xlane v5, v1;
	(xrf1) =	vunique.msk.u32 $0xffff, v5;
	_ =	sdelay $0xd  }
0x49: {  	v7, _, _ =	vpop (xrf1)  }
0x4a: {  	vm5 =	vne.s32 v5, v6;
	vm4 =	veq.s32 v7, v2  }
0x4b: {  	vm6 =	vlt.u32 v5, $0x2800;
	vm4 =	vmand vm5, vm4  }
0x4c: {  	vm4 =	vmand vm6, vm4  }
0x4d: {  	v5 =	vnsel vm4, $0xFFFFFFFF, v5  }
.Ltmp3:
0x4e: {  	v6 =	vnsel vm6, $0xFFFFFFFE, v5;
	(pc) =	sbr.rel @p1 .LBB2_3-.Ltmp3, $3  }
0x4f: {  	_ =	sdelay $0x1  }
0x50: {  	s23 =	sadd.s32 $0xFFFFFFF0, s23;
	s0 =	sadd.s32 $0xFFFFFFF0, s0;
	(ifvalue) =	ssetifvalue $0xFFFFFFFF  }
0x51: {  	[tilespmem:s0], [sflag:$0x8] =	stream.indirect_vreg.gather [hbm4b:s1+s16], $0x1, v5, vm0, $0x4038;
	[tilespmem:s10+$0x0] =	vst v6  }
0x52: {  	s0 =	sshrl.u32 s26, $0x3;
	s2 =	rddreg [dreg:$0x2]  }
0x53: {  	s31 =	sadd.s32 $0xA100, s28;
	s0 =	sadd.s32 s2, s0  }
0x54: {  	[tilespmem:s31], [sflag:$0x8] =	stream.linear.gather [hbm:s0], $0x2000, $0x38;
	[tilespmem:$0x12120] =	vst v63  }
.LBB2_5:
0x55: {  	p1 =	slt.u32 s25, $0x2  }
0x56: {  	p2 =	sge.u32 @!p1 s25, s12  }
0x57: {  	p1 =	por p1, p2  }
.Ltmp4:
0x58: {  	_ = 	snop;
	(pc) =	sbr.rel @p1 .LBB2_9-.Ltmp4, $1  }
0x59: {  	_ =	sdelay $0x3  }
0x5a: {  	s0 =	sadd.s32 $0xFFFFFFFE, s25  }
0x5b: {  	s2 =	smulhi.u32 $0xAAAAAAAB, s0;
	_ =	sdelay $0x1  }
0x5c: {  	s2 =	sshrl.u32 s2, $0x1  }
0x5d: {  	s2 =	smul.u32 $0x3, s2  }
0x5e: {  	_ =	swait.ge [sflag:s8], $0x4000  }
0x5f: {  	s11 =	rddreg [dreg:$0x3];
	s0 =	ssub.s32 s0, s2  }
0x60: {  	[sflag:s8] =	ssyncset.done $0x0;
	p1 =	sne.s32 s25, s11;
	s0 =	sshll.u32 s0, $0xD  }
0x61: {  	[sflag:s8] =	ssyncadd.s32 $0xFFFFC000;
	s2 =	sadd.s32 @!p1 $0x20FF, s0  }
0x62: {  	[spmem:s14] =	stream.linear.scatter @!p1 [tilespmem:s2], [sflag:$0x1], $0x1, $0x38;
	[tilespmem:$0x12120] =	vst v63  }
0x63: {  	s2 =	simm.s32 @!p1 $0x1  }
0x64: {  	_ =	swait.ge @!p1 [sflag:s2], $0x1  }
0x65: {  	s10 =	sshll.u32 s25, $0x4;
	[sflag:s2] =	ssyncset.done @!p1 $0x0  }
0x66: {  	s26 =	sand.u32 $0x10, s10;
	[sflag:s2] =	ssyncadd.s32 @!p1 $0xFFFFFFFF  }
0x67: {  	s2 =	sxor.u32 $0x10, s26;
	v5 =	vld [tilespmem:s26+$0x10]  }
0x68: {  	v6 =	vld [tilespmem:s2+$0x60]  }
0x69: {  	v4 =	vld [tilespmem:$0x80];
	_ =	sdelay $0x2  }
0x6a: {  	(v2sf) =	vpush v5, $0x0  }
0x6b: {  	(v2sf) =	vpush v6, $0x0  }
0x6c: {  	(v2sf) =	vpush v4, $0x0;
	_ =	sdelay $0xc  }
0x6d: {  	s13 =	spop (v2sf)  }
0x6e: {  	s11 =	spop (v2sf)  }
0x6f: {  	s29 =	spop (v2sf)  }
0x70: {  	p2 =	seq.s32 s13, s11;
	p3 =	seq.s32 s29, s13  }
0x71: {  	p3 =	por p2, p3  }
0x72: {  	v5 =	vpsel p3, $0xFFFFFFFF, v5  }
0x73: {  	s23 =	sand.u32 $0x1, s25;
	[tilespmem:s26+$0x10] =	vst.msk $0x1, v5  }
0x74: {  	s30 =	sshll.u32 s23, $0xD;
	v5 =	vld [tilespmem:$0x30]  }
0x75: {  	v6 =	vld [tilespmem:s30+$0xA100]  }
0x76: {  	v7 =	vld [tilespmem:s26+$0x40];
	_ =	sdelay $0x2  }
0x77: {  	vm4 =	vmmov vm1  }
0x78: {  	vm5 =	vmmov vm2;
	s10 =	sshll.u32 s23, $0x4;
	vm4 =	vmmov @p2 vm2;
	v6 =	vmax.f32 v5, v6  }
0x79: {  	s28 =	sor.u32 $0x12100, s10;
	vm5 =	vmmov @p3 vm1;
	v5 =	vmax.f32 v5, v7;
	[tilespmem:s30+$0xA100] =	vst.msk vm4, v6  }
0x7a: {  	[tilespmem:s28+$0x0] =	vst.msk vm5, v5  }
0x7b: {  	v5 =	vld [tilespmem:s30+$0x80F0];
	_ =	sdelay $0x4  }
0x7c: {  	v5 =	vshift.insert v5, v3, s22  }
0x7d: {  	s11 =	sor.u32 $0x40, s2  }
0x7e: {  	v6 =	vimm.f32 $-Inf;
	[tilespmem:s11+$0x0] =	vst.msk $0x1, v5  }
0x7f: {  	[tilespmem:s30+$0x80FF] =	vst.msk $0x1, v6  }
0x80: {  	v5 =	vld [tilespmem:s0+$0x20F0]  }
0x81: {  	s13 =	smulhi.u32 $0xAAAAAAAB, s21;
	_ =	sdelay $0x1  }
0x82: {  	s0 =	sshrl.u32 s13, $0x1  }
0x83: {  	s0 =	smul.u32 $0xFFFE8000, s0  }
0x84: {  	s10 =	simm.s32 $0x1;
	v5 =	vshift.insert v5, v1, s22  }
0x85: {  	s10 =	simm.s32 @!p0 $0x0;
	s0 =	sshra.s32 s0, $0x2  }
0x86: {  	s10 =	sshll.u32 s10, $0xD;
	s11 =	sadd.s32 s0, s20;
	[tilespmem:s2+$0x10] =	vst.msk $0x1, v5  }
0x87: {  	s23 =	sadd.s32 $0xA100, s10;
	v7 =	vld [tilespmem:s11+$0x0]  }
0x88: {  	v8 =	vld [tilespmem:s23+$0x0];
	_ =	sdelay $0x4  }
0x89: {  	vm4 =	vne.s32 v7, $0xFFFFFFFF;
	v6 =	vmax.f32 v8, v6  }
0x8a: {  	(xrf0) =	vmax.seg.scan.f32 vm4, v6  }
0x8b: {  	s13 =	sadd.s32 $0x6100, s10;
	v8 =	vld [tilespmem:$0xA0]  }
0x8c: {  	v9 =	vld [tilespmem:s13+$0x0];
	_ =	sdelay $0x1  }
0x8d: {  	v6 =	vperm.xlane v5, v1;
	_ =	sdelay $0x1  }
0x8e: {  	vm6 =	veq.s32 v7, v4;
	vm7 =	veq.s32 v7, v6;
	vm5 =	veq.s32 v8, $0x1;
	v8, _, _ =	vpop (xrf0)  }
0x8f: {  	vm8 =	vgt.u32 v7, $0xFFFFFFFD;
	vm7 =	vmor vm7, vm6;
	v9 =	vmax.f32 v8, v9  }
0x90: {  	s31 =	sadd.s32 $0xE100, s10;
	v10 =	vld [tilespmem:$0x90];
	vm7 =	vmor vm7, vm8;
	v9 =	vsel vm6, v8, v9  }
0x91: {  	[tilespmem:s31+$0x0] =	vst v9;
	v9 =	vsel vm7, $0xFFFFFFFF, v7;
	_ =	sdelay $0x1  }
0x92: {  	vm9 =	vmand vm4, vm3  }
0x93: {  	s10 =	sadd.s32 $0x10, s31;
	s0 =	simm.s32 $0x0;
	s2 =	sadd.s32 $0x10, s23;
	v11 =	vsel vm9, $0xFF800000, v8  }
0x94: {  	s23 =	sadd.s32 $0x10, s11;
	s11 =	sadd.s32 $0x10, s13;
	vm4 =	vmor vm5, vm6;
	v7 =	vsel vm6, v8, v10;
	v8 =	vshift.insert v11, v0, s22;
	(ifvalue) =	ssetifvalue $0xFFFFFFFF  }
.LBB2_7:
0x95: {  	[hbm4b:s1+s16] =	stream.indirect_vreg.scatter [tilespmem:s31], [sflag:$0x2], $0x1, v9, vm0, $0x4038;
	[tilespmem:$0x12120] =	vst v63  }
0x96: {  	s0 =	sadd.s32 $0x10, s0;
	s31 =	smov.u32 s10;
	v9 =	vld [tilespmem:s23+$0x0]  }
0x97: {  	p2 =	slt.u32 s0, $0x1FF0;
	v10 =	vld [tilespmem:s2+$0x0];
	_ =	sdelay $0x4  }
0x98: {  	vm5 =	vne.s32 v9, $0xFFFFFFFF;
	v8 =	vmax.f32 v10, v8  }
0x99: {  	(xrf0) =	vmax.seg.scan.f32 vm5, v8;
	_ =	sdelay $0x1  }
0x9a: {  	v8 =	vld [tilespmem:s11+$0x0]  }
0x9b: {  	vm6 =	veq.s32 v9, v4;
	vm7 =	veq.s32 v9, v6  }
0x9c: {  	vm8 =	vgt.u32 v9, $0xFFFFFFFD;
	vm4 =	vmor vm4, vm6;
	vm7 =	vmor vm7, vm6  }
0x9d: {  	vm7 =	vmor vm7, vm8  }
.Ltmp5:
0x9e: {  	vm5 =	vmand vm5, vm3;
	v9 =	vsel vm7, $0xFFFFFFFF, v9;
	v10, _, _ =	vpop (xrf0);
	(pc) =	sbr.rel @p2 .LBB2_7-.Ltmp5, $4  }
0x9f: {  	v7 =	vsel vm6, v10, v7;
	v8 =	vmax.f32 v10, v8;
	v11 =	vsel vm5, $0xFF800000, v10  }
0xa0: {  	v10 =	vsel vm6, v10, v8;
	v8 =	vshift.insert v11, v0, s22  }
0xa1: {  	s23 =	sadd.s32 $0x10, s23;
	s2 =	sadd.s32 $0x10, s2;
	[tilespmem:s10+$0x0] =	vst v10  }
0xa2: {  	s11 =	sadd.s32 $0x10, s11;
	s10 =	sadd.s32 $0x10, s10;
	(ifvalue) =	ssetifvalue $0xFFFFFFFF  }
0xa3: {  	_ =	sdelay $0x3  }
0xa4: {  	[hbm4b:s1+s16] =	stream.indirect_vreg.scatter [tilespmem:s31], [sflag:$0x2], $0x1, v9, vm0, $0x4038;
	[tilespmem:$0x12120] =	vst v63  }
0xa5: {  	v4 =	vld [tilespmem:s30+$0x100F0];
	_ =	sdelay $0x4  }
0xa6: {  	v4 =	vshift.insert v4, v3, s22  }
0xa7: {  	s0 =	simm.s32 $0x30  }
0xa8: {  	[tilespmem:s0+$0x0] =	vst.msk $0x1, v4  }
0xa9: {  	v4 =	vsel vm4, $0x1, v1;
	[tilespmem:$0x90] =	vst v7  }
0xaa: {  	s0 =	sadd.s32 @!p1 $0x100FF, s30;
	[tilespmem:$0xA0] =	vst v4  }
0xab: {  	[spmem:s15] =	stream.linear.scatter @!p1 [tilespmem:s0], [sflag:$0x1], $0x1, $0x38;
	[tilespmem:$0x12120] =	vst v63  }
0xac: {  	s0 =	simm.s32 @!p1 $0x1  }
0xad: {  	v4 =	vmctz.xlane @!p1 vm4;
	_ =	swait.ge @!p1 [sflag:s0], $0x1  }
0xae: {  	(v2sf) =	vpush @!p1 v5, $0x0  }
0xaf: {  	(v2sf) =	vpush @!p1 v4, $0x0;
	_ =	sdelay $0xd  }
0xb0: {  	s2 =	spop @!p1 (v2sf)  }
0xb1: {  	s10 =	spop @!p1 (v2sf)  }
0xb2: {  	p2 =	sne.s32 @!p1 s29, s2;
	p3 =	slt.s32 @!p1 s10, $0xF  }
0xb3: {  	[sflag:s0] =	ssyncset.done @!p1 $0x0;
	p2 =	por p2, p1;
	p3 =	por !p3, p1  }
0xb4: {  	[sflag:s0] =	ssyncadd.s32 @!p1 $0xFFFFFFFF;
	v4 =	vimm.s32 @!p2 $0xFFFFFFFF;
	s10 =	simm.s32 @p3 $0xF  }
0xb5: {  	[tilespmem:$0x80] =	vst @!p2 v4;
	s2 =	sadd.s32 @!p1 $0x90, s10  }
0xb6: {  	[spmem:s3] =	stream.linear.scatter @!p1 [tilespmem:s2], [sflag:$0x1], $0x1, $0x38;
	[tilespmem:$0x12120] =	vst v63  }
0xb7: {  	_ =	swait.ge @!p1 [sflag:s0], $0x1  }
0xb8: {  	[sflag:s0] =	ssyncset.done @!p1 $0x0  }
0xb9: {  	s2 =	simm.s32 @!p1 $0x80;
	s10 =	rddreg [dreg:$0x4];
	[sflag:s0] =	ssyncadd.s32 @!p1 $0xFFFFFFFF  }
0xba: {  	[spmem:s10] =	stream.linear.scatter @!p1 [tilespmem:s2], [sflag:$0x1], $0x1, $0x38;
	[tilespmem:$0x12120] =	vst v63  }
0xbb: {  	_ =	swait.ge @!p1 [sflag:s0], $0x1  }
0xbc: {  	[sflag:s0] =	ssyncset.done @!p1 $0x0  }
0xbd: {  	[sflag:s0] =	ssyncadd.s32 @!p1 $0xFFFFFFFF;
	(ifvalue) =	ssetifvalue $0xFFFFFFFF;
	v4 =	vld [tilespmem:s26+$0x10];
	_ =	sdelay $0x3  }
.Ltmp6:
0xbe: {  	_ = 	snop;
	(pc) =	sbr.rel .LBB2_9-.Ltmp6, $3  }
0xbf: {  	_ =	sdelay $0x1  }
0xc0: {  	(ifvalue) =	ssetifvalue $0xFFFFFFFF  }
0xc1: {  	[hbm4b:s1+s16] =	stream.indirect_vreg.scatter [tilespmem:s28], [sflag:$0x9], $0x1, v4, vm0, $0x4038;
	[tilespmem:$0x12120] =	vst v63  }
.LBB2_10:
0xc2: {  	_ =	sfence.sel $0x180000  }
0xc3: {  	s0 =	simm.s32 $0x7;
	[bflag:$0x0] =	sbarrier.arrive $0xFFFF  }
0xc4: {  	s26 =	simm.s32 $0x8;
	[sflag:s0] =	ssyncpa.u1 $0x1  }
0xc5: {  	s28 =	simm.s32 $0x9;
	[sflag:s26] =	ssyncpa.u1 $0x1  }
0xc6: {  	[sflag:s28] =	ssyncpa.u1 $0x1  }
0xc7: {  	_ =	sfence.stream.spmem  }
0xc8: {  	s29 =	simm.s32 $0x3;
	[bflag:$0x0] =	sbarrier.arrive $0xFFFF  }
0xc9: {  	s30 =	simm.s32 $0x4;
	[sflag:s29] =	ssyncpa.u1 $0x1  }
0xca: {  	s31 =	simm.s32 $0x3C;
	s2 =	stileid.u32;
	[sflag:s30] =	ssyncpa.u1 $0x1  }
0xcb: {  	p0 =	sne.s32 s2, $0x0;
	[sflag:s31] =	ssyncpa.u1 $0x1  }
0xcc: {  	s0 =	simm.s32 @p0 $0x1;
	_ =	sfence @p0  }
0xcd: {  	[sflag:s0] =	ssyncpa.u1 @p0 $0x1;
	s0 =	simm.s32 @p0 $0x2  }
0xce: {  	[sflag:s0] =	ssyncpa.u1 @p0 $0x1  }
0xcf: {  	_ =	strace @p0 $0x9000005F  }
0xd0: {  	[bflag:$0x2] =	sbarrier.arrive @p0 $0xFFFF  }
0xd1: {  	_ =	shalt @p0  }
.LBB2_11:
0xd2: {  	_ =	sfence.stream.spmem;
	s0 =	simm.s32 $0x5  }
0xd3: {  	s2 =	simm.s32 $0x80;
	s3 =	simm.s32 $0xC0;
	[sflag:s0] =	ssyncpa.u1 $0x0  }
0xd4: {  	[tilespmem:s3], [sflag:$0x5] =	stream.linear.gather [spmem:s2], $0x20, $0x38;
	[tilespmem:$0x12120] =	vst v63  }
0xd5: {  	s30 =	simm.s32 $0xE0;
	s2 =	simm.s32 $0x0  }
0xd6: {  	[tilespmem:s30], [sflag:$0x5] =	stream.linear.gather [spmem:s2], $0x20, $0x38;
	[tilespmem:$0x12120] =	vst v63  }
.Ltmp7:
0xd7: {  	_ = 	snop;
	(pc) =	sbr.rel .LBB2_12-.Ltmp7, $4  }
0xd8: {  	_ =	swait.ge [sflag:s0], $0x40  }
0xd9: {  	[sflag:s0] =	ssyncset.done $0x0  }
0xda: {  	s31 =	simm.s32 $0x6;
	[sflag:s0] =	ssyncadd.s32 $0xFFFFFFC0  }
0xdb: {  	s3 =	simm.s32 $0x0;
	[sflag:s31] =	ssyncpa.u1 $0x0  }
.LBB2_17:
0xdc: {  	p0 =	sgt.u32 s4, $0x27FF  }
0xdd: {  	s0 =	sshrl.u32 @!p0 s4, $0x3  }
0xde: {  	s4 =	sand.u32 @!p0 $0x7, s4;
	s5 =	simm.s32 @!p0 $0xB0;
	s0 =	sadd.s32 @!p0 s1, s0  }
0xdf: {  	[tilespmem:s5], [sflag:$0x6] =	stream.linear.gather @!p0 [hbm4b:s0+s4], $0x1, $0x38;
	[tilespmem:$0x12120] =	vst v63  }
0xe0: {  	s0 =	simm.s32 @!p0 $0x6  }
0xe1: {  	_ =	swait.ge @!p0 [sflag:s0], $0x1  }
0xe2: {  	[sflag:s0] =	ssyncset.done @!p0 $0x0  }
0xe3: {  	[sflag:s0] =	ssyncadd.s32 @!p0 $0xFFFFFFFF  }
0xe4: {  	v1 =	vld.msk @!p0 [tilespmem:$0xB0], $0x1  }
0xe5: {  	v2 =	vld.msk @!p0 [tilespmem:s3+$0xE0], $0x1;
	_ =	sdelay $0x4  }
0xe6: {  	v1 =	vmax.f32 @!p0 v2, v1  }
0xe7: {  	[tilespmem:s3+$0xE0] =	vst.msk @!p0 $0x1, v1  }
0xe8: {  	[tilespmem:s2+$0xC0] =	vst.msk $0x1, v0  }
0xe9: {  	v0 =	vld.msk [tilespmem:s3+$0xE0], $0x1;
	_ =	sdelay $0x4  }
0xea: {  	[tilespmem:s2+$0xE0] =	vst.msk $0x1, v0;
	s2 =	sadd.s32 $0x1, s2  }
.LBB2_19:
0xeb: {  	s3 =	sadd.s32 $0x1, s3  }
0xec: {  	p0 =	sne.s32 s3, $0x20  }
.Ltmp8:
0xed: {  	_ = 	snop;
	(pc) =	sbr.rel @!p0 .LBB2_20-.Ltmp8, $1  }
0xee: {  	_ =	sdelay $0x3  }
.LBB2_12:
0xef: {  	v0 =	vld.msk [tilespmem:s3+$0xC0], $0x1;
	_ =	sdelay $0x4  }
0xf0: {  	(v2sf) =	vpush v0, $0x0;
	_ =	sdelay $0xe  }
0xf1: {  	s4 =	spop (v2sf)  }
0xf2: {  	p0 =	seq.s32 s4, $0xFFFFFFFF  }
.Ltmp9:
0xf3: {  	_ = 	snop;
	(pc) =	sbr.rel @p0 .LBB2_19-.Ltmp9, $1  }
0xf4: {  	_ =	sdelay $0x3  }
0xf5: {  	p0 =	slt.s32 s2, $0x1  }
.Ltmp10:
0xf6: {  	_ = 	snop;
	(pc) =	sbr.rel @p0 .LBB2_17-.Ltmp10, $1  }
0xf7: {  	_ =	sdelay $0x3  }
0xf8: {  	s0 =	simm.s32 $0xC0;
	p0 =	por $0x0, $0x0  }
0xf9: {  	v1 =	vld.msk @!p0 [tilespmem:s0+$0x0], $0x1;
	_ =	sdelay $0x4  }
0xfa: {  	(v2sf) =	vpush @!p0 v1, $0x0;
	_ =	sdelay $0xd  }
0xfb: {  	p2 =	sne.s32 s2, $0x1  }
.Ltmp11:
0xfc: {  	s5 =	spop @!p0 (v2sf);
	(pc) =	sbr.rel @!p2 .LBB2_16-.Ltmp11, $4  }
0xfd: {  	p1 =	seq.s32 @!p0 s4, s5  }
0xfe: {  	s5 =	simm.s32 $0x0;
	p1 =	por !p1, p0  }
0xff: {  	s7 =	simm.s32 $0xFFFFFFFF;
	s5 =	simm.s32 @p1 $0xFFFFFFFF  }
0x100: {  	s6 =	simm.s32 $0x1;
	s5 =	smov.u32 @p0 s7  }
.LBB2_15:
0x101: {  	s7 =	smov.u32 s5;
	p0 =	sne.s32 s5, $0xFFFFFFFF  }
0x102: {  	s0 =	sadd.s32 $0x1, s0;
	s5 =	smov.u32 s6;
	s6 =	sadd.s32 $0x1, s6  }
0x103: {  	p1 =	sne.s32 s2, s6;
	v1 =	vld.msk @!p0 [tilespmem:s0+$0x0], $0x1;
	_ =	sdelay $0x4  }
0x104: {  	(v2sf) =	vpush @!p0 v1, $0x0;
	_ =	sdelay $0xe  }
.Ltmp12:
0x105: {  	s8 =	spop @!p0 (v2sf);
	(pc) =	sbr.rel @p1 .LBB2_15-.Ltmp12, $4  }
0x106: {  	p2 =	seq.s32 @!p0 s4, s8  }
0x107: {  	p2 =	por !p2, p0  }
0x108: {  	s5 =	simm.s32 @p2 $0xFFFFFFFF  }
0x109: {  	s5 =	smov.u32 @p0 s7  }
.LBB2_16:
0x10a: {  	p0 =	sne.s32 s5, $0xFFFFFFFF  }
.Ltmp13:
0x10b: {  	_ = 	snop;
	(pc) =	sbr.rel @!p0 .LBB2_17-.Ltmp13, $1  }
0x10c: {  	_ =	sdelay $0x3  }
0x10d: {  	v0 =	vld.msk [tilespmem:s3+$0xE0], $0x1  }
0x10e: {  	v1 =	vld.msk [tilespmem:s5+$0xE0], $0x1;
	_ =	sdelay $0x1  }
.Ltmp14:
0x10f: {  	_ = 	snop;
	(pc) =	sbr.rel .LBB2_19-.Ltmp14, $3  }
0x110: {  	_ =	sdelay $0x1  }
0x111: {  	v0 =	vmax.f32 v1, v0  }
0x112: {  	[tilespmem:s5+$0xE0] =	vst.msk $0x1, v0  }
.LBB2_20:
0x113: {  	p0 =	slt.s32 s2, $0x1  }
.Ltmp15:
0x114: {  	_ = 	snop;
	(pc) =	sbr.rel @p0 .LBB2_24-.Ltmp15, $3  }
0x115: {  	_ =	sdelay $0x1  }
0x116: {  	s0 =	simm.s32 $0x6  }
0x117: {  	s3 =	simm.s32 $0x0;
	[sflag:s0] =	ssyncpa.u1 $0x1  }
0x118: {  	s0 =	simm.s32 $0xC0  }
0x119: {  	v0 =	vld.msk [tilespmem:s0+$0x0], $0x1;
	_ =	sdelay $0x4  }
0x11a: {  	(v2sf) =	vpush v0, $0x0;
	_ =	sdelay $0xe  }
0x11b: {  	s2 =	sadd.s32 $0xFFFFFFFF, s2;
	s4 =	spop (v2sf)  }
0x11c: {  	p1 =	sne.s32 s2, $0x0;
	p0 =	sgt.u32 s4, $0x27FF  }
.Ltmp16:
0x11d: {  	s5 =	sshrl.u32 @!p0 s4, $0x3;
	(pc) =	sbr.rel @!p1 .LBB2_23-.Ltmp16, $4  }
0x11e: {  	s0 =	simm.s32 $0xE0;
	s4 =	sand.u32 @!p0 $0x7, s4;
	s5 =	sadd.s32 @!p0 s1, s5  }
0x11f: {  	[hbm4b:s5+s4] =	stream.linear.scatter @!p0 [tilespmem:s0], [sflag:$0x5], $0x1, $0x38;
	[tilespmem:$0x12120] =	vst v63  }
0x120: {  	s5 =	simm.s32 $0x0  }
0x121: {  	s4 =	simm.s32 $0xC1;
	s5 =	simm.s32 @!p0 $0x4  }
.LBB2_22:
0x122: {  	v0 =	vld.msk [tilespmem:s4+$0x0], $0x1;
	s2 =	sadd.s32 $0xFFFFFFFF, s2;
	s3 =	sadd.s32 s3, s5  }
0x123: {  	p0 =	sne.s32 s2, $0x0;
	_ =	sdelay $0x3  }
0x124: {  	(v2sf) =	vpush v0, $0x0;
	_ =	sdelay $0xe  }
.Ltmp17:
0x125: {  	s6 =	spop (v2sf);
	(pc) =	sbr.rel @p0 .LBB2_22-.Ltmp17, $4  }
0x126: {  	s5 =	simm.s32 $0x0;
	p1 =	sgt.u32 s6, $0x27FF  }
0x127: {  	s0 =	sadd.s32 $0x1, s0;
	s5 =	simm.s32 @!p1 $0x4;
	s7 =	sshrl.u32 @!p1 s6, $0x3  }
0x128: {  	s4 =	sadd.s32 $0x1, s4;
	s6 =	sand.u32 @!p1 $0x7, s6;
	s7 =	sadd.s32 @!p1 s1, s7  }
0x129: {  	[hbm4b:s7+s6] =	stream.linear.scatter @!p1 [tilespmem:s0], [sflag:$0x5], $0x1, $0x38;
	[tilespmem:$0x12120] =	vst v63  }
.LBB2_23:
0x12a: {  	s0 =	sadd.s32 s3, s5  }
0x12b: {  	s3 =	sshrl.u32 s0, $0x2  }
.LBB2_24:
0x12c: {  	s0 =	simm.s32 $0x5  }
0x12d: {  	_ =	swait.ge [sflag:s0], s3  }
0x12e: {  	s1 =	ssub.s32 $0x0, s3;
	[sflag:s0] =	ssyncset.done $0x0  }
0x12f: {  	[sflag:s0] =	ssyncadd.s32 s1  }
0x130: {  	[sflag:s0] =	ssyncpa.u1 $0x1  }
0x131: {  	s29 =	simm.s32 $0x1;
	_ =	sfence  }
0x132: {  	s30 =	simm.s32 $0x2;
	[sflag:s29] =	ssyncpa.u1 $0x1  }
0x133: {  	[sflag:s30] =	ssyncpa.u1 $0x1  }
0x134: {  	_ =	strace $0x9000005F  }
0x135: {  	[bflag:$0x2] =	sbarrier.arrive $0xFFFF  }
0x136: {  	s31 =	rddreg [dreg:$0x1]  }
0x137: {  	s0 =	sadd.s32 $0x100000, s31  }
0x138: {  	[sflag:s0] =	ssyncadd.tile.s32 $0x1;
	_ =	shalt  }
.Lfunc_end2:
_tile_overlayer_lowered:
.L_overlay_start_2:
0x139: {  	(tag) =	ssettag $0x2  }
0x13a: {  	s0 =	rddreg [dreg:$0x0];
	s2 =	stileid.u32  }
0x13b: {  	s1 =	rddreg [dreg:$0x1];
	p0 =	sne.s32 s2, $0x0  }
0x13c: {  	s3 =	rddreg [dreg:$0x2];
	[bflag:$0x3] =	sbarrier.arrive $0xFFFF;
	s2 =	simm.s32 @!p0 $0x1C01  }
0x13d: {  	[timem:s3], [sflag:s2] =	dma.local @!p0 [hbm:s0], s1  }
0x13e: {  	s0 =	simm.s32 @!p0 $0x1  }
0x13f: {  	_ =	swait.ge @!p0 [sflag:s0], s1  }
0x140: {  	s1 =	ssub.s32 @!p0 $0x0, s1;
	[sflag:s0] =	ssyncset.done @!p0 $0x0  }
0x141: {  	[sflag:s0] =	ssyncadd.s32 @!p0 s1  }
0x142: {  	[bflag:$0x3] =	sbarrier.arrive $0xFFFF  }
0x143: {  	_ =	shalt  }

// kernel: scatter_offload_async_start.3
scs
__scs_entry_jumppad:
0x0: {  	(pc) =	sbr.rel $0x88, $3  }
0x1: {  	(tag) =	ssettag $0x0;
	lr =	simm.s32 $0x1  }
0x2: {  	[smem:$0x3F91] =	sst lr;
	_ =	strace $0xD0000000  }
0x3: {  	_ = 	snop  }
0x4: {  	_ = 	snop  }
0x5: {  	_ = 	snop  }
0x6: {  	_ = 	snop  }
0x7: {  	_ = 	snop  }
__scs_overlays_trampoline_lowered:
0x8: {  	[smem:$0x3FA0] =	sst s0  }
0x9: {  	[smem:$0x3FA1] =	sst s1  }
0xa: {  	[smem:$0x3FA2] =	sst s2  }
0xb: {  	[smem:$0x3FA3] =	sst s3  }
0xc: {  	[smem:$0x3FA4] =	sst s4  }
0xd: {  	[smem:$0x3FA5] =	sst s5  }
0xe: {  	[smem:$0x3FA6] =	sst s6  }
0xf: {  	[smem:$0x3FA7] =	sst s7  }
0x10: {  	[smem:$0x3FA8] =	sst s8  }
0x11: {  	[smem:$0x3FA9] =	sst s9;
	s0 =	simm.s32 @!p0 $0x0  }
0x12: {  	s1 =	sld [smem:$0x3F8F];
	s0 =	simm.s32 @p0 $0x1  }
0x13: {  	[smem:$0x3FAA] =	sst s0;
	s0 =	simm.s32 @!p1 $0x0  }
0x14: {  	s2 =	sld [smem:$0x3F8E];
	s0 =	simm.s32 @p1 $0x1  }
0x15: {  	[smem:$0x3FAB] =	sst s0;
	s0 =	simm.s32 @!p2 $0x0  }
0x16: {  	s3 =	sld [smem:$0x3FDB];
	s0 =	simm.s32 @p2 $0x1  }
0x17: {  	s4 =	simm.s32 $0x1BF5;
	[smem:$0x3FAD] =	sst s0  }
0x18: {  	s0 =	sld [smem:$0x3F90];
	_ =	swait.ge [sflag:s4], $0x0  }
0x19: {  	s7 =	sld [smem:$0x3F91]  }
0x1a: {  	s8 =	sadd.s32 $0xFFFFE003, lr  }
0x1b: {  	s9 =	sadd.s32 $0xFFFFFEF7, lr;
	s5 =	simm.s32 $0xFFFFFFFF;
	p2 =	slt.u32 s8, $0xFFFFF086  }
0x1c: {  	p1 =	slt.u32 s9, $0xF7A;
	s5 =	simm.s32 @!p2 $0x0  }
0x1d: {  	s5 =	simm.s32 @p1 $0x1;
	p0 =	seq.s32 s7, s2  }
0x1e: {  	s7 =	smul.u32 @!p0 $0xF7A, s2;
	p2 =	seq.s32 @!p0 s5, $0x0  }
0x1f: {  	s9 =	smul.u32 $0xF7A, s1;
	s8 =	simm.s32 @!p0 $0x1BF5;
	p2 =	por !p2, p0  }
0x20: {  	[sflag:s8] =	ssyncset.s32 @!p0 $0xFFFFF086;
	s6 =	sadd.s32 @!p0 s3, s7;
	s7 =	simm.s32 @!p0 $0x108  }
0x21: {  	s3 =	sadd.s32 s3, s9;
	s6 =	sadd.s32 @!p0 $0x88, s6;
	s7 =	simm.s32 @p2 $0x1082  }
0x22: {  	[simem:s7], [sflag:s8] =	dma.local @!p0 [hbm:s6], $0xF7A  }
0x23: {  	s9 =	sor.u32 $0xD0000000, s2;
	s6 =	simm.s32 $0x108;
	_ =	swait.ge @!p0 [sflag:s8], $0x0  }
0x24: {  	s3 =	sadd.s32 $0x88, s3;
	s6 =	simm.s32 @!p1 $0x1082;
	[sflag:s4] =	ssyncset.s32 $0xFFFFF086  }
0x25: {  	[simem:s6], [sflag:s4] =	dma.local [hbm:s3], $0xF7A  }
0x26: {  	[smem:$0x3F91] =	sst s1;
	(tag) =	ssettag s2;
	_ =	strace s9  }
0x27: {  	s1 =	sld [smem:$0x3FA1]  }
0x28: {  	s2 =	sld [smem:$0x3FA2]  }
0x29: {  	s4 =	sld [smem:$0x3FA4]  }
0x2a: {  	p0 =	seq.s32 s5, $0x0;
	s5 =	sld [smem:$0x3FA5]  }
0x2b: {  	s6 =	sld [smem:$0x3FA6]  }
0x2c: {  	s7 =	sld [smem:$0x3FA7]  }
0x2d: {  	s3 =	simm.s32 $0x108;
	s8 =	sld [smem:$0x3FA8]  }
0x2e: {  	s3 =	simm.s32 @!p0 $0x1082;
	s9 =	sld [smem:$0x3FA9]  }
0x2f: {  	lr =	sadd.s32 s0, s3;
	s0 =	sld [smem:$0x3FA0]  }
0x30: {  	s3 =	sld [smem:$0x3FA3]  }
0x31: {  	[smem:$0x3FAC] =	sst s10  }
0x32: {  	s10 =	sld [smem:$0x3FAA];
	_ =	sdelay $0x3  }
0x33: {  	p0 =	seq.s32 s10, $0x1;
	s10 =	sld [smem:$0x3FAC];
	_ =	sdelay $0x3  }
0x34: {  	[smem:$0x3FAC] =	sst s10  }
0x35: {  	s10 =	sld [smem:$0x3FAB];
	_ =	sdelay $0x3  }
0x36: {  	p1 =	seq.s32 s10, $0x1;
	s10 =	sld [smem:$0x3FAC];
	_ =	sdelay $0x3  }
0x37: {  	[smem:$0x3FAC] =	sst s10  }
0x38: {  	s10 =	sld [smem:$0x3FAD]  }
0x39: {  	_ = 	snop;
	(pc) =	sbr.ind lr, $3  }
0x3a: {  	_ = 	snop  }
0x3b: {  	_ = 	snop  }
0x3c: {  	p2 =	seq.s32 s10, $0x1;
	s10 =	sld [smem:$0x3FAC]  }
0x3d: {  	_ =	shalt  }
0x3e: {  	_ =	shalt  }
0x3f: {  	_ =	shalt  }
0x40: {  	_ =	shalt  }
0x41: {  	_ =	shalt  }
0x42: {  	_ =	shalt  }
0x43: {  	_ =	shalt  }
0x44: {  	_ =	shalt  }
0x45: {  	_ =	shalt  }
0x46: {  	_ =	shalt  }
0x47: {  	_ =	shalt  }
0x48: {  	_ =	shalt  }
0x49: {  	_ =	shalt  }
0x4a: {  	_ =	shalt  }
0x4b: {  	_ =	shalt  }
0x4c: {  	_ =	shalt  }
0x4d: {  	_ =	shalt  }
0x4e: {  	_ =	shalt  }
0x4f: {  	_ =	shalt  }
0x50: {  	_ =	shalt  }
0x51: {  	_ =	shalt  }
0x52: {  	_ =	shalt  }
0x53: {  	_ =	shalt  }
0x54: {  	_ =	shalt  }
0x55: {  	_ =	shalt  }
0x56: {  	_ =	shalt  }
0x57: {  	_ =	shalt  }
0x58: {  	_ =	shalt  }
0x59: {  	_ =	shalt  }
0x5a: {  	_ =	shalt  }
0x5b: {  	_ =	shalt  }
0x5c: {  	_ =	shalt  }
0x5d: {  	_ =	shalt  }
0x5e: {  	_ =	shalt  }
0x5f: {  	_ =	shalt  }
0x60: {  	_ =	shalt  }
0x61: {  	_ =	shalt  }
0x62: {  	_ =	shalt  }
0x63: {  	_ =	shalt  }
0x64: {  	_ =	shalt  }
0x65: {  	_ =	shalt  }
0x66: {  	_ =	shalt  }
0x67: {  	_ =	shalt  }
0x68: {  	_ =	shalt  }
0x69: {  	_ =	shalt  }
0x6a: {  	_ =	shalt  }
0x6b: {  	_ =	shalt  }
0x6c: {  	_ =	shalt  }
0x6d: {  	_ =	shalt  }
0x6e: {  	_ =	shalt  }
0x6f: {  	_ =	shalt  }
0x70: {  	_ =	shalt  }
0x71: {  	_ =	shalt  }
0x72: {  	_ =	shalt  }
0x73: {  	_ =	shalt  }
0x74: {  	_ =	shalt  }
0x75: {  	_ =	shalt  }
0x76: {  	_ =	shalt  }
0x77: {  	_ =	shalt  }
0x78: {  	_ =	shalt  }
0x79: {  	_ =	shalt  }
0x7a: {  	_ =	shalt  }
0x7b: {  	_ =	shalt  }
0x7c: {  	_ =	shalt  }
0x7d: {  	_ =	shalt  }
0x7e: {  	_ =	shalt  }
0x7f: {  	_ =	shalt  }
0x80: {  	_ =	shalt  }
0x81: {  	_ =	shalt  }
0x82: {  	_ =	shalt  }
0x83: {  	_ =	shalt  }
0x84: {  	_ =	shalt  }
0x85: {  	_ =	shalt  }
0x86: {  	_ =	shalt  }
0x87: {  	_ =	shalt  }
.Lfunc_end0:
.L_simem_size_0:
called_computation.3_lowered:
.L_overlay_start_0:
0x88: {  	s0 =	sld [smem:$0x3FD9]  }
0x89: {  	s1 =	sld [smem:$0x3FFE];
	_ =	sdelay $0x3  }
0x8a: {  	s0 =	sadd.s32 s1, s0  }
0x8b: {  	[smem:$0x3FB8] =	sst s0  }
0x8c: {  	_ = 	snop  }
0x8d: {  	(tm) =	ssettm $0x1  }
0x8e: {  	s15 =	sld [smem:$0x3FFB];
	_ =	sdelay $0x3  }
0x8f: {  	_ =	strace s15  }
0x90: {  	s0 =	sld [smem:$0x3FFC];
	_ =	sdelay $0x3  }
0x91: {  	_ =	strace s0  }
0x92: {  	s0 =	sld [smem:$0x3FFD];
	_ =	sdelay $0x3  }
0x93: {  	_ =	strace s0  }
0x94: {  	_ =	strace $0x8FFFFFFF  }
0x95: {  	s16 =	sld [smem:$0x3FDB];
	_ =	sdelay $0x1  }
0x96: {  	s17 =	simm.s32 $_scs_section_size  }
0x97: {  	s2 =	simm.s32 $_size__tile_overlayer_lowered;
	s3 =	simm.s32 $_tile_overlayer_lowered  }
0x98: {  	s20 =	simm.s32 $0x1BFF;
	s19 =	sshll.u32 s3, $0x1;
	s0 =	sadd.s32 s17, s16  }
0x99: {  	s4 =	simm.s32 $0x0;
	s18 =	sshll.u32 s2, $0x1;
	s2 =	sadd.s32 s19, s0  }
0x9a: {  	[timem:s4], [sflag:s20] =	dma.local [hbm:s2], s18  }
0x9b: {  	_ =	swait.ge [sflag:s20], s18  }
0x9c: {  	s1 =	ssub.s32 $0x0, s18;
	[sflag:s20] =	ssyncset.done $0x0  }
0x9d: {  	[sflag:s20] =	ssyncadd.s32 s1;
	_ =	sdelay $0x1  }
0x9e: {  	s21 =	simm.s32 $0x1B8B  }
0x9f: {  	_ =	swait.ge [sflag:s21], $0x1  }
0xa0: {  	[sflag:s21] =	ssyncset.done $0x0  }
0xa1: {  	s23 =	simm.s32 $0x1B8E;
	s22 =	sld [smem:$0x3FFE];
	[sflag:s21] =	ssyncadd.s32 $0xFFFFFFFF  }
0xa2: {  	s24 =	simm.s32 $execute0_lowered;
	[smem:$0x3FD2] =	sst s23  }
0xa3: {  	s2 =	sshll.u32 s24, $0x1;
	_ =	strace $0x80000061;
	[dreg:$0x1] =	wrdreg $0xFFFFFFFF  }
0xa4: {  	s25 =	simm.s32 $_size_execute0_lowered;
	s0 =	sadd.s32 s0, s2;
	[dreg:$0x0] =	wrdreg $0x0  }
0xa5: {  	s2 =	sshll.u32 s25, $0x1;
	[dreg:$0x2] =	wrdreg s0  }
0xa6: {  	[dreg:$0x3] =	wrdreg s2  }
0xa7: {  	[dreg:$0x4] =	wrdreg $0xC0  }
0xa8: {  	_ =	task [dreg:s4], $0x5FFFF  }
0xa9: {  	[dreg:$0x1] =	wrdreg $0xFFFFFFFF  }
0xaa: {  	[dreg:$0x0] =	wrdreg $0x60  }
0xab: {  	[dreg:$0x2] =	wrdreg s22  }
0xac: {  	[dreg:$0x3] =	wrdreg $0x9  }
0xad: {  	_ =	task.clear_ibuf [dreg:s4], $0x4FFFF;
	_ =	strace $0x90000061  }
0xae: {  	s26 =	simm.s32 $0x9;
	_ =	strace $0x80000063  }
0xaf: {  	_ =	swait.ge [sflag:s26], $0x1  }
0xb0: {  	[sflag:s26] =	ssyncadd.s32 $0xFFFFFFFF  }
0xb1: {  	_ =	strace $0x90000063  }
0xb2: {  	_ =	sfence  }
0xb3: {  	s28 =	sld [smem:$0x0];
	_ =	sdelay $0x1  }
0xb4: {  	s29 =	srdreg.scid  }
0xb5: {  	s30 =	sshll.u32 s29, $0xD;
	s31 =	sshrl.u32 s29, $0x2  }
0xb6: {  	s1 =	sand.u32 $0x1, s29;
	s2 =	sand.u32 $0x4000, s30;
	s0 =	sadd.s32 s31, s28  }
0xb7: {  	s1 =	sor.u32 s2, s1;
	s0 =	sshll.u32 s0, $0x11  }
0xb8: {  	s0 =	sor.u32 s0, s1  }
0xb9: {  	s0 =	sadd.s32 $0x8F2B, s0  }
0xba: {  	[sflag:s0] =	ssyncadd.remote.s32 $0x1  }
0xbb: {  	_ =	sfence.sel $0xFFFF  }
0xbc: {  	[dreg:$0x0] =	wrdreg $0xFFFFFFFF;
	(pc) =	sbr.abs _section_cstart, $3  }
0xbd: {  	[dreg:$0x1] =	wrdreg $0xFFFFFFFF  }
0xbe: {  	_ =	task.clear_ibuf [dreg:s4], $0x2FFFF;
	_ =	strace $0x9FFFFFFF  }
0xbf: {  	(tm) =	ssettm $0x7FFFFFFF  }
tec
execute0_lowered:
.L_overlay_start_1:
0x0: {  	(tag) =	ssettag $0x1  }
0x1: {  	s0 =	rddreg [dreg:$0x0];
	_ =	strace $0x80000062;
	s1 =	simm.s32 $0x1  }
0x2: {  	v1 =	vimm.s32 $0xFFFFFFFF;
	[sflag:s1] =	ssyncpa.u1 $0x0  }
0x3: {  	s10 =	stileid.u32;
	s2 =	simm.s32 $0x6000;
	[tilespmem:$0x10] =	vst v1  }
0x4: {  	v0 =	vimm.f32 $0.0e+00;
	s29 =	simm.s32 $0x2;
	s7 =	simm.s32 $0x7;
	s8 =	simm.s32 $0x8;
	[tilespmem:$0x20] =	vst v1  }
0x5: {  	s30 =	simm.s32 $0x9;
	s16 =	simm.s32 $0x0;
	s17 =	simm.s32 $0xFFFFE000;
	[tilespmem:$0x30] =	vst v0  }
0x6: {  	s18 =	simm.s32 $0xF0;
	s19 =	simm.s32 $0xFFFFFFFF;
	s20 =	simm.s32 $0xFFFFC100;
	[tilespmem:$0x40] =	vst v0  }
0x7: {  	s21 =	simm.s32 $0xFFFFFFFE;
	s28 =	smin.u32 s10, $0x8;
	s3 =	sshll.u32 s10, $0x1;
	[tilespmem:$0x50] =	vst v0  }
0x8: {  	s22 =	simm.s32 $0xF;
	p0 =	slt.u32 s10, $0x8;
	[tilespmem:$0x60] =	vst v1;
	s1 =	sadd.s32 s28, s3  }
0x9: {  	s26 =	simm.s32 $0x0;
	[tilespmem:$0x70] =	vst v1;
	s2 =	simm.s32 @!p0 $0x4000;
	s4 =	sshll.u32 s1, $0xD  }
0xa: {  	s25 =	simm.s32 $0x0;
	s6 =	sadd.s32 $0x1AFE00, s0;
	[tilespmem:$0x80] =	vst v1;
	s2 =	sadd.s32 s2, s4  }
0xb: {  	s15 =	sshllo.u32 s10, $0x1;
	v1 =	vimm.s32 $0x0;
	[tilespmem:$0xB0] =	vst v0;
	s13 =	sor.u32 $0x80, s3;
	s5 =	smin.u32 s2, $0x50000  }
0xc: {  	s14 =	sor.u32 $0x81, s3;
	[tilespmem:$0x90] =	vst v1;
	s1 =	sadd.s32 $0xC200, s0;
	s9 =	ssub.s32 s5, s4  }
.Ltmp0:
0xd: {  	[tilespmem:$0xA0] =	vst v1;
	[sflag:s29] =	ssyncpa.u1 $0x0;
	p0 =	sgt.s32 s9, $0x0;
	(pc) =	sbr.rel .LBB2_1-.Ltmp0, $4  }
0xe: {  	s0 =	sadd.s32 $0x2200, s0;
	[sflag:s7] =	ssyncpa.u1 $0x0;
	s9 =	simm.s32 @!p0 $0x0  }
0xf: {  	[dreg:$0x2] =	wrdreg s0;
	[sflag:s8] =	ssyncpa.u1 $0x0;
	s9 =	sshrl.u32 s9, $0xD  }
0x10: {  	vm0 =	vmmov $0xffff;
	v2 =	vlaneseq.u32;
	s24 =	smov.u32 s4;
	[sflag:s30] =	ssyncpa.u1 $0x0;
	s31 =	sadd.s32 $0x1, s9  }
0x11: {  	vm1 =	vmxor vm1, vm1;
	vm2 =	vmmov $0x1;
	vm3 =	vcmask $0x3F3C;
	p0 =	por $0x0, $0x0;
	s12 =	sadd.s32 $0x2, s9;
	[dreg:$0x3] =	wrdreg s31  }
.LBB2_9:
0x12: {  	p1 =	slt.u32 s25, $0x3  }
0x13: {  	s0 =	simm.s32 @!p1 $0x2  }
0x14: {  	_ =	swait.ge @!p1 [sflag:s0], $0x2000  }
0x15: {  	[sflag:s0] =	ssyncset.done @!p1 $0x0  }
0x16: {  	[sflag:s0] =	ssyncadd.s32 @!p1 $0xFFFFE000;
	s0 =	simm.s32 @!p1 $0x9  }
0x17: {  	_ =	swait.ge @!p1 [sflag:s0], $0x10  }
0x18: {  	s2 =	sadd.s32 $0x2000, s24;
	[sflag:s0] =	ssyncset.done @!p1 $0x0  }
0x19: {  	[sflag:s0] =	ssyncadd.s32 @!p1 $0xFFFFFFF0;
	p1 =	slt.s32 s2, s5;
	s0 =	smov.u32 s4  }
0x1a: {  	s0 =	smov.u32 @p1 s2;
	p1 =	sne.s32 s25, s12  }
.Ltmp1:
0x1b: {  	_ = 	snop;
	(pc) =	sbr.rel @!p1 .LBB2_10-.Ltmp1, $4  }
0x1c: {  	s31 =	sadd.s32 $0x1, s25  }
0x1d: {  	s17 =	sadd.s32 $0x2000, s17;
	s18 =	sadd.s32 $0x2000, s18;
	s19 =	sadd.s32 $0x1, s19  }
0x1e: {  	s26 =	smov.u32 s24;
	p0 =	por !p0, !p0;
	s20 =	sadd.s32 $0x2000, s20  }
0x1f: {  	s21 =	sadd.s32 $0x1, s21;
	s25 =	smov.u32 s31;
	s24 =	smov.u32 s0  }
.LBB2_1:
0x20: {  	p1 =	sge.u32 s25, s9  }
0x21: {  	s0 =	smulhi.u32 @!p1 $0xAAAAAAAB, s25;
	_ =	sdelay $0x1  }
0x22: {  	s0 =	sshrl.u32 @!p1 s0, $0x1  }
0x23: {  	s0 =	smul.u32 @!p1 $0x3, s0;
	_ =	sdelay $0x1  }
0x24: {  	s0 =	ssub.s32 @!p1 s25, s0  }
0x25: {  	s2 =	sshrl.u32 @!p1 s24, $0x3;
	s0 =	sshll.u32 @!p1 s0, $0xD  }
0x26: {  	s10 =	sand.u32 @!p1 $0x7, s24;
	s2 =	sadd.s32 @!p1 s6, s2;
	s0 =	sor.u32 @!p1 $0x100, s0  }
0x27: {  	[tilespmem:s0], [sflag:$0x7] =	stream.linear.gather @!p1 [hbm4b:s2+s10], $0x2000, $0x38;
	[tilespmem:$0x12120] =	vst v63  }
0x28: {  	s2 =	sadd.s32 $0xFFFFFFFF, s25  }
0x29: {  	p1 =	sge.u32 s2, s9  }
.Ltmp2:
0x2a: {  	_ = 	snop;
	(pc) =	sbr.rel @p1 .LBB2_5-.Ltmp2, $1  }
0x2b: {  	_ =	sdelay $0x3  }
0x2c: {  	s0 =	smulhi.u32 $0xAAAAAAAB, s2;
	_ =	sdelay $0x1  }
0x2d: {  	s0 =	sshrl.u32 s0, $0x1  }
0x2e: {  	s0 =	smul.u32 $0x3, s0;
	_ =	sdelay $0x1  }
0x2f: {  	s0 =	ssub.s32 s2, s0  }
0x30: {  	_ =	swait.ge [sflag:s7], $0x2000;
	s0 =	sshll.u32 s0, $0xD  }
0x31: {  	[sflag:s7] =	ssyncset.done $0x0;
	s0 =	sor.u32 $0x100, s0  }
0x32: {  	[sflag:s7] =	ssyncadd.s32 $0xFFFFE000;
	(ifvalue) =	ssetifvalue $0xFFFFFFFF;
	v3 =	vld.msk [tilespmem:s0+$0x0 ss:$0x1], $0xffff;
	_ =	sdelay $0x2  }
0x33: {  	s29 =	smulhi.u32 $0xAAAAAAAB, s19;
	p1 =	sne.s32 s25, $0x1  }
0x34: {  	v4 =	vimm.s32 @!p1 $0x0  }
0x35: {  	s0 =	sshrl.u32 s29, $0x1;
	v4 =	vperm.xlane @!p1 v3, v4  }
0x36: {  	s10 =	sshll.u32 s25, $0x4;
	s0 =	smul.u32 $0xFFFE8000, s0;
	vm4 =	vlt.u32 v3, $0x2800  }
0x37: {  	s10 =	sand.u32 $0x10, s10;
	v3 =	vnsel vm4, $0xFFFFFFFE, v3;
	vm4 =	vlt.u32 @!p1 v4, $0x2800  }
0x38: {  	s0 =	sshra.s32 s0, $0x2;
	[tilespmem:s10+$0x60] =	vst v3;
	v3 =	vnsel @!p1 vm4, $0xFFFFFFFE, v4  }
0x39: {  	s28 =	sadd.s32 s0, s18;
	[tilespmem:$0x80] =	vst @!p1 v3  }
0x3a: {  	v3 =	vld.msk [tilespmem:s28+$0x0 ss:$0x1], $0xffff;
	_ =	sdelay $0x4  }
0x3b: {  	(xrf1) =	vunique.msk.u32 $0xffff, v3;
	_ =	sdelay $0xd  }
0x3c: {  	v4 =	vimm.s32 $0xFFFFFFFF;
	v5, _, _ =	vpop (xrf1)  }
0x3d: {  	vm5 =	vne.s32 v3, v4;
	vm4 =	veq.s32 v5, v2  }
0x3e: {  	vm6 =	vlt.u32 v3, $0x2800;
	vm4 =	vmand vm5, vm4  }
0x3f: {  	vm4 =	vmand vm6, vm4  }
0x40: {  	v4 =	vnsel vm4, $0xFFFFFFFF, v3;
	_ =	sdelay $0x2  }
0x41: {  	s30 =	sand.u32 $0x2000, s17  }
0x42: {  	s31 =	sshll.u32 s2, $0xD;
	s0 =	sor.u32 $0x80F0, s30;
	(ifvalue) =	ssetifvalue $0xFFFFFFFF  }
0x43: {  	v3 =	vperm.xlane v3, v1;
	[tilespmem:s0], [sflag:$0x8] =	stream.indirect_vreg.gather [hbm4b:s1+s16], $0x1, v4, vm0, $0x4038;
	v4 =	vnsel vm6, $0xFFFFFFFE, v4;
	[tilespmem:$0x12120] =	vst v63  }
0x44: {  	s23 =	simm.s32 $0x0;
	s2 =	sand.u32 $0x2000, s31;
	s10 =	sadd.s32 $0xFFFFFFF0, s28;
	[tilespmem:s28+$0x0] =	vst v4  }
.LBB2_3:
0x45: {  	v4 =	vld.msk [tilespmem:s10+$0x0 ss:$0x1], $0xffff;
	s23 =	sadd.s32 $0x10, s23;
	v5 =	vmov v3;
	s28 =	smov.u32 s10  }
0x46: {  	p1 =	slt.u32 s23, $0x1FF0;
	_ =	sdelay $0x4  }
0x47: {  	v3 =	vperm.xlane v4, v1;
	(xrf1) =	vunique.msk.u32 $0xffff, v4;
	_ =	sdelay $0xd  }
0x48: {  	v6, _, _ =	vpop (xrf1)  }
0x49: {  	vm5 =	vne.s32 v4, v5;
	vm4 =	veq.s32 v6, v2  }
0x4a: {  	vm6 =	vlt.u32 v4, $0x2800;
	vm4 =	vmand vm5, vm4  }
0x4b: {  	vm4 =	vmand vm6, vm4  }
0x4c: {  	v4 =	vnsel vm4, $0xFFFFFFFF, v4  }
.Ltmp3:
0x4d: {  	v5 =	vnsel vm6, $0xFFFFFFFE, v4;
	(pc) =	sbr.rel @p1 .LBB2_3-.Ltmp3, $3  }
0x4e: {  	_ =	sdelay $0x1  }
0x4f: {  	s10 =	sadd.s32 $0xFFFFFFF0, s10;
	s0 =	sadd.s32 $0xFFFFFFF0, s0;
	(ifvalue) =	ssetifvalue $0xFFFFFFFF  }
0x50: {  	[tilespmem:s0], [sflag:$0x8] =	stream.indirect_vreg.gather [hbm4b:s1+s16], $0x1, v4, vm0, $0x4038;
	[tilespmem:s28+$0x0] =	vst v5  }
0x51: {  	s0 =	sshrl.u32 s26, $0x3;
	s10 =	rddreg [dreg:$0x2]  }
0x52: {  	s2 =	sadd.s32 $0xA100, s2;
	s0 =	sadd.s32 s10, s0  }
0x53: {  	[tilespmem:s2], [sflag:$0x8] =	stream.linear.gather [hbm:s0], $0x2000, $0x38;
	[tilespmem:$0x12120] =	vst v63  }
.LBB2_5:
0x54: {  	p1 =	slt.u32 s25, $0x2  }
0x55: {  	p2 =	sge.u32 @!p1 s25, s12  }
0x56: {  	p1 =	por p1, p2  }
.Ltmp4:
0x57: {  	_ = 	snop;
	(pc) =	sbr.rel @p1 .LBB2_9-.Ltmp4, $1  }
0x58: {  	_ =	sdelay $0x3  }
0x59: {  	s0 =	sadd.s32 $0xFFFFFFFE, s25  }
0x5a: {  	s2 =	smulhi.u32 $0xAAAAAAAB, s0;
	_ =	sdelay $0x1  }
0x5b: {  	s2 =	sshrl.u32 s2, $0x1  }
0x5c: {  	s2 =	smul.u32 $0x3, s2  }
0x5d: {  	_ =	swait.ge [sflag:s8], $0x4000  }
0x5e: {  	s10 =	rddreg [dreg:$0x3];
	s0 =	ssub.s32 s0, s2  }
0x5f: {  	[sflag:s8] =	ssyncset.done $0x0;
	p1 =	sne.s32 s25, s10;
	s0 =	sshll.u32 s0, $0xD  }
0x60: {  	[sflag:s8] =	ssyncadd.s32 $0xFFFFC000;
	s2 =	sadd.s32 @!p1 $0x20FF, s0  }
0x61: {  	[spmem:s14] =	stream.linear.scatter @!p1 [tilespmem:s2], [sflag:$0x1], $0x1, $0x38;
	[tilespmem:$0x12120] =	vst v63  }
0x62: {  	s2 =	simm.s32 @!p1 $0x1  }
0x63: {  	_ =	swait.ge @!p1 [sflag:s2], $0x1  }
0x64: {  	s10 =	sshll.u32 s25, $0x4;
	[sflag:s2] =	ssyncset.done @!p1 $0x0  }
0x65: {  	s26 =	sand.u32 $0x10, s10;
	[sflag:s2] =	ssyncadd.s32 @!p1 $0xFFFFFFFF  }
0x66: {  	s2 =	sxor.u32 $0x10, s26;
	v4 =	vld [tilespmem:s26+$0x10]  }
0x67: {  	v5 =	vld [tilespmem:s2+$0x60]  }
0x68: {  	v3 =	vld [tilespmem:$0x80];
	_ =	sdelay $0x2  }
0x69: {  	(v2sf) =	vpush v4, $0x0  }
0x6a: {  	(v2sf) =	vpush v5, $0x0  }
0x6b: {  	(v2sf) =	vpush v3, $0x0;
	_ =	sdelay $0xc  }
0x6c: {  	s11 =	spop (v2sf)  }
0x6d: {  	s23 =	spop (v2sf)  }
0x6e: {  	s29 =	spop (v2sf)  }
0x6f: {  	p2 =	seq.s32 s11, s23;
	p3 =	seq.s32 s29, s11  }
0x70: {  	p3 =	por p2, p3  }
0x71: {  	v4 =	vpsel p3, $0xFFFFFFFF, v4  }
0x72: {  	s23 =	sand.u32 $0x1, s25;
	[tilespmem:s26+$0x10] =	vst.msk $0x1, v4  }
0x73: {  	s30 =	sshll.u32 s23, $0xD;
	v4 =	vld [tilespmem:$0x30]  }
0x74: {  	v5 =	vld [tilespmem:s30+$0xA100]  }
0x75: {  	v6 =	vld [tilespmem:s26+$0x40];
	_ =	sdelay $0x3  }
0x76: {  	vm4 =	vmmov vm1;
	v5 =	vadd.f32 v5, v4  }
0x77: {  	vm5 =	vmmov vm2;
	vm4 =	vmmov @p2 vm2;
	s10 =	sshll.u32 s23, $0x4;
	v4 =	vadd.f32 v6, v4  }
0x78: {  	s28 =	sor.u32 $0x12100, s10;
	vm5 =	vmmov @p3 vm1;
	[tilespmem:s30+$0xA100] =	vst.msk vm4, v5  }
0x79: {  	[tilespmem:s28+$0x0] =	vst.msk vm5, v4  }
0x7a: {  	v4 =	vld [tilespmem:s30+$0x80F0];
	_ =	sdelay $0x3  }
0x7b: {  	v5 =	vimm.f32 $0.0e+00  }
0x7c: {  	v4 =	vshift.insert v4, v5, s22  }
0x7d: {  	s11 =	sor.u32 $0x40, s2  }
0x7e: {  	[tilespmem:s11+$0x0] =	vst.msk $0x1, v4  }
0x7f: {  	[tilespmem:s30+$0x80FF] =	vst.msk $0x1, v5  }
0x80: {  	v4 =	vld [tilespmem:s0+$0x20F0];
	_ =	sdelay $0x1  }
0x81: {  	s23 =	smulhi.u32 $0xAAAAAAAB, s21;
	_ =	sdelay $0x1  }
0x82: {  	s10 =	simm.s32 $0x1;
	s0 =	sshrl.u32 s23, $0x1  }
0x83: {  	s10 =	simm.s32 @!p0 $0x0;
	s0 =	smul.u32 $0xFFFE8000, s0;
	v4 =	vshift.insert v4, v1, s22  }
0x84: {  	s10 =	sshll.u32 s10, $0xD  }
0x85: {  	s31 =	sadd.s32 $0xA100, s10;
	s0 =	sshra.s32 s0, $0x2;
	[tilespmem:s2+$0x10] =	vst.msk $0x1, v4  }
0x86: {  	s11 =	sadd.s32 s0, s20;
	v6 =	vld [tilespmem:s31+$0x0]  }
0x87: {  	v7 =	vld [tilespmem:s11+$0x0];
	_ =	sdelay $0x3  }
0x88: {  	v5 =	vadd.f32 v6, v5  }
0x89: {  	vm4 =	vne.s32 v7, $0xFFFFFFFF  }
0x8a: {  	(xrf2) =	vadd.seg.scan.f32 vm4, v5;
	_ =	sdelay $0x3  }
0x8b: {  	s0 =	sadd.s32 $0x6100, s10;
	v5 =	vperm.xlane v4, v1  }
0x8c: {  	v6 =	vld [tilespmem:s0+$0x0]  }
0x8d: {  	vm5 =	veq.s32 v7, v3;
	vm6 =	veq.s32 v7, v5  }
0x8e: {  	vm7 =	vgt.u32 v7, $0xFFFFFFFD;
	vm6 =	vmor vm6, vm5  }
0x8f: {  	vm6 =	vmor vm6, vm7  }
0x90: {  	v9 =	vld [tilespmem:$0xA0];
	v7 =	vsel vm6, $0xFFFFFFFF, v7  }
0x91: {  	v10 =	vld [tilespmem:$0x90];
	v6 =	vsel vm5, $0x0, v6;
	v8, _, _ =	vpop (xrf2)  }
0x92: {  	v6 =	vadd.f32 v8, v6  }
0x93: {  	s2 =	sadd.s32 $0xE100, s10  }
0x94: {  	vm4 =	vmand vm4, vm3;
	[tilespmem:s2+$0x0] =	vst v6;
	(ifvalue) =	ssetifvalue $0xFFFFFFFF  }
0x95: {  	vm6 =	veq.s32 v9, $0x1;
	[hbm4b:s1+s16] =	stream.indirect_vreg.scatter [tilespmem:s2], [sflag:$0x2], $0x1, v7, vm0, $0x4038;
	v7 =	vsel vm4, $0x0, v8;
	[tilespmem:$0x12120] =	vst v63  }
0x96: {  	s23 =	simm.s32 $0x0;
	s10 =	sadd.s32 $0x10, s11;
	vm4 =	vmor vm6, vm5;
	v6 =	vsel vm5, v8, v10;
	v7 =	vshift.insert v7, v0, s22  }
.LBB2_7:
0x97: {  	v8 =	vld [tilespmem:s10+$0x0];
	s31 =	sadd.s32 $0x10, s31  }
0x98: {  	s0 =	sadd.s32 $0x10, s0;
	v9 =	vld [tilespmem:s31+$0x0]  }
0x99: {  	s23 =	sadd.s32 $0x10, s23;
	v10 =	vld [tilespmem:s0+$0x0]  }
0x9a: {  	p2 =	slt.u32 s23, $0x1FF0;
	_ =	sdelay $0x2  }
0x9b: {  	v7 =	vadd.f32 v9, v7  }
0x9c: {  	vm5 =	vne.s32 v8, $0xFFFFFFFF  }
0x9d: {  	vm6 =	vmand vm5, vm3;
	(xrf2) =	vadd.seg.scan.f32 vm5, v7;
	_ =	sdelay $0x5  }
0x9e: {  	vm7 =	veq.s32 v8, v5;
	vm5 =	veq.s32 v8, v3  }
0x9f: {  	vm8 =	vgt.u32 v8, $0xFFFFFFFD;
	vm4 =	vmor vm4, vm5;
	vm7 =	vmor vm7, vm5  }
0xa0: {  	vm7 =	vmor vm7, vm8  }
0xa1: {  	v8 =	vsel vm7, $0xFFFFFFFF, v8  }
.Ltmp5:
0xa2: {  	v7 =	vsel vm5, $0x0, v10;
	v9, _, _ =	vpop (xrf2);
	(pc) =	sbr.rel @p2 .LBB2_7-.Ltmp5, $4  }
0xa3: {  	v6 =	vsel vm5, v9, v6;
	v10 =	vadd.f32 v9, v7;
	v7 =	vsel vm6, $0x0, v9  }
0xa4: {  	s2 =	sadd.s32 $0x10, s2;
	v7 =	vshift.insert v7, v0, s22  }
0xa5: {  	s10 =	sadd.s32 $0x10, s10;
	[tilespmem:s2+$0x0] =	vst v10;
	(ifvalue) =	ssetifvalue $0xFFFFFFFF  }
0xa6: {  	[hbm4b:s1+s16] =	stream.indirect_vreg.scatter [tilespmem:s2], [sflag:$0x2], $0x1, v8, vm0, $0x4038;
	[tilespmem:$0x12120] =	vst v63  }
0xa7: {  	v3 =	vld [tilespmem:s30+$0x100F0];
	_ =	sdelay $0x4  }
0xa8: {  	v3 =	vshift.insert v3, v0, s22  }
0xa9: {  	s0 =	simm.s32 $0x30  }
0xaa: {  	[tilespmem:s0+$0x0] =	vst.msk $0x1, v3  }
0xab: {  	v3 =	vsel vm4, $0x1, v1;
	[tilespmem:$0x90] =	vst v6  }
0xac: {  	s0 =	sadd.s32 @!p1 $0x100FF, s30;
	[tilespmem:$0xA0] =	vst v3  }
0xad: {  	[spmem:s15] =	stream.linear.scatter @!p1 [tilespmem:s0], [sflag:$0x1], $0x1, $0x38;
	[tilespmem:$0x12120] =	vst v63  }
0xae: {  	s0 =	simm.s32 @!p1 $0x1  }
0xaf: {  	v3 =	vmctz.xlane @!p1 vm4;
	_ =	swait.ge @!p1 [sflag:s0], $0x1  }
0xb0: {  	(v2sf) =	vpush @!p1 v4, $0x0  }
0xb1: {  	(v2sf) =	vpush @!p1 v3, $0x0;
	_ =	sdelay $0xd  }
0xb2: {  	s2 =	spop @!p1 (v2sf)  }
0xb3: {  	s10 =	spop @!p1 (v2sf)  }
0xb4: {  	p2 =	sne.s32 @!p1 s29, s2;
	p3 =	slt.s32 @!p1 s10, $0xF  }
0xb5: {  	[sflag:s0] =	ssyncset.done @!p1 $0x0;
	p2 =	por p2, p1;
	p3 =	por !p3, p1  }
0xb6: {  	[sflag:s0] =	ssyncadd.s32 @!p1 $0xFFFFFFFF;
	v3 =	vimm.s32 @!p2 $0xFFFFFFFF;
	s10 =	simm.s32 @p3 $0xF  }
0xb7: {  	[tilespmem:$0x80] =	vst @!p2 v3;
	s2 =	sadd.s32 @!p1 $0x90, s10  }
0xb8: {  	[spmem:s3] =	stream.linear.scatter @!p1 [tilespmem:s2], [sflag:$0x1], $0x1, $0x38;
	[tilespmem:$0x12120] =	vst v63  }
0xb9: {  	_ =	swait.ge @!p1 [sflag:s0], $0x1  }
0xba: {  	[sflag:s0] =	ssyncset.done @!p1 $0x0  }
0xbb: {  	s2 =	simm.s32 @!p1 $0x80;
	[sflag:s0] =	ssyncadd.s32 @!p1 $0xFFFFFFFF  }
0xbc: {  	[spmem:s13] =	stream.linear.scatter @!p1 [tilespmem:s2], [sflag:$0x1], $0x1, $0x38;
	[tilespmem:$0x12120] =	vst v63  }
0xbd: {  	_ =	swait.ge @!p1 [sflag:s0], $0x1  }
0xbe: {  	[sflag:s0] =	ssyncset.done @!p1 $0x0  }
0xbf: {  	[sflag:s0] =	ssyncadd.s32 @!p1 $0xFFFFFFFF;
	(ifvalue) =	ssetifvalue $0xFFFFFFFF;
	v3 =	vld [tilespmem:s26+$0x10];
	_ =	sdelay $0x3  }
.Ltmp6:
0xc0: {  	_ = 	snop;
	(pc) =	sbr.rel .LBB2_9-.Ltmp6, $3  }
0xc1: {  	_ =	sdelay $0x1  }
0xc2: {  	(ifvalue) =	ssetifvalue $0xFFFFFFFF  }
0xc3: {  	[hbm4b:s1+s16] =	stream.indirect_vreg.scatter [tilespmem:s28], [sflag:$0x9], $0x1, v3, vm0, $0x4038;
	[tilespmem:$0x12120] =	vst v63  }
.LBB2_10:
0xc4: {  	_ =	sfence.sel $0x180000  }
0xc5: {  	s0 =	simm.s32 $0x7;
	[bflag:$0x0] =	sbarrier.arrive $0xFFFF  }
0xc6: {  	s26 =	simm.s32 $0x8;
	[sflag:s0] =	ssyncpa.u1 $0x1  }
0xc7: {  	s28 =	simm.s32 $0x9;
	[sflag:s26] =	ssyncpa.u1 $0x1  }
0xc8: {  	[sflag:s28] =	ssyncpa.u1 $0x1  }
0xc9: {  	_ =	sfence.stream.spmem  }
0xca: {  	s29 =	simm.s32 $0x3;
	[bflag:$0x0] =	sbarrier.arrive $0xFFFF  }
0xcb: {  	s30 =	simm.s32 $0x4;
	[sflag:s29] =	ssyncpa.u1 $0x1  }
0xcc: {  	s31 =	simm.s32 $0x3C;
	s2 =	stileid.u32;
	[sflag:s30] =	ssyncpa.u1 $0x1  }
0xcd: {  	p0 =	sne.s32 s2, $0x0;
	[sflag:s31] =	ssyncpa.u1 $0x1  }
0xce: {  	s0 =	simm.s32 @p0 $0x1;
	_ =	sfence @p0  }
0xcf: {  	[sflag:s0] =	ssyncpa.u1 @p0 $0x1;
	s0 =	simm.s32 @p0 $0x2  }
0xd0: {  	[sflag:s0] =	ssyncpa.u1 @p0 $0x1  }
0xd1: {  	_ =	strace @p0 $0x90000062  }
0xd2: {  	[bflag:$0x2] =	sbarrier.arrive @p0 $0xFFFF  }
0xd3: {  	_ =	shalt @p0  }
.LBB2_11:
0xd4: {  	_ =	sfence.stream.spmem;
	s0 =	simm.s32 $0x5  }
0xd5: {  	s2 =	simm.s32 $0x80;
	s3 =	simm.s32 $0xC0;
	[sflag:s0] =	ssyncpa.u1 $0x0  }
0xd6: {  	[tilespmem:s3], [sflag:$0x5] =	stream.linear.gather [spmem:s2], $0x20, $0x38;
	[tilespmem:$0x12120] =	vst v63  }
0xd7: {  	s2 =	simm.s32 $0x0;
	s3 =	simm.s32 $0xE0  }
0xd8: {  	[tilespmem:s3], [sflag:$0x5] =	stream.linear.gather [spmem:s2], $0x20, $0x38;
	[tilespmem:$0x12120] =	vst v63  }
.Ltmp7:
0xd9: {  	_ = 	snop;
	(pc) =	sbr.rel .LBB2_12-.Ltmp7, $4  }
0xda: {  	_ =	swait.ge [sflag:s0], $0x40  }
0xdb: {  	[sflag:s0] =	ssyncset.done $0x0  }
0xdc: {  	s31 =	simm.s32 $0x6;
	[sflag:s0] =	ssyncadd.s32 $0xFFFFFFC0  }
0xdd: {  	s4 =	simm.s32 $0x0;
	[sflag:s31] =	ssyncpa.u1 $0x0  }
.LBB2_17:
0xde: {  	p0 =	sgt.u32 s0, $0x27FF  }
0xdf: {  	s5 =	sshrl.u32 @!p0 s0, $0x3  }
0xe0: {  	s0 =	sand.u32 @!p0 $0x7, s0;
	s6 =	simm.s32 @!p0 $0xB0;
	s5 =	sadd.s32 @!p0 s1, s5  }
0xe1: {  	[tilespmem:s6], [sflag:$0x6] =	stream.linear.gather @!p0 [hbm4b:s5+s0], $0x1, $0x38;
	[tilespmem:$0x12120] =	vst v63  }
0xe2: {  	s0 =	simm.s32 @!p0 $0x6  }
0xe3: {  	_ =	swait.ge @!p0 [sflag:s0], $0x1  }
0xe4: {  	[sflag:s0] =	ssyncset.done @!p0 $0x0  }
0xe5: {  	[sflag:s0] =	ssyncadd.s32 @!p0 $0xFFFFFFFF  }
0xe6: {  	v2 =	vmov @!p0 s4;
	v1 =	vld.msk @!p0 [tilespmem:$0xB0], $0x1;
	_ =	sdelay $0x3  }
0xe7: {  	s0 =	simm.s32 @!p0 $0xE0  }
0xe8: {  	[tilespmem:v2+s0+$0x0], v1 =	vst.idx.ret.add.f32.msk @!p0 $0x1, v1  }
0xe9: {  	[tilespmem:s2+$0xC0] =	vst.msk $0x1, v0  }
0xea: {  	v0 =	vld.msk [tilespmem:s4+$0xE0], $0x1;
	_ =	sdelay $0x4  }
0xeb: {  	[tilespmem:s2+$0xE0] =	vst.msk $0x1, v0;
	s2 =	sadd.s32 $0x1, s2  }
.LBB2_19:
0xec: {  	s4 =	sadd.s32 $0x1, s4  }
0xed: {  	p0 =	sne.s32 s4, $0x20  }
.Ltmp8:
0xee: {  	_ = 	snop;
	(pc) =	sbr.rel @!p0 .LBB2_20-.Ltmp8, $1  }
0xef: {  	_ =	sdelay $0x3  }
.LBB2_12:
0xf0: {  	v0 =	vld.msk [tilespmem:s4+$0xC0], $0x1;
	_ =	sdelay $0x4  }
0xf1: {  	(v2sf) =	vpush v0, $0x0;
	_ =	sdelay $0xe  }
0xf2: {  	s0 =	spop (v2sf)  }
0xf3: {  	p0 =	seq.s32 s0, $0xFFFFFFFF  }
.Ltmp9:
0xf4: {  	_ = 	snop;
	(pc) =	sbr.rel @p0 .LBB2_19-.Ltmp9, $1  }
0xf5: {  	_ =	sdelay $0x3  }
0xf6: {  	p0 =	slt.s32 s2, $0x1  }
.Ltmp10:
0xf7: {  	_ = 	snop;
	(pc) =	sbr.rel @p0 .LBB2_17-.Ltmp10, $1  }
0xf8: {  	_ =	sdelay $0x3  }
0xf9: {  	s5 =	simm.s32 $0xC0;
	p0 =	por $0x0, $0x0  }
0xfa: {  	v1 =	vld.msk @!p0 [tilespmem:s5+$0x0], $0x1;
	_ =	sdelay $0x4  }
0xfb: {  	(v2sf) =	vpush @!p0 v1, $0x0;
	_ =	sdelay $0xd  }
0xfc: {  	p2 =	sne.s32 s2, $0x1  }
.Ltmp11:
0xfd: {  	s6 =	spop @!p0 (v2sf);
	(pc) =	sbr.rel @!p2 .LBB2_16-.Ltmp11, $4  }
0xfe: {  	p1 =	seq.s32 @!p0 s0, s6  }
0xff: {  	s6 =	simm.s32 $0x0;
	p1 =	por !p1, p0  }
0x100: {  	s8 =	simm.s32 $0xFFFFFFFF;
	s6 =	simm.s32 @p1 $0xFFFFFFFF  }
0x101: {  	s7 =	simm.s32 $0x1;
	s6 =	smov.u32 @p0 s8  }
.LBB2_15:
0x102: {  	s8 =	smov.u32 s6;
	p0 =	sne.s32 s6, $0xFFFFFFFF  }
0x103: {  	s5 =	sadd.s32 $0x1, s5;
	s6 =	smov.u32 s7;
	s7 =	sadd.s32 $0x1, s7  }
0x104: {  	p1 =	sne.s32 s2, s7;
	v1 =	vld.msk @!p0 [tilespmem:s5+$0x0], $0x1;
	_ =	sdelay $0x4  }
0x105: {  	(v2sf) =	vpush @!p0 v1, $0x0;
	_ =	sdelay $0xe  }
.Ltmp12:
0x106: {  	s9 =	spop @!p0 (v2sf);
	(pc) =	sbr.rel @p1 .LBB2_15-.Ltmp12, $4  }
0x107: {  	p2 =	seq.s32 @!p0 s0, s9  }
0x108: {  	p2 =	por !p2, p0  }
0x109: {  	s6 =	simm.s32 @p2 $0xFFFFFFFF  }
0x10a: {  	s6 =	smov.u32 @p0 s8  }
.LBB2_16:
0x10b: {  	p0 =	sne.s32 s6, $0xFFFFFFFF  }
.Ltmp13:
0x10c: {  	_ = 	snop;
	(pc) =	sbr.rel @!p0 .LBB2_17-.Ltmp13, $1  }
0x10d: {  	_ =	sdelay $0x3  }
0x10e: {  	v0 =	vld.msk [tilespmem:s4+$0xE0], $0x1;
	v1 =	vmov s6  }
.Ltmp14:
0x10f: {  	_ = 	snop;
	(pc) =	sbr.rel .LBB2_19-.Ltmp14, $2  }
0x110: {  	_ =	sdelay $0x2  }
0x111: {  	[tilespmem:v1+s3+$0x0], v0 =	vst.idx.ret.add.f32.msk $0x1, v0  }
.LBB2_20:
0x112: {  	p0 =	slt.s32 s2, $0x1  }
.Ltmp15:
0x113: {  	_ = 	snop;
	(pc) =	sbr.rel @p0 .LBB2_24-.Ltmp15, $3  }
0x114: {  	_ =	sdelay $0x1  }
0x115: {  	s0 =	simm.s32 $0x6  }
0x116: {  	[sflag:s0] =	ssyncpa.u1 $0x1;
	s0 =	simm.s32 $0x0  }
0x117: {  	s3 =	simm.s32 $0xC0  }
0x118: {  	v0 =	vld.msk [tilespmem:s3+$0x0], $0x1;
	_ =	sdelay $0x4  }
0x119: {  	(v2sf) =	vpush v0, $0x0;
	_ =	sdelay $0xe  }
0x11a: {  	s2 =	sadd.s32 $0xFFFFFFFF, s2;
	s4 =	spop (v2sf)  }
0x11b: {  	p1 =	sne.s32 s2, $0x0;
	p0 =	sgt.u32 s4, $0x27FF  }
.Ltmp16:
0x11c: {  	s5 =	sshrl.u32 @!p0 s4, $0x3;
	(pc) =	sbr.rel @!p1 .LBB2_23-.Ltmp16, $4  }
0x11d: {  	s3 =	simm.s32 $0xE0;
	s4 =	sand.u32 @!p0 $0x7, s4;
	s5 =	sadd.s32 @!p0 s1, s5  }
0x11e: {  	[hbm4b:s5+s4] =	stream.linear.scatter @!p0 [tilespmem:s3], [sflag:$0x5], $0x1, $0x38;
	[tilespmem:$0x12120] =	vst v63  }
0x11f: {  	s5 =	simm.s32 $0x0  }
0x120: {  	s4 =	simm.s32 $0xC1;
	s5 =	simm.s32 @!p0 $0x4  }
.LBB2_22:
0x121: {  	v0 =	vld.msk [tilespmem:s4+$0x0], $0x1;
	s2 =	sadd.s32 $0xFFFFFFFF, s2;
	s0 =	sadd.s32 s0, s5  }
0x122: {  	p0 =	sne.s32 s2, $0x0;
	_ =	sdelay $0x3  }
0x123: {  	(v2sf) =	vpush v0, $0x0;
	_ =	sdelay $0xe  }
.Ltmp17:
0x124: {  	s6 =	spop (v2sf);
	(pc) =	sbr.rel @p0 .LBB2_22-.Ltmp17, $4  }
0x125: {  	s5 =	simm.s32 $0x0;
	p1 =	sgt.u32 s6, $0x27FF  }
0x126: {  	s3 =	sadd.s32 $0x1, s3;
	s5 =	simm.s32 @!p1 $0x4;
	s7 =	sshrl.u32 @!p1 s6, $0x3  }
0x127: {  	s4 =	sadd.s32 $0x1, s4;
	s6 =	sand.u32 @!p1 $0x7, s6;
	s7 =	sadd.s32 @!p1 s1, s7  }
0x128: {  	[hbm4b:s7+s6] =	stream.linear.scatter @!p1 [tilespmem:s3], [sflag:$0x5], $0x1, $0x38;
	[tilespmem:$0x12120] =	vst v63  }
.LBB2_23:
0x129: {  	s0 =	sadd.s32 s0, s5  }
0x12a: {  	s0 =	sshrl.u32 s0, $0x2  }
.LBB2_24:
0x12b: {  	s1 =	simm.s32 $0x5  }
0x12c: {  	_ =	swait.ge [sflag:s1], s0  }
0x12d: {  	s28 =	ssub.s32 $0x0, s0;
	[sflag:s1] =	ssyncset.done $0x0  }
0x12e: {  	[sflag:s1] =	ssyncadd.s32 s28  }
0x12f: {  	[sflag:s1] =	ssyncpa.u1 $0x1  }
0x130: {  	s29 =	simm.s32 $0x1;
	_ =	sfence  }
0x131: {  	s30 =	simm.s32 $0x2;
	[sflag:s29] =	ssyncpa.u1 $0x1  }
0x132: {  	[sflag:s30] =	ssyncpa.u1 $0x1  }
0x133: {  	_ =	strace $0x90000062  }
0x134: {  	[bflag:$0x2] =	sbarrier.arrive $0xFFFF  }
0x135: {  	s31 =	rddreg [dreg:$0x1]  }
0x136: {  	s0 =	sadd.s32 $0x100000, s31  }
0x137: {  	[sflag:s0] =	ssyncadd.tile.s32 $0x1;
	_ =	shalt  }
.Lfunc_end2:
_tile_overlayer_lowered:
.L_overlay_start_2:
0x138: {  	(tag) =	ssettag $0x2  }
0x139: {  	s0 =	rddreg [dreg:$0x0];
	s2 =	stileid.u32  }
0x13a: {  	s1 =	rddreg [dreg:$0x1];
	p0 =	sne.s32 s2, $0x0  }
0x13b: {  	s3 =	rddreg [dreg:$0x2];
	[bflag:$0x3] =	sbarrier.arrive $0xFFFF;
	s2 =	simm.s32 @!p0 $0x1C01  }
0x13c: {  	[timem:s3], [sflag:s2] =	dma.local @!p0 [hbm:s0], s1  }
0x13d: {  	s0 =	simm.s32 @!p0 $0x1  }
0x13e: {  	_ =	swait.ge @!p0 [sflag:s0], s1  }
0x13f: {  	s1 =	ssub.s32 @!p0 $0x0, s1;
	[sflag:s0] =	ssyncset.done @!p0 $0x0  }
0x140: {  	[sflag:s0] =	ssyncadd.s32 @!p0 s1  }
0x141: {  	[bflag:$0x3] =	sbarrier.arrive $0xFFFF  }
0x142: {  	_ =	shalt  }

// kernel: scatter_offload_async_start.4
scs
__scs_entry_jumppad:
0x0: {  	(pc) =	sbr.rel $0x88, $3  }
0x1: {  	(tag) =	ssettag $0x0;
	lr =	simm.s32 $0x1  }
0x2: {  	[smem:$0x3F91] =	sst lr;
	_ =	strace $0xD0000000  }
0x3: {  	_ = 	snop  }
0x4: {  	_ = 	snop  }
0x5: {  	_ = 	snop  }
0x6: {  	_ = 	snop  }
0x7: {  	_ = 	snop  }
__scs_overlays_trampoline_lowered:
0x8: {  	[smem:$0x3FA0] =	sst s0  }
0x9: {  	[smem:$0x3FA1] =	sst s1  }
0xa: {  	[smem:$0x3FA2] =	sst s2  }
0xb: {  	[smem:$0x3FA3] =	sst s3  }
0xc: {  	[smem:$0x3FA4] =	sst s4  }
0xd: {  	[smem:$0x3FA5] =	sst s5  }
0xe: {  	[smem:$0x3FA6] =	sst s6  }
0xf: {  	[smem:$0x3FA7] =	sst s7  }
0x10: {  	[smem:$0x3FA8] =	sst s8  }
0x11: {  	[smem:$0x3FA9] =	sst s9;
	s0 =	simm.s32 @!p0 $0x0  }
0x12: {  	s1 =	sld [smem:$0x3F8F];
	s0 =	simm.s32 @p0 $0x1  }
0x13: {  	[smem:$0x3FAA] =	sst s0;
	s0 =	simm.s32 @!p1 $0x0  }
0x14: {  	s2 =	sld [smem:$0x3F8E];
	s0 =	simm.s32 @p1 $0x1  }
0x15: {  	[smem:$0x3FAB] =	sst s0;
	s0 =	simm.s32 @!p2 $0x0  }
0x16: {  	s3 =	sld [smem:$0x3FDB];
	s0 =	simm.s32 @p2 $0x1  }
0x17: {  	s4 =	simm.s32 $0x1BF5;
	[smem:$0x3FAD] =	sst s0  }
0x18: {  	s0 =	sld [smem:$0x3F90];
	_ =	swait.ge [sflag:s4], $0x0  }
0x19: {  	s7 =	sld [smem:$0x3F91]  }
0x1a: {  	s8 =	sadd.s32 $0xFFFFE003, lr  }
0x1b: {  	s9 =	sadd.s32 $0xFFFFFEF7, lr;
	s5 =	simm.s32 $0xFFFFFFFF;
	p2 =	slt.u32 s8, $0xFFFFF086  }
0x1c: {  	p1 =	slt.u32 s9, $0xF7A;
	s5 =	simm.s32 @!p2 $0x0  }
0x1d: {  	s5 =	simm.s32 @p1 $0x1;
	p0 =	seq.s32 s7, s2  }
0x1e: {  	s7 =	smul.u32 @!p0 $0xF7A, s2;
	p2 =	seq.s32 @!p0 s5, $0x0  }
0x1f: {  	s9 =	smul.u32 $0xF7A, s1;
	s8 =	simm.s32 @!p0 $0x1BF5;
	p2 =	por !p2, p0  }
0x20: {  	[sflag:s8] =	ssyncset.s32 @!p0 $0xFFFFF086;
	s6 =	sadd.s32 @!p0 s3, s7;
	s7 =	simm.s32 @!p0 $0x108  }
0x21: {  	s3 =	sadd.s32 s3, s9;
	s6 =	sadd.s32 @!p0 $0x88, s6;
	s7 =	simm.s32 @p2 $0x1082  }
0x22: {  	[simem:s7], [sflag:s8] =	dma.local @!p0 [hbm:s6], $0xF7A  }
0x23: {  	s9 =	sor.u32 $0xD0000000, s2;
	s6 =	simm.s32 $0x108;
	_ =	swait.ge @!p0 [sflag:s8], $0x0  }
0x24: {  	s3 =	sadd.s32 $0x88, s3;
	s6 =	simm.s32 @!p1 $0x1082;
	[sflag:s4] =	ssyncset.s32 $0xFFFFF086  }
0x25: {  	[simem:s6], [sflag:s4] =	dma.local [hbm:s3], $0xF7A  }
0x26: {  	[smem:$0x3F91] =	sst s1;
	(tag) =	ssettag s2;
	_ =	strace s9  }
0x27: {  	s1 =	sld [smem:$0x3FA1]  }
0x28: {  	s2 =	sld [smem:$0x3FA2]  }
0x29: {  	s4 =	sld [smem:$0x3FA4]  }
0x2a: {  	p0 =	seq.s32 s5, $0x0;
	s5 =	sld [smem:$0x3FA5]  }
0x2b: {  	s6 =	sld [smem:$0x3FA6]  }
0x2c: {  	s7 =	sld [smem:$0x3FA7]  }
0x2d: {  	s3 =	simm.s32 $0x108;
	s8 =	sld [smem:$0x3FA8]  }
0x2e: {  	s3 =	simm.s32 @!p0 $0x1082;
	s9 =	sld [smem:$0x3FA9]  }
0x2f: {  	lr =	sadd.s32 s0, s3;
	s0 =	sld [smem:$0x3FA0]  }
0x30: {  	s3 =	sld [smem:$0x3FA3]  }
0x31: {  	[smem:$0x3FAC] =	sst s10  }
0x32: {  	s10 =	sld [smem:$0x3FAA];
	_ =	sdelay $0x3  }
0x33: {  	p0 =	seq.s32 s10, $0x1;
	s10 =	sld [smem:$0x3FAC];
	_ =	sdelay $0x3  }
0x34: {  	[smem:$0x3FAC] =	sst s10  }
0x35: {  	s10 =	sld [smem:$0x3FAB];
	_ =	sdelay $0x3  }
0x36: {  	p1 =	seq.s32 s10, $0x1;
	s10 =	sld [smem:$0x3FAC];
	_ =	sdelay $0x3  }
0x37: {  	[smem:$0x3FAC] =	sst s10  }
0x38: {  	s10 =	sld [smem:$0x3FAD]  }
0x39: {  	_ = 	snop;
	(pc) =	sbr.ind lr, $3  }
0x3a: {  	_ = 	snop  }
0x3b: {  	_ = 	snop  }
0x3c: {  	p2 =	seq.s32 s10, $0x1;
	s10 =	sld [smem:$0x3FAC]  }
0x3d: {  	_ =	shalt  }
0x3e: {  	_ =	shalt  }
0x3f: {  	_ =	shalt  }
0x40: {  	_ =	shalt  }
0x41: {  	_ =	shalt  }
0x42: {  	_ =	shalt  }
0x43: {  	_ =	shalt  }
0x44: {  	_ =	shalt  }
0x45: {  	_ =	shalt  }
0x46: {  	_ =	shalt  }
0x47: {  	_ =	shalt  }
0x48: {  	_ =	shalt  }
0x49: {  	_ =	shalt  }
0x4a: {  	_ =	shalt  }
0x4b: {  	_ =	shalt  }
0x4c: {  	_ =	shalt  }
0x4d: {  	_ =	shalt  }
0x4e: {  	_ =	shalt  }
0x4f: {  	_ =	shalt  }
0x50: {  	_ =	shalt  }
0x51: {  	_ =	shalt  }
0x52: {  	_ =	shalt  }
0x53: {  	_ =	shalt  }
0x54: {  	_ =	shalt  }
0x55: {  	_ =	shalt  }
0x56: {  	_ =	shalt  }
0x57: {  	_ =	shalt  }
0x58: {  	_ =	shalt  }
0x59: {  	_ =	shalt  }
0x5a: {  	_ =	shalt  }
0x5b: {  	_ =	shalt  }
0x5c: {  	_ =	shalt  }
0x5d: {  	_ =	shalt  }
0x5e: {  	_ =	shalt  }
0x5f: {  	_ =	shalt  }
0x60: {  	_ =	shalt  }
0x61: {  	_ =	shalt  }
0x62: {  	_ =	shalt  }
0x63: {  	_ =	shalt  }
0x64: {  	_ =	shalt  }
0x65: {  	_ =	shalt  }
0x66: {  	_ =	shalt  }
0x67: {  	_ =	shalt  }
0x68: {  	_ =	shalt  }
0x69: {  	_ =	shalt  }
0x6a: {  	_ =	shalt  }
0x6b: {  	_ =	shalt  }
0x6c: {  	_ =	shalt  }
0x6d: {  	_ =	shalt  }
0x6e: {  	_ =	shalt  }
0x6f: {  	_ =	shalt  }
0x70: {  	_ =	shalt  }
0x71: {  	_ =	shalt  }
0x72: {  	_ =	shalt  }
0x73: {  	_ =	shalt  }
0x74: {  	_ =	shalt  }
0x75: {  	_ =	shalt  }
0x76: {  	_ =	shalt  }
0x77: {  	_ =	shalt  }
0x78: {  	_ =	shalt  }
0x79: {  	_ =	shalt  }
0x7a: {  	_ =	shalt  }
0x7b: {  	_ =	shalt  }
0x7c: {  	_ =	shalt  }
0x7d: {  	_ =	shalt  }
0x7e: {  	_ =	shalt  }
0x7f: {  	_ =	shalt  }
0x80: {  	_ =	shalt  }
0x81: {  	_ =	shalt  }
0x82: {  	_ =	shalt  }
0x83: {  	_ =	shalt  }
0x84: {  	_ =	shalt  }
0x85: {  	_ =	shalt  }
0x86: {  	_ =	shalt  }
0x87: {  	_ =	shalt  }
.Lfunc_end0:
.L_simem_size_0:
called_computation.4_lowered:
.L_overlay_start_0:
0x88: {  	s2 =	sld [smem:$0x3FD9]  }
0x89: {  	s3 =	sld [smem:$0x3FFE];
	_ =	sdelay $0x1  }
0x8a: {  	s1 =	srdreg.scid  }
0x8b: {  	s0 =	sand.u32 $0x1, s1  }
0x8c: {  	s15 =	sshll.u32 s0, $0xA;
	s2 =	sadd.s32 s3, s2  }
0x8d: {  	s2 =	sadd.s32 s2, s15  }
0x8e: {  	[smem:$0x3FB8] =	sst s2  }
0x8f: {  	_ = 	snop  }
0x90: {  	(tm) =	ssettm $0x1  }
0x91: {  	s16 =	sld [smem:$0x3FFB];
	_ =	sdelay $0x3  }
0x92: {  	_ =	strace s16  }
0x93: {  	s2 =	sld [smem:$0x3FFC];
	_ =	sdelay $0x3  }
0x94: {  	_ =	strace s2  }
0x95: {  	s2 =	sld [smem:$0x3FFD];
	_ =	sdelay $0x3  }
0x96: {  	_ =	strace s2  }
0x97: {  	_ =	strace $0x8FFFFFFF  }
0x98: {  	s17 =	sld [smem:$0x3FDB];
	_ =	sdelay $0x1  }
0x99: {  	s18 =	simm.s32 $_scs_section_size  }
0x9a: {  	s4 =	simm.s32 $_size__tile_overlayer_lowered;
	s5 =	simm.s32 $_tile_overlayer_lowered  }
0x9b: {  	s21 =	simm.s32 $0x1BFF;
	s20 =	sshll.u32 s5, $0x1;
	s2 =	sadd.s32 s18, s17  }
0x9c: {  	s6 =	simm.s32 $0x0;
	s19 =	sshll.u32 s4, $0x1;
	s4 =	sadd.s32 s20, s2  }
0x9d: {  	[timem:s6], [sflag:s21] =	dma.local [hbm:s4], s19  }
0x9e: {  	_ =	swait.ge [sflag:s21], s19  }
0x9f: {  	s3 =	ssub.s32 $0x0, s19;
	[sflag:s21] =	ssyncset.done $0x0  }
0xa0: {  	[sflag:s21] =	ssyncadd.s32 s3;
	_ =	sdelay $0x1  }
0xa1: {  	s22 =	simm.s32 $0x1B8B  }
0xa2: {  	_ =	swait.ge [sflag:s22], $0x1  }
0xa3: {  	[sflag:s22] =	ssyncset.done $0x0  }
0xa4: {  	s23 =	sld [smem:$0x3FFE];
	[sflag:s22] =	ssyncadd.s32 $0xFFFFFFFF  }
0xa5: {  	s25 =	simm.s32 $0x1B8E;
	s24 =	sld [smem:$0x0]  }
0xa6: {  	s26 =	simm.s32 $execute0_lowered;
	[smem:$0x3FD2] =	sst s25  }
0xa7: {  	s5 =	sshll.u32 s26, $0x1;
	_ =	strace $0x80000064;
	[dreg:$0x1] =	wrdreg $0xFFFFFFFF  }
0xa8: {  	s28 =	simm.s32 $_size_execute0_lowered;
	s2 =	sadd.s32 s2, s5;
	[dreg:$0x0] =	wrdreg $0x0  }
0xa9: {  	s5 =	sshll.u32 s28, $0x1;
	[dreg:$0x2] =	wrdreg s2  }
0xaa: {  	[dreg:$0x3] =	wrdreg s5  }
0xab: {  	[dreg:$0x4] =	wrdreg $0xC0  }
0xac: {  	_ =	task [dreg:s6], $0x5FFFF  }
0xad: {  	[dreg:$0x1] =	wrdreg $0xFFFFFFFF  }
0xae: {  	[dreg:$0x0] =	wrdreg $0x60  }
0xaf: {  	[dreg:$0x2] =	wrdreg s23  }
0xb0: {  	[dreg:$0x3] =	wrdreg s1  }
0xb1: {  	[dreg:$0x4] =	wrdreg s24  }
0xb2: {  	[dreg:$0x5] =	wrdreg $0x9  }
0xb3: {  	_ =	task.clear_ibuf [dreg:s6], $0x6FFFF;
	_ =	strace $0x90000064  }
0xb4: {  	s29 =	simm.s32 $0x9;
	_ =	strace $0x80000066  }
0xb5: {  	_ =	swait.ge [sflag:s29], $0x1  }
0xb6: {  	[sflag:s29] =	ssyncadd.s32 $0xFFFFFFFF  }
0xb7: {  	_ =	strace $0x90000066  }
0xb8: {  	_ =	sfence  }
0xb9: {  	s30 =	sld [smem:$0x0];
	_ =	sdelay $0x2  }
0xba: {  	s31 =	sshll.u32 s1, $0xD;
	s1 =	sshrl.u32 s1, $0x2  }
0xbb: {  	s3 =	sand.u32 $0x4000, s31;
	s1 =	sadd.s32 s1, s30  }
0xbc: {  	s0 =	sor.u32 s3, s0;
	s1 =	sshll.u32 s1, $0x11  }
0xbd: {  	s0 =	sor.u32 s1, s0  }
0xbe: {  	s0 =	sadd.s32 $0x8F2B, s0  }
0xbf: {  	[sflag:s0] =	ssyncadd.remote.s32 $0x1  }
0xc0: {  	_ =	sfence.sel $0xFFFF  }
0xc1: {  	[dreg:$0x0] =	wrdreg $0xFFFFFFFF;
	(pc) =	sbr.abs _section_cstart, $3  }
0xc2: {  	[dreg:$0x1] =	wrdreg $0xFFFFFFFF  }
0xc3: {  	_ =	task.clear_ibuf [dreg:s6], $0x2FFFF;
	_ =	strace $0x9FFFFFFF  }
0xc4: {  	(tm) =	ssettm $0x7FFFFFFF  }
0xc5: {  	_ =	shalt  }
tec
execute0_lowered:
.L_overlay_start_1:
0x0: {  	(tag) =	ssettag $0x1  }
0x1: {  	s2 =	rddreg [dreg:$0x0]  }
0x2: {  	s4 =	rddreg [dreg:$0x1]  }
0x3: {  	s3 =	rddreg [dreg:$0x2];
	_ =	strace $0x80000065;
	s1 =	simm.s32 $0x1  }
0x4: {  	s9 =	simm.s32 $0x108;
	v0 =	vimm.s32 $0x0;
	[sflag:s1] =	ssyncpa.u1 $0x0  }
0x5: {  	[tilespmem:s9+$0x70] =	vst v0  }
0x6: {  	[tilespmem:s9+$0x60] =	vst v0  }
0x7: {  	[tilespmem:s9+$0x50] =	vst v0  }
0x8: {  	[tilespmem:s9+$0x40] =	vst v0  }
0x9: {  	[tilespmem:s9+$0x30] =	vst v0  }
0xa: {  	s1 =	sadd.s32 $0x2200, s2;
	[tilespmem:s9+$0x20] =	vst v0  }
0xb: {  	s5 =	sadd.s32 $0x1AFE00, s2;
	s6 =	sadd.s32 $0x1B9E00, s2;
	s2 =	simm.s32 $0x40;
	[tilespmem:s9+$0x10] =	vst v0  }
.LBB2_1:
0xc: {  	s2 =	sadd.s32 $0x40, s2;
	[tilespmem:s9+$0x0] =	vst v0;
	s9 =	sadd.s32 $0x80, s9  }
0xd: {  	p0 =	slt.u32 s2, $0x3C40;
	[tilespmem:s9+$0x70] =	vst v0  }
0xe: {  	[tilespmem:s9+$0x60] =	vst v0  }
.Ltmp0:
0xf: {  	[tilespmem:s9+$0x50] =	vst v0;
	(pc) =	sbr.rel @p0 .LBB2_1-.Ltmp0, $4  }
0x10: {  	[tilespmem:s9+$0x40] =	vst v0  }
0x11: {  	[tilespmem:s9+$0x30] =	vst v0  }
0x12: {  	[tilespmem:s9+$0x20] =	vst v0  }
0x13: {  	[tilespmem:s9+$0x10] =	vst v0  }
0x14: {  	s2 =	srdreg.scid  }
0x15: {  	s7 =	sshll.u32 s2, $0x4  }
0x16: {  	s2 =	stileid.u32;
	s7 =	sand.u32 $0x10, s7  }
0x17: {  	s8 =	sor.u32 s2, s7  }
0x18: {  	s7 =	smul.u32 $0x2A, s8  }
0x19: {  	s10 =	smin.u32 s8, $0x16  }
0x1a: {  	s7 =	sadd.s32 s10, s7  }
0x1b: {  	p0 =	slt.u32 s8, $0x16;
	s8 =	simm.s32 $0x2850;
	s7 =	smul.u32 $0xF0, s7  }
0x1c: {  	s8 =	simm.s32 @!p0 $0x2760  }
0x1d: {  	s8 =	sadd.s32 s8, s7  }
0x1e: {  	s8 =	smin.u32 s8, $0x500A0  }
0x1f: {  	s11 =	ssub.s32 s8, s7  }
0x20: {  	p0 =	sgt.s32 s11, $0x0  }
0x21: {  	s11 =	simm.s32 @!p0 $0x0  }
0x22: {  	s31 =	smulhi.u32 $0x88888889, s11;
	_ =	sdelay $0x1  }
0x23: {  	s12 =	sshrl.u32 s31, $0x7  }
0x24: {  	[tilespmem:s9+$0x0] =	vst v0;
	s9 =	simm.s32 $0x2;
	s13 =	smul.u32 $0xF0, s12  }
.Ltmp1:
0x25: {  	s17 =	simm.s32 $0x0;
	s14 =	simm.s32 $0xA;
	(pc) =	sbr.rel .LBB2_3-.Ltmp1, $4  }
0x26: {  	v0 =	vimm.s32 $0xFFFFFFFF;
	s16 =	simm.s32 $0x0;
	[sflag:s9] =	ssyncpa.u1 $0x0;
	s10 =	simm.s32 $0x9  }
0x27: {  	[tilespmem:$0xF208] =	vst v0;
	[sflag:s10] =	ssyncpa.u1 $0x0;
	p0 =	sne.s32 s11, s13;
	s13 =	simm.s32 $0x1  }
0x28: {  	s15 =	smov.u32 s7;
	s11 =	simm.s32 $0x1;
	s13 =	simm.s32 @!p0 $0x0  }
0x29: {  	v0 =	vlaneseq.u32;
	p0 =	por $0x0, $0x0;
	s12 =	sadd.s32 s13, s12;
	s13 =	sshll.u32 s2, $0x8  }
.LBB2_18:
0x2a: {  	s18 =	sshrl.u32 s25, $0x2  }
.LBB2_20:
0x2b: {  	_ =	swait.ge [sflag:s14], s18  }
0x2c: {  	s0 =	ssub.s32 $0x0, s18;
	v1 =	vmov s20;
	vm0 =	veq.s32 v0, $0x0;
	[sflag:s14] =	ssyncset.done $0x0  }
0x2d: {  	vm15 =	veq.s32 v0, $0x2;
	v1 =	vsel vm0, s24, v1;
	[sflag:s14] =	ssyncadd.s32 s0  }
0x2e: {  	v1 =	vsel vm15, s17, v1;
	[sflag:s14] =	ssyncpa.u1 $0x1  }
0x2f: {  	[tilespmem:$0xF208] =	vst v1  }
.LBB2_21:
0x30: {  	s0 =	sadd.s32 $0xF0, s15  }
0x31: {  	s18 =	smov.u32 s7;
	p1 =	slt.s32 s0, s8  }
0x32: {  	s18 =	smov.u32 @p1 s0;
	p1 =	sne.s32 s16, s12  }
.Ltmp2:
0x33: {  	_ = 	snop;
	(pc) =	sbr.rel @!p1 .LBB2_22-.Ltmp2, $3  }
0x34: {  	_ =	sdelay $0x1  }
0x35: {  	s31 =	sadd.s32 $0x1, s16;
	s17 =	smov.u32 s15  }
0x36: {  	p0 =	por !p0, !p0;
	s16 =	smov.u32 s31;
	s15 =	smov.u32 s18  }
.LBB2_3:
0x37: {  	p1 =	sge.u32 s16, s12  }
0x38: {  	p2 =	sgt.s32 @!p1 s15, $0x4FFB0  }
0x39: {  	s18 =	smov.u32 s15;
	s19 =	sshra.s32 @!p1 s15, $0x1F;
	p2 =	por !p2, p1  }
0x3a: {  	s19 =	sand.u32 @!p1 s19, s15;
	s18 =	simm.s32 @p2 $0x4FFB0  }
0x3b: {  	s18 =	ssub.s32 @!p1 s18, s19  }
0x3c: {  	s19 =	sxor.u32 @!p1 $0xFFFFFFFF, s16;
	s18 =	sadd.s32 @!p1 $0xFFFB0050, s18  }
0x3d: {  	s19 =	sand.u32 @!p1 $0x1, s19;
	s20 =	sshll.u32 @!p1 s18, $0x2  }
0x3e: {  	p2 =	sgt.s32 @!p1 s18, $0xEF;
	s18 =	ssub.s32 @!p1 $0x3C0, s20;
	s20 =	smul.u32 @!p1 $0x3C0, s19  }
0x3f: {  	s21 =	sshrl.u32 @!p1 s15, $0x3;
	s22 =	sand.u32 @!p1 $0x7, s15  }
0x40: {  	p2 =	por !p2, p1;
	s18 =	sshrl.u32 @!p1 s18, $0x2;
	s20 =	sshrl.u32 @!p1 s20, $0x2  }
0x41: {  	s21 =	sadd.s32 @!p1 s5, s21;
	s18 =	simm.s32 @!p2 $0x0;
	s20 =	sadd.s32 @!p1 $0x10248, s20  }
0x42: {  	[tilespmem:s20], [sflag:$0x9] =	stream.linear.gather @!p1 [hbm4b:s21+s22], s18, $0x38;
	[tilespmem:$0x1F428] =	vst v63  }
0x43: {  	s18 =	ssub.s32 @!p1 $0x50000, s15  }
0x44: {  	p2 =	sgt.s32 @!p1 s18, $0x0  }
0x45: {  	s19 =	smul.u32 @!p1 $0x1E000, s19;
	p2 =	por !p2, p1  }
0x46: {  	s18 =	simm.s32 @p2 $0x0  }
0x47: {  	s19 =	sshrl.u32 @!p1 s19, $0x2;
	s20 =	sshll.u32 @!p1 s15, $0x4;
	s18 =	smin.u32 @!p1 s18, $0xF0  }
0x48: {  	s19 =	sor.u32 @!p1 $0x10428, s19;
	s20 =	sadd.s32 @!p1 s6, s20;
	s18 =	sshll.u32 @!p1 s18, $0x7  }
0x49: {  	[tilespmem:s19], [sflag:$0x9] =	stream.linear.gather @!p1 [hbm:s20], s18, $0x38;
	[tilespmem:$0x1F428] =	vst v63  }
0x4a: {  	p1 =	seq.s32 s16, $0x0  }
.Ltmp3:
0x4b: {  	_ = 	snop;
	(pc) =	sbr.rel @p1 .LBB2_21-.Ltmp3, $1  }
0x4c: {  	_ =	sdelay $0x3  }
0x4d: {  	p1 =	sgt.s32 s17, $0x4FFB0  }
0x4e: {  	s18 =	smov.u32 s17;
	s19 =	sshra.s32 s17, $0x1F;
	s20 =	ssub.s32 $0x50000, s17  }
0x4f: {  	s18 =	simm.s32 @!p1 $0x4FFB0;
	s19 =	sand.u32 s19, s17;
	p1 =	sgt.s32 s20, $0x0  }
0x50: {  	s18 =	ssub.s32 s18, s19;
	s20 =	simm.s32 @!p1 $0x0  }
0x51: {  	s18 =	sadd.s32 $0xFFFB0050, s18;
	s29 =	smin.u32 s20, $0xF0  }
0x52: {  	s21 =	sshll.u32 s18, $0x2;
	s19 =	sshll.u32 s29, $0x7  }
0x53: {  	p1 =	sgt.s32 s18, $0xEF;
	s30 =	ssub.s32 $0x3C0, s21;
	_ =	swait.ge [sflag:s10], s19  }
0x54: {  	s19 =	ssub.s32 $0x0, s19;
	[sflag:s10] =	ssyncset.done $0x0;
	s18 =	sshrl.u32 s30, $0x2  }
0x55: {  	[sflag:s10] =	ssyncadd.s32 s19;
	s18 =	simm.s32 @p1 $0x0  }
0x56: {  	_ =	swait.ge [sflag:s10], s18  }
0x57: {  	s18 =	ssub.s32 $0x0, s18;
	[sflag:s10] =	ssyncset.done $0x0  }
0x58: {  	[sflag:s10] =	ssyncadd.s32 s18  }
0x59: {  	v1 =	vld [tilespmem:$0xF208];
	_ =	sdelay $0x4  }
0x5a: {  	(v2sf) =	vpush v1, $0x0  }
0x5b: {  	(v2sf) =	vpush v1, $0x1  }
0x5c: {  	(v2sf) =	vpush v1, $0x2;
	_ =	sdelay $0x3  }
0x5d: {  	s18 =	sadd.s32 $0xF0, s17  }
0x5e: {  	p1 =	slt.s32 s8, s18  }
0x5f: {  	s18 =	smov.u32 @p1 s8  }
0x60: {  	s18 =	ssub.s32 s18, s17  }
0x61: {  	p1 =	slt.s32 s20, s18  }
0x62: {  	s18 =	smov.u32 @p1 s20  }
0x63: {  	s21 =	simm.s32 $0x1;
	p1 =	slt.s32 s18, $0x1  }
.Ltmp4:
0x64: {  	s21 =	simm.s32 @!p0 $0x0;
	(pc) =	sbr.rel @p1 .LBB2_8-.Ltmp4, $4  }
0x65: {  	s31 =	smul.u32 $0x3C0, s21  }
0x66: {  	s22 =	spop (v2sf)  }
0x67: {  	s17 =	sshrl.u32 s31, $0x2;
	s24 =	spop (v2sf)  }
0x68: {  	s19 =	sadd.s32 $0x10248, s17;
	s17 =	spop (v2sf)  }
0x69: {  	s20 =	smin.u32 s18, $0x10  }
0x6a: {  	v1 =	vmov s20  }
0x6b: {  	p2 =	sgt.s32 s18, $0x10;
	vm1 =	vgt.u32 v1, v0  }
.Ltmp5:
0x6c: {  	_ = 	snop;
	(pc) =	sbr.rel @!p2 .LBB2_7-.Ltmp5, $2  }
0x6d: {  	_ =	sdelay $0x2  }
0x6e: {  	s23 =	simm.s32 $0x10;
	s25 =	sadd.s32 $0xFFFFFFF0, s18;
	s20 =	smov.u32 s19;
	vm0 =	vmmov vm1  }
.LBB2_6:
0x6f: {  	s26 =	smin.u32 s25, $0x10;
	s23 =	sadd.s32 $0x10, s23;
	v1 =	vld.msk [tilespmem:s20+$0x0 ss:$0x1], vm1  }
0x70: {  	v2 =	vmov s26;
	p2 =	slt.s32 s23, s18  }
0x71: {  	vm1 =	vgt.u32 v2, v0  }
.Ltmp6:
0x72: {  	(pc) =	sbr.rel @p2 .LBB2_6-.Ltmp6, $3  }
0x73: {  	_ =	sdelay $0x1  }
0x74: {  	v1 =	vshll.u32 v1, $0x4  }
0x75: {  	s25 =	sadd.s32 $0xFFFFFFF0, s25;
	[tilespmem:s20+$0x0] =	vst.msk vm0, v1;
	s20 =	sadd.s32 $0x10, s20;
	vm0 =	vmmov vm1  }
.LBB2_7:
0x76: {  	_ =	sdelay $0x4  }
0x77: {  	v1 =	vld.msk [tilespmem:s20+$0x0 ss:$0x1], vm1;
	_ =	sdelay $0x4  }
0x78: {  	v1 =	vshll.u32 v1, $0x4  }
0x79: {  	[tilespmem:s20+$0x0] =	vst.msk vm0, v1  }
.LBB2_8:
0x7a: {  	s20 =	sand.u32 $0x1, s16  }
0x7b: {  	s20 =	smul.u32 $0xF0, s20  }
0x7c: {  	p2 =	sne.s32 s24, $0xFFFFFFFF  }
0x7d: {  	v1 =	vld.msk @!p2 [tilespmem:s20+$0x10248], $0x1;
	_ =	sdelay $0x4  }
0x7e: {  	(v2sf) =	vpush @!p2 v1, $0x0;
	_ =	sdelay $0xc  }
.Ltmp7:
0x7f: {  	_ = 	snop;
	(pc) =	sbr.rel @p1 .LBB2_19-.Ltmp7, $4  }
0x80: {  	_ = 	snop  }
0x81: {  	s23 =	spop @!p2 (v2sf)  }
0x82: {  	s17 =	simm.s32 @!p2 $0x0;
	s20 =	smov.u32 s23  }
0x83: {  	[sflag:s14] =	ssyncpa.u1 $0x0;
	s23 =	smov.u32 @p2 s22;
	s20 =	smov.u32 @p2 s24  }
0x84: {  	v1 =	vld.msk [tilespmem:s19+$0x0], $0x1;
	_ =	sdelay $0x4  }
0x85: {  	(v2sf) =	vpush v1, $0x0;
	_ =	sdelay $0xe  }
0x86: {  	s26 =	spop (v2sf)  }
0x87: {  	p1 =	seq.s32 s23, s26  }
0x88: {  	p2 =	sgt.s32 @!p1 s23, $0x0  }
0x89: {  	s25 =	smov.u32 s23;
	s24 =	sadd.s32 $0xFFFFFFFF, s18;
	p2 =	por !p2, p1  }
0x8a: {  	s21 =	smul.u32 $0x1E000, s21;
	s25 =	simm.s32 @p2 $0x0;
	p2 =	sne.s32 s24, $0x0  }
.Ltmp8:
0x8b: {  	_ = 	snop;
	(pc) =	sbr.rel @!p2 .LBB2_11-.Ltmp8, $4  }
0x8c: {  	s22 =	simm.s32 $0x0;
	s21 =	sshrl.u32 s21, $0x2  }
0x8d: {  	s21 =	sor.u32 $0x10468, s21;
	s28 =	simm.s32 @!p1 $0x1;
	s25 =	smin.u32 @!p1 s25, $0x27FF0  }
0x8e: {  	s29 =	simm.s32 @!p1 $0x7988;
	s28 =	smov.u32 @p1 s22;
	s31 =	sand.u32 @!p1 $0x3FFF8, s25  }
0x8f: {  	s30 =	sand.u32 @!p1 $0x7, s25;
	s25 =	sadd.s32 $0x1, s19;
	s31 =	sadd.s32 @!p1 s1, s31  }
.LBB2_10:
0x90: {  	s0 =	smov.u32 s28  }
0x91: {  	[tilespmem:s29], [sflag:$0x2] =	stream.linear.gather @!p1 [hbm4b:s31+s30], $0x80, $0x38;
	[tilespmem:$0x1F428] =	vst v63  }
0x92: {  	s24 =	sadd.s32 $0xFFFFFFFF, s24;
	s30 =	smov.u32 s26;
	v1 =	vld.msk [tilespmem:s25+$0x0], $0x1  }
0x93: {  	p2 =	sne.s32 s24, $0x0;
	_ =	sdelay $0x3  }
0x94: {  	(v2sf) =	vpush v1, $0x0;
	_ =	sdelay $0xe  }
0x95: {  	s26 =	spop (v2sf)  }
0x96: {  	p1 =	seq.s32 s30, s26  }
0x97: {  	p3 =	sgt.s32 @!p1 s30, $0x0;
	s29 =	sshll.u32 @!p1 s28, $0x9;
	s28 =	sadd.s32 @!p1 $0x1, s28  }
.Ltmp9:
0x98: {  	p3 =	por !p3, p1;
	s29 =	sshra.s32 @!p1 s29, $0x2;
	(pc) =	sbr.rel @p2 .LBB2_10-.Ltmp9, $4  }
0x99: {  	s28 =	smov.u32 @p1 s0;
	s30 =	simm.s32 @p3 $0x0;
	s29 =	sadd.s32 @!p1 $0x7988, s29  }
0x9a: {  	s0 =	smin.u32 @!p1 s30, $0x27FF0  }
0x9b: {  	s31 =	sand.u32 @!p1 $0x3FFF8, s0;
	s30 =	sand.u32 @!p1 $0x7, s0  }
0x9c: {  	s25 =	sadd.s32 $0x1, s25;
	s31 =	sadd.s32 @!p1 s1, s31  }
.LBB2_11:
0x9d: {  	[tilespmem:s29], [sflag:$0x2] =	stream.linear.gather @!p1 [hbm4b:s31+s30], $0x80, $0x38;
	[tilespmem:$0x1F428] =	vst v63  }
.Ltmp10:
0x9e: {  	s0 =	sshll.u32 s28, $0x7;
	(pc) =	sbr.rel .LBB2_12-.Ltmp10, $4  }
0x9f: {  	s0 =	sand.u32 $0x3FFFFF80, s0  }
0xa0: {  	_ =	swait.ge [sflag:s9], s0  }
0xa1: {  	s0 =	ssub.s32 $0x0, s0;
	[sflag:s9] =	ssyncset.done $0x0  }
0xa2: {  	s25 =	simm.s32 $0x0;
	[sflag:s9] =	ssyncadd.s32 s0  }
.LBB2_13:
0xa3: {  	v1 =	vld [tilespmem:s21+$0xFFFFFFC0];
	_ =	sdelay $0x3  }
0xa4: {  	s0 =	sshra.s32 s26, $0x2  }
0xa5: {  	[tilespmem:s0+$0x108] =	vst.add.f32.msk $0xffff, v1  }
0xa6: {  	v1 =	vld [tilespmem:s21+$0xFFFFFFD0];
	_ =	sdelay $0x4  }
0xa7: {  	[tilespmem:s0+$0x118] =	vst.add.f32.msk $0xffff, v1  }
0xa8: {  	v1 =	vld [tilespmem:s21+$0xFFFFFFE0];
	_ =	sdelay $0x4  }
0xa9: {  	[tilespmem:s0+$0x128] =	vst.add.f32.msk $0xffff, v1  }
0xaa: {  	v1 =	vld [tilespmem:s21+$0xFFFFFFF0];
	_ =	sdelay $0x4  }
0xab: {  	[tilespmem:s0+$0x138] =	vst.add.f32.msk $0xffff, v1  }
0xac: {  	v1 =	vld [tilespmem:s21+$0x0];
	_ =	sdelay $0x4  }
0xad: {  	[tilespmem:s0+$0x148] =	vst.add.f32.msk $0xffff, v1  }
0xae: {  	v1 =	vld [tilespmem:s21+$0x10];
	_ =	sdelay $0x4  }
0xaf: {  	[tilespmem:s0+$0x158] =	vst.add.f32.msk $0xffff, v1  }
0xb0: {  	v1 =	vld [tilespmem:s21+$0x20];
	_ =	sdelay $0x4  }
0xb1: {  	[tilespmem:s0+$0x168] =	vst.add.f32.msk $0xffff, v1  }
0xb2: {  	v1 =	vld [tilespmem:s21+$0x30];
	_ =	sdelay $0x4  }
0xb3: {  	[tilespmem:s0+$0x178] =	vst.add.f32.msk $0xffff, v1  }
.LBB2_17:
0xb4: {  	s18 =	sadd.s32 $0xFFFFFFFF, s18  }
0xb5: {  	p1 =	sne.s32 s18, $0x0  }
.Ltmp11:
0xb6: {  	_ = 	snop;
	(pc) =	sbr.rel @!p1 .LBB2_18-.Ltmp11, $2  }
0xb7: {  	_ =	sdelay $0x2  }
0xb8: {  	s19 =	sadd.s32 $0x1, s19;
	s21 =	sadd.s32 $0x80, s21;
	s23 =	smov.u32 s24  }
.LBB2_12:
0xb9: {  	v1 =	vld.msk [tilespmem:s19+$0x0], $0x1;
	_ =	sdelay $0x4  }
0xba: {  	(v2sf) =	vpush v1, $0x0;
	_ =	sdelay $0xe  }
0xbb: {  	s24 =	spop (v2sf)  }
0xbc: {  	p1 =	sne.s32 s23, s24  }
.Ltmp12:
0xbd: {  	_ = 	snop;
	(pc) =	sbr.rel @!p1 .LBB2_13-.Ltmp12, $2  }
0xbe: {  	_ =	sdelay $0x2  }
0xbf: {  	s26 =	sshll.u32 s17, $0x9  }
0xc0: {  	p1 =	seq.s32 s23, s20  }
.Ltmp13:
0xc1: {  	_ = 	snop;
	(pc) =	sbr.rel @!p1 .LBB2_15-.Ltmp13, $1  }
0xc2: {  	_ =	sdelay $0x3  }
0xc3: {  	s0 =	sshra.s32 s26, $0x2  }
.Ltmp14:
0xc4: {  	s0 =	sadd.s32 $0x108, s0;
	(pc) =	sbr.rel .LBB2_16-.Ltmp14, $4  }
0xc5: {  	[spmem:s13] =	stream.linear.scatter [tilespmem:s0], [sflag:$0x1], $0x80, $0x38;
	[tilespmem:$0x1F428] =	vst v63  }
0xc6: {  	_ =	swait.ge [sflag:s11], $0x80  }
0xc7: {  	[sflag:s11] =	ssyncset.done $0x0  }
0xc8: {  	[sflag:s11] =	ssyncadd.s32 $0xFFFFFF80  }
.LBB2_15:
0xc9: {  	s0 =	sshll.u32 s22, $0x9  }
0xca: {  	s0 =	sshra.s32 s0, $0x2  }
0xcb: {  	v1 =	vld [tilespmem:s0+$0x7988];
	_ =	sdelay $0x3  }
0xcc: {  	s26 =	sshra.s32 s26, $0x2  }
0xcd: {  	[tilespmem:s26+$0x108] =	vst.add.f32.msk $0xffff, v1  }
0xce: {  	v1 =	vld [tilespmem:s0+$0x7998];
	_ =	sdelay $0x4  }
0xcf: {  	[tilespmem:s26+$0x118] =	vst.add.f32.msk $0xffff, v1  }
0xd0: {  	v1 =	vld [tilespmem:s0+$0x79A8];
	_ =	sdelay $0x4  }
0xd1: {  	[tilespmem:s26+$0x128] =	vst.add.f32.msk $0xffff, v1  }
0xd2: {  	v1 =	vld [tilespmem:s0+$0x79B8];
	_ =	sdelay $0x4  }
0xd3: {  	[tilespmem:s26+$0x138] =	vst.add.f32.msk $0xffff, v1  }
0xd4: {  	v1 =	vld [tilespmem:s0+$0x79C8];
	_ =	sdelay $0x4  }
0xd5: {  	[tilespmem:s26+$0x148] =	vst.add.f32.msk $0xffff, v1  }
0xd6: {  	v1 =	vld [tilespmem:s0+$0x79D8];
	_ =	sdelay $0x4  }
0xd7: {  	[tilespmem:s26+$0x158] =	vst.add.f32.msk $0xffff, v1  }
0xd8: {  	v1 =	vld [tilespmem:s0+$0x79E8];
	_ =	sdelay $0x4  }
0xd9: {  	[tilespmem:s26+$0x168] =	vst.add.f32.msk $0xffff, v1  }
0xda: {  	v1 =	vld [tilespmem:s0+$0x79F8];
	_ =	sdelay $0x2  }
0xdb: {  	p1 =	sgt.u32 s23, $0x27FF0  }
0xdc: {  	s0 =	sand.u32 @!p1 $0x3FFF8, s23  }
0xdd: {  	s28 =	sadd.s32 $0x108, s26;
	s23 =	sand.u32 @!p1 $0x7, s23;
	s0 =	sadd.s32 @!p1 s1, s0;
	[tilespmem:s26+$0x178] =	vst.add.f32.msk $0xffff, v1  }
0xde: {  	[hbm4b:s0+s23] =	stream.linear.scatter @!p1 [tilespmem:s28], [sflag:$0xA], $0x80, $0x38;
	[tilespmem:$0x1F428] =	vst v63  }
0xdf: {  	s23 =	simm.s32 $0x0  }
0xe0: {  	s23 =	simm.s32 @!p1 $0x200  }
0xe1: {  	s25 =	sadd.s32 s23, s25  }
.LBB2_16:
0xe2: {  	s0 =	sadd.s32 $0x1, s17  }
0xe3: {  	s17 =	smulhi.u32 $0x88888889, s0;
	_ =	sdelay $0x1  }
0xe4: {  	v1 =	vld [tilespmem:s21+$0xFFFFFFC0];
	s17 =	sshrl.u32 s17, $0x7  }
0xe5: {  	s17 =	smul.u32 $0xF0, s17;
	_ =	sdelay $0x1  }
0xe6: {  	s17 =	ssub.s32 s0, s17  }
0xe7: {  	s0 =	sshll.u32 s17, $0x7  }
0xe8: {  	[tilespmem:s0+$0x108] =	vst v1  }
0xe9: {  	v1 =	vld [tilespmem:s21+$0xFFFFFFD0];
	_ =	sdelay $0x4  }
0xea: {  	[tilespmem:s0+$0x118] =	vst v1  }
0xeb: {  	v1 =	vld [tilespmem:s21+$0xFFFFFFE0];
	_ =	sdelay $0x4  }
0xec: {  	[tilespmem:s0+$0x128] =	vst v1  }
0xed: {  	v1 =	vld [tilespmem:s21+$0xFFFFFFF0];
	_ =	sdelay $0x4  }
0xee: {  	[tilespmem:s0+$0x138] =	vst v1  }
0xef: {  	v1 =	vld [tilespmem:s21+$0x0];
	_ =	sdelay $0x4  }
0xf0: {  	[tilespmem:s0+$0x148] =	vst v1  }
0xf1: {  	v1 =	vld [tilespmem:s21+$0x10];
	_ =	sdelay $0x4  }
0xf2: {  	[tilespmem:s0+$0x158] =	vst v1  }
0xf3: {  	v1 =	vld [tilespmem:s21+$0x20];
	_ =	sdelay $0x4  }
0xf4: {  	[tilespmem:s0+$0x168] =	vst v1  }
0xf5: {  	v1 =	vld [tilespmem:s21+$0x30]  }
.Ltmp15:
0xf6: {  	_ = 	snop;
	(pc) =	sbr.rel .LBB2_17-.Ltmp15, $2  }
0xf7: {  	_ =	sdelay $0x2  }
0xf8: {  	s22 =	sadd.s32 $0x1, s22;
	[tilespmem:s0+$0x178] =	vst v1  }
.LBB2_19:
.Ltmp16:
0xf9: {  	(pc) =	sbr.rel .LBB2_20-.Ltmp16, $3  }
0xfa: {  	_ =	sdelay $0x1  }
0xfb: {  	_ =	swait.ge [sflag:s9], $0x0  }
0xfc: {  	s18 =	simm.s32 $0x0;
	s24 =	smov.u32 s23;
	[sflag:s9] =	ssyncset.done $0x0  }
.LBB2_22:
0xfd: {  	_ =	sfence.sel $0x180000  }
0xfe: {  	s0 =	simm.s32 $0x9;
	[bflag:$0x0] =	sbarrier.arrive $0xFFFF  }
0xff: {  	s26 =	simm.s32 $0x2;
	[sflag:s0] =	ssyncpa.u1 $0x1  }
0x100: {  	[sflag:s26] =	ssyncpa.u1 $0x1  }
0x101: {  	v0 =	vld [tilespmem:$0xF208];
	_ =	sdelay $0x4  }
0x102: {  	(v2sf) =	vpush v0, $0x0  }
0x103: {  	(v2sf) =	vpush v0, $0x1;
	_ =	sdelay $0x1  }
0x104: {  	(v2sf) =	vpush v0, $0x2;
	_ =	sdelay $0xb  }
0x105: {  	s0 =	spop (v2sf)  }
0x106: {  	s5 =	spop (v2sf)  }
0x107: {  	s6 =	smov.u32 s0;
	p0 =	sne.s32 s0, s5  }
0x108: {  	s7 =	spop (v2sf);
	s6 =	simm.s32 @!p0 $0xFFFFFFFF  }
0x109: {  	v2 =	vimm.s32 $0x1;
	v3 =	vlaneseq.u32;
	p0 =	seq.s32 s7, $0xFFFFFFFF;
	v1 =	vmov s6  }
0x10a: {  	v0 =	vperm.xlane v0, v2;
	p1 =	sne.s32 @!p0 s0, s5;
	v1 =	vperm.xlane v1, v3  }
0x10b: {  	vm0 =	vcmask $0x3F04;
	s9 =	simm.s32 $0xF208;
	s0 =	simm.s32 @!p0 $0x1;
	p1 =	por !p1, p0  }
0x10c: {  	s6 =	sshll.u32 s2, $0x1;
	s5 =	sshll.u32 @!p0 s7, $0x9;
	s0 =	simm.s32 @p1 $0x0;
	v0 =	vsel vm0, v1, v0  }
0x10d: {  	s8 =	sor.u32 $0x1000, s6;
	s5 =	sshra.s32 @!p0 s5, $0x2;
	s0 =	sor.u32 @!p0 s0, s6;
	[tilespmem:$0xF208] =	vst v0  }
0x10e: {  	[spmem:s8] =	stream.linear.scatter [tilespmem:s9], [sflag:$0x1], $0x2, $0x38;
	[tilespmem:$0x1F428] =	vst v63  }
0x10f: {  	s5 =	sadd.s32 @!p0 $0x108, s5;
	s0 =	sshll.u32 @!p0 s0, $0x7  }
0x110: {  	[spmem:s0] =	stream.linear.scatter @!p0 [tilespmem:s5], [sflag:$0x1], $0x80, $0x38;
	[tilespmem:$0x1F428] =	vst v63  }
0x111: {  	s0 =	simm.s32 @!p0 $0x82  }
0x112: {  	s28 =	simm.s32 $0x1;
	s0 =	simm.s32 @p0 $0x2  }
0x113: {  	_ =	swait.ge [sflag:s28], s0  }
0x114: {  	s0 =	ssub.s32 $0x0, s0;
	[sflag:s28] =	ssyncset.done $0x0  }
0x115: {  	p0 =	sne.s32 s2, $0x0;
	[sflag:s28] =	ssyncadd.s32 s0  }
.Ltmp17:
0x116: {  	_ =	sfence.stream.spmem;
	(pc) =	sbr.rel @p0 .LBB2_39-.Ltmp17, $4  }
0x117: {  	s29 =	simm.s32 $0x3;
	[bflag:$0x0] =	sbarrier.arrive $0xFFFF  }
0x118: {  	s30 =	simm.s32 $0x4;
	[sflag:s29] =	ssyncpa.u1 $0x1  }
0x119: {  	s31 =	simm.s32 $0x3C;
	[sflag:s30] =	ssyncpa.u1 $0x1  }
0x11a: {  	s5 =	sand.u32 $0x1, s4;
	[sflag:s31] =	ssyncpa.u1 $0x1  }
0x11b: {  	_ =	sfence.stream.spmem;
	s0 =	simm.s32 $0x5  }
0x11c: {  	s6 =	simm.s32 $0x1000;
	s7 =	simm.s32 $0xF218;
	[sflag:s0] =	ssyncpa.u1 $0x0  }
0x11d: {  	[tilespmem:s7], [sflag:$0x5] =	stream.linear.gather [spmem:s6], $0x20, $0x38;
	[tilespmem:$0x1F428] =	vst v63  }
0x11e: {  	s26 =	simm.s32 $0x0;
	s28 =	simm.s32 $0xF238  }
0x11f: {  	[tilespmem:s28], [sflag:$0x5] =	stream.linear.gather [spmem:s26], $0x1000, $0x38;
	[tilespmem:$0x1F428] =	vst v63  }
0x120: {  	_ =	swait.ge [sflag:s0], $0x1020  }
0x121: {  	[sflag:s0] =	ssyncset.done $0x0  }
0x122: {  	s29 =	simm.s32 $0x0;
	[sflag:s0] =	ssyncadd.s32 $0xFFFFEFE0  }
0x123: {  	v0 =	vld.msk [tilespmem:s29+$0xF218], $0x1;
	_ =	sdelay $0x1  }
0x124: {  	s30 =	simm.s32 $0x1  }
0x125: {  	v1 =	vld.msk [tilespmem:s30+$0xF218], $0x1;
	_ =	sdelay $0x1  }
0x126: {  	(v2sf) =	vpush v0, $0x0;
	_ =	sdelay $0x2  }
0x127: {  	(v2sf) =	vpush v1, $0x0;
	_ =	sdelay $0x2  }
0x128: {  	s31 =	simm.s32 $0x2  }
0x129: {  	v0 =	vld.msk [tilespmem:s31+$0xF218], $0x1;
	_ =	sdelay $0x2  }
0x12a: {  	s8 =	simm.s32 $0xFFFFFFFF;
	s7 =	simm.s32 $0xFFFFFFFF;
	s6 =	simm.s32 $0xC  }
.LBB2_24:
0x12b: {  	s0 =	smov.u32 s8;
	s9 =	smov.u32 s7  }
0x12c: {  	s7 =	sshra.s32 s6, $0x2;
	p1 =	sne.s32 s6, $0x7C;
	s6 =	sadd.s32 $0x4, s6;
	(v2sf) =	vpush v0, $0x0  }
0x12d: {  	v0 =	vld.msk [tilespmem:s7+$0xF218], $0x1  }
.Ltmp18:
0x12e: {  	(pc) =	sbr.rel @p1 .LBB2_24-.Ltmp18, $4  }
0x12f: {  	s8 =	spop (v2sf)  }
0x130: {  	p2 =	sne.s32 s9, $0xFFFFFFFF;
	s7 =	smov.u32 s8  }
0x131: {  	p3 =	seq.s32 s8, $0xFFFFFFFF;
	s7 =	smov.u32 @p2 s9  }
0x132: {  	s8 =	smov.u32 @p3 s0;
	s7 =	smov.u32 @p3 s9  }
0x133: {  	(v2sf) =	vpush v0, $0x0;
	_ =	sdelay $0x8  }
0x134: {  	s0 =	spop (v2sf)  }
0x135: {  	p1 =	sne.s32 s7, $0xFFFFFFFF;
	s6 =	smov.u32 s0  }
0x136: {  	s9 =	simm.s32 $0x6;
	p2 =	seq.s32 s0, $0xFFFFFFFF;
	s6 =	smov.u32 @p1 s7  }
0x137: {  	[sflag:s9] =	ssyncpa.u1 $0x0;
	s6 =	smov.u32 @p2 s7;
	s10 =	spop (v2sf)  }
0x138: {  	s0 =	smov.u32 @p2 s8;
	p1 =	sne.s32 s6, $0xFFFFFFFF;
	s11 =	smov.u32 s10  }
.Ltmp19:
0x139: {  	p2 =	seq.s32 s10, $0xFFFFFFFF;
	s11 =	smov.u32 @p1 s6;
	(pc) =	sbr.rel .LBB2_26-.Ltmp19, $4  }
0x13a: {  	s10 =	smov.u32 @p2 s0;
	s11 =	smov.u32 @p2 s6;
	s7 =	spop (v2sf)  }
0x13b: {  	p1 =	sne.s32 s11, $0xFFFFFFFF;
	s8 =	smov.u32 s7;
	p2 =	seq.s32 s7, $0xFFFFFFFF  }
0x13c: {  	s6 =	simm.s32 $0x0;
	s8 =	smov.u32 @p1 s11;
	s7 =	smov.u32 @p2 s10  }
0x13d: {  	s10 =	simm.s32 $0xF188;
	s8 =	smov.u32 @p2 s11;
	s11 =	simm.s32 $0x0  }
.LBB2_32:
0x13e: {  	p1 =	sgt.u32 s12, $0x27FF0  }
0x13f: {  	p2 =	seq.s32 @!p1 s12, s8  }
0x140: {  	p1 =	por p1, p2  }
0x141: {  	p2 =	sne.s32 @!p1 s12, s7  }
0x142: {  	p1 =	por p1, !p2  }
0x143: {  	s12 =	sshll.u32 @p1 s11, $0x9  }
0x144: {  	s0 =	sand.u32 @!p1 $0x3FFF8, s12  }
0x145: {  	s12 =	sand.u32 @!p1 $0x7, s12;
	s0 =	sadd.s32 @!p1 s1, s0  }
0x146: {  	[tilespmem:s10], [sflag:$0x6] =	stream.linear.gather @!p1 [hbm4b:s0+s12], $0x80, $0x38;
	[tilespmem:$0x1F428] =	vst v63  }
0x147: {  	_ =	swait.ge @!p1 [sflag:s9], $0x80  }
0x148: {  	[sflag:s9] =	ssyncset.done @!p1 $0x0  }
0x149: {  	[sflag:s9] =	ssyncadd.s32 @!p1 $0xFFFFFF80  }
0x14a: {  	v1 =	vld @!p1 [tilespmem:$0xF188];
	_ =	sdelay $0x2  }
0x14b: {  	s12 =	sshll.u32 @!p1 s11, $0x9  }
0x14c: {  	s0 =	sshrl.u32 @!p1 s12, $0x2  }
0x14d: {  	[tilespmem:s0+$0xF238] =	vst.add.f32.msk @!p1 $0xffff, v1  }
0x14e: {  	v1 =	vld @!p1 [tilespmem:$0xF198];
	_ =	sdelay $0x4  }
0x14f: {  	[tilespmem:s0+$0xF248] =	vst.add.f32.msk @!p1 $0xffff, v1  }
0x150: {  	v1 =	vld @!p1 [tilespmem:$0xF1A8];
	_ =	sdelay $0x4  }
0x151: {  	[tilespmem:s0+$0xF258] =	vst.add.f32.msk @!p1 $0xffff, v1  }
0x152: {  	v1 =	vld @!p1 [tilespmem:$0xF1B8];
	_ =	sdelay $0x4  }
0x153: {  	[tilespmem:s0+$0xF268] =	vst.add.f32.msk @!p1 $0xffff, v1  }
0x154: {  	v1 =	vld @!p1 [tilespmem:$0xF1C8];
	_ =	sdelay $0x4  }
0x155: {  	[tilespmem:s0+$0xF278] =	vst.add.f32.msk @!p1 $0xffff, v1  }
0x156: {  	v1 =	vld @!p1 [tilespmem:$0xF1D8];
	_ =	sdelay $0x4  }
0x157: {  	[tilespmem:s0+$0xF288] =	vst.add.f32.msk @!p1 $0xffff, v1  }
0x158: {  	v1 =	vld @!p1 [tilespmem:$0xF1E8];
	_ =	sdelay $0x4  }
0x159: {  	[tilespmem:s0+$0xF298] =	vst.add.f32.msk @!p1 $0xffff, v1  }
0x15a: {  	v1 =	vld @!p1 [tilespmem:$0xF1F8];
	_ =	sdelay $0x4  }
0x15b: {  	[tilespmem:s0+$0xF2A8] =	vst.add.f32.msk @!p1 $0xffff, v1  }
0x15c: {  	s30 =	sshrl.u32 s12, $0x2;
	[tilespmem:s6+$0xF218] =	vst.msk $0x1, v0  }
0x15d: {  	v0 =	vld [tilespmem:s30+$0xF238];
	_ =	sdelay $0x2  }
0x15e: {  	s31 =	sshll.u32 s6, $0x9  }
0x15f: {  	s12 =	sshra.s32 s31, $0x2  }
0x160: {  	[tilespmem:s12+$0xF238] =	vst v0  }
0x161: {  	v0 =	vld [tilespmem:s30+$0xF248];
	_ =	sdelay $0x4  }
0x162: {  	[tilespmem:s12+$0xF248] =	vst v0  }
0x163: {  	v0 =	vld [tilespmem:s30+$0xF258];
	_ =	sdelay $0x4  }
0x164: {  	[tilespmem:s12+$0xF258] =	vst v0  }
0x165: {  	v0 =	vld [tilespmem:s30+$0xF268];
	_ =	sdelay $0x4  }
0x166: {  	[tilespmem:s12+$0xF268] =	vst v0  }
0x167: {  	v0 =	vld [tilespmem:s30+$0xF278];
	_ =	sdelay $0x4  }
0x168: {  	[tilespmem:s12+$0xF278] =	vst v0  }
0x169: {  	v0 =	vld [tilespmem:s30+$0xF288];
	_ =	sdelay $0x4  }
0x16a: {  	[tilespmem:s12+$0xF288] =	vst v0  }
0x16b: {  	v0 =	vld [tilespmem:s30+$0xF298];
	_ =	sdelay $0x4  }
0x16c: {  	[tilespmem:s12+$0xF298] =	vst v0  }
0x16d: {  	v0 =	vld [tilespmem:s30+$0xF2A8];
	_ =	sdelay $0x4  }
0x16e: {  	s6 =	sadd.s32 $0x1, s6;
	[tilespmem:s12+$0xF2A8] =	vst v0  }
.LBB2_33:
0x16f: {  	s11 =	sadd.s32 $0x1, s11  }
0x170: {  	p1 =	sne.s32 s11, $0x20  }
.Ltmp20:
0x171: {  	_ = 	snop;
	(pc) =	sbr.rel @!p1 .LBB2_34-.Ltmp20, $1  }
0x172: {  	_ =	sdelay $0x3  }
.LBB2_26:
0x173: {  	v0 =	vld.msk [tilespmem:s11+$0xF218], $0x1;
	_ =	sdelay $0x4  }
0x174: {  	(v2sf) =	vpush v0, $0x0;
	_ =	sdelay $0xe  }
0x175: {  	s12 =	spop (v2sf)  }
0x176: {  	p1 =	seq.s32 s12, $0xFFFFFFFF  }
.Ltmp21:
0x177: {  	_ = 	snop;
	(pc) =	sbr.rel @p1 .LBB2_33-.Ltmp21, $1  }
0x178: {  	_ =	sdelay $0x3  }
0x179: {  	p1 =	slt.s32 s6, $0x1  }
.Ltmp22:
0x17a: {  	_ = 	snop;
	(pc) =	sbr.rel @p1 .LBB2_32-.Ltmp22, $1  }
0x17b: {  	_ =	sdelay $0x3  }
0x17c: {  	s13 =	simm.s32 $0xF218;
	p1 =	por $0x0, $0x0  }
0x17d: {  	v1 =	vld.msk @!p1 [tilespmem:s13+$0x0], $0x1;
	_ =	sdelay $0x4  }
0x17e: {  	(v2sf) =	vpush @!p1 v1, $0x0;
	_ =	sdelay $0xd  }
0x17f: {  	p3 =	sne.s32 s6, $0x1  }
.Ltmp23:
0x180: {  	s0 =	spop @!p1 (v2sf);
	(pc) =	sbr.rel @!p3 .LBB2_30-.Ltmp23, $4  }
0x181: {  	p2 =	seq.s32 @!p1 s12, s0  }
0x182: {  	s14 =	simm.s32 $0x0;
	p2 =	por !p2, p1  }
0x183: {  	s0 =	simm.s32 $0xFFFFFFFF;
	s14 =	simm.s32 @p2 $0xFFFFFFFF  }
0x184: {  	s15 =	simm.s32 $0x1;
	s14 =	smov.u32 @p1 s0  }
.LBB2_29:
0x185: {  	s0 =	smov.u32 s14;
	p1 =	sne.s32 s14, $0xFFFFFFFF  }
0x186: {  	s13 =	sadd.s32 $0x1, s13;
	s14 =	smov.u32 s15;
	s15 =	sadd.s32 $0x1, s15  }
0x187: {  	p2 =	sne.s32 s6, s15;
	v1 =	vld.msk @!p1 [tilespmem:s13+$0x0], $0x1;
	_ =	sdelay $0x4  }
0x188: {  	(v2sf) =	vpush @!p1 v1, $0x0;
	_ =	sdelay $0xe  }
.Ltmp24:
0x189: {  	s16 =	spop @!p1 (v2sf);
	(pc) =	sbr.rel @p2 .LBB2_29-.Ltmp24, $4  }
0x18a: {  	p3 =	seq.s32 @!p1 s12, s16  }
0x18b: {  	p3 =	por !p3, p1  }
0x18c: {  	s14 =	simm.s32 @p3 $0xFFFFFFFF  }
0x18d: {  	s14 =	smov.u32 @p1 s0  }
.LBB2_30:
0x18e: {  	p1 =	seq.s32 s14, $0xFFFFFFFF  }
.Ltmp25:
0x18f: {  	_ = 	snop;
	(pc) =	sbr.rel @p1 .LBB2_32-.Ltmp25, $1  }
0x190: {  	_ =	sdelay $0x3  }
0x191: {  	s0 =	sshll.u32 s11, $0x7  }
0x192: {  	s0 =	sand.u32 $0x3FFFFF80, s0  }
0x193: {  	v0 =	vld [tilespmem:s0+$0xF238];
	_ =	sdelay $0x2  }
0x194: {  	s12 =	sshll.u32 s14, $0x9  }
0x195: {  	s12 =	sshra.s32 s12, $0x2  }
0x196: {  	[tilespmem:s12+$0xF238] =	vst.add.f32.msk $0xffff, v0  }
0x197: {  	v0 =	vld [tilespmem:s0+$0xF248];
	_ =	sdelay $0x4  }
0x198: {  	[tilespmem:s12+$0xF248] =	vst.add.f32.msk $0xffff, v0  }
0x199: {  	v0 =	vld [tilespmem:s0+$0xF258];
	_ =	sdelay $0x4  }
0x19a: {  	[tilespmem:s12+$0xF258] =	vst.add.f32.msk $0xffff, v0  }
0x19b: {  	v0 =	vld [tilespmem:s0+$0xF268];
	_ =	sdelay $0x4  }
0x19c: {  	[tilespmem:s12+$0xF268] =	vst.add.f32.msk $0xffff, v0  }
0x19d: {  	v0 =	vld [tilespmem:s0+$0xF278];
	_ =	sdelay $0x4  }
0x19e: {  	[tilespmem:s12+$0xF278] =	vst.add.f32.msk $0xffff, v0  }
0x19f: {  	v0 =	vld [tilespmem:s0+$0xF288];
	_ =	sdelay $0x4  }
0x1a0: {  	[tilespmem:s12+$0xF288] =	vst.add.f32.msk $0xffff, v0  }
0x1a1: {  	v0 =	vld [tilespmem:s0+$0xF298];
	_ =	sdelay $0x4  }
0x1a2: {  	[tilespmem:s12+$0xF298] =	vst.add.f32.msk $0xffff, v0  }
0x1a3: {  	v0 =	vld [tilespmem:s0+$0xF2A8]  }
.Ltmp26:
0x1a4: {  	_ = 	snop;
	(pc) =	sbr.rel .LBB2_33-.Ltmp26, $2  }
0x1a5: {  	_ =	sdelay $0x2  }
0x1a6: {  	[tilespmem:s12+$0xF2A8] =	vst.add.f32.msk $0xffff, v0  }
.LBB2_34:
0x1a7: {  	s0 =	simm.s32 $0x6;
	p1 =	seq.s32 s6, $0x0  }
0x1a8: {  	[sflag:s0] =	ssyncpa.u1 $0x1;
	v0 =	vimm.s32 @p1 $0xFFFFFFFF  }
0x1a9: {  	s9 =	sadd.s32 $0xFFFFFFFF, s6;
	[tilespmem:$0x10238] =	vst @p1 v0  }
0x1aa: {  	v0 =	vld.msk @!p1 [tilespmem:s9+$0xF218], $0x1;
	_ =	sdelay $0x1  }
0x1ab: {  	v1 =	vld.msk @!p1 [tilespmem:$0xF218], $0x1;
	_ =	sdelay $0x2  }
0x1ac: {  	p2 =	seq.s32 @!p1 s9, $0x0;
	v0 =	vbroadcast @!p1 v0, $0x0  }
0x1ad: {  	vm0 =	vmmov @!p1 $0x1;
	p2 =	por !p2, p1  }
0x1ae: {  	v1 =	vnsel @!p1 vm0, $0xFFFFFFFF, v1;
	vm0 =	vcmask @!p1 $0x308;
	v0 =	vpsel !p2, $0xFFFFFFFF, v0  }
0x1af: {  	p2 =	sne.s32 @!p1 s8, s7;
	v0 =	vsel @!p1 vm0, v1, v0  }
0x1b0: {  	s0 =	simm.s32 @!p1 $0xF238;
	s7 =	simm.s32 @!p1 $0x0;
	p3 =	por !p2, p1;
	[tilespmem:$0x10238] =	vst @!p1 v0  }
0x1b1: {  	[spmem:s7] =	stream.linear.scatter @!p1 [tilespmem:s0], [sflag:$0x1], $0x80, $0x38;
	[tilespmem:$0x1F428] =	vst v63  }
0x1b2: {  	s0 =	sshll.u32 @!p3 s9, $0x9  }
0x1b3: {  	s0 =	sshra.s32 @!p3 s0, $0x2  }
0x1b4: {  	s7 =	simm.s32 @!p3 $0x80;
	s0 =	sadd.s32 @!p3 $0xF238, s0  }
0x1b5: {  	[spmem:s7] =	stream.linear.scatter @!p3 [tilespmem:s0], [sflag:$0x1], $0x80, $0x38;
	[tilespmem:$0x1F428] =	vst v63  }
0x1b6: {  	s0 =	simm.s32 @!p3 $0x1  }
0x1b7: {  	_ =	swait.ge @!p3 [sflag:s0], $0x100  }
0x1b8: {  	p1 =	por p2, p1;
	[sflag:s0] =	ssyncset.done @!p3 $0x0  }
0x1b9: {  	[sflag:s0] =	ssyncadd.s32 @!p3 $0xFFFFFF00;
	s0 =	simm.s32 @!p1 $0x1  }
0x1ba: {  	_ =	swait.ge @!p1 [sflag:s0], $0x80  }
0x1bb: {  	s29 =	simm.s32 $0x10238;
	[sflag:s0] =	ssyncset.done @!p1 $0x0  }
0x1bc: {  	s30 =	simm.s32 $0x1000;
	s31 =	simm.s32 $0x1;
	[sflag:s0] =	ssyncadd.s32 @!p1 $0xFFFFFF80  }
0x1bd: {  	[spmem:s30] =	stream.linear.scatter [tilespmem:s29], [sflag:$0x1], $0x10, $0x38;
	[tilespmem:$0x1F428] =	vst v63  }
0x1be: {  	p1 =	seq.s32 s5, $0x0;
	_ =	swait.ge [sflag:s31], $0x10  }
0x1bf: {  	s7 =	sshll.u32 @p1 s4, $0xE;
	[sflag:s31] =	ssyncset.done $0x0  }
0x1c0: {  	s0 =	sadd.s32 @p1 $0x15C3C, s7;
	s7 =	sshll.u32 @p1 s3, $0x11;
	[sflag:s31] =	ssyncadd.s32 $0xFFFFFFF0  }
0x1c1: {  	s0 =	sor.u32 @p1 s7, s0;
	_ =	sfence.stream.spmem  }
0x1c2: {  	[sflag:s0] =	ssyncadd.remote.s32 @p1 $0x1;
	s0 =	simm.s32 @p1 $0x4  }
0x1c3: {  	s8 =	simm.s32 @!p1 $0x3C;
	s7 =	sand.u32 $0xFFFFFFFE, s4;
	_ =	swait.ge @p1 [sflag:s0], $0x22  }
0x1c4: {  	s10 =	simm.s32 @!p1 $0x0;
	s7 =	sadd.s32 @!p1 $0x4, s7;
	[sflag:s0] =	ssyncset.done @p1 $0x0  }
0x1c5: {  	s11 =	simm.s32 @!p1 $0x100;
	[sflag:s0] =	ssyncadd.s32 @p1 $0xFFFFFFDE;
	s0 =	sshll.u32 @!p1 s7, $0x1A  }
0x1c6: {  	s7 =	sshll.u32 @!p1 s7, $0xD;
	s0 =	sor.u32 @!p1 s0, s3;
	_ =	swait.eq @!p1 [sflag:s8], $0x1  }
0x1c7: {  	s7 =	sor.u32 @!p1 $0x1C04, s7;
	s8 =	simm.s32 @!p1 $0x1C03;
	s0 =	sor.u32 @!p1 $0x80004000, s0  }
0x1c8: {  	[spmem:s11], [sflag:s7] =	dma.general @!p1 [spmem:s10], [sflag:s8], length:$0x20, [dreg:$0x0], stride_count:$0x0, ici_dest:s0, dma_misc:DstOpCode:WRITE  }
0x1c9: {  	p2 =	slt.s32 s9, $0x2;
	s10 =	simm.s32 @!p1 $0x200;
	s11 =	simm.s32 @!p1 $0x202  }
0x1ca: {  	[spmem:s11], [sflag:s7] =	dma.general @!p1 [spmem:s10], [sflag:s8], length:$0x2, [dreg:$0x0], stride_count:$0x0, ici_dest:s0, dma_misc:DstOpCode:WRITE  }
.Ltmp27:
0x1cb: {  	s0 =	simm.s32 @!p1 $0x3;
	(pc) =	sbr.rel @p2 .LBB2_38-.Ltmp27, $4  }
0x1cc: {  	s4 =	sshll.u32 @!p1 s4, $0xE;
	_ =	swait.ge @!p1 [sflag:s0], $0x22  }
0x1cd: {  	s4 =	sadd.s32 @!p1 $0x11C3C, s4;
	s3 =	sshll.u32 @!p1 s3, $0x11;
	[sflag:s0] =	ssyncset.done @!p1 $0x0  }
0x1ce: {  	[sflag:s0] =	ssyncadd.s32 @!p1 $0xFFFFFFDE;
	s0 =	sor.u32 @!p1 s3, s4  }
0x1cf: {  	s3 =	simm.s32 $0x0;
	[sflag:s0] =	ssyncadd.remote.s32 @!p1 $0xFFFFFFFF  }
0x1d0: {  	s0 =	simm.s32 $0xF219  }
0x1d1: {  	v0 =	vld.msk [tilespmem:s0+$0x0], $0x1;
	_ =	sdelay $0x4  }
0x1d2: {  	(v2sf) =	vpush v0, $0x0;
	_ =	sdelay $0xc  }
0x1d3: {  	s4 =	sadd.s32 $0xFFFFFFFE, s6  }
0x1d4: {  	s4 =	sadd.s32 $0xFFFFFFFF, s4  }
0x1d5: {  	p2 =	sne.s32 s4, $0x0;
	s0 =	spop (v2sf)  }
.Ltmp28:
0x1d6: {  	p1 =	sgt.u32 s0, $0x27FF0;
	(pc) =	sbr.rel @!p2 .LBB2_37-.Ltmp28, $4  }
0x1d7: {  	s3 =	simm.s32 $0xF2B8;
	s6 =	sand.u32 @!p1 $0x3FFF8, s0  }
0x1d8: {  	s8 =	simm.s32 $0x0;
	s0 =	sand.u32 @!p1 $0x7, s0;
	s6 =	sadd.s32 @!p1 s1, s6  }
0x1d9: {  	[hbm4b:s6+s0] =	stream.linear.scatter @!p1 [tilespmem:s3], [sflag:$0x5], $0x80, $0x38;
	[tilespmem:$0x1F428] =	vst v63  }
0x1da: {  	s7 =	simm.s32 $0xF21A;
	s8 =	simm.s32 @!p1 $0x200;
	s6 =	simm.s32 $0x0  }
.LBB2_36:
0x1db: {  	v0 =	vld.msk [tilespmem:s7+$0x0], $0x1;
	s4 =	sadd.s32 $0xFFFFFFFF, s4;
	s6 =	sadd.s32 s6, s8  }
0x1dc: {  	p1 =	sne.s32 s4, $0x0;
	_ =	sdelay $0x3  }
0x1dd: {  	(v2sf) =	vpush v0, $0x0;
	_ =	sdelay $0xe  }
.Ltmp29:
0x1de: {  	s0 =	spop (v2sf);
	(pc) =	sbr.rel @p1 .LBB2_36-.Ltmp29, $4  }
0x1df: {  	s8 =	simm.s32 $0x0;
	p2 =	sgt.u32 s0, $0x27FF0  }
0x1e0: {  	s3 =	sadd.s32 $0x80, s3;
	s8 =	simm.s32 @!p2 $0x200;
	s9 =	sand.u32 @!p2 $0x3FFF8, s0  }
0x1e1: {  	s7 =	sadd.s32 $0x1, s7;
	s0 =	sand.u32 @!p2 $0x7, s0;
	s9 =	sadd.s32 @!p2 s1, s9  }
0x1e2: {  	[hbm4b:s9+s0] =	stream.linear.scatter @!p2 [tilespmem:s3], [sflag:$0x5], $0x80, $0x38;
	[tilespmem:$0x1F428] =	vst v63  }
.LBB2_37:
0x1e3: {  	s0 =	sadd.s32 s6, s8  }
0x1e4: {  	s3 =	sshrl.u32 s0, $0x2  }
.LBB2_38:
0x1e5: {  	s0 =	simm.s32 $0x5  }
0x1e6: {  	_ =	swait.ge [sflag:s0], s3  }
0x1e7: {  	s31 =	ssub.s32 $0x0, s3;
	[sflag:s0] =	ssyncset.done $0x0  }
0x1e8: {  	[sflag:s0] =	ssyncadd.s32 s31  }
0x1e9: {  	[sflag:s0] =	ssyncpa.u1 $0x1  }
.LBB2_39:
0x1ea: {  	s0 =	sor.u32 s5, s2  }
0x1eb: {  	p1 =	sne.s32 s0, $0x0  }
.Ltmp30:
0x1ec: {  	_ = 	snop;
	(pc) =	sbr.rel @p1 .LBB2_54-.Ltmp30, $3  }
0x1ed: {  	_ =	sdelay $0x1  }
0x1ee: {  	[bflag:$0x0] =	sbarrier.arrive $0xFFFF  }
0x1ef: {  	_ =	sfence  }
0x1f0: {  	s0 =	simm.s32 $0x7  }
0x1f1: {  	s2 =	simm.s32 $0x1000;
	s3 =	simm.s32 $0xF218;
	[sflag:s0] =	ssyncpa.u1 $0x0  }
0x1f2: {  	[tilespmem:s3], [sflag:$0x7] =	stream.linear.gather [spmem:s2], $0x20, $0x38;
	[tilespmem:$0x1F428] =	vst v63  }
0x1f3: {  	s30 =	simm.s32 $0xF238;
	s2 =	simm.s32 $0x0  }
0x1f4: {  	[tilespmem:s30], [sflag:$0x7] =	stream.linear.gather [spmem:s2], $0x1000, $0x38;
	[tilespmem:$0x1F428] =	vst v63  }
.Ltmp31:
0x1f5: {  	_ = 	snop;
	(pc) =	sbr.rel .LBB2_41-.Ltmp31, $4  }
0x1f6: {  	_ =	swait.ge [sflag:s0], $0x1020  }
0x1f7: {  	[sflag:s0] =	ssyncset.done $0x0  }
0x1f8: {  	s31 =	simm.s32 $0x8;
	[sflag:s0] =	ssyncadd.s32 $0xFFFFEFE0  }
0x1f9: {  	s3 =	simm.s32 $0x0;
	[sflag:s31] =	ssyncpa.u1 $0x0  }
.LBB2_47:
0x1fa: {  	p1 =	slt.u32 s4, $0x27FF1  }
0x1fb: {  	s0 =	sand.u32 @p1 $0x3FFF8, s4  }
0x1fc: {  	s4 =	sand.u32 @p1 $0x7, s4;
	s5 =	simm.s32 @p1 $0xF188;
	s0 =	sadd.s32 @p1 s1, s0  }
0x1fd: {  	[tilespmem:s5], [sflag:$0x8] =	stream.linear.gather @p1 [hbm4b:s0+s4], $0x80, $0x38;
	[tilespmem:$0x1F428] =	vst v63  }
0x1fe: {  	s0 =	simm.s32 @p1 $0x8  }
0x1ff: {  	_ =	swait.ge @p1 [sflag:s0], $0x80  }
0x200: {  	[sflag:s0] =	ssyncset.done @p1 $0x0  }
0x201: {  	[sflag:s0] =	ssyncadd.s32 @p1 $0xFFFFFF80  }
0x202: {  	v1 =	vld @p1 [tilespmem:$0xF188];
	_ =	sdelay $0x2  }
0x203: {  	s0 =	sshll.u32 @p1 s3, $0x9  }
0x204: {  	s4 =	sshrl.u32 @p1 s0, $0x2  }
0x205: {  	[tilespmem:s4+$0xF238] =	vst.add.f32.msk @p1 $0xffff, v1  }
0x206: {  	v1 =	vld @p1 [tilespmem:$0xF198];
	_ =	sdelay $0x4  }
0x207: {  	[tilespmem:s4+$0xF248] =	vst.add.f32.msk @p1 $0xffff, v1  }
0x208: {  	v1 =	vld @p1 [tilespmem:$0xF1A8];
	_ =	sdelay $0x4  }
0x209: {  	[tilespmem:s4+$0xF258] =	vst.add.f32.msk @p1 $0xffff, v1  }
0x20a: {  	v1 =	vld @p1 [tilespmem:$0xF1B8];
	_ =	sdelay $0x4  }
0x20b: {  	[tilespmem:s4+$0xF268] =	vst.add.f32.msk @p1 $0xffff, v1  }
0x20c: {  	v1 =	vld @p1 [tilespmem:$0xF1C8];
	_ =	sdelay $0x4  }
0x20d: {  	[tilespmem:s4+$0xF278] =	vst.add.f32.msk @p1 $0xffff, v1  }
0x20e: {  	v1 =	vld @p1 [tilespmem:$0xF1D8];
	_ =	sdelay $0x4  }
0x20f: {  	[tilespmem:s4+$0xF288] =	vst.add.f32.msk @p1 $0xffff, v1  }
0x210: {  	v1 =	vld @p1 [tilespmem:$0xF1E8];
	_ =	sdelay $0x4  }
0x211: {  	[tilespmem:s4+$0xF298] =	vst.add.f32.msk @p1 $0xffff, v1  }
0x212: {  	v1 =	vld @p1 [tilespmem:$0xF1F8];
	_ =	sdelay $0x3  }
0x213: {  	s5 =	sshll.u32 @!p1 s3, $0x9  }
0x214: {  	s5 =	smov.u32 @p1 s0;
	[tilespmem:s4+$0xF2A8] =	vst.add.f32.msk @p1 $0xffff, v1  }
0x215: {  	s0 =	sshrl.u32 s5, $0x2;
	[tilespmem:s2+$0xF218] =	vst.msk $0x1, v0  }
0x216: {  	v0 =	vld [tilespmem:s0+$0xF238];
	_ =	sdelay $0x2  }
0x217: {  	s31 =	sshll.u32 s2, $0x9  }
0x218: {  	s4 =	sshra.s32 s31, $0x2  }
0x219: {  	[tilespmem:s4+$0xF238] =	vst v0  }
0x21a: {  	v0 =	vld [tilespmem:s0+$0xF248];
	_ =	sdelay $0x4  }
0x21b: {  	[tilespmem:s4+$0xF248] =	vst v0  }
0x21c: {  	v0 =	vld [tilespmem:s0+$0xF258];
	_ =	sdelay $0x4  }
0x21d: {  	[tilespmem:s4+$0xF258] =	vst v0  }
0x21e: {  	v0 =	vld [tilespmem:s0+$0xF268];
	_ =	sdelay $0x4  }
0x21f: {  	[tilespmem:s4+$0xF268] =	vst v0  }
0x220: {  	v0 =	vld [tilespmem:s0+$0xF278];
	_ =	sdelay $0x4  }
0x221: {  	[tilespmem:s4+$0xF278] =	vst v0  }
0x222: {  	v0 =	vld [tilespmem:s0+$0xF288];
	_ =	sdelay $0x4  }
0x223: {  	[tilespmem:s4+$0xF288] =	vst v0  }
0x224: {  	v0 =	vld [tilespmem:s0+$0xF298];
	_ =	sdelay $0x4  }
0x225: {  	[tilespmem:s4+$0xF298] =	vst v0  }
0x226: {  	v0 =	vld [tilespmem:s0+$0xF2A8];
	_ =	sdelay $0x4  }
0x227: {  	s2 =	sadd.s32 $0x1, s2;
	[tilespmem:s4+$0xF2A8] =	vst v0  }
.LBB2_48:
0x228: {  	s3 =	sadd.s32 $0x1, s3  }
0x229: {  	p1 =	sne.s32 s3, $0x20  }
.Ltmp32:
0x22a: {  	_ = 	snop;
	(pc) =	sbr.rel @!p1 .LBB2_49-.Ltmp32, $1  }
0x22b: {  	_ =	sdelay $0x3  }
.LBB2_41:
0x22c: {  	v0 =	vld.msk [tilespmem:s3+$0xF218], $0x1;
	_ =	sdelay $0x4  }
0x22d: {  	(v2sf) =	vpush v0, $0x0;
	_ =	sdelay $0xe  }
0x22e: {  	s4 =	spop (v2sf)  }
0x22f: {  	p1 =	seq.s32 s4, $0xFFFFFFFF  }
.Ltmp33:
0x230: {  	_ = 	snop;
	(pc) =	sbr.rel @p1 .LBB2_48-.Ltmp33, $1  }
0x231: {  	_ =	sdelay $0x3  }
0x232: {  	p1 =	slt.s32 s2, $0x1  }
.Ltmp34:
0x233: {  	_ = 	snop;
	(pc) =	sbr.rel @p1 .LBB2_47-.Ltmp34, $1  }
0x234: {  	_ =	sdelay $0x3  }
0x235: {  	s5 =	simm.s32 $0xF218;
	p1 =	por $0x0, $0x0  }
0x236: {  	v1 =	vld.msk @!p1 [tilespmem:s5+$0x0], $0x1;
	_ =	sdelay $0x4  }
0x237: {  	(v2sf) =	vpush @!p1 v1, $0x0;
	_ =	sdelay $0xd  }
0x238: {  	p3 =	sne.s32 s2, $0x1  }
.Ltmp35:
0x239: {  	s0 =	spop @!p1 (v2sf);
	(pc) =	sbr.rel @!p3 .LBB2_45-.Ltmp35, $4  }
0x23a: {  	p2 =	seq.s32 @!p1 s4, s0  }
0x23b: {  	s6 =	simm.s32 $0x0;
	p2 =	por !p2, p1  }
0x23c: {  	s0 =	simm.s32 $0xFFFFFFFF;
	s6 =	simm.s32 @p2 $0xFFFFFFFF  }
0x23d: {  	s7 =	simm.s32 $0x1;
	s6 =	smov.u32 @p1 s0  }
.LBB2_44:
0x23e: {  	s0 =	smov.u32 s6;
	p1 =	sne.s32 s6, $0xFFFFFFFF  }
0x23f: {  	s5 =	sadd.s32 $0x1, s5;
	s6 =	smov.u32 s7;
	s7 =	sadd.s32 $0x1, s7  }
0x240: {  	p2 =	sne.s32 s2, s7;
	v1 =	vld.msk @!p1 [tilespmem:s5+$0x0], $0x1;
	_ =	sdelay $0x4  }
0x241: {  	(v2sf) =	vpush @!p1 v1, $0x0;
	_ =	sdelay $0xe  }
.Ltmp36:
0x242: {  	s8 =	spop @!p1 (v2sf);
	(pc) =	sbr.rel @p2 .LBB2_44-.Ltmp36, $4  }
0x243: {  	p3 =	seq.s32 @!p1 s4, s8  }
0x244: {  	p3 =	por !p3, p1  }
0x245: {  	s6 =	simm.s32 @p3 $0xFFFFFFFF  }
0x246: {  	s6 =	smov.u32 @p1 s0  }
.LBB2_45:
0x247: {  	p1 =	seq.s32 s6, $0xFFFFFFFF  }
.Ltmp37:
0x248: {  	_ = 	snop;
	(pc) =	sbr.rel @p1 .LBB2_47-.Ltmp37, $1  }
0x249: {  	_ =	sdelay $0x3  }
0x24a: {  	s0 =	sshll.u32 s3, $0x7  }
0x24b: {  	s0 =	sand.u32 $0x3FFFFF80, s0  }
0x24c: {  	v0 =	vld [tilespmem:s0+$0xF238];
	_ =	sdelay $0x2  }
0x24d: {  	s4 =	sshll.u32 s6, $0x9  }
0x24e: {  	s4 =	sshra.s32 s4, $0x2  }
0x24f: {  	[tilespmem:s4+$0xF238] =	vst.add.f32.msk $0xffff, v0  }
0x250: {  	v0 =	vld [tilespmem:s0+$0xF248];
	_ =	sdelay $0x4  }
0x251: {  	[tilespmem:s4+$0xF248] =	vst.add.f32.msk $0xffff, v0  }
0x252: {  	v0 =	vld [tilespmem:s0+$0xF258];
	_ =	sdelay $0x4  }
0x253: {  	[tilespmem:s4+$0xF258] =	vst.add.f32.msk $0xffff, v0  }
0x254: {  	v0 =	vld [tilespmem:s0+$0xF268];
	_ =	sdelay $0x4  }
0x255: {  	[tilespmem:s4+$0xF268] =	vst.add.f32.msk $0xffff, v0  }
0x256: {  	v0 =	vld [tilespmem:s0+$0xF278];
	_ =	sdelay $0x4  }
0x257: {  	[tilespmem:s4+$0xF278] =	vst.add.f32.msk $0xffff, v0  }
0x258: {  	v0 =	vld [tilespmem:s0+$0xF288];
	_ =	sdelay $0x4  }
0x259: {  	[tilespmem:s4+$0xF288] =	vst.add.f32.msk $0xffff, v0  }
0x25a: {  	v0 =	vld [tilespmem:s0+$0xF298];
	_ =	sdelay $0x4  }
0x25b: {  	[tilespmem:s4+$0xF298] =	vst.add.f32.msk $0xffff, v0  }
0x25c: {  	v0 =	vld [tilespmem:s0+$0xF2A8]  }
.Ltmp38:
0x25d: {  	_ = 	snop;
	(pc) =	sbr.rel .LBB2_48-.Ltmp38, $2  }
0x25e: {  	_ =	sdelay $0x2  }
0x25f: {  	[tilespmem:s4+$0xF2A8] =	vst.add.f32.msk $0xffff, v0  }
.LBB2_49:
0x260: {  	p1 =	slt.s32 s2, $0x1  }
.Ltmp39:
0x261: {  	_ = 	snop;
	(pc) =	sbr.rel @p1 .LBB2_53-.Ltmp39, $3  }
0x262: {  	_ =	sdelay $0x1  }
0x263: {  	s0 =	simm.s32 $0x8  }
0x264: {  	s3 =	simm.s32 $0x0;
	[sflag:s0] =	ssyncpa.u1 $0x1  }
0x265: {  	s0 =	simm.s32 $0xF218  }
0x266: {  	v0 =	vld.msk [tilespmem:s0+$0x0], $0x1;
	_ =	sdelay $0x4  }
0x267: {  	(v2sf) =	vpush v0, $0x0;
	_ =	sdelay $0xd  }
0x268: {  	s2 =	sadd.s32 $0xFFFFFFFF, s2  }
0x269: {  	p2 =	sne.s32 s2, $0x0;
	s0 =	spop (v2sf)  }
.Ltmp40:
0x26a: {  	p1 =	sgt.u32 s0, $0x27FF0;
	(pc) =	sbr.rel @!p2 .LBB2_52-.Ltmp40, $4  }
0x26b: {  	s4 =	simm.s32 $0xF238;
	s5 =	sand.u32 @!p1 $0x3FFF8, s0  }
0x26c: {  	s6 =	simm.s32 $0x0;
	s0 =	sand.u32 @!p1 $0x7, s0;
	s5 =	sadd.s32 @!p1 s1, s5  }
0x26d: {  	[hbm4b:s5+s0] =	stream.linear.scatter @!p1 [tilespmem:s4], [sflag:$0x7], $0x80, $0x38;
	[tilespmem:$0x1F428] =	vst v63  }
0x26e: {  	s6 =	simm.s32 @!p1 $0x200;
	s5 =	simm.s32 $0xF219  }
.LBB2_51:
0x26f: {  	v0 =	vld.msk [tilespmem:s5+$0x0], $0x1;
	s2 =	sadd.s32 $0xFFFFFFFF, s2;
	s3 =	sadd.s32 s3, s6  }
0x270: {  	p1 =	sne.s32 s2, $0x0;
	_ =	sdelay $0x3  }
0x271: {  	(v2sf) =	vpush v0, $0x0;
	_ =	sdelay $0xe  }
.Ltmp41:
0x272: {  	s0 =	spop (v2sf);
	(pc) =	sbr.rel @p1 .LBB2_51-.Ltmp41, $4  }
0x273: {  	s6 =	simm.s32 $0x0;
	p2 =	sgt.u32 s0, $0x27FF0  }
0x274: {  	s4 =	sadd.s32 $0x80, s4;
	s6 =	simm.s32 @!p2 $0x200;
	s7 =	sand.u32 @!p2 $0x3FFF8, s0  }
0x275: {  	s5 =	sadd.s32 $0x1, s5;
	s0 =	sand.u32 @!p2 $0x7, s0;
	s7 =	sadd.s32 @!p2 s1, s7  }
0x276: {  	[hbm4b:s7+s0] =	stream.linear.scatter @!p2 [tilespmem:s4], [sflag:$0x7], $0x80, $0x38;
	[tilespmem:$0x1F428] =	vst v63  }
.LBB2_52:
0x277: {  	s0 =	sadd.s32 s3, s6  }
0x278: {  	s3 =	sshrl.u32 s0, $0x2  }
.LBB2_53:
0x279: {  	s0 =	simm.s32 $0x7  }
0x27a: {  	_ =	swait.ge [sflag:s0], s3  }
0x27b: {  	s1 =	ssub.s32 $0x0, s3;
	[sflag:s0] =	ssyncset.done $0x0  }
0x27c: {  	[sflag:s0] =	ssyncadd.s32 s1  }
0x27d: {  	[sflag:s0] =	ssyncpa.u1 $0x1  }
.LBB2_54:
0x27e: {  	_ =	sfence;
	s0 =	simm.s32 $0x1  }
0x27f: {  	[sflag:s0] =	ssyncpa.u1 $0x1  }
0x280: {  	_ =	strace $0x90000065  }
0x281: {  	[bflag:$0x2] =	sbarrier.arrive $0xFFFF  }
0x282: {  	s0 =	rddreg [dreg:$0x3]  }
0x283: {  	s0 =	sadd.s32 @!p0 $0x100000, s0  }
0x284: {  	[sflag:s0] =	ssyncadd.tile.s32 @!p0 $0x1;
	_ =	shalt  }
.Lfunc_end2:
_tile_overlayer_lowered:
.L_overlay_start_2:
0x285: {  	(tag) =	ssettag $0x2  }
0x286: {  	s0 =	rddreg [dreg:$0x0];
	s2 =	stileid.u32  }
0x287: {  	s1 =	rddreg [dreg:$0x1];
	p0 =	sne.s32 s2, $0x0  }
0x288: {  	s3 =	rddreg [dreg:$0x2];
	[bflag:$0x3] =	sbarrier.arrive $0xFFFF;
	s2 =	simm.s32 @!p0 $0x1C01  }
0x289: {  	[timem:s3], [sflag:s2] =	dma.local @!p0 [hbm:s0], s1  }
0x28a: {  	s0 =	simm.s32 @!p0 $0x1  }
0x28b: {  	_ =	swait.ge @!p0 [sflag:s0], s1  }
0x28c: {  	s1 =	ssub.s32 @!p0 $0x0, s1;
	[sflag:s0] =	ssyncset.done @!p0 $0x0  }
0x28d: {  	[sflag:s0] =	ssyncadd.s32 @!p0 s1  }
0x28e: {  	[bflag:$0x3] =	sbarrier.arrive $0xFFFF  }
0x28f: {  	_ =	shalt  }

// kernel: scatter_offload_async_start
scs
__scs_entry_jumppad:
0x0: {  	(pc) =	sbr.rel $0x88, $3  }
0x1: {  	(tag) =	ssettag $0x0;
	lr =	simm.s32 $0x1  }
0x2: {  	[smem:$0x3F91] =	sst lr;
	_ =	strace $0xD0000000  }
0x3: {  	_ = 	snop  }
0x4: {  	_ = 	snop  }
0x5: {  	_ = 	snop  }
0x6: {  	_ = 	snop  }
0x7: {  	_ = 	snop  }
__scs_overlays_trampoline_lowered:
0x8: {  	[smem:$0x3FA0] =	sst s0  }
0x9: {  	[smem:$0x3FA1] =	sst s1  }
0xa: {  	[smem:$0x3FA2] =	sst s2  }
0xb: {  	[smem:$0x3FA3] =	sst s3  }
0xc: {  	[smem:$0x3FA4] =	sst s4  }
0xd: {  	[smem:$0x3FA5] =	sst s5  }
0xe: {  	[smem:$0x3FA6] =	sst s6  }
0xf: {  	[smem:$0x3FA7] =	sst s7  }
0x10: {  	[smem:$0x3FA8] =	sst s8  }
0x11: {  	[smem:$0x3FA9] =	sst s9;
	s0 =	simm.s32 @!p0 $0x0  }
0x12: {  	s1 =	sld [smem:$0x3F8F];
	s0 =	simm.s32 @p0 $0x1  }
0x13: {  	[smem:$0x3FAA] =	sst s0;
	s0 =	simm.s32 @!p1 $0x0  }
0x14: {  	s2 =	sld [smem:$0x3F8E];
	s0 =	simm.s32 @p1 $0x1  }
0x15: {  	[smem:$0x3FAB] =	sst s0;
	s0 =	simm.s32 @!p2 $0x0  }
0x16: {  	s3 =	sld [smem:$0x3FDB];
	s0 =	simm.s32 @p2 $0x1  }
0x17: {  	s4 =	simm.s32 $0x1BF5;
	[smem:$0x3FAD] =	sst s0  }
0x18: {  	s0 =	sld [smem:$0x3F90];
	_ =	swait.ge [sflag:s4], $0x0  }
0x19: {  	s7 =	sld [smem:$0x3F91]  }
0x1a: {  	s8 =	sadd.s32 $0xFFFFE003, lr  }
0x1b: {  	s9 =	sadd.s32 $0xFFFFFEF7, lr;
	s5 =	simm.s32 $0xFFFFFFFF;
	p2 =	slt.u32 s8, $0xFFFFF086  }
0x1c: {  	p1 =	slt.u32 s9, $0xF7A;
	s5 =	simm.s32 @!p2 $0x0  }
0x1d: {  	s5 =	simm.s32 @p1 $0x1;
	p0 =	seq.s32 s7, s2  }
0x1e: {  	s7 =	smul.u32 @!p0 $0xF7A, s2;
	p2 =	seq.s32 @!p0 s5, $0x0  }
0x1f: {  	s9 =	smul.u32 $0xF7A, s1;
	s8 =	simm.s32 @!p0 $0x1BF5;
	p2 =	por !p2, p0  }
0x20: {  	[sflag:s8] =	ssyncset.s32 @!p0 $0xFFFFF086;
	s6 =	sadd.s32 @!p0 s3, s7;
	s7 =	simm.s32 @!p0 $0x108  }
0x21: {  	s3 =	sadd.s32 s3, s9;
	s6 =	sadd.s32 @!p0 $0x88, s6;
	s7 =	simm.s32 @p2 $0x1082  }
0x22: {  	[simem:s7], [sflag:s8] =	dma.local @!p0 [hbm:s6], $0xF7A  }
0x23: {  	s9 =	sor.u32 $0xD0000000, s2;
	s6 =	simm.s32 $0x108;
	_ =	swait.ge @!p0 [sflag:s8], $0x0  }
0x24: {  	s3 =	sadd.s32 $0x88, s3;
	s6 =	simm.s32 @!p1 $0x1082;
	[sflag:s4] =	ssyncset.s32 $0xFFFFF086  }
0x25: {  	[simem:s6], [sflag:s4] =	dma.local [hbm:s3], $0xF7A  }
0x26: {  	[smem:$0x3F91] =	sst s1;
	(tag) =	ssettag s2;
	_ =	strace s9  }
0x27: {  	s1 =	sld [smem:$0x3FA1]  }
0x28: {  	s2 =	sld [smem:$0x3FA2]  }
0x29: {  	s4 =	sld [smem:$0x3FA4]  }
0x2a: {  	p0 =	seq.s32 s5, $0x0;
	s5 =	sld [smem:$0x3FA5]  }
0x2b: {  	s6 =	sld [smem:$0x3FA6]  }
0x2c: {  	s7 =	sld [smem:$0x3FA7]  }
0x2d: {  	s3 =	simm.s32 $0x108;
	s8 =	sld [smem:$0x3FA8]  }
0x2e: {  	s3 =	simm.s32 @!p0 $0x1082;
	s9 =	sld [smem:$0x3FA9]  }
0x2f: {  	lr =	sadd.s32 s0, s3;
	s0 =	sld [smem:$0x3FA0]  }
0x30: {  	s3 =	sld [smem:$0x3FA3]  }
0x31: {  	[smem:$0x3FAC] =	sst s10  }
0x32: {  	s10 =	sld [smem:$0x3FAA];
	_ =	sdelay $0x3  }
0x33: {  	p0 =	seq.s32 s10, $0x1;
	s10 =	sld [smem:$0x3FAC];
	_ =	sdelay $0x3  }
0x34: {  	[smem:$0x3FAC] =	sst s10  }
0x35: {  	s10 =	sld [smem:$0x3FAB];
	_ =	sdelay $0x3  }
0x36: {  	p1 =	seq.s32 s10, $0x1;
	s10 =	sld [smem:$0x3FAC];
	_ =	sdelay $0x3  }
0x37: {  	[smem:$0x3FAC] =	sst s10  }
0x38: {  	s10 =	sld [smem:$0x3FAD]  }
0x39: {  	_ = 	snop;
	(pc) =	sbr.ind lr, $3  }
0x3a: {  	_ = 	snop  }
0x3b: {  	_ = 	snop  }
0x3c: {  	p2 =	seq.s32 s10, $0x1;
	s10 =	sld [smem:$0x3FAC]  }
0x3d: {  	_ =	shalt  }
0x3e: {  	_ =	shalt  }
0x3f: {  	_ =	shalt  }
0x40: {  	_ =	shalt  }
0x41: {  	_ =	shalt  }
0x42: {  	_ =	shalt  }
0x43: {  	_ =	shalt  }
0x44: {  	_ =	shalt  }
0x45: {  	_ =	shalt  }
0x46: {  	_ =	shalt  }
0x47: {  	_ =	shalt  }
0x48: {  	_ =	shalt  }
0x49: {  	_ =	shalt  }
0x4a: {  	_ =	shalt  }
0x4b: {  	_ =	shalt  }
0x4c: {  	_ =	shalt  }
0x4d: {  	_ =	shalt  }
0x4e: {  	_ =	shalt  }
0x4f: {  	_ =	shalt  }
0x50: {  	_ =	shalt  }
0x51: {  	_ =	shalt  }
0x52: {  	_ =	shalt  }
0x53: {  	_ =	shalt  }
0x54: {  	_ =	shalt  }
0x55: {  	_ =	shalt  }
0x56: {  	_ =	shalt  }
0x57: {  	_ =	shalt  }
0x58: {  	_ =	shalt  }
0x59: {  	_ =	shalt  }
0x5a: {  	_ =	shalt  }
0x5b: {  	_ =	shalt  }
0x5c: {  	_ =	shalt  }
0x5d: {  	_ =	shalt  }
0x5e: {  	_ =	shalt  }
0x5f: {  	_ =	shalt  }
0x60: {  	_ =	shalt  }
0x61: {  	_ =	shalt  }
0x62: {  	_ =	shalt  }
0x63: {  	_ =	shalt  }
0x64: {  	_ =	shalt  }
0x65: {  	_ =	shalt  }
0x66: {  	_ =	shalt  }
0x67: {  	_ =	shalt  }
0x68: {  	_ =	shalt  }
0x69: {  	_ =	shalt  }
0x6a: {  	_ =	shalt  }
0x6b: {  	_ =	shalt  }
0x6c: {  	_ =	shalt  }
0x6d: {  	_ =	shalt  }
0x6e: {  	_ =	shalt  }
0x6f: {  	_ =	shalt  }
0x70: {  	_ =	shalt  }
0x71: {  	_ =	shalt  }
0x72: {  	_ =	shalt  }
0x73: {  	_ =	shalt  }
0x74: {  	_ =	shalt  }
0x75: {  	_ =	shalt  }
0x76: {  	_ =	shalt  }
0x77: {  	_ =	shalt  }
0x78: {  	_ =	shalt  }
0x79: {  	_ =	shalt  }
0x7a: {  	_ =	shalt  }
0x7b: {  	_ =	shalt  }
0x7c: {  	_ =	shalt  }
0x7d: {  	_ =	shalt  }
0x7e: {  	_ =	shalt  }
0x7f: {  	_ =	shalt  }
0x80: {  	_ =	shalt  }
0x81: {  	_ =	shalt  }
0x82: {  	_ =	shalt  }
0x83: {  	_ =	shalt  }
0x84: {  	_ =	shalt  }
0x85: {  	_ =	shalt  }
0x86: {  	_ =	shalt  }
0x87: {  	_ =	shalt  }
.Lfunc_end0:
.L_simem_size_0:
called_computation_lowered:
.L_overlay_start_0:
0x88: {  	s2 =	sld [smem:$0x3FD9]  }
0x89: {  	s3 =	sld [smem:$0x3FFE];
	_ =	sdelay $0x1  }
0x8a: {  	s1 =	srdreg.scid  }
0x8b: {  	s0 =	sand.u32 $0x1, s1  }
0x8c: {  	s15 =	sshll.u32 s0, $0xA;
	s2 =	sadd.s32 s3, s2  }
0x8d: {  	s2 =	sadd.s32 s2, s15  }
0x8e: {  	[smem:$0x3FB8] =	sst s2  }
0x8f: {  	_ = 	snop  }
0x90: {  	(tm) =	ssettm $0x1  }
0x91: {  	s16 =	sld [smem:$0x3FFB];
	_ =	sdelay $0x3  }
0x92: {  	_ =	strace s16  }
0x93: {  	s2 =	sld [smem:$0x3FFC];
	_ =	sdelay $0x3  }
0x94: {  	_ =	strace s2  }
0x95: {  	s2 =	sld [smem:$0x3FFD];
	_ =	sdelay $0x3  }
0x96: {  	_ =	strace s2  }
0x97: {  	_ =	strace $0x8FFFFFFF  }
0x98: {  	s17 =	sld [smem:$0x3FDB];
	_ =	sdelay $0x1  }
0x99: {  	s18 =	simm.s32 $_scs_section_size  }
0x9a: {  	s4 =	simm.s32 $_size__tile_overlayer_lowered;
	s5 =	simm.s32 $_tile_overlayer_lowered  }
0x9b: {  	s21 =	simm.s32 $0x1BFF;
	s20 =	sshll.u32 s5, $0x1;
	s2 =	sadd.s32 s18, s17  }
0x9c: {  	s6 =	simm.s32 $0x0;
	s19 =	sshll.u32 s4, $0x1;
	s4 =	sadd.s32 s20, s2  }
0x9d: {  	[timem:s6], [sflag:s21] =	dma.local [hbm:s4], s19  }
0x9e: {  	_ =	swait.ge [sflag:s21], s19  }
0x9f: {  	s3 =	ssub.s32 $0x0, s19;
	[sflag:s21] =	ssyncset.done $0x0  }
0xa0: {  	[sflag:s21] =	ssyncadd.s32 s3;
	_ =	sdelay $0x1  }
0xa1: {  	s22 =	simm.s32 $0x1B8B  }
0xa2: {  	_ =	swait.ge [sflag:s22], $0x1  }
0xa3: {  	[sflag:s22] =	ssyncset.done $0x0  }
0xa4: {  	s23 =	sld [smem:$0x3FFE];
	[sflag:s22] =	ssyncadd.s32 $0xFFFFFFFF  }
0xa5: {  	s25 =	simm.s32 $0x1B8E;
	s24 =	sld [smem:$0x0]  }
0xa6: {  	s26 =	simm.s32 $execute0_lowered;
	[smem:$0x3FD2] =	sst s25  }
0xa7: {  	s5 =	sshll.u32 s26, $0x1;
	_ =	strace $0x8000004F;
	[dreg:$0x1] =	wrdreg $0xFFFFFFFF  }
0xa8: {  	s28 =	simm.s32 $_size_execute0_lowered;
	s2 =	sadd.s32 s2, s5;
	[dreg:$0x0] =	wrdreg $0x0  }
0xa9: {  	s5 =	sshll.u32 s28, $0x1;
	[dreg:$0x2] =	wrdreg s2  }
0xaa: {  	[dreg:$0x3] =	wrdreg s5  }
0xab: {  	[dreg:$0x4] =	wrdreg $0xC0  }
0xac: {  	_ =	task [dreg:s6], $0x5FFFF  }
0xad: {  	[dreg:$0x1] =	wrdreg $0xFFFFFFFF  }
0xae: {  	[dreg:$0x0] =	wrdreg $0x60  }
0xaf: {  	[dreg:$0x2] =	wrdreg s23  }
0xb0: {  	[dreg:$0x3] =	wrdreg s1  }
0xb1: {  	[dreg:$0x4] =	wrdreg s24  }
0xb2: {  	[dreg:$0x5] =	wrdreg $0x9  }
0xb3: {  	_ =	task.clear_ibuf [dreg:s6], $0x6FFFF;
	_ =	strace $0x9000004F  }
0xb4: {  	s29 =	simm.s32 $0x9;
	_ =	strace $0x80000051  }
0xb5: {  	_ =	swait.ge [sflag:s29], $0x1  }
0xb6: {  	[sflag:s29] =	ssyncadd.s32 $0xFFFFFFFF  }
0xb7: {  	_ =	strace $0x90000051  }
0xb8: {  	_ =	sfence  }
0xb9: {  	s30 =	sld [smem:$0x0];
	_ =	sdelay $0x2  }
0xba: {  	s31 =	sshll.u32 s1, $0xD;
	s1 =	sshrl.u32 s1, $0x2  }
0xbb: {  	s3 =	sand.u32 $0x4000, s31;
	s1 =	sadd.s32 s1, s30  }
0xbc: {  	s0 =	sor.u32 s3, s0;
	s1 =	sshll.u32 s1, $0x11  }
0xbd: {  	s0 =	sor.u32 s1, s0  }
0xbe: {  	s0 =	sadd.s32 $0x8F2B, s0  }
0xbf: {  	[sflag:s0] =	ssyncadd.remote.s32 $0x1  }
0xc0: {  	_ =	sfence.sel $0xFFFF  }
0xc1: {  	[dreg:$0x0] =	wrdreg $0xFFFFFFFF;
	(pc) =	sbr.abs _section_cstart, $3  }
0xc2: {  	[dreg:$0x1] =	wrdreg $0xFFFFFFFF  }
0xc3: {  	_ =	task.clear_ibuf [dreg:s6], $0x2FFFF;
	_ =	strace $0x9FFFFFFF  }
0xc4: {  	(tm) =	ssettm $0x7FFFFFFF  }
0xc5: {  	_ =	shalt  }
tec
execute0_lowered:
.L_overlay_start_1:
0x0: {  	(tag) =	ssettag $0x1  }
0x1: {  	s6 =	rddreg [dreg:$0x0]  }
0x2: {  	s2 =	rddreg [dreg:$0x1];
	_ =	strace $0x80000050;
	s5 =	simm.s32 $0x1  }
0x3: {  	v0 =	vimm.s32 $0x0;
	[sflag:s5] =	ssyncpa.u1 $0x0  }
0x4: {  	[tilespmem:$0x28] =	vst v0  }
0x5: {  	[tilespmem:$0x38] =	vst v0  }
0x6: {  	[tilespmem:$0x48] =	vst v0  }
0x7: {  	[tilespmem:$0x58] =	vst v0  }
0x8: {  	[tilespmem:$0x68] =	vst v0  }
0x9: {  	[tilespmem:$0x78] =	vst v0  }
0xa: {  	[tilespmem:$0x88] =	vst v0  }
0xb: {  	[tilespmem:$0x98] =	vst v0  }
0xc: {  	[tilespmem:$0xA8] =	vst v0  }
0xd: {  	[tilespmem:$0xB8] =	vst v0  }
0xe: {  	[tilespmem:$0xC8] =	vst v0  }
0xf: {  	[tilespmem:$0xD8] =	vst v0  }
0x10: {  	[tilespmem:$0xE8] =	vst v0  }
0x11: {  	[tilespmem:$0xF8] =	vst v0  }
0x12: {  	[tilespmem:$0x108] =	vst v0  }
0x13: {  	[tilespmem:$0x118] =	vst v0  }
0x14: {  	[tilespmem:$0x128] =	vst v0  }
0x15: {  	[tilespmem:$0x138] =	vst v0  }
0x16: {  	[tilespmem:$0x148] =	vst v0  }
0x17: {  	[tilespmem:$0x158] =	vst v0  }
0x18: {  	[tilespmem:$0x168] =	vst v0  }
0x19: {  	[tilespmem:$0x178] =	vst v0  }
0x1a: {  	[tilespmem:$0x188] =	vst v0  }
0x1b: {  	[tilespmem:$0x198] =	vst v0  }
0x1c: {  	[tilespmem:$0x1A8] =	vst v0  }
0x1d: {  	[tilespmem:$0x1B8] =	vst v0  }
0x1e: {  	[tilespmem:$0x1C8] =	vst v0  }
0x1f: {  	[tilespmem:$0x1D8] =	vst v0  }
0x20: {  	[tilespmem:$0x1E8] =	vst v0  }
0x21: {  	[tilespmem:$0x1F8] =	vst v0  }
0x22: {  	[tilespmem:$0x208] =	vst v0  }
0x23: {  	[tilespmem:$0x218] =	vst v0  }
0x24: {  	[tilespmem:$0x228] =	vst v0  }
0x25: {  	[tilespmem:$0x238] =	vst v0  }
0x26: {  	[tilespmem:$0x248] =	vst v0  }
0x27: {  	[tilespmem:$0x258] =	vst v0  }
0x28: {  	[tilespmem:$0x268] =	vst v0  }
0x29: {  	[tilespmem:$0x278] =	vst v0  }
0x2a: {  	[tilespmem:$0x288] =	vst v0  }
0x2b: {  	[tilespmem:$0x298] =	vst v0  }
0x2c: {  	[tilespmem:$0x2A8] =	vst v0  }
0x2d: {  	[tilespmem:$0x2B8] =	vst v0  }
0x2e: {  	[tilespmem:$0x2C8] =	vst v0  }
0x2f: {  	[tilespmem:$0x2D8] =	vst v0  }
0x30: {  	[tilespmem:$0x2E8] =	vst v0  }
0x31: {  	[tilespmem:$0x2F8] =	vst v0  }
0x32: {  	[tilespmem:$0x308] =	vst v0  }
0x33: {  	[tilespmem:$0x318] =	vst v0  }
0x34: {  	[tilespmem:$0x328] =	vst v0  }
0x35: {  	[tilespmem:$0x338] =	vst v0  }
0x36: {  	[tilespmem:$0x348] =	vst v0  }
0x37: {  	[tilespmem:$0x358] =	vst v0  }
0x38: {  	[tilespmem:$0x368] =	vst v0  }
0x39: {  	[tilespmem:$0x378] =	vst v0  }
0x3a: {  	[tilespmem:$0x388] =	vst v0  }
0x3b: {  	[tilespmem:$0x398] =	vst v0  }
0x3c: {  	[tilespmem:$0x3A8] =	vst v0  }
0x3d: {  	[tilespmem:$0x3B8] =	vst v0  }
0x3e: {  	[tilespmem:$0x3C8] =	vst v0  }
0x3f: {  	[tilespmem:$0x3D8] =	vst v0  }
0x40: {  	[tilespmem:$0x3E8] =	vst v0  }
0x41: {  	[tilespmem:$0x3F8] =	vst v0  }
0x42: {  	[tilespmem:$0x408] =	vst v0  }
0x43: {  	[tilespmem:$0x418] =	vst v0  }
0x44: {  	[tilespmem:$0x428] =	vst v0  }
0x45: {  	[tilespmem:$0x438] =	vst v0  }
0x46: {  	[tilespmem:$0x448] =	vst v0  }
0x47: {  	[tilespmem:$0x458] =	vst v0  }
0x48: {  	[tilespmem:$0x468] =	vst v0  }
0x49: {  	[tilespmem:$0x478] =	vst v0  }
0x4a: {  	[tilespmem:$0x488] =	vst v0  }
0x4b: {  	[tilespmem:$0x498] =	vst v0  }
0x4c: {  	[tilespmem:$0x4A8] =	vst v0  }
0x4d: {  	[tilespmem:$0x4B8] =	vst v0  }
0x4e: {  	[tilespmem:$0x4C8] =	vst v0  }
0x4f: {  	[tilespmem:$0x4D8] =	vst v0  }
0x50: {  	[tilespmem:$0x4E8] =	vst v0  }
0x51: {  	[tilespmem:$0x4F8] =	vst v0  }
0x52: {  	[tilespmem:$0x508] =	vst v0  }
0x53: {  	[tilespmem:$0x518] =	vst v0  }
0x54: {  	[tilespmem:$0x528] =	vst v0  }
0x55: {  	[tilespmem:$0x538] =	vst v0  }
0x56: {  	[tilespmem:$0x548] =	vst v0  }
0x57: {  	[tilespmem:$0x558] =	vst v0  }
0x58: {  	[tilespmem:$0x568] =	vst v0  }
0x59: {  	[tilespmem:$0x578] =	vst v0  }
0x5a: {  	[tilespmem:$0x588] =	vst v0  }
0x5b: {  	[tilespmem:$0x598] =	vst v0  }
0x5c: {  	[tilespmem:$0x5A8] =	vst v0  }
0x5d: {  	[tilespmem:$0x5B8] =	vst v0  }
0x5e: {  	[tilespmem:$0x5C8] =	vst v0  }
0x5f: {  	[tilespmem:$0x5D8] =	vst v0  }
0x60: {  	[tilespmem:$0x5E8] =	vst v0  }
0x61: {  	[tilespmem:$0x5F8] =	vst v0  }
0x62: {  	[tilespmem:$0x608] =	vst v0  }
0x63: {  	[tilespmem:$0x618] =	vst v0  }
0x64: {  	[tilespmem:$0x628] =	vst v0  }
0x65: {  	[tilespmem:$0x638] =	vst v0  }
0x66: {  	[tilespmem:$0x648] =	vst v0  }
0x67: {  	[tilespmem:$0x658] =	vst v0  }
0x68: {  	[tilespmem:$0x668] =	vst v0  }
0x69: {  	[tilespmem:$0x678] =	vst v0  }
0x6a: {  	[tilespmem:$0x688] =	vst v0  }
0x6b: {  	[tilespmem:$0x698] =	vst v0  }
0x6c: {  	[tilespmem:$0x6A8] =	vst v0  }
0x6d: {  	[tilespmem:$0x6B8] =	vst v0  }
0x6e: {  	[tilespmem:$0x6C8] =	vst v0  }
0x6f: {  	[tilespmem:$0x6D8] =	vst v0  }
0x70: {  	[tilespmem:$0x6E8] =	vst v0  }
0x71: {  	[tilespmem:$0x6F8] =	vst v0  }
0x72: {  	[tilespmem:$0x708] =	vst v0  }
0x73: {  	[tilespmem:$0x718] =	vst v0  }
0x74: {  	[tilespmem:$0x728] =	vst v0  }
0x75: {  	[tilespmem:$0x738] =	vst v0  }
0x76: {  	[tilespmem:$0x748] =	vst v0  }
0x77: {  	[tilespmem:$0x758] =	vst v0  }
0x78: {  	[tilespmem:$0x768] =	vst v0  }
0x79: {  	[tilespmem:$0x778] =	vst v0  }
0x7a: {  	[tilespmem:$0x788] =	vst v0  }
0x7b: {  	[tilespmem:$0x798] =	vst v0  }
0x7c: {  	[tilespmem:$0x7A8] =	vst v0  }
0x7d: {  	[tilespmem:$0x7B8] =	vst v0  }
0x7e: {  	[tilespmem:$0x7C8] =	vst v0  }
0x7f: {  	[tilespmem:$0x7D8] =	vst v0  }
0x80: {  	[tilespmem:$0x7E8] =	vst v0  }
0x81: {  	[tilespmem:$0x7F8] =	vst v0  }
0x82: {  	[tilespmem:$0x808] =	vst v0  }
0x83: {  	[tilespmem:$0x818] =	vst v0  }
0x84: {  	[tilespmem:$0x828] =	vst v0  }
0x85: {  	[tilespmem:$0x838] =	vst v0  }
0x86: {  	[tilespmem:$0x848] =	vst v0  }
0x87: {  	[tilespmem:$0x858] =	vst v0  }
0x88: {  	[tilespmem:$0x868] =	vst v0  }
0x89: {  	[tilespmem:$0x878] =	vst v0  }
0x8a: {  	[tilespmem:$0x888] =	vst v0  }
0x8b: {  	[tilespmem:$0x898] =	vst v0  }
0x8c: {  	[tilespmem:$0x8A8] =	vst v0  }
0x8d: {  	[tilespmem:$0x8B8] =	vst v0  }
0x8e: {  	[tilespmem:$0x8C8] =	vst v0  }
0x8f: {  	[tilespmem:$0x8D8] =	vst v0  }
0x90: {  	[tilespmem:$0x8E8] =	vst v0  }
0x91: {  	[tilespmem:$0x8F8] =	vst v0  }
0x92: {  	[tilespmem:$0x908] =	vst v0  }
0x93: {  	[tilespmem:$0x918] =	vst v0  }
0x94: {  	[tilespmem:$0x928] =	vst v0  }
0x95: {  	[tilespmem:$0x938] =	vst v0  }
0x96: {  	[tilespmem:$0x948] =	vst v0  }
0x97: {  	[tilespmem:$0x958] =	vst v0  }
0x98: {  	[tilespmem:$0x968] =	vst v0  }
0x99: {  	[tilespmem:$0x978] =	vst v0  }
0x9a: {  	[tilespmem:$0x988] =	vst v0  }
0x9b: {  	[tilespmem:$0x998] =	vst v0  }
0x9c: {  	[tilespmem:$0x9A8] =	vst v0  }
0x9d: {  	[tilespmem:$0x9B8] =	vst v0  }
0x9e: {  	[tilespmem:$0x9C8] =	vst v0  }
0x9f: {  	[tilespmem:$0x9D8] =	vst v0  }
0xa0: {  	[tilespmem:$0x9E8] =	vst v0  }
0xa1: {  	[tilespmem:$0x9F8] =	vst v0  }
0xa2: {  	[tilespmem:$0xA08] =	vst v0  }
0xa3: {  	[tilespmem:$0xA18] =	vst v0  }
0xa4: {  	[tilespmem:$0xA28] =	vst v0  }
0xa5: {  	[tilespmem:$0xA38] =	vst v0  }
0xa6: {  	[tilespmem:$0xA48] =	vst v0  }
0xa7: {  	[tilespmem:$0xA58] =	vst v0  }
0xa8: {  	[tilespmem:$0xA68] =	vst v0  }
0xa9: {  	[tilespmem:$0xA78] =	vst v0  }
0xaa: {  	[tilespmem:$0xA88] =	vst v0  }
0xab: {  	[tilespmem:$0xA98] =	vst v0  }
0xac: {  	[tilespmem:$0xAA8] =	vst v0  }
0xad: {  	[tilespmem:$0xAB8] =	vst v0  }
0xae: {  	[tilespmem:$0xAC8] =	vst v0  }
0xaf: {  	[tilespmem:$0xAD8] =	vst v0  }
0xb0: {  	[tilespmem:$0xAE8] =	vst v0  }
0xb1: {  	[tilespmem:$0xAF8] =	vst v0  }
0xb2: {  	[tilespmem:$0xB08] =	vst v0  }
0xb3: {  	[tilespmem:$0xB18] =	vst v0  }
0xb4: {  	[tilespmem:$0xB28] =	vst v0  }
0xb5: {  	[tilespmem:$0xB38] =	vst v0  }
0xb6: {  	[tilespmem:$0xB48] =	vst v0  }
0xb7: {  	[tilespmem:$0xB58] =	vst v0  }
0xb8: {  	[tilespmem:$0xB68] =	vst v0  }
0xb9: {  	[tilespmem:$0xB78] =	vst v0  }
0xba: {  	[tilespmem:$0xB88] =	vst v0  }
0xbb: {  	[tilespmem:$0xB98] =	vst v0  }
0xbc: {  	[tilespmem:$0xBA8] =	vst v0  }
0xbd: {  	[tilespmem:$0xBB8] =	vst v0  }
0xbe: {  	[tilespmem:$0xBC8] =	vst v0  }
0xbf: {  	[tilespmem:$0xBD8] =	vst v0  }
0xc0: {  	[tilespmem:$0xBE8] =	vst v0  }
0xc1: {  	[tilespmem:$0xBF8] =	vst v0  }
0xc2: {  	[tilespmem:$0xC08] =	vst v0  }
0xc3: {  	[tilespmem:$0xC18] =	vst v0  }
0xc4: {  	[tilespmem:$0xC28] =	vst v0  }
0xc5: {  	[tilespmem:$0xC38] =	vst v0  }
0xc6: {  	[tilespmem:$0xC48] =	vst v0  }
0xc7: {  	[tilespmem:$0xC58] =	vst v0  }
0xc8: {  	[tilespmem:$0xC68] =	vst v0  }
0xc9: {  	[tilespmem:$0xC78] =	vst v0  }
0xca: {  	[tilespmem:$0xC88] =	vst v0  }
0xcb: {  	[tilespmem:$0xC98] =	vst v0  }
0xcc: {  	[tilespmem:$0xCA8] =	vst v0  }
0xcd: {  	[tilespmem:$0xCB8] =	vst v0  }
0xce: {  	[tilespmem:$0xCC8] =	vst v0  }
0xcf: {  	[tilespmem:$0xCD8] =	vst v0  }
0xd0: {  	[tilespmem:$0xCE8] =	vst v0  }
0xd1: {  	[tilespmem:$0xCF8] =	vst v0  }
0xd2: {  	[tilespmem:$0xD08] =	vst v0  }
0xd3: {  	[tilespmem:$0xD18] =	vst v0  }
0xd4: {  	[tilespmem:$0xD28] =	vst v0  }
0xd5: {  	[tilespmem:$0xD38] =	vst v0  }
0xd6: {  	[tilespmem:$0xD48] =	vst v0  }
0xd7: {  	[tilespmem:$0xD58] =	vst v0  }
0xd8: {  	[tilespmem:$0xD68] =	vst v0  }
0xd9: {  	[tilespmem:$0xD78] =	vst v0  }
0xda: {  	[tilespmem:$0xD88] =	vst v0  }
0xdb: {  	[tilespmem:$0xD98] =	vst v0  }
0xdc: {  	[tilespmem:$0xDA8] =	vst v0  }
0xdd: {  	[tilespmem:$0xDB8] =	vst v0  }
0xde: {  	[tilespmem:$0xDC8] =	vst v0  }
0xdf: {  	[tilespmem:$0xDD8] =	vst v0  }
0xe0: {  	[tilespmem:$0xDE8] =	vst v0  }
0xe1: {  	[tilespmem:$0xDF8] =	vst v0  }
0xe2: {  	[tilespmem:$0xE08] =	vst v0  }
0xe3: {  	[tilespmem:$0xE18] =	vst v0  }
0xe4: {  	[tilespmem:$0xE28] =	vst v0  }
0xe5: {  	[tilespmem:$0xE38] =	vst v0  }
0xe6: {  	[tilespmem:$0xE48] =	vst v0  }
0xe7: {  	[tilespmem:$0xE58] =	vst v0  }
0xe8: {  	[tilespmem:$0xE68] =	vst v0  }
0xe9: {  	[tilespmem:$0xE78] =	vst v0  }
0xea: {  	[tilespmem:$0xE88] =	vst v0  }
0xeb: {  	[tilespmem:$0xE98] =	vst v0  }
0xec: {  	[tilespmem:$0xEA8] =	vst v0  }
0xed: {  	[tilespmem:$0xEB8] =	vst v0  }
0xee: {  	[tilespmem:$0xEC8] =	vst v0  }
0xef: {  	[tilespmem:$0xED8] =	vst v0  }
0xf0: {  	[tilespmem:$0xEE8] =	vst v0  }
0xf1: {  	[tilespmem:$0xEF8] =	vst v0  }
0xf2: {  	[tilespmem:$0xF08] =	vst v0  }
0xf3: {  	[tilespmem:$0xF18] =	vst v0  }
0xf4: {  	[tilespmem:$0xF28] =	vst v0  }
0xf5: {  	[tilespmem:$0xF38] =	vst v0  }
0xf6: {  	[tilespmem:$0xF48] =	vst v0  }
0xf7: {  	[tilespmem:$0xF58] =	vst v0  }
0xf8: {  	[tilespmem:$0xF68] =	vst v0  }
0xf9: {  	[tilespmem:$0xF78] =	vst v0  }
0xfa: {  	[tilespmem:$0xF88] =	vst v0  }
0xfb: {  	[tilespmem:$0xF98] =	vst v0  }
0xfc: {  	[tilespmem:$0xFA8] =	vst v0  }
0xfd: {  	[tilespmem:$0xFB8] =	vst v0  }
0xfe: {  	[tilespmem:$0xFC8] =	vst v0  }
0xff: {  	[tilespmem:$0xFD8] =	vst v0  }
0x100: {  	[tilespmem:$0xFE8] =	vst v0  }
0x101: {  	[tilespmem:$0xFF8] =	vst v0  }
0x102: {  	[tilespmem:$0x1008] =	vst v0  }
0x103: {  	[tilespmem:$0x10E8] =	vst v0  }
0x104: {  	[tilespmem:$0x1C28] =	vst v0  }
0x105: {  	[tilespmem:$0x1C18] =	vst v0  }
0x106: {  	[tilespmem:$0x1C08] =	vst v0  }
0x107: {  	[tilespmem:$0x1BF8] =	vst v0  }
0x108: {  	[tilespmem:$0x1BE8] =	vst v0  }
0x109: {  	[tilespmem:$0x1BD8] =	vst v0  }
0x10a: {  	[tilespmem:$0x1BC8] =	vst v0  }
0x10b: {  	[tilespmem:$0x1BB8] =	vst v0  }
0x10c: {  	[tilespmem:$0x1BA8] =	vst v0  }
0x10d: {  	[tilespmem:$0x1B98] =	vst v0  }
0x10e: {  	[tilespmem:$0x1B88] =	vst v0  }
0x10f: {  	[tilespmem:$0x1B78] =	vst v0  }
0x110: {  	[tilespmem:$0x1B68] =	vst v0  }
0x111: {  	[tilespmem:$0x1B58] =	vst v0  }
0x112: {  	[tilespmem:$0x1B48] =	vst v0  }
0x113: {  	[tilespmem:$0x1B38] =	vst v0  }
0x114: {  	[tilespmem:$0x1B28] =	vst v0  }
0x115: {  	[tilespmem:$0x1B18] =	vst v0  }
0x116: {  	[tilespmem:$0x1B08] =	vst v0  }
0x117: {  	[tilespmem:$0x1AF8] =	vst v0  }
0x118: {  	[tilespmem:$0x1AE8] =	vst v0  }
0x119: {  	[tilespmem:$0x1AD8] =	vst v0  }
0x11a: {  	[tilespmem:$0x1AC8] =	vst v0  }
0x11b: {  	[tilespmem:$0x1AB8] =	vst v0  }
0x11c: {  	[tilespmem:$0x1AA8] =	vst v0  }
0x11d: {  	[tilespmem:$0x1A98] =	vst v0  }
0x11e: {  	[tilespmem:$0x1A88] =	vst v0  }
0x11f: {  	[tilespmem:$0x1A78] =	vst v0  }
0x120: {  	[tilespmem:$0x1A68] =	vst v0  }
0x121: {  	[tilespmem:$0x1A58] =	vst v0  }
0x122: {  	[tilespmem:$0x1A48] =	vst v0  }
0x123: {  	[tilespmem:$0x1A38] =	vst v0  }
0x124: {  	[tilespmem:$0x1A28] =	vst v0  }
0x125: {  	[tilespmem:$0x1A18] =	vst v0  }
0x126: {  	[tilespmem:$0x1A08] =	vst v0  }
0x127: {  	[tilespmem:$0x19F8] =	vst v0  }
0x128: {  	[tilespmem:$0x19E8] =	vst v0  }
0x129: {  	[tilespmem:$0x19D8] =	vst v0  }
0x12a: {  	[tilespmem:$0x19C8] =	vst v0  }
0x12b: {  	[tilespmem:$0x19B8] =	vst v0  }
0x12c: {  	[tilespmem:$0x19A8] =	vst v0  }
0x12d: {  	[tilespmem:$0x1998] =	vst v0  }
0x12e: {  	[tilespmem:$0x1988] =	vst v0  }
0x12f: {  	[tilespmem:$0x1978] =	vst v0  }
0x130: {  	[tilespmem:$0x1968] =	vst v0  }
0x131: {  	[tilespmem:$0x1958] =	vst v0  }
0x132: {  	[tilespmem:$0x1948] =	vst v0  }
0x133: {  	[tilespmem:$0x1938] =	vst v0  }
0x134: {  	[tilespmem:$0x1928] =	vst v0  }
0x135: {  	[tilespmem:$0x1918] =	vst v0  }
0x136: {  	[tilespmem:$0x1908] =	vst v0  }
0x137: {  	[tilespmem:$0x18F8] =	vst v0  }
0x138: {  	[tilespmem:$0x18E8] =	vst v0  }
0x139: {  	[tilespmem:$0x18D8] =	vst v0  }
0x13a: {  	[tilespmem:$0x18C8] =	vst v0  }
0x13b: {  	[tilespmem:$0x18B8] =	vst v0  }
0x13c: {  	[tilespmem:$0x18A8] =	vst v0  }
0x13d: {  	[tilespmem:$0x1898] =	vst v0  }
0x13e: {  	[tilespmem:$0x1888] =	vst v0  }
0x13f: {  	[tilespmem:$0x1878] =	vst v0  }
0x140: {  	[tilespmem:$0x1868] =	vst v0  }
0x141: {  	[tilespmem:$0x1858] =	vst v0  }
0x142: {  	[tilespmem:$0x1848] =	vst v0  }
0x143: {  	[tilespmem:$0x1838] =	vst v0  }
0x144: {  	[tilespmem:$0x1828] =	vst v0  }
0x145: {  	[tilespmem:$0x1818] =	vst v0  }
0x146: {  	[tilespmem:$0x1808] =	vst v0  }
0x147: {  	[tilespmem:$0x17F8] =	vst v0  }
0x148: {  	[tilespmem:$0x17E8] =	vst v0  }
0x149: {  	[tilespmem:$0x17D8] =	vst v0  }
0x14a: {  	[tilespmem:$0x17C8] =	vst v0  }
0x14b: {  	[tilespmem:$0x17B8] =	vst v0  }
0x14c: {  	[tilespmem:$0x17A8] =	vst v0  }
0x14d: {  	[tilespmem:$0x1798] =	vst v0  }
0x14e: {  	[tilespmem:$0x1788] =	vst v0  }
0x14f: {  	[tilespmem:$0x1778] =	vst v0  }
0x150: {  	[tilespmem:$0x1768] =	vst v0  }
0x151: {  	[tilespmem:$0x1758] =	vst v0  }
0x152: {  	[tilespmem:$0x1748] =	vst v0  }
0x153: {  	[tilespmem:$0x1738] =	vst v0  }
0x154: {  	[tilespmem:$0x1728] =	vst v0  }
0x155: {  	[tilespmem:$0x1718] =	vst v0  }
0x156: {  	[tilespmem:$0x1708] =	vst v0  }
0x157: {  	[tilespmem:$0x16F8] =	vst v0  }
0x158: {  	[tilespmem:$0x16E8] =	vst v0  }
0x159: {  	[tilespmem:$0x16D8] =	vst v0  }
0x15a: {  	[tilespmem:$0x16C8] =	vst v0  }
0x15b: {  	[tilespmem:$0x16B8] =	vst v0  }
0x15c: {  	[tilespmem:$0x16A8] =	vst v0  }
0x15d: {  	[tilespmem:$0x1698] =	vst v0  }
0x15e: {  	[tilespmem:$0x1688] =	vst v0  }
0x15f: {  	[tilespmem:$0x1678] =	vst v0  }
0x160: {  	[tilespmem:$0x1668] =	vst v0  }
0x161: {  	[tilespmem:$0x1658] =	vst v0  }
0x162: {  	[tilespmem:$0x1648] =	vst v0  }
0x163: {  	[tilespmem:$0x1638] =	vst v0  }
0x164: {  	[tilespmem:$0x1628] =	vst v0  }
0x165: {  	[tilespmem:$0x1618] =	vst v0  }
0x166: {  	[tilespmem:$0x1608] =	vst v0  }
0x167: {  	[tilespmem:$0x15F8] =	vst v0  }
0x168: {  	[tilespmem:$0x15E8] =	vst v0  }
0x169: {  	[tilespmem:$0x15D8] =	vst v0  }
0x16a: {  	[tilespmem:$0x15C8] =	vst v0  }
0x16b: {  	[tilespmem:$0x15B8] =	vst v0  }
0x16c: {  	[tilespmem:$0x15A8] =	vst v0  }
0x16d: {  	[tilespmem:$0x1598] =	vst v0  }
0x16e: {  	[tilespmem:$0x1588] =	vst v0  }
0x16f: {  	[tilespmem:$0x1578] =	vst v0  }
0x170: {  	[tilespmem:$0x1568] =	vst v0  }
0x171: {  	[tilespmem:$0x1558] =	vst v0  }
0x172: {  	[tilespmem:$0x1548] =	vst v0  }
0x173: {  	[tilespmem:$0x1538] =	vst v0  }
0x174: {  	[tilespmem:$0x1528] =	vst v0  }
0x175: {  	[tilespmem:$0x1518] =	vst v0  }
0x176: {  	[tilespmem:$0x1508] =	vst v0  }
0x177: {  	[tilespmem:$0x14F8] =	vst v0  }
0x178: {  	[tilespmem:$0x14E8] =	vst v0  }
0x179: {  	[tilespmem:$0x14D8] =	vst v0  }
0x17a: {  	[tilespmem:$0x14C8] =	vst v0  }
0x17b: {  	[tilespmem:$0x14B8] =	vst v0  }
0x17c: {  	[tilespmem:$0x14A8] =	vst v0  }
0x17d: {  	[tilespmem:$0x1498] =	vst v0  }
0x17e: {  	[tilespmem:$0x1488] =	vst v0  }
0x17f: {  	[tilespmem:$0x1478] =	vst v0  }
0x180: {  	[tilespmem:$0x1468] =	vst v0  }
0x181: {  	[tilespmem:$0x1458] =	vst v0  }
0x182: {  	[tilespmem:$0x1448] =	vst v0  }
0x183: {  	[tilespmem:$0x1438] =	vst v0  }
0x184: {  	[tilespmem:$0x1428] =	vst v0  }
0x185: {  	[tilespmem:$0x1418] =	vst v0  }
0x186: {  	[tilespmem:$0x1408] =	vst v0  }
0x187: {  	[tilespmem:$0x13F8] =	vst v0  }
0x188: {  	[tilespmem:$0x13E8] =	vst v0  }
0x189: {  	[tilespmem:$0x13D8] =	vst v0  }
0x18a: {  	[tilespmem:$0x13C8] =	vst v0  }
0x18b: {  	[tilespmem:$0x13B8] =	vst v0  }
0x18c: {  	[tilespmem:$0x13A8] =	vst v0  }
0x18d: {  	[tilespmem:$0x1398] =	vst v0  }
0x18e: {  	[tilespmem:$0x1388] =	vst v0  }
0x18f: {  	[tilespmem:$0x1378] =	vst v0  }
0x190: {  	[tilespmem:$0x1368] =	vst v0  }
0x191: {  	[tilespmem:$0x1358] =	vst v0  }
0x192: {  	[tilespmem:$0x1348] =	vst v0  }
0x193: {  	[tilespmem:$0x1338] =	vst v0  }
0x194: {  	[tilespmem:$0x1328] =	vst v0  }
0x195: {  	[tilespmem:$0x1318] =	vst v0  }
0x196: {  	[tilespmem:$0x1308] =	vst v0  }
0x197: {  	[tilespmem:$0x12F8] =	vst v0  }
0x198: {  	[tilespmem:$0x12E8] =	vst v0  }
0x199: {  	[tilespmem:$0x12D8] =	vst v0  }
0x19a: {  	[tilespmem:$0x12C8] =	vst v0  }
0x19b: {  	[tilespmem:$0x12B8] =	vst v0  }
0x19c: {  	[tilespmem:$0x12A8] =	vst v0  }
0x19d: {  	[tilespmem:$0x1298] =	vst v0  }
0x19e: {  	[tilespmem:$0x1288] =	vst v0  }
0x19f: {  	[tilespmem:$0x1278] =	vst v0  }
0x1a0: {  	[tilespmem:$0x1268] =	vst v0  }
0x1a1: {  	[tilespmem:$0x1258] =	vst v0  }
0x1a2: {  	[tilespmem:$0x1248] =	vst v0  }
0x1a3: {  	[tilespmem:$0x1238] =	vst v0  }
0x1a4: {  	[tilespmem:$0x1228] =	vst v0  }
0x1a5: {  	[tilespmem:$0x1218] =	vst v0  }
0x1a6: {  	[tilespmem:$0x1208] =	vst v0  }
0x1a7: {  	[tilespmem:$0x11F8] =	vst v0  }
0x1a8: {  	[tilespmem:$0x11E8] =	vst v0  }
0x1a9: {  	[tilespmem:$0x11D8] =	vst v0  }
0x1aa: {  	[tilespmem:$0x11C8] =	vst v0  }
0x1ab: {  	[tilespmem:$0x11B8] =	vst v0  }
0x1ac: {  	[tilespmem:$0x11A8] =	vst v0  }
0x1ad: {  	[tilespmem:$0x1198] =	vst v0  }
0x1ae: {  	[tilespmem:$0x1188] =	vst v0  }
0x1af: {  	[tilespmem:$0x1178] =	vst v0  }
0x1b0: {  	[tilespmem:$0x1168] =	vst v0  }
0x1b1: {  	[tilespmem:$0x1158] =	vst v0  }
0x1b2: {  	s3 =	srdreg.scid;
	[tilespmem:$0x1148] =	vst v0  }
0x1b3: {  	s3 =	sshll.u32 s3, $0x4;
	[tilespmem:$0x1138] =	vst v0  }
0x1b4: {  	s4 =	stileid.u32;
	s3 =	sand.u32 $0x10, s3;
	[tilespmem:$0x1128] =	vst v0  }
0x1b5: {  	[tilespmem:$0x1118] =	vst v0;
	s3 =	sor.u32 s4, s3  }
0x1b6: {  	[tilespmem:$0x1108] =	vst v0;
	s7 =	smul.u32 $0x16, s3  }
0x1b7: {  	s8 =	smin.u32 s3, $0x1C;
	[tilespmem:$0x10F8] =	vst v0  }
0x1b8: {  	[tilespmem:$0x10C8] =	vst v0;
	s7 =	sadd.s32 s8, s7  }
0x1b9: {  	[tilespmem:$0x10D8] =	vst v0;
	p0 =	slt.u32 s3, $0x1C;
	s8 =	simm.s32 $0x2840;
	s7 =	smul.u32 $0x1C0, s7  }
0x1ba: {  	s8 =	simm.s32 @!p0 $0x2680;
	[tilespmem:$0x10B8] =	vst v0  }
0x1bb: {  	[tilespmem:$0x1048] =	vst v0;
	s29 =	sadd.s32 s8, s7  }
0x1bc: {  	[tilespmem:$0x10A8] =	vst v0;
	s8 =	smin.u32 s29, $0x50100  }
0x1bd: {  	[tilespmem:$0x1098] =	vst v0;
	s12 =	ssub.s32 s8, s7  }
0x1be: {  	[tilespmem:$0x1088] =	vst v0;
	p0 =	sgt.s32 s12, $0x0  }
0x1bf: {  	[tilespmem:$0x1078] =	vst v0;
	s12 =	simm.s32 @!p0 $0x0  }
0x1c0: {  	[tilespmem:$0x1068] =	vst v0;
	s30 =	smulhi.u32 $0x92492493, s12  }
0x1c1: {  	[tilespmem:$0x1058] =	vst v0  }
0x1c2: {  	s9 =	simm.s32 $0x2;
	[tilespmem:$0x1028] =	vst v0;
	s13 =	sshrl.u32 s30, $0x8  }
0x1c3: {  	s11 =	simm.s32 $0x9;
	s15 =	simm.s32 $0x0;
	[tilespmem:$0x1038] =	vst v0;
	s14 =	smul.u32 $0x1C0, s13  }
.Ltmp0:
0x1c4: {  	s31 =	sshll.u32 s4, $0x5;
	[tilespmem:$0x1018] =	vst v0;
	[sflag:s9] =	ssyncpa.u1 $0x0;
	v0 =	vimm.s32 $0xFFFFFFFF;
	(pc) =	sbr.rel .LBB2_1-.Ltmp0, $4  }
0x1c5: {  	s10 =	sadd.s32 $0x1AFE00, s6;
	[dreg:$0x4] =	wrdreg s31;
	[tilespmem:$0x3848] =	vst v0;
	[sflag:s11] =	ssyncpa.u1 $0x0  }
0x1c6: {  	s3 =	sadd.s32 $0xC000, s6;
	s6 =	sadd.s32 $0x10B9E00, s6;
	p0 =	sne.s32 s12, s14  }
0x1c7: {  	s12 =	simm.s32 $0xA;
	s14 =	simm.s32 $0x0;
	s5 =	simm.s32 @!p0 $0x0  }
0x1c8: {  	v0 =	vlaneseq.u32;
	p0 =	por $0x0, $0x0;
	s5 =	sadd.s32 s5, s13;
	s13 =	smov.u32 s7  }
.LBB2_12:
0x1c9: {  	_ =	swait.ge [sflag:s9], $0x0  }
0x1ca: {  	s16 =	simm.s32 $0x0;
	[sflag:s9] =	ssyncset.done $0x0  }
.LBB2_13:
0x1cb: {  	_ =	swait.ge [sflag:s12], s16  }
0x1cc: {  	s0 =	ssub.s32 $0x0, s16;
	v1 =	vmov s17;
	vm0 =	veq.s32 v0, $0x0;
	[sflag:s12] =	ssyncset.done $0x0  }
0x1cd: {  	vm15 =	veq.s32 v0, $0x2;
	v1 =	vsel vm0, s22, v1;
	[sflag:s12] =	ssyncadd.s32 s0  }
0x1ce: {  	v1 =	vsel vm15, s15, v1;
	[sflag:s12] =	ssyncpa.u1 $0x1  }
0x1cf: {  	[tilespmem:$0x3848] =	vst v1  }
.LBB2_14:
0x1d0: {  	s0 =	sadd.s32 $0x1C0, s13  }
0x1d1: {  	s1 =	smov.u32 s7;
	p1 =	slt.s32 s0, s8  }
0x1d2: {  	s1 =	smov.u32 @p1 s0;
	p1 =	sne.s32 s14, s5  }
.Ltmp1:
0x1d3: {  	_ = 	snop;
	(pc) =	sbr.rel @!p1 .LBB2_15-.Ltmp1, $3  }
0x1d4: {  	_ =	sdelay $0x1  }
0x1d5: {  	s31 =	sadd.s32 $0x1, s14;
	s15 =	smov.u32 s13  }
0x1d6: {  	p0 =	por !p0, !p0;
	s14 =	smov.u32 s31;
	s13 =	smov.u32 s1  }
.LBB2_1:
0x1d7: {  	p1 =	sge.u32 s14, s5  }
0x1d8: {  	p2 =	sgt.s32 @!p1 s13, $0x4FF40  }
0x1d9: {  	s16 =	smov.u32 s13;
	s17 =	sshra.s32 @!p1 s13, $0x1F;
	p2 =	por !p2, p1  }
0x1da: {  	s17 =	sand.u32 @!p1 s17, s13;
	s16 =	simm.s32 @p2 $0x4FF40  }
0x1db: {  	s16 =	ssub.s32 @!p1 s16, s17  }
0x1dc: {  	s17 =	sxor.u32 @!p1 $0xFFFFFFFF, s14;
	s16 =	sadd.s32 @!p1 $0xFFFB00C0, s16  }
0x1dd: {  	s17 =	sand.u32 @!p1 $0x1, s17;
	s18 =	sshll.u32 @!p1 s16, $0x2  }
0x1de: {  	p2 =	sgt.s32 @!p1 s16, $0x1BF;
	s16 =	ssub.s32 @!p1 $0x700, s18;
	s18 =	smul.u32 @!p1 $0x700, s17  }
0x1df: {  	s19 =	sshrl.u32 @!p1 s13, $0x3;
	s20 =	sand.u32 @!p1 $0x7, s13  }
0x1e0: {  	p2 =	por !p2, p1;
	s16 =	sshrl.u32 @!p1 s16, $0x2;
	s18 =	sshrl.u32 @!p1 s18, $0x2  }
0x1e1: {  	s19 =	sadd.s32 @!p1 s10, s19;
	s16 =	simm.s32 @!p2 $0x0;
	s18 =	sadd.s32 @!p1 $0x3A88, s18  }
0x1e2: {  	[tilespmem:s18], [sflag:$0x9] =	stream.linear.gather @!p1 [hbm4b:s19+s20], s16, $0x38;
	[tilespmem:$0x1FE08] =	vst v63  }
0x1e3: {  	s16 =	ssub.s32 @!p1 $0x50000, s13  }
0x1e4: {  	p2 =	sgt.s32 @!p1 s16, $0x0  }
0x1e5: {  	s17 =	smul.u32 @!p1 $0x38000, s17;
	p2 =	por !p2, p1  }
0x1e6: {  	s16 =	simm.s32 @p2 $0x0  }
0x1e7: {  	s17 =	sshrl.u32 @!p1 s17, $0x2;
	s18 =	sshll.u32 @!p1 s13, $0x4;
	s16 =	smin.u32 @!p1 s16, $0x1C0  }
0x1e8: {  	s17 =	sadd.s32 @!p1 $0x3E08, s17;
	s18 =	sadd.s32 @!p1 s6, s18;
	s16 =	sshll.u32 @!p1 s16, $0x7  }
0x1e9: {  	[tilespmem:s17], [sflag:$0x9] =	stream.linear.gather @!p1 [hbm:s18], s16, $0x38;
	[tilespmem:$0x1FE08] =	vst v63  }
0x1ea: {  	p1 =	seq.s32 s14, $0x0  }
.Ltmp2:
0x1eb: {  	_ = 	snop;
	(pc) =	sbr.rel @p1 .LBB2_14-.Ltmp2, $1  }
0x1ec: {  	_ =	sdelay $0x3  }
0x1ed: {  	p1 =	sgt.s32 s15, $0x4FF40  }
0x1ee: {  	s16 =	smov.u32 s15;
	s17 =	sshra.s32 s15, $0x1F;
	s21 =	ssub.s32 $0x50000, s15  }
0x1ef: {  	s16 =	simm.s32 @!p1 $0x4FF40;
	s17 =	sand.u32 s17, s15;
	p1 =	sgt.s32 s21, $0x0  }
0x1f0: {  	s16 =	ssub.s32 s16, s17;
	s21 =	simm.s32 @!p1 $0x0  }
0x1f1: {  	s16 =	sadd.s32 $0xFFFB00C0, s16;
	s29 =	smin.u32 s21, $0x1C0  }
0x1f2: {  	s18 =	sshll.u32 s16, $0x2;
	s17 =	sshll.u32 s29, $0x7  }
0x1f3: {  	p1 =	sgt.s32 s16, $0x1BF;
	s30 =	ssub.s32 $0x700, s18;
	_ =	swait.ge [sflag:s11], s17  }
0x1f4: {  	s17 =	ssub.s32 $0x0, s17;
	[sflag:s11] =	ssyncset.done $0x0;
	s16 =	sshrl.u32 s30, $0x2  }
0x1f5: {  	[sflag:s11] =	ssyncadd.s32 s17;
	s16 =	simm.s32 @p1 $0x0  }
0x1f6: {  	_ =	swait.ge [sflag:s11], s16  }
0x1f7: {  	s16 =	ssub.s32 $0x0, s16;
	[sflag:s11] =	ssyncset.done $0x0  }
0x1f8: {  	[sflag:s11] =	ssyncadd.s32 s16  }
0x1f9: {  	v1 =	vld [tilespmem:$0x3848];
	_ =	sdelay $0x4  }
0x1fa: {  	(v2sf) =	vpush v1, $0x0  }
0x1fb: {  	(v2sf) =	vpush v1, $0x1  }
0x1fc: {  	(v2sf) =	vpush v1, $0x2;
	_ =	sdelay $0x3  }
0x1fd: {  	s16 =	sadd.s32 $0x1C0, s15  }
0x1fe: {  	p1 =	slt.s32 s8, s16  }
0x1ff: {  	s16 =	smov.u32 @p1 s8  }
0x200: {  	s20 =	ssub.s32 s16, s15  }
0x201: {  	p1 =	slt.s32 s21, s20  }
0x202: {  	s20 =	smov.u32 @p1 s21  }
0x203: {  	s18 =	simm.s32 $0x1;
	p1 =	slt.s32 s20, $0x1  }
.Ltmp3:
0x204: {  	s18 =	simm.s32 @!p0 $0x0;
	(pc) =	sbr.rel @p1 .LBB2_6-.Ltmp3, $4  }
0x205: {  	s31 =	smul.u32 $0x700, s18  }
0x206: {  	s19 =	spop (v2sf)  }
0x207: {  	s15 =	sshrl.u32 s31, $0x2;
	s21 =	spop (v2sf)  }
0x208: {  	s16 =	sadd.s32 $0x3A88, s15;
	s15 =	spop (v2sf)  }
0x209: {  	s17 =	smin.u32 s20, $0x10  }
0x20a: {  	v1 =	vmov s17  }
0x20b: {  	p2 =	sgt.s32 s20, $0x10;
	vm1 =	vgt.u32 v1, v0  }
.Ltmp4:
0x20c: {  	_ = 	snop;
	(pc) =	sbr.rel @!p2 .LBB2_5-.Ltmp4, $2  }
0x20d: {  	_ =	sdelay $0x2  }
0x20e: {  	s22 =	simm.s32 $0x10;
	s23 =	sadd.s32 $0xFFFFFFF0, s20;
	s17 =	smov.u32 s16;
	vm0 =	vmmov vm1  }
.LBB2_4:
0x20f: {  	s24 =	smin.u32 s23, $0x10;
	s22 =	sadd.s32 $0x10, s22;
	v1 =	vld.msk [tilespmem:s17+$0x0 ss:$0x1], vm1  }
0x210: {  	v2 =	vmov s24;
	p2 =	slt.s32 s22, s20  }
0x211: {  	vm1 =	vgt.u32 v2, v0  }
.Ltmp5:
0x212: {  	(pc) =	sbr.rel @p2 .LBB2_4-.Ltmp5, $3  }
0x213: {  	_ =	sdelay $0x1  }
0x214: {  	v1 =	vshll.u32 v1, $0x4  }
0x215: {  	s23 =	sadd.s32 $0xFFFFFFF0, s23;
	[tilespmem:s17+$0x0] =	vst.msk vm0, v1;
	s17 =	sadd.s32 $0x10, s17;
	vm0 =	vmmov vm1  }
.LBB2_5:
0x216: {  	_ =	sdelay $0x4  }
0x217: {  	v1 =	vld.msk [tilespmem:s17+$0x0 ss:$0x1], vm1;
	_ =	sdelay $0x4  }
0x218: {  	v1 =	vshll.u32 v1, $0x4  }
0x219: {  	[tilespmem:s17+$0x0] =	vst.msk vm0, v1  }
.LBB2_6:
0x21a: {  	s17 =	sand.u32 $0x1, s14  }
0x21b: {  	s22 =	smul.u32 $0x1C0, s17  }
0x21c: {  	p2 =	sne.s32 s21, $0xFFFFFFFF  }
0x21d: {  	v1 =	vld.msk @!p2 [tilespmem:s22+$0x3A88], $0x1;
	_ =	sdelay $0x4  }
0x21e: {  	(v2sf) =	vpush @!p2 v1, $0x0;
	_ =	sdelay $0x8  }
0x21f: {  	s17 =	smul.u32 $0xE000, s17;
	_ =	sdelay $0x1  }
0x220: {  	v1 =	vld.msk @!p2 [tilespmem:s17+$0x3E08], $0xff;
	_ =	sdelay $0x1  }
.Ltmp6:
0x221: {  	_ = 	snop;
	(pc) =	sbr.rel @p1 .LBB2_12-.Ltmp6, $4  }
0x222: {  	_ = 	snop  }
0x223: {  	s17 =	simm.s32 @!p2 $0x28;
	s22 =	spop @!p2 (v2sf)  }
0x224: {  	s15 =	simm.s32 @!p2 $0x0;
	[tilespmem:s17+$0x0] =	vst.msk @!p2 $0xff, v1;
	s17 =	smov.u32 s22  }
0x225: {  	[sflag:s12] =	ssyncpa.u1 $0x0;
	s22 =	smov.u32 @p2 s19;
	s17 =	smov.u32 @p2 s21  }
0x226: {  	v1 =	vld.msk [tilespmem:s16+$0x0], $0x1;
	_ =	sdelay $0x4  }
0x227: {  	(v2sf) =	vpush v1, $0x0;
	_ =	sdelay $0xe  }
0x228: {  	s24 =	spop (v2sf)  }
0x229: {  	p1 =	seq.s32 s22, s24  }
0x22a: {  	s18 =	smul.u32 $0x38000, s18;
	p2 =	sgt.s32 @!p1 s22, $0x0  }
0x22b: {  	s23 =	smov.u32 s22;
	s21 =	sadd.s32 $0xFFFFFFFF, s20;
	p2 =	por !p2, p1  }
0x22c: {  	s23 =	simm.s32 @p2 $0x0;
	p2 =	sne.s32 s21, $0x0  }
.Ltmp7:
0x22d: {  	s18 =	sshrl.u32 s18, $0x2;
	(pc) =	sbr.rel @!p2 .LBB2_9-.Ltmp7, $4  }
0x22e: {  	s19 =	sadd.s32 $0x3E08, s18  }
0x22f: {  	s18 =	simm.s32 $0x0;
	s25 =	simm.s32 @!p1 $0x1;
	s23 =	smin.u32 @!p1 s23, $0x27FFF  }
0x230: {  	s26 =	simm.s32 @!p1 $0x1C38;
	s25 =	smov.u32 @p1 s18;
	s29 =	sand.u32 @!p1 $0x3FFF8, s23  }
0x231: {  	s28 =	sand.u32 @!p1 $0x7, s23;
	s23 =	sadd.s32 $0x1, s16;
	s29 =	sadd.s32 @!p1 s3, s29  }
.LBB2_8:
0x232: {  	s30 =	smov.u32 s25  }
0x233: {  	[tilespmem:s26], [sflag:$0x2] =	stream.linear.gather @!p1 [hbm4b:s29+s28], $0x8, $0x38;
	[tilespmem:$0x1FE08] =	vst v63  }
0x234: {  	s21 =	sadd.s32 $0xFFFFFFFF, s21;
	s28 =	smov.u32 s24;
	v1 =	vld.msk [tilespmem:s23+$0x0], $0x1  }
0x235: {  	p2 =	sne.s32 s21, $0x0;
	_ =	sdelay $0x3  }
0x236: {  	(v2sf) =	vpush v1, $0x0;
	_ =	sdelay $0xe  }
0x237: {  	s24 =	spop (v2sf)  }
0x238: {  	p1 =	seq.s32 s28, s24  }
0x239: {  	p3 =	sgt.s32 @!p1 s28, $0x0;
	s26 =	sshll.u32 @!p1 s25, $0x6;
	s25 =	sadd.s32 @!p1 $0x1, s25  }
.Ltmp8:
0x23a: {  	p3 =	por !p3, p1;
	s26 =	sshra.s32 @!p1 s26, $0x2;
	(pc) =	sbr.rel @p2 .LBB2_8-.Ltmp8, $4  }
0x23b: {  	s25 =	smov.u32 @p1 s30;
	s28 =	simm.s32 @p3 $0x0;
	s26 =	sadd.s32 @!p1 $0x1C38, s26  }
0x23c: {  	s28 =	smin.u32 @!p1 s28, $0x27FFF  }
0x23d: {  	s29 =	sand.u32 @!p1 $0x3FFF8, s28;
	s28 =	sand.u32 @!p1 $0x7, s28  }
0x23e: {  	s23 =	sadd.s32 $0x1, s23;
	s29 =	sadd.s32 @!p1 s3, s29  }
.LBB2_9:
0x23f: {  	[tilespmem:s26], [sflag:$0x2] =	stream.linear.gather @!p1 [hbm4b:s29+s28], $0x8, $0x38;
	[tilespmem:$0x1FE08] =	vst v63  }
0x240: {  	s21 =	sshll.u32 s25, $0x3  }
0x241: {  	s21 =	sand.u32 $0x3FFFFFF8, s21  }
0x242: {  	_ =	swait.ge [sflag:s9], s21  }
0x243: {  	s21 =	ssub.s32 $0x0, s21;
	[sflag:s9] =	ssyncset.done $0x0  }
0x244: {  	[sflag:s9] =	ssyncadd.s32 s21  }
0x245: {  	v1 =	vld.msk [tilespmem:s16+$0x0], $0x1;
	_ =	sdelay $0x4  }
0x246: {  	(v2sf) =	vpush v1, $0x0;
	_ =	sdelay $0xe  }
0x247: {  	s21 =	spop (v2sf)  }
0x248: {  	p1 =	sne.s32 s22, s21  }
0x249: {  	p3 =	sne.s32 @p1 s22, s17  }
0x24a: {  	p2 =	por !p3, !p1  }
0x24b: {  	s23 =	sshll.u32 @!p2 s15, $0x6;
	s24 =	simm.s32 @!p2 $0x0  }
0x24c: {  	s23 =	sshra.s32 @!p2 s23, $0x2;
	v1 =	vld.msk @!p2 [tilespmem:s24+$0x1C38], $0xff  }
0x24d: {  	v2 =	vld.msk @!p2 [tilespmem:s23+$0x28], $0xff;
	_ =	sdelay $0x1  }
0x24e: {  	p4 =	sgt.u32 @!p2 s22, $0x27FFF  }
0x24f: {  	p5 =	por @p1 p4, !p3  }
0x250: {  	p6 =	por p5, !p1;
	p5 =	por p3, !p1  }
0x251: {  	s25 =	sadd.s32 @!p2 $0x28, s23;
	s24 =	sand.u32 @!p6 $0x3FFF8, s22;
	s26 =	sshll.u32 @!p5 s15, $0x6;
	v1 =	vmax.f32 @!p2 v1, v2  }
0x252: {  	s22 =	sand.u32 @!p6 $0x7, s22;
	s24 =	sadd.s32 @!p6 s3, s24;
	[tilespmem:s23+$0x28] =	vst.msk @!p2 $0xff, v1;
	s23 =	sshra.s32 @!p5 s26, $0x2  }
0x253: {  	[hbm4b:s24+s22] =	stream.linear.scatter @!p6 [tilespmem:s25], [sflag:$0xA], $0x8, $0x38;
	[tilespmem:$0x1FE08] =	vst v63  }
0x254: {  	s28 =	rddreg [dreg:$0x4];
	s22 =	sadd.s32 @!p5 $0x28, s23;
	s23 =	simm.s32 @!p5 $0x1  }
0x255: {  	[spmem:s28] =	stream.linear.scatter @!p5 [tilespmem:s22], [sflag:$0x1], $0x8, $0x38;
	[tilespmem:$0x1FE08] =	vst v63  }
0x256: {  	s22 =	sadd.s32 @p1 $0x1, s15;
	_ =	swait.ge @!p5 [sflag:s23], $0x8  }
0x257: {  	s24 =	sshrl.u32 @p1 s22, $0x6;
	[sflag:s23] =	ssyncset.done @!p5 $0x0  }
0x258: {  	s24 =	smulhi.u32 @p1 $0x24924925, s24;
	[sflag:s23] =	ssyncadd.s32 @!p5 $0xFFFFFFF8  }
0x259: {  	v1 =	vld.msk @p1 [tilespmem:s19+$0x0], $0xff  }
0x25a: {  	s20 =	sadd.s32 $0xFFFFFFFF, s20;
	p3 =	por @p1 !p4, !p3;
	s23 =	smul.u32 @p1 $0x1C0, s24  }
0x25b: {  	p3 =	por !p3, !p1;
	p5 =	sne.s32 s20, $0x0  }
.Ltmp9:
0x25c: {  	s24 =	simm.s32 @!p2 $0x0;
	s23 =	ssub.s32 @p1 s22, s23;
	(pc) =	sbr.rel @!p5 .LBB2_11-.Ltmp9, $4  }
0x25d: {  	s24 =	simm.s32 @!p3 $0x20;
	s26 =	sshll.u32 @p1 s23, $0x4  }
0x25e: {  	s25 =	sshll.u32 @!p1 s15, $0x6;
	s28 =	simm.s32 @p1 $0x1;
	s29 =	sadd.s32 @!p2 $0x0, s24;
	[tilespmem:s26+$0x28] =	vst.msk @p1 $0xff, v1  }
0x25f: {  	s22 =	simm.s32 $0x0;
	s24 =	sshra.s32 @!p1 s25, $0x2;
	s29 =	smov.u32 @p2 s18;
	v1 =	vld.msk @!p1 [tilespmem:s19+$0x0], $0xff  }
0x260: {  	s22 =	smov.u32 @p1 s28;
	s15 =	smov.u32 @p1 s23;
	s18 =	smov.u32 @p1 s29;
	v2 =	vld.msk @!p1 [tilespmem:s24+$0x28], $0xff  }
.LBB2_10:
0x261: {  	_ =	sdelay $0x3  }
0x262: {  	v1 =	vmax.f32 @!p1 v1, v2  }
0x263: {  	s16 =	sadd.s32 $0x1, s16;
	[tilespmem:s24+$0x28] =	vst.msk @!p1 $0xff, v1  }
0x264: {  	v1 =	vld.msk [tilespmem:s16+$0x0], $0x1;
	_ =	sdelay $0x4  }
0x265: {  	(v2sf) =	vpush v1, $0x0;
	_ =	sdelay $0xe  }
0x266: {  	s23 =	smov.u32 s21;
	s21 =	spop (v2sf)  }
0x267: {  	p1 =	sne.s32 s23, s21  }
0x268: {  	p4 =	sne.s32 @p1 s23, s17  }
0x269: {  	p3 =	por !p4, !p1  }
0x26a: {  	s29 =	sshll.u32 @!p3 s22, $0x6  }
0x26b: {  	s30 =	sshll.u32 @!p3 s15, $0x6;
	s29 =	sshra.s32 @!p3 s29, $0x2  }
0x26c: {  	s30 =	sshra.s32 @!p3 s30, $0x2;
	v1 =	vld.msk @!p3 [tilespmem:s29+$0x1C38], $0xff  }
0x26d: {  	v2 =	vld.msk @!p3 [tilespmem:s30+$0x28], $0xff  }
0x26e: {  	s28 =	sadd.s32 @p1 $0x1, s22;
	p6 =	sgt.u32 @!p3 s23, $0x27FFF  }
0x26f: {  	s31 =	simm.s32 @!p3 $0x0;
	s22 =	smov.u32 @p1 s28;
	p5 =	por @p1 p6, !p4  }
0x270: {  	p6 =	por @p1 !p6, !p4;
	p4 =	por p4, !p1;
	s29 =	sadd.s32 @!p3 $0x28, s30  }
0x271: {  	p5 =	por p5, !p1;
	p6 =	por !p6, !p1;
	s1 =	sshll.u32 @!p4 s15, $0x6  }
0x272: {  	s0 =	sand.u32 @!p5 $0x3FFF8, s23;
	s31 =	simm.s32 @!p6 $0x20;
	s23 =	sand.u32 @!p5 $0x7, s23;
	v1 =	vmax.f32 @!p3 v1, v2  }
0x273: {  	s1 =	sshra.s32 @!p4 s1, $0x2;
	s0 =	sadd.s32 @!p5 s3, s0;
	s28 =	sadd.s32 @!p3 s31, s18;
	[tilespmem:s30+$0x28] =	vst.msk @!p3 $0xff, v1  }
0x274: {  	[hbm4b:s0+s23] =	stream.linear.scatter @!p5 [tilespmem:s29], [sflag:$0xA], $0x8, $0x38;
	[tilespmem:$0x1FE08] =	vst v63  }
0x275: {  	s31 =	rddreg [dreg:$0x4];
	s0 =	sadd.s32 @!p4 $0x28, s1;
	s1 =	simm.s32 @!p4 $0x1  }
0x276: {  	[spmem:s31] =	stream.linear.scatter @!p4 [tilespmem:s0], [sflag:$0x1], $0x8, $0x38;
	[tilespmem:$0x1FE08] =	vst v63  }
0x277: {  	s25 =	sadd.s32 @p1 $0x1, s15;
	_ =	swait.ge @!p4 [sflag:s1], $0x8  }
0x278: {  	s26 =	sshrl.u32 @p1 s25, $0x6;
	[sflag:s1] =	ssyncset.done @!p4 $0x0  }
0x279: {  	s19 =	sadd.s32 $0x80, s19;
	s26 =	smulhi.u32 @p1 $0x24924925, s26;
	[sflag:s1] =	ssyncadd.s32 @!p4 $0xFFFFFFF8  }
0x27a: {  	v1 =	vld.msk @p1 [tilespmem:s19+$0x0], $0xff  }
0x27b: {  	s20 =	sadd.s32 $0xFFFFFFFF, s20;
	s26 =	smul.u32 @p1 $0x1C0, s26  }
0x27c: {  	p2 =	sne.s32 s20, $0x0  }
.Ltmp10:
0x27d: {  	s25 =	ssub.s32 @p1 s25, s26;
	(pc) =	sbr.rel @p2 .LBB2_10-.Ltmp10, $4  }
0x27e: {  	s26 =	sshll.u32 @p1 s25, $0x4  }
0x27f: {  	s24 =	sshll.u32 @!p1 s15, $0x6;
	[tilespmem:s26+$0x28] =	vst.msk @p1 $0xff, v1  }
0x280: {  	s24 =	sshra.s32 @!p1 s24, $0x2;
	s28 =	smov.u32 @p3 s18;
	v1 =	vld.msk @!p1 [tilespmem:s19+$0x0], $0xff  }
0x281: {  	s15 =	smov.u32 @p1 s25;
	s18 =	smov.u32 @p1 s28;
	v2 =	vld.msk @!p1 [tilespmem:s24+$0x28], $0xff  }
.LBB2_11:
0x282: {  	_ = 	snop  }
.Ltmp11:
0x283: {  	_ = 	snop;
	(pc) =	sbr.rel .LBB2_13-.Ltmp11, $3  }
0x284: {  	_ =	sdelay $0x1  }
0x285: {  	v1 =	vmax.f32 @!p1 v1, v2  }
0x286: {  	s16 =	sshrl.u32 s18, $0x2;
	s22 =	smov.u32 s21;
	[tilespmem:s24+$0x28] =	vst.msk @!p1 $0xff, v1  }
.LBB2_15:
0x287: {  	_ =	sfence.sel $0x180000  }
0x288: {  	s0 =	simm.s32 $0x9;
	[bflag:$0x0] =	sbarrier.arrive $0xFFFF  }
0x289: {  	s26 =	simm.s32 $0x2;
	[sflag:s0] =	ssyncpa.u1 $0x1  }
0x28a: {  	[sflag:s26] =	ssyncpa.u1 $0x1  }
0x28b: {  	v0 =	vld [tilespmem:$0x3848];
	_ =	sdelay $0x4  }
0x28c: {  	(v2sf) =	vpush v0, $0x0  }
0x28d: {  	(v2sf) =	vpush v0, $0x1;
	_ =	sdelay $0x1  }
0x28e: {  	(v2sf) =	vpush v0, $0x2;
	_ =	sdelay $0xb  }
0x28f: {  	s0 =	spop (v2sf)  }
0x290: {  	s1 =	spop (v2sf)  }
0x291: {  	s5 =	smov.u32 s0;
	p0 =	sne.s32 s0, s1  }
0x292: {  	s6 =	spop (v2sf);
	s5 =	simm.s32 @!p0 $0xFFFFFFFF  }
0x293: {  	v2 =	vimm.s32 $0x1;
	v3 =	vlaneseq.u32;
	p0 =	seq.s32 s6, $0xFFFFFFFF;
	v1 =	vmov s5  }
0x294: {  	v0 =	vperm.xlane v0, v2;
	p1 =	sne.s32 @!p0 s0, s1;
	v1 =	vperm.xlane v1, v3  }
0x295: {  	vm0 =	vcmask $0x3F04;
	s8 =	simm.s32 $0x3848;
	s0 =	simm.s32 @!p0 $0x1;
	p1 =	por !p1, p0  }
0x296: {  	s5 =	sshll.u32 s4, $0x1;
	s1 =	sshll.u32 @!p0 s6, $0x6;
	s0 =	simm.s32 @p1 $0x0;
	v0 =	vsel vm0, v1, v0  }
0x297: {  	s7 =	sor.u32 $0x200, s5;
	s1 =	sshra.s32 @!p0 s1, $0x2;
	s0 =	sor.u32 @!p0 s0, s5;
	[tilespmem:$0x3848] =	vst v0  }
0x298: {  	[spmem:s7] =	stream.linear.scatter [tilespmem:s8], [sflag:$0x1], $0x2, $0x38;
	[tilespmem:$0x1FE08] =	vst v63  }
0x299: {  	s1 =	sadd.s32 @!p0 $0x28, s1;
	s0 =	sshll.u32 @!p0 s0, $0x4  }
0x29a: {  	[spmem:s0] =	stream.linear.scatter @!p0 [tilespmem:s1], [sflag:$0x1], $0x10, $0x38;
	[tilespmem:$0x1FE08] =	vst v63  }
0x29b: {  	s0 =	simm.s32 @!p0 $0x12  }
0x29c: {  	s28 =	simm.s32 $0x1;
	s0 =	simm.s32 @p0 $0x2  }
0x29d: {  	_ =	swait.ge [sflag:s28], s0  }
0x29e: {  	s0 =	ssub.s32 $0x0, s0;
	[sflag:s28] =	ssyncset.done $0x0  }
0x29f: {  	p0 =	sne.s32 s4, $0x0;
	[sflag:s28] =	ssyncadd.s32 s0  }
.Ltmp12:
0x2a0: {  	_ =	sfence.stream.spmem;
	(pc) =	sbr.rel @p0 .LBB2_32-.Ltmp12, $4  }
0x2a1: {  	s29 =	simm.s32 $0x3;
	[bflag:$0x0] =	sbarrier.arrive $0xFFFF  }
0x2a2: {  	s30 =	simm.s32 $0x4;
	[sflag:s29] =	ssyncpa.u1 $0x1  }
0x2a3: {  	s31 =	simm.s32 $0x3C;
	[sflag:s30] =	ssyncpa.u1 $0x1  }
0x2a4: {  	s5 =	sand.u32 $0x1, s2;
	[sflag:s31] =	ssyncpa.u1 $0x1  }
0x2a5: {  	_ =	sfence.stream.spmem;
	s0 =	simm.s32 $0x5  }
0x2a6: {  	s1 =	simm.s32 $0x200;
	s6 =	simm.s32 $0x3858;
	[sflag:s0] =	ssyncpa.u1 $0x0  }
0x2a7: {  	[tilespmem:s6], [sflag:$0x5] =	stream.linear.gather [spmem:s1], $0x20, $0x38;
	[tilespmem:$0x1FE08] =	vst v63  }
0x2a8: {  	s26 =	simm.s32 $0x0;
	s28 =	simm.s32 $0x3878  }
0x2a9: {  	[tilespmem:s28], [sflag:$0x5] =	stream.linear.gather [spmem:s26], $0x200, $0x38;
	[tilespmem:$0x1FE08] =	vst v63  }
0x2aa: {  	_ =	swait.ge [sflag:s0], $0x220  }
0x2ab: {  	[sflag:s0] =	ssyncset.done $0x0  }
0x2ac: {  	s29 =	simm.s32 $0x0;
	[sflag:s0] =	ssyncadd.s32 $0xFFFFFDE0  }
0x2ad: {  	v0 =	vld.msk [tilespmem:s29+$0x3858], $0x1;
	_ =	sdelay $0x1  }
0x2ae: {  	s30 =	simm.s32 $0x1  }
0x2af: {  	v1 =	vld.msk [tilespmem:s30+$0x3858], $0x1;
	_ =	sdelay $0x1  }
0x2b0: {  	(v2sf) =	vpush v0, $0x0;
	_ =	sdelay $0x2  }
0x2b1: {  	(v2sf) =	vpush v1, $0x0;
	_ =	sdelay $0x2  }
0x2b2: {  	s31 =	simm.s32 $0x2  }
0x2b3: {  	v0 =	vld.msk [tilespmem:s31+$0x3858], $0x1;
	_ =	sdelay $0x2  }
0x2b4: {  	s7 =	simm.s32 $0xFFFFFFFF;
	s8 =	simm.s32 $0xFFFFFFFF;
	s6 =	simm.s32 $0xC  }
.LBB2_17:
0x2b5: {  	s0 =	smov.u32 s8;
	s1 =	smov.u32 s7  }
0x2b6: {  	s7 =	sshra.s32 s6, $0x2;
	p1 =	sne.s32 s6, $0x7C;
	s6 =	sadd.s32 $0x4, s6;
	(v2sf) =	vpush v0, $0x0  }
0x2b7: {  	v0 =	vld.msk [tilespmem:s7+$0x3858], $0x1  }
.Ltmp13:
0x2b8: {  	(pc) =	sbr.rel @p1 .LBB2_17-.Ltmp13, $4  }
0x2b9: {  	s8 =	spop (v2sf)  }
0x2ba: {  	p2 =	sne.s32 s1, $0xFFFFFFFF;
	s7 =	smov.u32 s8  }
0x2bb: {  	p3 =	seq.s32 s8, $0xFFFFFFFF;
	s7 =	smov.u32 @p2 s1  }
0x2bc: {  	s8 =	smov.u32 @p3 s0;
	s7 =	smov.u32 @p3 s1  }
0x2bd: {  	(v2sf) =	vpush v0, $0x0;
	_ =	sdelay $0x8  }
0x2be: {  	s0 =	spop (v2sf)  }
0x2bf: {  	p1 =	sne.s32 s7, $0xFFFFFFFF;
	s1 =	smov.u32 s0  }
0x2c0: {  	s9 =	simm.s32 $0x6;
	p2 =	seq.s32 s0, $0xFFFFFFFF;
	s1 =	smov.u32 @p1 s7  }
0x2c1: {  	s11 =	simm.s32 $0x0;
	s1 =	smov.u32 @p2 s7;
	s6 =	spop (v2sf)  }
0x2c2: {  	s0 =	smov.u32 @p2 s8;
	p1 =	sne.s32 s1, $0xFFFFFFFF;
	s10 =	smov.u32 s6  }
.Ltmp14:
0x2c3: {  	p2 =	seq.s32 s6, $0xFFFFFFFF;
	s10 =	smov.u32 @p1 s1;
	(pc) =	sbr.rel .LBB2_19-.Ltmp14, $4  }
0x2c4: {  	s6 =	smov.u32 @p2 s0;
	s10 =	smov.u32 @p2 s1;
	s7 =	spop (v2sf)  }
0x2c5: {  	p1 =	sne.s32 s10, $0xFFFFFFFF;
	s8 =	smov.u32 s7;
	p2 =	seq.s32 s7, $0xFFFFFFFF  }
0x2c6: {  	[sflag:s9] =	ssyncpa.u1 $0x0;
	s8 =	smov.u32 @p1 s10;
	s7 =	smov.u32 @p2 s6  }
0x2c7: {  	s6 =	simm.s32 $0x0;
	s8 =	smov.u32 @p2 s10;
	s10 =	simm.s32 $0x3838  }
.LBB2_24:
0x2c8: {  	p1 =	sgt.u32 s12, $0x27FFF  }
0x2c9: {  	p2 =	seq.s32 @!p1 s12, s8  }
0x2ca: {  	p1 =	por p1, p2  }
0x2cb: {  	p2 =	sne.s32 @!p1 s12, s7  }
0x2cc: {  	p1 =	por p1, !p2  }
0x2cd: {  	s12 =	sshll.u32 @p1 s11, $0x6  }
0x2ce: {  	s0 =	sand.u32 @!p1 $0x3FFF8, s12  }
0x2cf: {  	s1 =	sand.u32 @!p1 $0x7, s12;
	s0 =	sadd.s32 @!p1 s3, s0  }
0x2d0: {  	[tilespmem:s10], [sflag:$0x6] =	stream.linear.gather @!p1 [hbm4b:s0+s1], $0x8, $0x38;
	[tilespmem:$0x1FE08] =	vst v63  }
0x2d1: {  	_ =	swait.ge @!p1 [sflag:s9], $0x8  }
0x2d2: {  	[sflag:s9] =	ssyncset.done @!p1 $0x0  }
0x2d3: {  	s12 =	sshll.u32 @!p1 s11, $0x6;
	[sflag:s9] =	ssyncadd.s32 @!p1 $0xFFFFFFF8  }
0x2d4: {  	s0 =	sshrl.u32 @!p1 s12, $0x2;
	v1 =	vld @!p1 [tilespmem:$0x3838]  }
0x2d5: {  	v2 =	vld @!p1 [tilespmem:s0+$0x3878];
	_ =	sdelay $0x4  }
0x2d6: {  	v1 =	vmax.f32 @!p1 v1, v2  }
0x2d7: {  	[tilespmem:s0+$0x3878] =	vst @!p1 v1  }
0x2d8: {  	s30 =	sshrl.u32 s12, $0x2;
	[tilespmem:s6+$0x3858] =	vst.msk $0x1, v0  }
0x2d9: {  	v0 =	vld [tilespmem:s30+$0x3878];
	_ =	sdelay $0x2  }
0x2da: {  	s31 =	sshll.u32 s6, $0x6  }
0x2db: {  	s0 =	sshra.s32 s31, $0x2  }
0x2dc: {  	s6 =	sadd.s32 $0x1, s6;
	[tilespmem:s0+$0x3878] =	vst v0  }
.LBB2_26:
0x2dd: {  	s11 =	sadd.s32 $0x1, s11  }
0x2de: {  	p1 =	sne.s32 s11, $0x20  }
.Ltmp15:
0x2df: {  	_ = 	snop;
	(pc) =	sbr.rel @!p1 .LBB2_27-.Ltmp15, $1  }
0x2e0: {  	_ =	sdelay $0x3  }
.LBB2_19:
0x2e1: {  	v0 =	vld.msk [tilespmem:s11+$0x3858], $0x1;
	_ =	sdelay $0x4  }
0x2e2: {  	(v2sf) =	vpush v0, $0x0;
	_ =	sdelay $0xe  }
0x2e3: {  	s12 =	spop (v2sf)  }
0x2e4: {  	p1 =	seq.s32 s12, $0xFFFFFFFF  }
.Ltmp16:
0x2e5: {  	_ = 	snop;
	(pc) =	sbr.rel @p1 .LBB2_26-.Ltmp16, $1  }
0x2e6: {  	_ =	sdelay $0x3  }
0x2e7: {  	p1 =	slt.s32 s6, $0x1  }
.Ltmp17:
0x2e8: {  	_ = 	snop;
	(pc) =	sbr.rel @p1 .LBB2_24-.Ltmp17, $1  }
0x2e9: {  	_ =	sdelay $0x3  }
0x2ea: {  	s13 =	simm.s32 $0x3858;
	p1 =	por $0x0, $0x0  }
0x2eb: {  	v1 =	vld.msk @!p1 [tilespmem:s13+$0x0], $0x1;
	_ =	sdelay $0x4  }
0x2ec: {  	(v2sf) =	vpush @!p1 v1, $0x0;
	_ =	sdelay $0xd  }
0x2ed: {  	p3 =	sne.s32 s6, $0x1  }
.Ltmp18:
0x2ee: {  	s0 =	spop @!p1 (v2sf);
	(pc) =	sbr.rel @!p3 .LBB2_23-.Ltmp18, $4  }
0x2ef: {  	p2 =	seq.s32 @!p1 s12, s0  }
0x2f0: {  	s14 =	simm.s32 $0x0;
	p2 =	por !p2, p1  }
0x2f1: {  	s0 =	simm.s32 $0xFFFFFFFF;
	s14 =	simm.s32 @p2 $0xFFFFFFFF  }
0x2f2: {  	s15 =	simm.s32 $0x1;
	s14 =	smov.u32 @p1 s0  }
.LBB2_22:
0x2f3: {  	s0 =	smov.u32 s14;
	p1 =	sne.s32 s14, $0xFFFFFFFF  }
0x2f4: {  	s13 =	sadd.s32 $0x1, s13;
	s14 =	smov.u32 s15;
	s15 =	sadd.s32 $0x1, s15  }
0x2f5: {  	p2 =	sne.s32 s6, s15;
	v1 =	vld.msk @!p1 [tilespmem:s13+$0x0], $0x1;
	_ =	sdelay $0x4  }
0x2f6: {  	(v2sf) =	vpush @!p1 v1, $0x0;
	_ =	sdelay $0xe  }
.Ltmp19:
0x2f7: {  	s1 =	spop @!p1 (v2sf);
	(pc) =	sbr.rel @p2 .LBB2_22-.Ltmp19, $4  }
0x2f8: {  	p3 =	seq.s32 @!p1 s12, s1  }
0x2f9: {  	p3 =	por !p3, p1  }
0x2fa: {  	s14 =	simm.s32 @p3 $0xFFFFFFFF  }
0x2fb: {  	s14 =	smov.u32 @p1 s0  }
.LBB2_23:
0x2fc: {  	p1 =	sne.s32 s14, $0xFFFFFFFF  }
.Ltmp20:
0x2fd: {  	_ = 	snop;
	(pc) =	sbr.rel @!p1 .LBB2_24-.Ltmp20, $1  }
0x2fe: {  	_ =	sdelay $0x3  }
0x2ff: {  	s0 =	sshll.u32 s11, $0x4  }
0x300: {  	s1 =	sshll.u32 s14, $0x6;
	s0 =	sand.u32 $0x3FFFFFF0, s0  }
0x301: {  	s31 =	sshra.s32 s1, $0x2;
	v0 =	vld [tilespmem:s0+$0x3878]  }
0x302: {  	v1 =	vld [tilespmem:s31+$0x3878];
	_ =	sdelay $0x1  }
.Ltmp21:
0x303: {  	_ = 	snop;
	(pc) =	sbr.rel .LBB2_26-.Ltmp21, $3  }
0x304: {  	_ =	sdelay $0x1  }
0x305: {  	v0 =	vmax.f32 v0, v1  }
0x306: {  	[tilespmem:s31+$0x3878] =	vst v0  }
.LBB2_27:
0x307: {  	s0 =	simm.s32 $0x6;
	p1 =	seq.s32 s6, $0x0  }
0x308: {  	[sflag:s0] =	ssyncpa.u1 $0x1;
	v0 =	vimm.s32 @p1 $0xFFFFFFFF  }
0x309: {  	s9 =	sadd.s32 $0xFFFFFFFF, s6;
	[tilespmem:$0x3A78] =	vst @p1 v0  }
0x30a: {  	v0 =	vld.msk @!p1 [tilespmem:s9+$0x3858], $0x1;
	_ =	sdelay $0x1  }
0x30b: {  	v1 =	vld.msk @!p1 [tilespmem:$0x3858], $0x1;
	_ =	sdelay $0x2  }
0x30c: {  	p2 =	seq.s32 @!p1 s9, $0x0;
	v0 =	vbroadcast @!p1 v0, $0x0  }
0x30d: {  	vm0 =	vmmov @!p1 $0x1;
	p2 =	por !p2, p1  }
0x30e: {  	v1 =	vnsel @!p1 vm0, $0xFFFFFFFF, v1;
	vm0 =	vcmask @!p1 $0x308;
	v0 =	vpsel !p2, $0xFFFFFFFF, v0  }
0x30f: {  	p2 =	sne.s32 @!p1 s8, s7;
	v0 =	vsel @!p1 vm0, v1, v0  }
0x310: {  	s0 =	simm.s32 @!p1 $0x3878;
	s1 =	simm.s32 @!p1 $0x0;
	p3 =	por !p2, p1;
	[tilespmem:$0x3A78] =	vst @!p1 v0  }
0x311: {  	[spmem:s1] =	stream.linear.scatter @!p1 [tilespmem:s0], [sflag:$0x1], $0x10, $0x38;
	[tilespmem:$0x1FE08] =	vst v63  }
0x312: {  	s0 =	sshll.u32 @!p3 s9, $0x6  }
0x313: {  	s0 =	sshra.s32 @!p3 s0, $0x2  }
0x314: {  	s1 =	simm.s32 @!p3 $0x10;
	s0 =	sadd.s32 @!p3 $0x3878, s0  }
0x315: {  	[spmem:s1] =	stream.linear.scatter @!p3 [tilespmem:s0], [sflag:$0x1], $0x10, $0x38;
	[tilespmem:$0x1FE08] =	vst v63  }
0x316: {  	s0 =	simm.s32 @!p3 $0x1  }
0x317: {  	_ =	swait.ge @!p3 [sflag:s0], $0x20  }
0x318: {  	p1 =	por p2, p1;
	[sflag:s0] =	ssyncset.done @!p3 $0x0  }
0x319: {  	[sflag:s0] =	ssyncadd.s32 @!p3 $0xFFFFFFE0;
	s0 =	simm.s32 @!p1 $0x1  }
0x31a: {  	_ =	swait.ge @!p1 [sflag:s0], $0x10  }
0x31b: {  	s29 =	simm.s32 $0x3A78;
	[sflag:s0] =	ssyncset.done @!p1 $0x0  }
0x31c: {  	s30 =	simm.s32 $0x200;
	s31 =	simm.s32 $0x1;
	[sflag:s0] =	ssyncadd.s32 @!p1 $0xFFFFFFF0  }
0x31d: {  	[spmem:s30] =	stream.linear.scatter [tilespmem:s29], [sflag:$0x1], $0x10, $0x38;
	[tilespmem:$0x1FE08] =	vst v63  }
0x31e: {  	_ =	swait.ge [sflag:s31], $0x10  }
0x31f: {  	[sflag:s31] =	ssyncset.done $0x0  }
0x320: {  	p1 =	seq.s32 s5, $0x0;
	[sflag:s31] =	ssyncadd.s32 $0xFFFFFFF0  }
0x321: {  	s1 =	sshll.u32 @p1 s2, $0xE;
	s11 =	rddreg [dreg:$0x2]  }
0x322: {  	s0 =	sadd.s32 @p1 $0x15C3C, s1;
	s1 =	sshll.u32 @p1 s11, $0x11  }
0x323: {  	_ =	sfence.stream.spmem;
	s0 =	sor.u32 @p1 s1, s0  }
0x324: {  	[sflag:s0] =	ssyncadd.remote.s32 @p1 $0x1;
	s0 =	simm.s32 @p1 $0x4  }
0x325: {  	s7 =	simm.s32 @!p1 $0x3C;
	s1 =	sand.u32 $0xFFFFFFFE, s2;
	_ =	swait.ge @p1 [sflag:s0], $0x6  }
0x326: {  	s8 =	simm.s32 @!p1 $0x0;
	s1 =	sadd.s32 @!p1 $0x4, s1;
	[sflag:s0] =	ssyncset.done @p1 $0x0  }
0x327: {  	s10 =	simm.s32 @!p1 $0x20;
	[sflag:s0] =	ssyncadd.s32 @p1 $0xFFFFFFFA;
	s0 =	sshll.u32 @!p1 s1, $0x1A  }
0x328: {  	s1 =	sshll.u32 @!p1 s1, $0xD;
	s0 =	sor.u32 @!p1 s0, s11;
	_ =	swait.eq @!p1 [sflag:s7], $0x1  }
0x329: {  	s1 =	sor.u32 @!p1 $0x1C04, s1;
	s7 =	simm.s32 @!p1 $0x1C03;
	s0 =	sor.u32 @!p1 $0x80004000, s0  }
0x32a: {  	[spmem:s10], [sflag:s1] =	dma.general @!p1 [spmem:s8], [sflag:s7], length:$0x4, [dreg:$0x0], stride_count:$0x0, ici_dest:s0, dma_misc:DstOpCode:WRITE  }
0x32b: {  	p2 =	slt.s32 s9, $0x2;
	s8 =	simm.s32 @!p1 $0x40;
	s10 =	simm.s32 @!p1 $0x42  }
0x32c: {  	[spmem:s10], [sflag:s1] =	dma.general @!p1 [spmem:s8], [sflag:s7], length:$0x2, [dreg:$0x0], stride_count:$0x0, ici_dest:s0, dma_misc:DstOpCode:WRITE  }
.Ltmp22:
0x32d: {  	s0 =	simm.s32 @!p1 $0x3;
	(pc) =	sbr.rel @p2 .LBB2_31-.Ltmp22, $4  }
0x32e: {  	s1 =	sshll.u32 @!p1 s2, $0xE;
	_ =	swait.ge @!p1 [sflag:s0], $0x6  }
0x32f: {  	s2 =	sshll.u32 @!p1 s11, $0x11;
	s1 =	sadd.s32 @!p1 $0x11C3C, s1;
	[sflag:s0] =	ssyncset.done @!p1 $0x0  }
0x330: {  	[sflag:s0] =	ssyncadd.s32 @!p1 $0xFFFFFFFA;
	s0 =	sor.u32 @!p1 s2, s1  }
0x331: {  	s1 =	simm.s32 $0x0;
	[sflag:s0] =	ssyncadd.remote.s32 @!p1 $0xFFFFFFFF  }
0x332: {  	s0 =	simm.s32 $0x3859  }
0x333: {  	v0 =	vld.msk [tilespmem:s0+$0x0], $0x1;
	_ =	sdelay $0x4  }
0x334: {  	(v2sf) =	vpush v0, $0x0;
	_ =	sdelay $0xc  }
0x335: {  	s2 =	sadd.s32 $0xFFFFFFFE, s6  }
0x336: {  	s2 =	sadd.s32 $0xFFFFFFFF, s2  }
0x337: {  	p2 =	sne.s32 s2, $0x0;
	s0 =	spop (v2sf)  }
.Ltmp23:
0x338: {  	p1 =	sgt.u32 s0, $0x27FFF;
	(pc) =	sbr.rel @!p2 .LBB2_30-.Ltmp23, $4  }
0x339: {  	s1 =	simm.s32 $0x3888;
	s6 =	sand.u32 @!p1 $0x3FFF8, s0  }
0x33a: {  	s8 =	simm.s32 $0x0;
	s0 =	sand.u32 @!p1 $0x7, s0;
	s6 =	sadd.s32 @!p1 s3, s6  }
0x33b: {  	[hbm4b:s6+s0] =	stream.linear.scatter @!p1 [tilespmem:s1], [sflag:$0x5], $0x8, $0x38;
	[tilespmem:$0x1FE08] =	vst v63  }
0x33c: {  	s7 =	simm.s32 $0x385A;
	s8 =	simm.s32 @!p1 $0x20;
	s6 =	simm.s32 $0x0  }
.LBB2_29:
0x33d: {  	v0 =	vld.msk [tilespmem:s7+$0x0], $0x1;
	s2 =	sadd.s32 $0xFFFFFFFF, s2;
	s6 =	sadd.s32 s6, s8  }
0x33e: {  	p1 =	sne.s32 s2, $0x0;
	_ =	sdelay $0x3  }
0x33f: {  	(v2sf) =	vpush v0, $0x0;
	_ =	sdelay $0xe  }
.Ltmp24:
0x340: {  	s0 =	spop (v2sf);
	(pc) =	sbr.rel @p1 .LBB2_29-.Ltmp24, $4  }
0x341: {  	s8 =	simm.s32 $0x0;
	p2 =	sgt.u32 s0, $0x27FFF  }
0x342: {  	s1 =	sadd.s32 $0x10, s1;
	s8 =	simm.s32 @!p2 $0x20;
	s9 =	sand.u32 @!p2 $0x3FFF8, s0  }
0x343: {  	s7 =	sadd.s32 $0x1, s7;
	s0 =	sand.u32 @!p2 $0x7, s0;
	s9 =	sadd.s32 @!p2 s3, s9  }
0x344: {  	[hbm4b:s9+s0] =	stream.linear.scatter @!p2 [tilespmem:s1], [sflag:$0x5], $0x8, $0x38;
	[tilespmem:$0x1FE08] =	vst v63  }
.LBB2_30:
0x345: {  	s0 =	sadd.s32 s6, s8  }
0x346: {  	s1 =	sshrl.u32 s0, $0x2  }
.LBB2_31:
0x347: {  	s0 =	simm.s32 $0x5  }
0x348: {  	_ =	swait.ge [sflag:s0], s1  }
0x349: {  	s31 =	ssub.s32 $0x0, s1;
	[sflag:s0] =	ssyncset.done $0x0  }
0x34a: {  	[sflag:s0] =	ssyncadd.s32 s31  }
0x34b: {  	[sflag:s0] =	ssyncpa.u1 $0x1  }
.LBB2_32:
0x34c: {  	s0 =	sor.u32 s5, s4  }
0x34d: {  	p1 =	sne.s32 s0, $0x0  }
.Ltmp25:
0x34e: {  	_ = 	snop;
	(pc) =	sbr.rel @p1 .LBB2_47-.Ltmp25, $3  }
0x34f: {  	_ =	sdelay $0x1  }
0x350: {  	[bflag:$0x0] =	sbarrier.arrive $0xFFFF  }
0x351: {  	_ =	sfence  }
0x352: {  	s0 =	simm.s32 $0x7  }
0x353: {  	s1 =	simm.s32 $0x200;
	s2 =	simm.s32 $0x3858;
	[sflag:s0] =	ssyncpa.u1 $0x0  }
0x354: {  	[tilespmem:s2], [sflag:$0x7] =	stream.linear.gather [spmem:s1], $0x20, $0x38;
	[tilespmem:$0x1FE08] =	vst v63  }
0x355: {  	s30 =	simm.s32 $0x3878;
	s1 =	simm.s32 $0x0  }
0x356: {  	[tilespmem:s30], [sflag:$0x7] =	stream.linear.gather [spmem:s1], $0x200, $0x38;
	[tilespmem:$0x1FE08] =	vst v63  }
.Ltmp26:
0x357: {  	_ = 	snop;
	(pc) =	sbr.rel .LBB2_34-.Ltmp26, $4  }
0x358: {  	_ =	swait.ge [sflag:s0], $0x220  }
0x359: {  	[sflag:s0] =	ssyncset.done $0x0  }
0x35a: {  	s31 =	simm.s32 $0x8;
	[sflag:s0] =	ssyncadd.s32 $0xFFFFFDE0  }
0x35b: {  	s2 =	simm.s32 $0x0;
	[sflag:s31] =	ssyncpa.u1 $0x0  }
.LBB2_39:
0x35c: {  	p1 =	slt.u32 s4, $0x28000  }
0x35d: {  	s0 =	sand.u32 @p1 $0x3FFF8, s4  }
0x35e: {  	s4 =	sand.u32 @p1 $0x7, s4;
	s5 =	simm.s32 @p1 $0x3838;
	s0 =	sadd.s32 @p1 s3, s0  }
0x35f: {  	[tilespmem:s5], [sflag:$0x8] =	stream.linear.gather @p1 [hbm4b:s0+s4], $0x8, $0x38;
	[tilespmem:$0x1FE08] =	vst v63  }
0x360: {  	s0 =	simm.s32 @p1 $0x8  }
0x361: {  	_ =	swait.ge @p1 [sflag:s0], $0x8  }
0x362: {  	[sflag:s0] =	ssyncset.done @p1 $0x0  }
0x363: {  	[sflag:s0] =	ssyncadd.s32 @p1 $0xFFFFFFF8;
	s0 =	sshll.u32 @p1 s2, $0x6  }
0x364: {  	v1 =	vld @p1 [tilespmem:$0x3838];
	s4 =	sshrl.u32 @p1 s0, $0x2  }
0x365: {  	v2 =	vld @p1 [tilespmem:s4+$0x3878];
	_ =	sdelay $0x4  }
0x366: {  	s5 =	sshll.u32 @!p1 s2, $0x6;
	v1 =	vmax.f32 @p1 v1, v2  }
0x367: {  	s5 =	smov.u32 @p1 s0;
	[tilespmem:s4+$0x3878] =	vst @p1 v1  }
0x368: {  	s0 =	sshrl.u32 s5, $0x2;
	[tilespmem:s1+$0x3858] =	vst.msk $0x1, v0  }
0x369: {  	v0 =	vld [tilespmem:s0+$0x3878];
	_ =	sdelay $0x2  }
0x36a: {  	s31 =	sshll.u32 s1, $0x6  }
0x36b: {  	s0 =	sshra.s32 s31, $0x2  }
0x36c: {  	s1 =	sadd.s32 $0x1, s1;
	[tilespmem:s0+$0x3878] =	vst v0  }
.LBB2_41:
0x36d: {  	s2 =	sadd.s32 $0x1, s2  }
0x36e: {  	p1 =	sne.s32 s2, $0x20  }
.Ltmp27:
0x36f: {  	_ = 	snop;
	(pc) =	sbr.rel @!p1 .LBB2_42-.Ltmp27, $1  }
0x370: {  	_ =	sdelay $0x3  }
.LBB2_34:
0x371: {  	v0 =	vld.msk [tilespmem:s2+$0x3858], $0x1;
	_ =	sdelay $0x4  }
0x372: {  	(v2sf) =	vpush v0, $0x0;
	_ =	sdelay $0xe  }
0x373: {  	s4 =	spop (v2sf)  }
0x374: {  	p1 =	seq.s32 s4, $0xFFFFFFFF  }
.Ltmp28:
0x375: {  	_ = 	snop;
	(pc) =	sbr.rel @p1 .LBB2_41-.Ltmp28, $1  }
0x376: {  	_ =	sdelay $0x3  }
0x377: {  	p1 =	slt.s32 s1, $0x1  }
.Ltmp29:
0x378: {  	_ = 	snop;
	(pc) =	sbr.rel @p1 .LBB2_39-.Ltmp29, $1  }
0x379: {  	_ =	sdelay $0x3  }
0x37a: {  	s5 =	simm.s32 $0x3858;
	p1 =	por $0x0, $0x0  }
0x37b: {  	v1 =	vld.msk @!p1 [tilespmem:s5+$0x0], $0x1;
	_ =	sdelay $0x4  }
0x37c: {  	(v2sf) =	vpush @!p1 v1, $0x0;
	_ =	sdelay $0xd  }
0x37d: {  	p3 =	sne.s32 s1, $0x1  }
.Ltmp30:
0x37e: {  	s0 =	spop @!p1 (v2sf);
	(pc) =	sbr.rel @!p3 .LBB2_38-.Ltmp30, $4  }
0x37f: {  	p2 =	seq.s32 @!p1 s4, s0  }
0x380: {  	s6 =	simm.s32 $0x0;
	p2 =	por !p2, p1  }
0x381: {  	s0 =	simm.s32 $0xFFFFFFFF;
	s6 =	simm.s32 @p2 $0xFFFFFFFF  }
0x382: {  	s7 =	simm.s32 $0x1;
	s6 =	smov.u32 @p1 s0  }
.LBB2_37:
0x383: {  	s0 =	smov.u32 s6;
	p1 =	sne.s32 s6, $0xFFFFFFFF  }
0x384: {  	s5 =	sadd.s32 $0x1, s5;
	s6 =	smov.u32 s7;
	s7 =	sadd.s32 $0x1, s7  }
0x385: {  	p2 =	sne.s32 s1, s7;
	v1 =	vld.msk @!p1 [tilespmem:s5+$0x0], $0x1;
	_ =	sdelay $0x4  }
0x386: {  	(v2sf) =	vpush @!p1 v1, $0x0;
	_ =	sdelay $0xe  }
.Ltmp31:
0x387: {  	s8 =	spop @!p1 (v2sf);
	(pc) =	sbr.rel @p2 .LBB2_37-.Ltmp31, $4  }
0x388: {  	p3 =	seq.s32 @!p1 s4, s8  }
0x389: {  	p3 =	por !p3, p1  }
0x38a: {  	s6 =	simm.s32 @p3 $0xFFFFFFFF  }
0x38b: {  	s6 =	smov.u32 @p1 s0  }
.LBB2_38:
0x38c: {  	p1 =	sne.s32 s6, $0xFFFFFFFF  }
.Ltmp32:
0x38d: {  	_ = 	snop;
	(pc) =	sbr.rel @!p1 .LBB2_39-.Ltmp32, $1  }
0x38e: {  	_ =	sdelay $0x3  }
0x38f: {  	s0 =	sshll.u32 s2, $0x4  }
0x390: {  	s4 =	sshll.u32 s6, $0x6;
	s0 =	sand.u32 $0x3FFFFFF0, s0  }
0x391: {  	s31 =	sshra.s32 s4, $0x2;
	v0 =	vld [tilespmem:s0+$0x3878]  }
0x392: {  	v1 =	vld [tilespmem:s31+$0x3878];
	_ =	sdelay $0x1  }
.Ltmp33:
0x393: {  	_ = 	snop;
	(pc) =	sbr.rel .LBB2_41-.Ltmp33, $3  }
0x394: {  	_ =	sdelay $0x1  }
0x395: {  	v0 =	vmax.f32 v0, v1  }
0x396: {  	[tilespmem:s31+$0x3878] =	vst v0  }
.LBB2_42:
0x397: {  	p1 =	slt.s32 s1, $0x1  }
.Ltmp34:
0x398: {  	_ = 	snop;
	(pc) =	sbr.rel @p1 .LBB2_46-.Ltmp34, $3  }
0x399: {  	_ =	sdelay $0x1  }
0x39a: {  	s0 =	simm.s32 $0x8  }
0x39b: {  	s2 =	simm.s32 $0x0;
	[sflag:s0] =	ssyncpa.u1 $0x1  }
0x39c: {  	s0 =	simm.s32 $0x3858  }
0x39d: {  	v0 =	vld.msk [tilespmem:s0+$0x0], $0x1;
	_ =	sdelay $0x4  }
0x39e: {  	(v2sf) =	vpush v0, $0x0;
	_ =	sdelay $0xd  }
0x39f: {  	s1 =	sadd.s32 $0xFFFFFFFF, s1  }
0x3a0: {  	p2 =	sne.s32 s1, $0x0;
	s0 =	spop (v2sf)  }
.Ltmp35:
0x3a1: {  	p1 =	sgt.u32 s0, $0x27FFF;
	(pc) =	sbr.rel @!p2 .LBB2_45-.Ltmp35, $4  }
0x3a2: {  	s4 =	simm.s32 $0x3878;
	s5 =	sand.u32 @!p1 $0x3FFF8, s0  }
0x3a3: {  	s6 =	simm.s32 $0x0;
	s0 =	sand.u32 @!p1 $0x7, s0;
	s5 =	sadd.s32 @!p1 s3, s5  }
0x3a4: {  	[hbm4b:s5+s0] =	stream.linear.scatter @!p1 [tilespmem:s4], [sflag:$0x7], $0x8, $0x38;
	[tilespmem:$0x1FE08] =	vst v63  }
0x3a5: {  	s6 =	simm.s32 @!p1 $0x20;
	s5 =	simm.s32 $0x3859  }
.LBB2_44:
0x3a6: {  	v0 =	vld.msk [tilespmem:s5+$0x0], $0x1;
	s1 =	sadd.s32 $0xFFFFFFFF, s1;
	s2 =	sadd.s32 s2, s6  }
0x3a7: {  	p1 =	sne.s32 s1, $0x0;
	_ =	sdelay $0x3  }
0x3a8: {  	(v2sf) =	vpush v0, $0x0;
	_ =	sdelay $0xe  }
.Ltmp36:
0x3a9: {  	s0 =	spop (v2sf);
	(pc) =	sbr.rel @p1 .LBB2_44-.Ltmp36, $4  }
0x3aa: {  	s6 =	simm.s32 $0x0;
	p2 =	sgt.u32 s0, $0x27FFF  }
0x3ab: {  	s4 =	sadd.s32 $0x10, s4;
	s6 =	simm.s32 @!p2 $0x20;
	s7 =	sand.u32 @!p2 $0x3FFF8, s0  }
0x3ac: {  	s5 =	sadd.s32 $0x1, s5;
	s0 =	sand.u32 @!p2 $0x7, s0;
	s7 =	sadd.s32 @!p2 s3, s7  }
0x3ad: {  	[hbm4b:s7+s0] =	stream.linear.scatter @!p2 [tilespmem:s4], [sflag:$0x7], $0x8, $0x38;
	[tilespmem:$0x1FE08] =	vst v63  }
.LBB2_45:
0x3ae: {  	s0 =	sadd.s32 s2, s6  }
0x3af: {  	s2 =	sshrl.u32 s0, $0x2  }
.LBB2_46:
0x3b0: {  	s0 =	simm.s32 $0x7  }
0x3b1: {  	_ =	swait.ge [sflag:s0], s2  }
0x3b2: {  	s1 =	ssub.s32 $0x0, s2;
	[sflag:s0] =	ssyncset.done $0x0  }
0x3b3: {  	[sflag:s0] =	ssyncadd.s32 s1  }
0x3b4: {  	[sflag:s0] =	ssyncpa.u1 $0x1  }
.LBB2_47:
0x3b5: {  	_ =	sfence;
	s0 =	simm.s32 $0x1  }
0x3b6: {  	[sflag:s0] =	ssyncpa.u1 $0x1  }
0x3b7: {  	_ =	strace $0x90000050  }
0x3b8: {  	[bflag:$0x2] =	sbarrier.arrive $0xFFFF  }
0x3b9: {  	s0 =	rddreg [dreg:$0x3]  }
0x3ba: {  	s0 =	sadd.s32 @!p0 $0x100000, s0  }
0x3bb: {  	[sflag:s0] =	ssyncadd.tile.s32 @!p0 $0x1;
	_ =	shalt  }
.Lfunc_end2:
_tile_overlayer_lowered:
.L_overlay_start_2:
0x3bc: {  	(tag) =	ssettag $0x2  }
0x3bd: {  	s0 =	rddreg [dreg:$0x0];
	s2 =	stileid.u32  }
0x3be: {  	s1 =	rddreg [dreg:$0x1];
	p0 =	sne.s32 s2, $0x0  }
0x3bf: {  	s3 =	rddreg [dreg:$0x2];
	[bflag:$0x3] =	sbarrier.arrive $0xFFFF;
	s2 =	simm.s32 @!p0 $0x1C01  }
0x3c0: {  	[timem:s3], [sflag:s2] =	dma.local @!p0 [hbm:s0], s1  }
0x3c1: {  	s0 =	simm.s32 @!p0 $0x1  }
0x3c2: {  	_ =	swait.ge @!p0 [sflag:s0], s1  }
0x3c3: {  	s1 =	ssub.s32 @!p0 $0x0, s1;
	[sflag:s0] =	ssyncset.done @!p0 $0x0  }
0x3c4: {  	[sflag:s0] =	ssyncadd.s32 @!p0 s1  }
0x3c5: {  	[bflag:$0x3] =	sbarrier.arrive $0xFFFF  }
0x3c6: {  	_ =	shalt  }

// kernel: sparse-core-data-format-call.1.cloned.1.call-start
scs
called_computation.6_lowered:
.L_overlay_start_0:
0x0: {  	s2 =	sld [smem:$0x3FD9]  }
0x1: {  	s3 =	sld [smem:$0x3FFE];
	_ =	sdelay $0x1  }
0x2: {  	s1 =	srdreg.scid  }
0x3: {  	s0 =	sand.u32 $0x1, s1  }
0x4: {  	s18 =	sshll.u32 s0, $0xA;
	s2 =	sadd.s32 s3, s2  }
0x5: {  	s2 =	sadd.s32 s2, s18  }
0x6: {  	[smem:$0x3FB8] =	sst s2  }
0x7: {  	_ = 	snop  }
0x8: {  	(tm) =	ssettm $0x1  }
0x9: {  	s19 =	sld [smem:$0x3FFB];
	_ =	sdelay $0x3  }
0xa: {  	_ =	strace s19  }
0xb: {  	s2 =	sld [smem:$0x3FFC];
	_ =	sdelay $0x3  }
0xc: {  	_ =	strace s2  }
0xd: {  	s2 =	sld [smem:$0x3FFD];
	_ =	sdelay $0x3  }
0xe: {  	_ =	strace s2  }
0xf: {  	_ =	strace $0x8FFFFFFF  }
0x10: {  	s20 =	sld [smem:$0x3FDB];
	_ =	sdelay $0x1  }
0x11: {  	s21 =	simm.s32 $_scs_section_size  }
0x12: {  	s4 =	simm.s32 $_size__tile_overlayer_lowered;
	s5 =	simm.s32 $_tile_overlayer_lowered  }
0x13: {  	s6 =	simm.s32 $0x1BFF;
	s22 =	sshll.u32 s5, $0x1;
	s3 =	sadd.s32 s21, s20  }
0x14: {  	s23 =	simm.s32 $0x0;
	s4 =	sshll.u32 s4, $0x1;
	s5 =	sadd.s32 s22, s3  }
0x15: {  	[timem:s23], [sflag:s6] =	dma.local [hbm:s5], s4  }
0x16: {  	_ =	swait.ge [sflag:s6], s4  }
0x17: {  	s4 =	ssub.s32 $0x0, s4;
	[sflag:s6] =	ssyncset.done $0x0  }
0x18: {  	[sflag:s6] =	ssyncadd.s32 s4;
	_ =	sdelay $0x1  }
0x19: {  	s24 =	simm.s32 $0x1B8B  }
0x1a: {  	_ =	swait.ge [sflag:s24], $0x1  }
0x1b: {  	[sflag:s24] =	ssyncset.done $0x0  }
0x1c: {  	[sflag:s24] =	ssyncadd.s32 $0xFFFFFFFF  }
0x1d: {  	s4 =	sld [smem:$0x0]  }
0x1e: {  	s5 =	sand.u32 $0xFFFFFFFE, s1  }
0x1f: {  	p0 =	sne.s32 s1, s5  }
0x20: {  	s5 =	sshll.u32 @p0 s5, $0xE  }
0x21: {  	s5 =	sadd.s32 @p0 $0x11B8D, s5;
	s6 =	sshll.u32 @p0 s4, $0x11  }
0x22: {  	s5 =	sor.u32 @p0 s6, s5  }
0x23: {  	[sflag:s5] =	ssyncadd.remote.s32 @p0 $0x1;
	_ =	sdelay $0x1  }
0x24: {  	s5 =	simm.s32 @p0 $0x1B8D  }
0x25: {  	_ =	swait.eq @p0 [sflag:s5], $0x1  }
0x26: {  	[sflag:s5] =	ssyncadd.s32 @p0 $0xFFFFFFFF  }
0x27: {  	s6 =	sshll.u32 @!p0 s1, $0xE  }
0x28: {  	s6 =	sor.u32 @!p0 $0x4000, s6;
	s5 =	simm.s32 @!p0 $0x1B8D  }
0x29: {  	s4 =	sshll.u32 @!p0 s4, $0x11;
	s6 =	sadd.s32 @!p0 $0x11B8D, s6;
	_ =	swait.eq @!p0 [sflag:s5], $0x1  }
0x2a: {  	s4 =	sor.u32 @!p0 s4, s6;
	[sflag:s5] =	ssyncadd.s32 @!p0 $0xFFFFFFFF  }
0x2b: {  	s26 =	simm.s32 $0x1B8E;
	s25 =	sld [smem:$0x3FFE];
	[sflag:s4] =	ssyncadd.remote.s32 @!p0 $0x1  }
0x2c: {  	s27 =	simm.s32 $execute0_lowered;
	[smem:$0x3FD2] =	sst s26  }
0x2d: {  	s5 =	sshll.u32 s27, $0x1;
	_ =	strace $0x80000055;
	[dreg:$0x1] =	wrdreg $0xFFFFFFFF  }
0x2e: {  	s28 =	simm.s32 $_size_execute0_lowered;
	s3 =	sadd.s32 s3, s5;
	[dreg:$0x0] =	wrdreg $0x0  }
0x2f: {  	s5 =	sshll.u32 s28, $0x1;
	[dreg:$0x2] =	wrdreg s3  }
0x30: {  	[dreg:$0x3] =	wrdreg s5  }
0x31: {  	[dreg:$0x4] =	wrdreg $0xC0  }
0x32: {  	_ =	task [dreg:s23], $0x5FFFF  }
0x33: {  	[dreg:$0x1] =	wrdreg $0xFFFFFFFF  }
0x34: {  	[dreg:$0x0] =	wrdreg $0x60  }
0x35: {  	[dreg:$0x2] =	wrdreg s25  }
0x36: {  	[dreg:$0x3] =	wrdreg $0xA  }
0x37: {  	_ =	task.clear_ibuf [dreg:s23], $0x4FFFF;
	_ =	strace $0x90000055  }
0x38: {  	s29 =	simm.s32 $0xA;
	_ =	strace $0x80000057  }
0x39: {  	_ =	swait.ge [sflag:s29], $0x1  }
0x3a: {  	[sflag:s29] =	ssyncadd.s32 $0xFFFFFFFF  }
0x3b: {  	_ =	strace $0x90000057  }
0x3c: {  	_ =	sfence  }
0x3d: {  	s30 =	sld [smem:$0x0];
	_ =	sdelay $0x2  }
0x3e: {  	s31 =	sshll.u32 s1, $0xD;
	s1 =	sshrl.u32 s1, $0x2  }
0x3f: {  	s4 =	sand.u32 $0x4000, s31;
	s1 =	sadd.s32 s1, s30  }
0x40: {  	s0 =	sor.u32 s4, s0;
	s1 =	sshll.u32 s1, $0x11  }
0x41: {  	s0 =	sor.u32 s1, s0  }
0x42: {  	s0 =	sadd.s32 $0x8F2B, s0  }
0x43: {  	[sflag:s0] =	ssyncadd.remote.s32 $0x1  }
0x44: {  	_ =	sfence.sel $0xFFFF  }
0x45: {  	[dreg:$0x0] =	wrdreg $0xFFFFFFFF;
	(pc) =	sbr.abs _section_cstart, $3  }
0x46: {  	[dreg:$0x1] =	wrdreg $0xFFFFFFFF  }
0x47: {  	_ =	task.clear_ibuf [dreg:s23], $0x2FFFF;
	_ =	strace $0x9FFFFFFF  }
0x48: {  	(tm) =	ssettm $0x7FFFFFFF  }
0x49: {  	_ =	shalt  }
tec
execute0_lowered:
.L_overlay_start_1:
0x0: {  	(tag) =	ssettag $0x1  }
0x1: {  	s0 =	srdreg.scid  }
0x2: {  	s1 =	sshll.u32 s0, $0x4  }
0x3: {  	s4 =	rddreg [dreg:$0x0];
	s0 =	stileid.u32;
	s1 =	sand.u32 $0x10, s1  }
0x4: {  	s7 =	simm.s32 $0x1;
	s8 =	simm.s32 $0x2;
	s1 =	sor.u32 s0, s1  }
0x5: {  	s9 =	simm.s32 $0x0;
	s12 =	simm.s32 $0x0;
	s2 =	sshll.u32 s1, $0x1  }
0x6: {  	s11 =	simm.s32 $0x0;
	s3 =	sadd.s32 $0x47E00, s4;
	s6 =	ssub.s32 $0x500, s2  }
.Ltmp0:
0x7: {  	s4 =	sadd.s32 $0x1B9E00, s4;
	s5 =	sand.u32 $0x3E, s6;
	(pc) =	sbr.rel .LBB1_1-.Ltmp0, $4  }
0x8: {  	s1 =	rddreg [dreg:$0x1];
	_ =	strace $0x80000056;
	p0 =	sne.s32 s5, $0x0  }
0x9: {  	s6 =	sshrl.u32 s6, $0x6;
	s5 =	simm.s32 $0x1;
	s7 =	simm.s32 @!p0 $0x0  }
0xa: {  	s10 =	smov.u32 s2;
	[sflag:s5] =	ssyncpa.u1 $0x0;
	s6 =	sadd.s32 s7, s6  }
0xb: {  	[sflag:s8] =	ssyncpa.u1 $0x0;
	s8 =	simm.s32 $0x0;
	s7 =	sadd.s32 $0x1, s6  }
.LBB1_9:
0xc: {  	s14 =	sadd.s32 $0x40, s10  }
0xd: {  	p1 =	sgt.s32 s14, $0x4FF  }
0xe: {  	s14 =	smov.u32 @p1 s2;
	p1 =	sne.s32 s11, s7  }
.Ltmp1:
0xf: {  	p0 =	slt.u32 s11, $0x2;
	(pc) =	sbr.rel @!p1 .LBB1_10-.Ltmp1, $4  }
0x10: {  	s13 =	simm.s32 @!p0 $0x2  }
0x11: {  	s15 =	sadd.s32 $0x1, s11;
	_ =	swait.ge @!p0 [sflag:s13], $0x4000  }
0x12: {  	s12 =	smov.u32 s10;
	s9 =	sadd.s32 $0x4000, s9;
	[sflag:s13] =	ssyncset.done @!p0 $0x0  }
0x13: {  	s11 =	smov.u32 s15;
	s10 =	smov.u32 s14;
	[sflag:s13] =	ssyncadd.s32 @!p0 $0xFFFFC000  }
.LBB1_1:
0x14: {  	p0 =	sge.u32 s11, s6  }
0x15: {  	s13 =	sxor.u32 @!p0 $0xFFFFFFFF, s11  }
0x16: {  	s31 =	sadd.s32 $0xFFFFFFFF, s11;
	s14 =	sshll.u32 @!p0 s10, $0xA;
	s13 =	sshll.u32 @!p0 s13, $0xE  }
0x17: {  	s15 =	simm.s32 @!p0 $0x0;
	s14 =	sadd.s32 @!p0 s3, s14;
	s13 =	sand.u32 @!p0 $0x4000, s13  }
0x18: {  	[tilespmem:s13], [sflag:$0x1] =	stream.linear.gather @!p0 [hbm4b:s14+s15], $0x4000, $0x38;
	[tilespmem:$0x10000] =	vst v63  }
0x19: {  	p0 =	sge.u32 s31, s6  }
.Ltmp2:
0x1a: {  	_ = 	snop;
	(pc) =	sbr.rel @p0 .LBB1_9-.Ltmp2, $1  }
0x1b: {  	_ =	sdelay $0x3  }
0x1c: {  	s13 =	sshll.u32 s9, $0x2  }
0x1d: {  	_ =	swait.ge [sflag:s5], $0x4000;
	s14 =	sshll.u32 s11, $0xE;
	s16 =	simm.s32 $0x0  }
0x1e: {  	p1 =	por $0x1, $0x1;
	s13 =	sand.u32 $0x10000, s13;
	[sflag:s5] =	ssyncset.done $0x0  }
0x1f: {  	s14 =	sand.u32 $0x4000, s14;
	s15 =	sshrl.u32 s13, $0x2;
	[sflag:s5] =	ssyncadd.s32 $0xFFFFC000  }
0x20: {  	s13 =	sor.u32 $0x8000, s14;
	s14 =	sadd.s32 $0x8040, s15;
	s15 =	sadd.s32 $0x40, s15  }
.LBB1_3:
0x21: {  	s16 =	sshll.u32 s16, $0x2  }
0x22: {  	p0 =	por p1, p1;
	s17 =	sshra.s32 s16, $0x2  }
0x23: {  	s18 =	simm.s32 $0x0;
	s16 =	sadd.s32 s17, s14;
	s17 =	sadd.s32 s17, s15  }
.LBB1_4:
0x24: {  	v0 =	vmov s17;
	_ =	sdelay $0x3  }
0x25: {  	s20 =	simm.s32 $0x0  }
0x26: {  	v6 =	vld.idx.msk [tilespmem:v0+s20+$0x30 ss:$0x1], $0xffff  }
0x27: {  	v7 =	vld.idx.msk [tilespmem:v0+s20+$0xFFFFFFC0 ss:$0x1], $0xffff  }
0x28: {  	v5 =	vld.idx.msk [tilespmem:v0+s20+$0xFFFFFFD0 ss:$0x1], $0xffff  }
0x29: {  	v4 =	vld.idx.msk [tilespmem:v0+s20+$0xFFFFFFE0 ss:$0x1], $0xffff  }
0x2a: {  	v3 =	vld.idx.msk [tilespmem:v0+s20+$0xFFFFFFF0 ss:$0x1], $0xffff  }
0x2b: {  	v1 =	vld.idx.msk [tilespmem:v0+s20+$0x0 ss:$0x1], $0xffff  }
0x2c: {  	v2 =	vld.idx.msk [tilespmem:v0+s20+$0x10 ss:$0x1], $0xffff;
	[tilespmem:s16+$0x30] =	vst v6  }
0x2d: {  	s19 =	simm.s32 $0x80;
	s21 =	simm.s32 $0x400;
	[tilespmem:s16+$0xFFFFFFC0] =	vst v7;
	v6 =	vld.idx.msk [tilespmem:v0+s20+$0x20 ss:$0x1], $0xffff;
	s20 =	smov.u32 s16  }
.LBB1_5:
0x2e: {  	p1 =	sne.s32 s21, $0xE00;
	v7 =	vld.idx.msk [tilespmem:v0+s19+$0x30 ss:$0x1], $0xffff;
	[tilespmem:s20+$0xFFFFFFD0] =	vst v5  }
0x2f: {  	v8 =	vld.idx.msk [tilespmem:v0+s19+$0xFFFFFFC0 ss:$0x1], $0xffff;
	[tilespmem:s20+$0xFFFFFFE0] =	vst v4  }
0x30: {  	v5 =	vld.idx.msk [tilespmem:v0+s19+$0xFFFFFFD0 ss:$0x1], $0xffff;
	[tilespmem:s20+$0xFFFFFFF0] =	vst v3  }
.Ltmp3:
0x31: {  	v4 =	vld.idx.msk [tilespmem:v0+s19+$0xFFFFFFE0 ss:$0x1], $0xffff;
	[tilespmem:s20+$0x0] =	vst v1;
	(pc) =	sbr.rel @p1 .LBB1_5-.Ltmp3, $4  }
0x32: {  	v3 =	vld.idx.msk [tilespmem:v0+s19+$0xFFFFFFF0 ss:$0x1], $0xffff;
	[tilespmem:s20+$0x10] =	vst v2  }
0x33: {  	v1 =	vld.idx.msk [tilespmem:v0+s19+$0x0 ss:$0x1], $0xffff;
	[tilespmem:s20+$0x20] =	vst v6;
	s20 =	sadd.s32 $0x400, s20  }
0x34: {  	v2 =	vld.idx.msk [tilespmem:v0+s19+$0x10 ss:$0x1], $0xffff;
	[tilespmem:s20+$0x30] =	vst v7  }
0x35: {  	[tilespmem:s20+$0xFFFFFFC0] =	vst v8;
	v6 =	vld.idx.msk [tilespmem:v0+s19+$0x20 ss:$0x1], $0xffff;
	s19 =	sshra.s32 s21, $0x2;
	s21 =	sadd.s32 $0x200, s21  }
0x36: {  	_ =	sdelay $0x2  }
0x37: {  	[tilespmem:s20+$0xFFFFFFD0] =	vst v5  }
0x38: {  	v56 =	vld.idx.msk [tilespmem:v0+s19+$0x30 ss:$0x1], $0xffff;
	[tilespmem:s20+$0xFFFFFFE0] =	vst v4  }
0x39: {  	v57 =	vld.idx.msk [tilespmem:v0+s19+$0xFFFFFFC0 ss:$0x1], $0xffff;
	[tilespmem:s20+$0xFFFFFFF0] =	vst v3  }
0x3a: {  	v58 =	vld.idx.msk [tilespmem:v0+s19+$0xFFFFFFD0 ss:$0x1], $0xffff;
	[tilespmem:s20+$0x0] =	vst v1  }
0x3b: {  	v59 =	vld.idx.msk [tilespmem:v0+s19+$0xFFFFFFE0 ss:$0x1], $0xffff;
	[tilespmem:s20+$0x10] =	vst v2  }
0x3c: {  	v60 =	vld.idx.msk [tilespmem:v0+s19+$0xFFFFFFF0 ss:$0x1], $0xffff;
	s31 =	sadd.s32 $0x400, s20;
	[tilespmem:s20+$0x20] =	vst v6  }
0x3d: {  	v61 =	vld.idx.msk [tilespmem:v0+s19+$0x0 ss:$0x1], $0xffff;
	[tilespmem:s31+$0x30] =	vst v56  }
0x3e: {  	v62 =	vld.idx.msk [tilespmem:v0+s19+$0x10 ss:$0x1], $0xffff;
	s18 =	sadd.s32 $0x1, s18;
	[tilespmem:s31+$0xFFFFFFC0] =	vst v57  }
0x3f: {  	v63 =	vld.idx.msk [tilespmem:v0+s19+$0x20 ss:$0x1], $0xffff;
	p1 =	sne.s32 s18, $0x8;
	[tilespmem:s31+$0xFFFFFFD0] =	vst v58  }
.Ltmp4:
0x40: {  	[tilespmem:s31+$0xFFFFFFE0] =	vst v59;
	(pc) =	sbr.rel @p1 .LBB1_4-.Ltmp4, $4  }
0x41: {  	[tilespmem:s31+$0xFFFFFFF0] =	vst v60  }
0x42: {  	[tilespmem:s31+$0x0] =	vst v61  }
0x43: {  	[tilespmem:s31+$0x10] =	vst v62  }
0x44: {  	s16 =	sadd.s32 $0x80, s16;
	s17 =	sadd.s32 $0x400, s17;
	[tilespmem:s31+$0x20] =	vst v63  }
.Ltmp5:
0x45: {  	(pc) =	sbr.rel @p0 .LBB1_3-.Ltmp5, $2  }
0x46: {  	_ =	sdelay $0x2  }
0x47: {  	s16 =	simm.s32 $0x2000;
	p1 =	por $0x0, $0x0  }
.Ltmp6:
0x48: {  	(pc) =	sbr.rel .LBB1_9-.Ltmp6, $4  }
0x49: {  	_ = 	snop  }
0x4a: {  	s12 =	sshll.u32 s12, $0xA  }
0x4b: {  	s12 =	sadd.s32 s4, s12  }
0x4c: {  	[hbm4b:s12+s8] =	stream.linear.scatter [tilespmem:s13], [sflag:$0x2], $0x4000, $0x38;
	[tilespmem:$0x10000] =	vst v63  }
.LBB1_10:
0x4d: {  	_ =	sfence.sel $0x180000  }
0x4e: {  	s2 =	simm.s32 $0x1;
	[bflag:$0x0] =	sbarrier.arrive $0xFFFF  }
0x4f: {  	s31 =	simm.s32 $0x2;
	[sflag:s2] =	ssyncpa.u1 $0x1  }
0x50: {  	[sflag:s31] =	ssyncpa.u1 $0x1  }
0x51: {  	p0 =	sne.s32 s0, $0x0;
	_ =	strace $0x90000056  }
0x52: {  	s0 =	sadd.s32 @!p0 $0x100000, s1;
	[bflag:$0x2] =	sbarrier.arrive $0xFFFF  }
0x53: {  	[sflag:s0] =	ssyncadd.tile.s32 @!p0 $0x1;
	_ =	shalt  }
.Lfunc_end1:
_tile_overlayer_lowered:
.L_overlay_start_2:
0x54: {  	(tag) =	ssettag $0x2  }
0x55: {  	s0 =	rddreg [dreg:$0x0];
	s2 =	stileid.u32  }
0x56: {  	s1 =	rddreg [dreg:$0x1];
	p0 =	sne.s32 s2, $0x0  }
0x57: {  	s3 =	rddreg [dreg:$0x2];
	[bflag:$0x3] =	sbarrier.arrive $0xFFFF;
	s2 =	simm.s32 @!p0 $0x1C01  }
0x58: {  	[timem:s3], [sflag:s2] =	dma.local @!p0 [hbm:s0], s1  }
0x59: {  	s0 =	simm.s32 @!p0 $0x1  }
0x5a: {  	_ =	swait.ge @!p0 [sflag:s0], s1  }
0x5b: {  	s1 =	ssub.s32 @!p0 $0x0, s1;
	[sflag:s0] =	ssyncset.done @!p0 $0x0  }
0x5c: {  	[sflag:s0] =	ssyncadd.s32 @!p0 s1  }
0x5d: {  	[bflag:$0x3] =	sbarrier.arrive $0xFFFF  }
0x5e: {  	_ =	shalt  }

// kernel: sparse-core-data-format-call.cloned.1.call-start
scs
called_computation.5_lowered:
.L_overlay_start_0:
0x0: {  	s1 =	sld [smem:$0x3FD9]  }
0x1: {  	s2 =	sld [smem:$0x3FFE];
	_ =	sdelay $0x1  }
0x2: {  	s3 =	srdreg.scid  }
0x3: {  	s0 =	sand.u32 $0x1, s3  }
0x4: {  	s17 =	sshll.u32 s0, $0xA;
	s1 =	sadd.s32 s2, s1  }
0x5: {  	s1 =	sadd.s32 s1, s17  }
0x6: {  	[smem:$0x3FB8] =	sst s1  }
0x7: {  	_ = 	snop  }
0x8: {  	(tm) =	ssettm $0x1  }
0x9: {  	s18 =	sld [smem:$0x3FFB];
	_ =	sdelay $0x3  }
0xa: {  	_ =	strace s18  }
0xb: {  	s1 =	sld [smem:$0x3FFC];
	_ =	sdelay $0x3  }
0xc: {  	_ =	strace s1  }
0xd: {  	s1 =	sld [smem:$0x3FFD];
	_ =	sdelay $0x3  }
0xe: {  	_ =	strace s1  }
0xf: {  	_ =	strace $0x8FFFFFFF  }
0x10: {  	s19 =	sld [smem:$0x3FDB];
	_ =	sdelay $0x1  }
0x11: {  	s20 =	simm.s32 $_scs_section_size  }
0x12: {  	s4 =	simm.s32 $_size__tile_overlayer_lowered;
	s5 =	simm.s32 $_tile_overlayer_lowered  }
0x13: {  	s23 =	simm.s32 $0x1BFF;
	s22 =	sshll.u32 s5, $0x1;
	s1 =	sadd.s32 s20, s19  }
0x14: {  	s6 =	simm.s32 $0x0;
	s21 =	sshll.u32 s4, $0x1;
	s4 =	sadd.s32 s22, s1  }
0x15: {  	[timem:s6], [sflag:s23] =	dma.local [hbm:s4], s21  }
0x16: {  	_ =	swait.ge [sflag:s23], s21  }
0x17: {  	s2 =	ssub.s32 $0x0, s21;
	[sflag:s23] =	ssyncset.done $0x0  }
0x18: {  	[sflag:s23] =	ssyncadd.s32 s2;
	_ =	sdelay $0x1  }
0x19: {  	s24 =	simm.s32 $0x1B8B  }
0x1a: {  	_ =	swait.ge [sflag:s24], $0x1  }
0x1b: {  	[sflag:s24] =	ssyncset.done $0x0  }
0x1c: {  	s26 =	simm.s32 $0x1B8E;
	s25 =	sld [smem:$0x3FFE];
	[sflag:s24] =	ssyncadd.s32 $0xFFFFFFFF  }
0x1d: {  	s27 =	simm.s32 $execute0_lowered;
	[smem:$0x3FD2] =	sst s26  }
0x1e: {  	s4 =	sshll.u32 s27, $0x1;
	_ =	strace $0x8000005B;
	[dreg:$0x1] =	wrdreg $0xFFFFFFFF  }
0x1f: {  	s28 =	simm.s32 $_size_execute0_lowered;
	s1 =	sadd.s32 s1, s4;
	[dreg:$0x0] =	wrdreg $0x0  }
0x20: {  	s4 =	sshll.u32 s28, $0x1;
	[dreg:$0x2] =	wrdreg s1  }
0x21: {  	[dreg:$0x3] =	wrdreg s4  }
0x22: {  	[dreg:$0x4] =	wrdreg $0xC0  }
0x23: {  	_ =	task [dreg:s6], $0x5FFFF  }
0x24: {  	[dreg:$0x1] =	wrdreg $0xFFFFFFFF  }
0x25: {  	[dreg:$0x0] =	wrdreg $0x60  }
0x26: {  	[dreg:$0x2] =	wrdreg s25  }
0x27: {  	[dreg:$0x3] =	wrdreg $0x9  }
0x28: {  	_ =	task.clear_ibuf [dreg:s6], $0x4FFFF;
	_ =	strace $0x9000005B  }
0x29: {  	s29 =	simm.s32 $0x9;
	_ =	strace $0x8000005D  }
0x2a: {  	_ =	swait.ge [sflag:s29], $0x1  }
0x2b: {  	[sflag:s29] =	ssyncadd.s32 $0xFFFFFFFF  }
0x2c: {  	_ =	strace $0x9000005D  }
0x2d: {  	_ =	sfence  }
0x2e: {  	s30 =	sld [smem:$0x0];
	_ =	sdelay $0x2  }
0x2f: {  	s31 =	sshll.u32 s3, $0xD;
	s3 =	sshrl.u32 s3, $0x2  }
0x30: {  	s2 =	sand.u32 $0x4000, s31;
	s1 =	sadd.s32 s3, s30  }
0x31: {  	s0 =	sor.u32 s2, s0;
	s1 =	sshll.u32 s1, $0x11  }
0x32: {  	s0 =	sor.u32 s1, s0  }
0x33: {  	s0 =	sadd.s32 $0x8F2B, s0  }
0x34: {  	[sflag:s0] =	ssyncadd.remote.s32 $0x1  }
0x35: {  	_ =	sfence.sel $0xFFFF  }
0x36: {  	[dreg:$0x0] =	wrdreg $0xFFFFFFFF;
	(pc) =	sbr.abs _section_cstart, $3  }
0x37: {  	[dreg:$0x1] =	wrdreg $0xFFFFFFFF  }
0x38: {  	_ =	task.clear_ibuf [dreg:s6], $0x2FFFF;
	_ =	strace $0x9FFFFFFF  }
0x39: {  	(tm) =	ssettm $0x7FFFFFFF  }
tec
execute0_lowered:
.L_overlay_start_1:
0x0: {  	(tag) =	ssettag $0x1  }
0x1: {  	s0 =	srdreg.scid  }
0x2: {  	s1 =	sshll.u32 s0, $0x4  }
0x3: {  	s4 =	rddreg [dreg:$0x0];
	s0 =	stileid.u32;
	s1 =	sand.u32 $0x10, s1  }
0x4: {  	s7 =	simm.s32 $0x1;
	s8 =	simm.s32 $0x2;
	s1 =	sor.u32 s0, s1  }
0x5: {  	s9 =	simm.s32 $0x0;
	s12 =	simm.s32 $0x0;
	s2 =	sshll.u32 s1, $0x1  }
0x6: {  	s11 =	simm.s32 $0x0;
	s3 =	sadd.s32 $0x36000, s4;
	s6 =	ssub.s32 $0x500, s2  }
.Ltmp0:
0x7: {  	s4 =	sadd.s32 $0x1B9E00, s4;
	s5 =	sand.u32 $0x3E, s6;
	(pc) =	sbr.rel .LBB1_1-.Ltmp0, $4  }
0x8: {  	s1 =	rddreg [dreg:$0x1];
	_ =	strace $0x8000005C;
	p0 =	sne.s32 s5, $0x0  }
0x9: {  	s6 =	sshrl.u32 s6, $0x6;
	s5 =	simm.s32 $0x1;
	s7 =	simm.s32 @!p0 $0x0  }
0xa: {  	s10 =	smov.u32 s2;
	[sflag:s5] =	ssyncpa.u1 $0x0;
	s6 =	sadd.s32 s7, s6  }
0xb: {  	[sflag:s8] =	ssyncpa.u1 $0x0;
	s8 =	simm.s32 $0x0;
	s7 =	sadd.s32 $0x1, s6  }
.LBB1_9:
0xc: {  	s14 =	sadd.s32 $0x40, s10  }
0xd: {  	p1 =	sgt.s32 s14, $0x4FF  }
0xe: {  	s14 =	smov.u32 @p1 s2;
	p1 =	sne.s32 s11, s7  }
.Ltmp1:
0xf: {  	p0 =	slt.u32 s11, $0x2;
	(pc) =	sbr.rel @!p1 .LBB1_10-.Ltmp1, $4  }
0x10: {  	s13 =	simm.s32 @!p0 $0x2  }
0x11: {  	s15 =	sadd.s32 $0x1, s11;
	_ =	swait.ge @!p0 [sflag:s13], $0x4000  }
0x12: {  	s12 =	smov.u32 s10;
	s9 =	sadd.s32 $0x4000, s9;
	[sflag:s13] =	ssyncset.done @!p0 $0x0  }
0x13: {  	s11 =	smov.u32 s15;
	s10 =	smov.u32 s14;
	[sflag:s13] =	ssyncadd.s32 @!p0 $0xFFFFC000  }
.LBB1_1:
0x14: {  	p0 =	sge.u32 s11, s6  }
0x15: {  	s13 =	sxor.u32 @!p0 $0xFFFFFFFF, s11  }
0x16: {  	s31 =	sadd.s32 $0xFFFFFFFF, s11;
	s14 =	sshll.u32 @!p0 s10, $0xA;
	s13 =	sshll.u32 @!p0 s13, $0xE  }
0x17: {  	s15 =	simm.s32 @!p0 $0x0;
	s14 =	sadd.s32 @!p0 s3, s14;
	s13 =	sand.u32 @!p0 $0x4000, s13  }
0x18: {  	[tilespmem:s13], [sflag:$0x1] =	stream.linear.gather @!p0 [hbm4b:s14+s15], $0x4000, $0x38;
	[tilespmem:$0x10000] =	vst v63  }
0x19: {  	p0 =	sge.u32 s31, s6  }
.Ltmp2:
0x1a: {  	_ = 	snop;
	(pc) =	sbr.rel @p0 .LBB1_9-.Ltmp2, $1  }
0x1b: {  	_ =	sdelay $0x3  }
0x1c: {  	s13 =	sshll.u32 s9, $0x2  }
0x1d: {  	_ =	swait.ge [sflag:s5], $0x4000;
	s14 =	sshll.u32 s11, $0xE;
	s16 =	simm.s32 $0x0  }
0x1e: {  	p1 =	por $0x1, $0x1;
	s13 =	sand.u32 $0x10000, s13;
	[sflag:s5] =	ssyncset.done $0x0  }
0x1f: {  	s14 =	sand.u32 $0x4000, s14;
	s15 =	sshrl.u32 s13, $0x2;
	[sflag:s5] =	ssyncadd.s32 $0xFFFFC000  }
0x20: {  	s13 =	sor.u32 $0x8000, s14;
	s14 =	sadd.s32 $0x8040, s15;
	s15 =	sadd.s32 $0x40, s15  }
.LBB1_3:
0x21: {  	s16 =	sshll.u32 s16, $0x2  }
0x22: {  	p0 =	por p1, p1;
	s17 =	sshra.s32 s16, $0x2  }
0x23: {  	s18 =	simm.s32 $0x0;
	s16 =	sadd.s32 s17, s14;
	s17 =	sadd.s32 s17, s15  }
.LBB1_4:
0x24: {  	v0 =	vmov s17;
	_ =	sdelay $0x3  }
0x25: {  	s20 =	simm.s32 $0x0  }
0x26: {  	v6 =	vld.idx.msk [tilespmem:v0+s20+$0x30 ss:$0x1], $0xffff  }
0x27: {  	v7 =	vld.idx.msk [tilespmem:v0+s20+$0xFFFFFFC0 ss:$0x1], $0xffff  }
0x28: {  	v5 =	vld.idx.msk [tilespmem:v0+s20+$0xFFFFFFD0 ss:$0x1], $0xffff  }
0x29: {  	v4 =	vld.idx.msk [tilespmem:v0+s20+$0xFFFFFFE0 ss:$0x1], $0xffff  }
0x2a: {  	v3 =	vld.idx.msk [tilespmem:v0+s20+$0xFFFFFFF0 ss:$0x1], $0xffff  }
0x2b: {  	v1 =	vld.idx.msk [tilespmem:v0+s20+$0x0 ss:$0x1], $0xffff  }
0x2c: {  	v2 =	vld.idx.msk [tilespmem:v0+s20+$0x10 ss:$0x1], $0xffff;
	[tilespmem:s16+$0x30] =	vst v6  }
0x2d: {  	s19 =	simm.s32 $0x80;
	s21 =	simm.s32 $0x400;
	[tilespmem:s16+$0xFFFFFFC0] =	vst v7;
	v6 =	vld.idx.msk [tilespmem:v0+s20+$0x20 ss:$0x1], $0xffff;
	s20 =	smov.u32 s16  }
.LBB1_5:
0x2e: {  	p1 =	sne.s32 s21, $0xE00;
	v7 =	vld.idx.msk [tilespmem:v0+s19+$0x30 ss:$0x1], $0xffff;
	[tilespmem:s20+$0xFFFFFFD0] =	vst v5  }
0x2f: {  	v8 =	vld.idx.msk [tilespmem:v0+s19+$0xFFFFFFC0 ss:$0x1], $0xffff;
	[tilespmem:s20+$0xFFFFFFE0] =	vst v4  }
0x30: {  	v5 =	vld.idx.msk [tilespmem:v0+s19+$0xFFFFFFD0 ss:$0x1], $0xffff;
	[tilespmem:s20+$0xFFFFFFF0] =	vst v3  }
.Ltmp3:
0x31: {  	v4 =	vld.idx.msk [tilespmem:v0+s19+$0xFFFFFFE0 ss:$0x1], $0xffff;
	[tilespmem:s20+$0x0] =	vst v1;
	(pc) =	sbr.rel @p1 .LBB1_5-.Ltmp3, $4  }
0x32: {  	v3 =	vld.idx.msk [tilespmem:v0+s19+$0xFFFFFFF0 ss:$0x1], $0xffff;
	[tilespmem:s20+$0x10] =	vst v2  }
0x33: {  	v1 =	vld.idx.msk [tilespmem:v0+s19+$0x0 ss:$0x1], $0xffff;
	[tilespmem:s20+$0x20] =	vst v6;
	s20 =	sadd.s32 $0x400, s20  }
0x34: {  	v2 =	vld.idx.msk [tilespmem:v0+s19+$0x10 ss:$0x1], $0xffff;
	[tilespmem:s20+$0x30] =	vst v7  }
0x35: {  	[tilespmem:s20+$0xFFFFFFC0] =	vst v8;
	v6 =	vld.idx.msk [tilespmem:v0+s19+$0x20 ss:$0x1], $0xffff;
	s19 =	sshra.s32 s21, $0x2;
	s21 =	sadd.s32 $0x200, s21  }
0x36: {  	_ =	sdelay $0x2  }
0x37: {  	[tilespmem:s20+$0xFFFFFFD0] =	vst v5  }
0x38: {  	v56 =	vld.idx.msk [tilespmem:v0+s19+$0x30 ss:$0x1], $0xffff;
	[tilespmem:s20+$0xFFFFFFE0] =	vst v4  }
0x39: {  	v57 =	vld.idx.msk [tilespmem:v0+s19+$0xFFFFFFC0 ss:$0x1], $0xffff;
	[tilespmem:s20+$0xFFFFFFF0] =	vst v3  }
0x3a: {  	v58 =	vld.idx.msk [tilespmem:v0+s19+$0xFFFFFFD0 ss:$0x1], $0xffff;
	[tilespmem:s20+$0x0] =	vst v1  }
0x3b: {  	v59 =	vld.idx.msk [tilespmem:v0+s19+$0xFFFFFFE0 ss:$0x1], $0xffff;
	[tilespmem:s20+$0x10] =	vst v2  }
0x3c: {  	v60 =	vld.idx.msk [tilespmem:v0+s19+$0xFFFFFFF0 ss:$0x1], $0xffff;
	s31 =	sadd.s32 $0x400, s20;
	[tilespmem:s20+$0x20] =	vst v6  }
0x3d: {  	v61 =	vld.idx.msk [tilespmem:v0+s19+$0x0 ss:$0x1], $0xffff;
	[tilespmem:s31+$0x30] =	vst v56  }
0x3e: {  	v62 =	vld.idx.msk [tilespmem:v0+s19+$0x10 ss:$0x1], $0xffff;
	s18 =	sadd.s32 $0x1, s18;
	[tilespmem:s31+$0xFFFFFFC0] =	vst v57  }
0x3f: {  	v63 =	vld.idx.msk [tilespmem:v0+s19+$0x20 ss:$0x1], $0xffff;
	p1 =	sne.s32 s18, $0x8;
	[tilespmem:s31+$0xFFFFFFD0] =	vst v58  }
.Ltmp4:
0x40: {  	[tilespmem:s31+$0xFFFFFFE0] =	vst v59;
	(pc) =	sbr.rel @p1 .LBB1_4-.Ltmp4, $4  }
0x41: {  	[tilespmem:s31+$0xFFFFFFF0] =	vst v60  }
0x42: {  	[tilespmem:s31+$0x0] =	vst v61  }
0x43: {  	[tilespmem:s31+$0x10] =	vst v62  }
0x44: {  	s16 =	sadd.s32 $0x80, s16;
	s17 =	sadd.s32 $0x400, s17;
	[tilespmem:s31+$0x20] =	vst v63  }
.Ltmp5:
0x45: {  	(pc) =	sbr.rel @p0 .LBB1_3-.Ltmp5, $2  }
0x46: {  	_ =	sdelay $0x2  }
0x47: {  	s16 =	simm.s32 $0x2000;
	p1 =	por $0x0, $0x0  }
.Ltmp6:
0x48: {  	(pc) =	sbr.rel .LBB1_9-.Ltmp6, $4  }
0x49: {  	_ = 	snop  }
0x4a: {  	s12 =	sshll.u32 s12, $0xA  }
0x4b: {  	s12 =	sadd.s32 s4, s12  }
0x4c: {  	[hbm4b:s12+s8] =	stream.linear.scatter [tilespmem:s13], [sflag:$0x2], $0x4000, $0x38;
	[tilespmem:$0x10000] =	vst v63  }
.LBB1_10:
0x4d: {  	_ =	sfence.sel $0x180000  }
0x4e: {  	s2 =	simm.s32 $0x1;
	[bflag:$0x0] =	sbarrier.arrive $0xFFFF  }
0x4f: {  	s31 =	simm.s32 $0x2;
	[sflag:s2] =	ssyncpa.u1 $0x1  }
0x50: {  	[sflag:s31] =	ssyncpa.u1 $0x1  }
0x51: {  	p0 =	sne.s32 s0, $0x0;
	_ =	strace $0x9000005C  }
0x52: {  	s0 =	sadd.s32 @!p0 $0x100000, s1;
	[bflag:$0x2] =	sbarrier.arrive $0xFFFF  }
0x53: {  	[sflag:s0] =	ssyncadd.tile.s32 @!p0 $0x1;
	_ =	shalt  }
.Lfunc_end1:
_tile_overlayer_lowered:
.L_overlay_start_2:
0x54: {  	(tag) =	ssettag $0x2  }
0x55: {  	s0 =	rddreg [dreg:$0x0];
	s2 =	stileid.u32  }
0x56: {  	s1 =	rddreg [dreg:$0x1];
	p0 =	sne.s32 s2, $0x0  }
0x57: {  	s3 =	rddreg [dreg:$0x2];
	[bflag:$0x3] =	sbarrier.arrive $0xFFFF;
	s2 =	simm.s32 @!p0 $0x1C01  }
0x58: {  	[timem:s3], [sflag:s2] =	dma.local @!p0 [hbm:s0], s1  }
0x59: {  	s0 =	simm.s32 @!p0 $0x1  }
0x5a: {  	_ =	swait.ge @!p0 [sflag:s0], s1  }
0x5b: {  	s1 =	ssub.s32 @!p0 $0x0, s1;
	[sflag:s0] =	ssyncset.done @!p0 $0x0  }
0x5c: {  	[sflag:s0] =	ssyncadd.s32 @!p0 s1  }
0x5d: {  	[bflag:$0x3] =	sbarrier.arrive $0xFFFF  }
0x5e: {  	_ =	shalt  }

</sc_bundles>
